<compile_context>
chip_gen: v7x
topology: tpu7x:2x2x1
jax: 0.10.2.dev20260603
libtpu: 0.0.44.dev20260713+nightly
codegen_flags: <defaults>
</compile_context>

<pallas_src>
import functools

import jax
import jax.numpy as jnp
from jax import lax
from jax.experimental import pallas as pl
from jax.experimental.pallas import tpu as pltpu
from jax.experimental.pallas import tpu_sc as plsc

NC, NS, LANES = 2, 16, 16
NW = NC * NS
D = 64
CHUNK = 256
SUB = 128
NBUF = 2


def _sc_dot_gather(n_total):
    per_w = n_total // NW
    n_chunks = per_w // CHUNK
    n_outer = n_chunks // NBUF
    mesh = plsc.VectorSubcoreMesh(core_axis_name="c", subcore_axis_name="s")

    @functools.partial(
        pl.kernel,
        out_type=jax.ShapeDtypeStruct((n_total,), jnp.float32),
        mesh=mesh,
        compiler_params=pltpu.CompilerParams(use_tc_tiling_on_sc=False),
        scratch_types=[
            pltpu.VMEM((per_w,), jnp.int32),
            pltpu.VMEM((per_w,), jnp.int32),
            pltpu.VMEM((CHUNK, D), jnp.float32),
            pltpu.VMEM((CHUNK, D), jnp.float32),
            pltpu.VMEM((CHUNK, D), jnp.float32),
            pltpu.VMEM((CHUNK, D), jnp.float32),
            pltpu.VMEM((CHUNK,), jnp.float32),
            pltpu.VMEM((CHUNK,), jnp.float32),
            pltpu.SemaphoreType.DMA,
            pltpu.SemaphoreType.DMA,
            pltpu.SemaphoreType.DMA,
            pltpu.SemaphoreType.DMA,
        ],
    )
    def sc_kernel(uid_hbm, mid_hbm, utab_hbm, mtab_hbm, out_hbm,
                  idx_u, idx_m, ru0, ru1, rm0, rm1, ob0, ob1,
                  sg0, sg1, so0, so1):
        wid = lax.axis_index("s") * NC + lax.axis_index("c")
        w0 = wid * per_w
        rows_u, rows_m = [ru0, ru1], [rm0, rm1]
        out_buf = [ob0, ob1]
        sgs, sos = [sg0, sg1], [so0, so1]

        pltpu.sync_copy(uid_hbm.at[pl.ds(w0, per_w)], idx_u)
        pltpu.sync_copy(mid_hbm.at[pl.ds(w0, per_w)], idx_m)

        def gathers(chunk, b):
            descs = []
            for j in range(CHUNK // SUB):
                s = pl.ds(chunk * CHUNK + j * SUB, SUB)
                d = pl.ds(j * SUB, SUB)
                descs.append(pltpu.make_async_copy(
                    utab_hbm.at[idx_u.at[s]], rows_u[b].at[d], sgs[b]))
                descs.append(pltpu.make_async_copy(
                    mtab_hbm.at[idx_m.at[s]], rows_m[b].at[d], sgs[b]))
            return descs

        def out_copy(chunk, b):
            return pltpu.make_async_copy(
                out_buf[b], out_hbm.at[pl.ds(w0 + chunk * CHUNK, CHUNK)],
                sos[b])

        lane = lax.iota(jnp.int32, LANES)
        xor_perms = [lane ^ sh for sh in (8, 4, 2, 1)]
        lo_half = lane < (LANES // 2)
        pair_masks = [(lane == a) | (lane == a + 8) for a in range(LANES // 2)]

        def compute(b):
            ru, rm, ob = rows_u[b], rows_m[b], out_buf[b]

            @functools.partial(lax.fori_loop, 0, CHUNK // LANES, init_val=None)
            def _(g, _carry):
                rbase = g * LANES
                prods = [ru[rbase + ri, pl.ds(0, LANES)]
                         * rm[rbase + ri, pl.ds(0, LANES)]
                         for ri in range(LANES)]
                for k in range(1, D // LANES):
                    s = pl.ds(k * LANES, LANES)
                    for ri in range(LANES):
                        r = rbase + ri
                        prods[ri] = prods[ri] + ru[r, s] * rm[r, s]
                grp = jnp.zeros((LANES,), jnp.float32)
                for a in range(LANES // 2):
                    pa, pb = prods[a], prods[a + 8]
                    ca = jnp.where(lo_half, pa + pa[xor_perms[0]],
                                   pb + pb[xor_perms[0]])
                    for p in xor_perms[1:]:
                        ca = ca + ca[p]
                    grp = jnp.where(pair_masks[a], ca, grp)
                ob[pl.ds(rbase, LANES)] = grp

        for cp in gathers(0, 0):
            cp.start()

        def outer(c2, carry):
            for b in range(NBUF):
                chunk = c2 * NBUF + b
                nxt_chunk = chunk + 1

                @pl.when(nxt_chunk < n_chunks)
                def _():
                    for cp in gathers(nxt_chunk, (b + 1) % NBUF):
                        cp.start()

                pltpu.make_async_copy(
                    utab_hbm.at[idx_u.at[pl.ds(0, SUB)]], rows_u[b],
                    sgs[b]).wait()
                pltpu.make_async_copy(
                    mtab_hbm.at[idx_m.at[pl.ds(0, SUB)]], rows_m[b],
                    sgs[b]).wait()

                @pl.when(chunk >= NBUF)
                def _():
                    out_copy(chunk - NBUF, b).wait()

                compute(b)
                out_copy(chunk, b).start()
            return carry

        lax.fori_loop(0, n_outer, outer, 0)
        for b in range(NBUF):
            out_copy(n_chunks - NBUF + b, b).wait()

    return sc_kernel


def kernel(user_id, movie_title, user_table, movie_table):
    b, l = user_id.shape
    n = b * l
    uid = user_id.reshape(n).astype(jnp.int32)
    mid = movie_title.reshape(n).astype(jnp.int32)
    out = _sc_dot_gather(n)(uid, mid, user_table, movie_table)
    return out.reshape(b, l)

# --- scband reference (transcript-rebuilt; emitter-appended) ---
"""Pipeline reference for scband-movie-lens-ranking-model-44341242364462 (READ-ONLY COPY).

The authoritative reference and input builder live on the scoring server;
editing this copy changes nothing except your own understanding.
"""

import jax, jax.numpy as jnp
import numpy as np

USER_VOCAB = 1000000
MOVIE_VOCAB = 100000
EMBED_DIM = 64
B, L = 4096, 200


def setup_inputs(seed: int = 0) -> dict:
    key = jax.random.key(seed)
    k1, k2, k3, k4 = jax.random.split(key, 4)
    user_id = jax.random.randint(k1, (B, L), 0, USER_VOCAB, dtype=jnp.int64 if jax.config.jax_enable_x64 else jnp.int32)
    movie_title = jax.random.randint(k2, (B, L), 0, MOVIE_VOCAB, dtype=jnp.int64 if jax.config.jax_enable_x64 else jnp.int32)
    user_table = jax.random.normal(k3, (USER_VOCAB, EMBED_DIM), dtype=jnp.float32) * 0.05
    movie_table = jax.random.normal(k4, (MOVIE_VOCAB, EMBED_DIM), dtype=jnp.float32) * 0.05
    return {"user_id": user_id, "movie_title": movie_title, "user_table": user_table, "movie_table": movie_table}


def reference(user_id, movie_title, user_table, movie_table):
    # StringLookup is modeled as identity on already-integerized ids.
    user_embeddings = jnp.take(user_table, user_id, axis=0)    # [B, L, D]
    movie_embeddings = jnp.take(movie_table, movie_title, axis=0)  # [B, L, D]
    # tf.reduce_sum(user * movie, axis=2) -> dot product per (batch, list) slot
    return jnp.sum(user_embeddings * movie_embeddings, axis=2)  # [B, L]

if __name__ == "__main__":
    import jax
    _d = setup_inputs()
    print(jax.jit(kernel)(*tuple(_d.values())))

</pallas_src>

<mosaic_0001>
#map = affine_map<(d0, d1) -> (0)>
#map1 = affine_map<(d0, d1) -> (0, 0)>
module attributes {stable_mosaic.version = 14 : i64} {
  func.func @sc_kernel(%arg0: i32, %arg1: i32, %arg2: memref<819200xi32, #tpu.memory_space<hbm>>, %arg3: memref<819200xi32, #tpu.memory_space<hbm>>, %arg4: memref<1000000x64xf32, #tpu.memory_space<hbm>>, %arg5: memref<100000x64xf32, #tpu.memory_space<hbm>>, %arg6: memref<819200xf32, #tpu.memory_space<hbm>>, %arg7: memref<25600xi32, #tpu.memory_space<vmem>>, %arg8: memref<25600xi32, #tpu.memory_space<vmem>>, %arg9: memref<256x64xf32, #tpu.memory_space<vmem>>, %arg10: memref<256x64xf32, #tpu.memory_space<vmem>>, %arg11: memref<256x64xf32, #tpu.memory_space<vmem>>, %arg12: memref<256x64xf32, #tpu.memory_space<vmem>>, %arg13: memref<256xf32, #tpu.memory_space<vmem>>, %arg14: memref<256xf32, #tpu.memory_space<vmem>>, %arg15: memref<!tpu.dma_semaphore, #tpu.memory_space<semaphore_mem>>, %arg16: memref<!tpu.dma_semaphore, #tpu.memory_space<semaphore_mem>>, %arg17: memref<!tpu.dma_semaphore, #tpu.memory_space<semaphore_mem>>, %arg18: memref<!tpu.dma_semaphore, #tpu.memory_space<semaphore_mem>>) attributes {dimension_semantics = [#tpu.dimension_semantics<core_parallel>, #tpu.dimension_semantics<subcore_parallel>], iteration_bounds = array<i64: 2, 16>, scalar_prefetch = 0 : i64, scratch_operands = 12 : i64, tpu.core_type = #tpu.core_type<sc_vector_subcore>, window_params = [{transform_indices = #map}, {transform_indices = #map}, {transform_indices = #map1}, {transform_indices = #map1}, {transform_indices = #map}]} {
    %mul3A = arith.constant 2 : i32
    %mul3A_0 = arith.muli %arg1, %mul3A : i32
    %add3A = arith.addi %mul3A_0, %arg0 : i32
    %mul3A_1 = arith.constant 25600 : i32
    %mul3A_2 = arith.muli %add3A, %mul3A_1 : i32
    "tpu.region"() ({
      %run_scoped3A = tpu.sem_alloc : memref<!tpu.dma_semaphore, #tpu.memory_space<semaphore_mem>>
      %dma_start3A_113 = tpu.memref_slice %arg2[%mul3A_2] : memref<819200xi32, #tpu.memory_space<hbm>> -> memref<25600xi32, #tpu.memory_space<hbm>>
      %dma_start3A_114 = tpu.memref_slice %arg2[%mul3A_2] : memref<819200xi32, #tpu.memory_space<hbm>> -> memref<25600xi32, #tpu.memory_space<hbm>>
      tpu.enqueue_dma source(%dma_start3A_114 : memref<25600xi32, #tpu.memory_space<hbm>>) target(%arg7 : memref<25600xi32, #tpu.memory_space<vmem>>) target_semaphore(%run_scoped3A : memref<!tpu.dma_semaphore, #tpu.memory_space<semaphore_mem>>)
      %dma_wait3A_115 = tpu.memref_slice %arg2[%mul3A_2] : memref<819200xi32, #tpu.memory_space<hbm>> -> memref<25600xi32, #tpu.memory_space<hbm>>
      %dma_wait3A_116 = tpu.memref_slice %arg2[%mul3A_2] : memref<819200xi32, #tpu.memory_space<hbm>> -> memref<25600xi32, #tpu.memory_space<hbm>>
      tpu.wait_dma2 semaphore(%run_scoped3A : memref<!tpu.dma_semaphore, #tpu.memory_space<semaphore_mem>>) src(%dma_wait3A_116 : memref<25600xi32, #tpu.memory_space<hbm>>) dst(%arg7 : memref<25600xi32, #tpu.memory_space<vmem>>)
      tpu.yield
    }) : () -> ()
    "tpu.region"() ({
      %run_scoped3A = tpu.sem_alloc : memref<!tpu.dma_semaphore, #tpu.memory_space<semaphore_mem>>
      %dma_start3A_113 = tpu.memref_slice %arg3[%mul3A_2] : memref<819200xi32, #tpu.memory_space<hbm>> -> memref<25600xi32, #tpu.memory_space<hbm>>
      %dma_start3A_114 = tpu.memref_slice %arg3[%mul3A_2] : memref<819200xi32, #tpu.memory_space<hbm>> -> memref<25600xi32, #tpu.memory_space<hbm>>
      tpu.enqueue_dma source(%dma_start3A_114 : memref<25600xi32, #tpu.memory_space<hbm>>) target(%arg8 : memref<25600xi32, #tpu.memory_space<vmem>>) target_semaphore(%run_scoped3A : memref<!tpu.dma_semaphore, #tpu.memory_space<semaphore_mem>>)
      %dma_wait3A_115 = tpu.memref_slice %arg3[%mul3A_2] : memref<819200xi32, #tpu.memory_space<hbm>> -> memref<25600xi32, #tpu.memory_space<hbm>>
      %dma_wait3A_116 = tpu.memref_slice %arg3[%mul3A_2] : memref<819200xi32, #tpu.memory_space<hbm>> -> memref<25600xi32, #tpu.memory_space<hbm>>
      tpu.wait_dma2 semaphore(%run_scoped3A : memref<!tpu.dma_semaphore, #tpu.memory_space<semaphore_mem>>) src(%dma_wait3A_116 : memref<25600xi32, #tpu.memory_space<hbm>>) dst(%arg8 : memref<25600xi32, #tpu.memory_space<vmem>>)
      tpu.yield
    }) : () -> ()
    %iota3A = tpu.iota {dimensions = array<i32: 0>} : vector<16xi32>
    %xor3A = arith.constant 8 : i32
    %xor3A_3 = vector.broadcast %xor3A : i32 to vector<16xi32>
    %xor3A_4 = arith.xori %iota3A, %xor3A_3 : vector<16xi32>
    %xor3A_5 = arith.constant 4 : i32
    %xor3A_6 = vector.broadcast %xor3A_5 : i32 to vector<16xi32>
    %xor3A_7 = arith.xori %iota3A, %xor3A_6 : vector<16xi32>
    %xor3A_8 = arith.constant 2 : i32
    %xor3A_9 = vector.broadcast %xor3A_8 : i32 to vector<16xi32>
    %xor3A_10 = arith.xori %iota3A, %xor3A_9 : vector<16xi32>
    %xor3A_11 = arith.constant 1 : i32
    %xor3A_12 = vector.broadcast %xor3A_11 : i32 to vector<16xi32>
    %xor3A_13 = arith.xori %iota3A, %xor3A_12 : vector<16xi32>
    %lt3A = arith.constant 8 : i32
    %lt3A_14 = vector.broadcast %lt3A : i32 to vector<16xi32>
    %lt3A_15 = arith.cmpi slt, %iota3A, %lt3A_14 : vector<16xi32>
    %eq3A = arith.constant 0 : i32
    %eq3A_16 = vector.broadcast %eq3A : i32 to vector<16xi32>
    %eq3A_17 = arith.cmpi eq, %iota3A, %eq3A_16 : vector<16xi32>
    %eq3A_18 = arith.constant 8 : i32
    %eq3A_19 = vector.broadcast %eq3A_18 : i32 to vector<16xi32>
    %eq3A_20 = arith.cmpi eq, %iota3A, %eq3A_19 : vector<16xi32>
    %or3A = arith.ori %eq3A_17, %eq3A_20 : vector<16xi1>
    %eq3A_21 = arith.constant 1 : i32
    %eq3A_22 = vector.broadcast %eq3A_21 : i32 to vector<16xi32>
    %eq3A_23 = arith.cmpi eq, %iota3A, %eq3A_22 : vector<16xi32>
    %eq3A_24 = arith.constant 9 : i32
    %eq3A_25 = vector.broadcast %eq3A_24 : i32 to vector<16xi32>
    %eq3A_26 = arith.cmpi eq, %iota3A, %eq3A_25 : vector<16xi32>
    %or3A_27 = arith.ori %eq3A_23, %eq3A_26 : vector<16xi1>
    %eq3A_28 = arith.constant 2 : i32
    %eq3A_29 = vector.broadcast %eq3A_28 : i32 to vector<16xi32>
    %eq3A_30 = arith.cmpi eq, %iota3A, %eq3A_29 : vector<16xi32>
    %eq3A_31 = arith.constant 10 : i32
    %eq3A_32 = vector.broadcast %eq3A_31 : i32 to vector<16xi32>
    %eq3A_33 = arith.cmpi eq, %iota3A, %eq3A_32 : vector<16xi32>
    %or3A_34 = arith.ori %eq3A_30, %eq3A_33 : vector<16xi1>
    %eq3A_35 = arith.constant 3 : i32
    %eq3A_36 = vector.broadcast %eq3A_35 : i32 to vector<16xi32>
    %eq3A_37 = arith.cmpi eq, %iota3A, %eq3A_36 : vector<16xi32>
    %eq3A_38 = arith.constant 11 : i32
    %eq3A_39 = vector.broadcast %eq3A_38 : i32 to vector<16xi32>
    %eq3A_40 = arith.cmpi eq, %iota3A, %eq3A_39 : vector<16xi32>
    %or3A_41 = arith.ori %eq3A_37, %eq3A_40 : vector<16xi1>
    %eq3A_42 = arith.constant 4 : i32
    %eq3A_43 = vector.broadcast %eq3A_42 : i32 to vector<16xi32>
    %eq3A_44 = arith.cmpi eq, %iota3A, %eq3A_43 : vector<16xi32>
    %eq3A_45 = arith.constant 12 : i32
    %eq3A_46 = vector.broadcast %eq3A_45 : i32 to vector<16xi32>
    %eq3A_47 = arith.cmpi eq, %iota3A, %eq3A_46 : vector<16xi32>
    %or3A_48 = arith.ori %eq3A_44, %eq3A_47 : vector<16xi1>
    %eq3A_49 = arith.constant 5 : i32
    %eq3A_50 = vector.broadcast %eq3A_49 : i32 to vector<16xi32>
    %eq3A_51 = arith.cmpi eq, %iota3A, %eq3A_50 : vector<16xi32>
    %eq3A_52 = arith.constant 13 : i32
    %eq3A_53 = vector.broadcast %eq3A_52 : i32 to vector<16xi32>
    %eq3A_54 = arith.cmpi eq, %iota3A, %eq3A_53 : vector<16xi32>
    %or3A_55 = arith.ori %eq3A_51, %eq3A_54 : vector<16xi1>
    %eq3A_56 = arith.constant 6 : i32
    %eq3A_57 = vector.broadcast %eq3A_56 : i32 to vector<16xi32>
    %eq3A_58 = arith.cmpi eq, %iota3A, %eq3A_57 : vector<16xi32>
    %eq3A_59 = arith.constant 14 : i32
    %eq3A_60 = vector.broadcast %eq3A_59 : i32 to vector<16xi32>
    %eq3A_61 = arith.cmpi eq, %iota3A, %eq3A_60 : vector<16xi32>
    %or3A_62 = arith.ori %eq3A_58, %eq3A_61 : vector<16xi1>
    %eq3A_63 = arith.constant 7 : i32
    %eq3A_64 = vector.broadcast %eq3A_63 : i32 to vector<16xi32>
    %eq3A_65 = arith.cmpi eq, %iota3A, %eq3A_64 : vector<16xi32>
    %eq3A_66 = arith.constant 15 : i32
    %eq3A_67 = vector.broadcast %eq3A_66 : i32 to vector<16xi32>
    %eq3A_68 = arith.cmpi eq, %iota3A, %eq3A_67 : vector<16xi32>
    %or3A_69 = arith.ori %eq3A_65, %eq3A_68 : vector<16xi1>
    %dma_start3A = arith.constant 0 : i32
    %dma_start3A_70 = arith.constant 0 : i32
    %dma_start3A_71 = tpu.memref_slice %arg9[%dma_start3A, %dma_start3A_70] : memref<256x64xf32, #tpu.memory_space<vmem>> -> memref<128x64xf32, #tpu.memory_space<vmem>>
    %dma_start3A_72 = arith.constant 0 : i32
    %dma_start3A_73 = tpu.memref_slice %arg7[%dma_start3A_72] : memref<25600xi32, #tpu.memory_space<vmem>> -> memref<128xi32, #tpu.memory_space<vmem>>
    %dma_start3A_74 = arith.constant 0 : i32
    %dma_start3A_75 = arith.constant 0 : i32
    %dma_start3A_76 = tpu.memref_slice %arg4[%dma_start3A_74, %dma_start3A_75] : memref<1000000x64xf32, #tpu.memory_space<hbm>> -> memref<1000000x64xf32, #tpu.memory_space<hbm>>
    tpu.enqueue_indirect_dma source(%dma_start3A_76 : memref<1000000x64xf32, #tpu.memory_space<hbm>>) target(%dma_start3A_71 : memref<128x64xf32, #tpu.memory_space<vmem>>) offsets(%dma_start3A_73 : memref<128xi32, #tpu.memory_space<vmem>>) semaphore(%arg15 : memref<!tpu.dma_semaphore, #tpu.memory_space<semaphore_mem>>)
    %dma_start3A_77 = arith.constant 0 : i32
    %dma_start3A_78 = arith.constant 0 : i32
    %dma_start3A_79 = tpu.memref_slice %arg11[%dma_start3A_77, %dma_start3A_78] : memref<256x64xf32, #tpu.memory_space<vmem>> -> memref<128x64xf32, #tpu.memory_space<vmem>>
    %dma_start3A_80 = arith.constant 0 : i32
    %dma_start3A_81 = tpu.memref_slice %arg8[%dma_start3A_80] : memref<25600xi32, #tpu.memory_space<vmem>> -> memref<128xi32, #tpu.memory_space<vmem>>
    %dma_start3A_82 = arith.constant 0 : i32
    %dma_start3A_83 = arith.constant 0 : i32
    %dma_start3A_84 = tpu.memref_slice %arg5[%dma_start3A_82, %dma_start3A_83] : memref<100000x64xf32, #tpu.memory_space<hbm>> -> memref<100000x64xf32, #tpu.memory_space<hbm>>
    tpu.enqueue_indirect_dma source(%dma_start3A_84 : memref<100000x64xf32, #tpu.memory_space<hbm>>) target(%dma_start3A_79 : memref<128x64xf32, #tpu.memory_space<vmem>>) offsets(%dma_start3A_81 : memref<128xi32, #tpu.memory_space<vmem>>) semaphore(%arg15 : memref<!tpu.dma_semaphore, #tpu.memory_space<semaphore_mem>>)
    %dma_start3A_85 = arith.constant 128 : i32
    %dma_start3A_86 = arith.constant 0 : i32
    %dma_start3A_87 = tpu.memref_slice %arg9[%dma_start3A_85, %dma_start3A_86] : memref<256x64xf32, #tpu.memory_space<vmem>> -> memref<128x64xf32, #tpu.memory_space<vmem>>
    %dma_start3A_88 = arith.constant 128 : i32
    %dma_start3A_89 = tpu.memref_slice %arg7[%dma_start3A_88] : memref<25600xi32, #tpu.memory_space<vmem>> -> memref<128xi32, #tpu.memory_space<vmem>>
    %dma_start3A_90 = arith.constant 0 : i32
    %dma_start3A_91 = arith.constant 0 : i32
    %dma_start3A_92 = tpu.memref_slice %arg4[%dma_start3A_90, %dma_start3A_91] : memref<1000000x64xf32, #tpu.memory_space<hbm>> -> memref<1000000x64xf32, #tpu.memory_space<hbm>>
    tpu.enqueue_indirect_dma source(%dma_start3A_92 : memref<1000000x64xf32, #tpu.memory_space<hbm>>) target(%dma_start3A_87 : memref<128x64xf32, #tpu.memory_space<vmem>>) offsets(%dma_start3A_89 : memref<128xi32, #tpu.memory_space<vmem>>) semaphore(%arg15 : memref<!tpu.dma_semaphore, #tpu.memory_space<semaphore_mem>>)
    %dma_start3A_93 = arith.constant 128 : i32
    %dma_start3A_94 = arith.constant 0 : i32
    %dma_start3A_95 = tpu.memref_slice %arg11[%dma_start3A_93, %dma_start3A_94] : memref<256x64xf32, #tpu.memory_space<vmem>> -> memref<128x64xf32, #tpu.memory_space<vmem>>
    %dma_start3A_96 = arith.constant 128 : i32
    %dma_start3A_97 = tpu.memref_slice %arg8[%dma_start3A_96] : memref<25600xi32, #tpu.memory_space<vmem>> -> memref<128xi32, #tpu.memory_space<vmem>>
    %dma_start3A_98 = arith.constant 0 : i32
    %dma_start3A_99 = arith.constant 0 : i32
    %dma_start3A_100 = tpu.memref_slice %arg5[%dma_start3A_98, %dma_start3A_99] : memref<100000x64xf32, #tpu.memory_space<hbm>> -> memref<100000x64xf32, #tpu.memory_space<hbm>>
    tpu.enqueue_indirect_dma source(%dma_start3A_100 : memref<100000x64xf32, #tpu.memory_space<hbm>>) target(%dma_start3A_95 : memref<128x64xf32, #tpu.memory_space<vmem>>) offsets(%dma_start3A_97 : memref<128xi32, #tpu.memory_space<vmem>>) semaphore(%arg15 : memref<!tpu.dma_semaphore, #tpu.memory_space<semaphore_mem>>)
    %scan3A = arith.constant 0 : i32
    %scan3A_101 = arith.constant 0 : i32
    %scan3A_102 = arith.constant 50 : i32
    %scan3A_103 = arith.addi %scan3A_101, %scan3A_102 : i32
    %scan3A_104 = arith.constant 1 : i32
    scf.for %scan3A_113 = %scan3A_101 to %scan3A_103 step %scan3A_104  : i32 {
      %mul3A_114 = arith.constant 2 : i32
      %mul3A_115 = arith.muli %scan3A_113, %mul3A_114 : i32
      %add3A_116 = arith.constant 0 : i32
      %add3A_117 = arith.addi %mul3A_115, %add3A_116 : i32
      %add3A_118 = arith.constant 1 : i32
      %add3A_119 = arith.addi %add3A_117, %add3A_118 : i32
      %lt3A_120 = arith.constant 100 : i32
      %lt3A_121 = arith.cmpi slt, %add3A_119, %lt3A_120 : i32
      %convert_element_type3A = arith.extui %lt3A_121 : i1 to i32
      %cond3A = arith.constant 0 : i32
      %cond3A_122 = arith.cmpi ne, %convert_element_type3A, %cond3A : i32
      scf.if %cond3A_122 {
        %mul3A_183 = arith.constant 256 : i32
        %mul3A_184 = arith.muli %add3A_119, %mul3A_183 : i32
        %add3A_185 = arith.constant 0 : i32
        %add3A_186 = arith.addi %mul3A_184, %add3A_185 : i32
        %mul3A_187 = arith.constant 256 : i32
        %mul3A_188 = arith.muli %add3A_119, %mul3A_187 : i32
        %add3A_189 = arith.constant 128 : i32
        %add3A_190 = arith.addi %mul3A_188, %add3A_189 : i32
        %dma_start3A_191 = arith.constant 0 : i32
        %dma_start3A_192 = arith.constant 0 : i32
        %dma_start3A_193 = tpu.memref_slice %arg10[%dma_start3A_191, %dma_start3A_192] : memref<256x64xf32, #tpu.memory_space<vmem>> -> memref<128x64xf32, #tpu.memory_space<vmem>>
        %dma_start3A_194 = tpu.memref_slice %arg7[%add3A_186] : memref<25600xi32, #tpu.memory_space<vmem>> -> memref<128xi32, #tpu.memory_space<vmem>>
        %dma_start3A_195 = arith.constant 0 : i32
        %dma_start3A_196 = arith.constant 0 : i32
        %dma_start3A_197 = tpu.memref_slice %arg4[%dma_start3A_195, %dma_start3A_196] : memref<1000000x64xf32, #tpu.memory_space<hbm>> -> memref<1000000x64xf32, #tpu.memory_space<hbm>>
        tpu.enqueue_indirect_dma source(%dma_start3A_197 : memref<1000000x64xf32, #tpu.memory_space<hbm>>) target(%dma_start3A_193 : memref<128x64xf32, #tpu.memory_space<vmem>>) offsets(%dma_start3A_194 : memref<128xi32, #tpu.memory_space<vmem>>) semaphore(%arg16 : memref<!tpu.dma_semaphore, #tpu.memory_space<semaphore_mem>>)
        %dma_start3A_198 = arith.constant 0 : i32
        %dma_start3A_199 = arith.constant 0 : i32
        %dma_start3A_200 = tpu.memref_slice %arg12[%dma_start3A_198, %dma_start3A_199] : memref<256x64xf32, #tpu.memory_space<vmem>> -> memref<128x64xf32, #tpu.memory_space<vmem>>
        %dma_start3A_201 = tpu.memref_slice %arg8[%add3A_186] : memref<25600xi32, #tpu.memory_space<vmem>> -> memref<128xi32, #tpu.memory_space<vmem>>
        %dma_start3A_202 = arith.constant 0 : i32
        %dma_start3A_203 = arith.constant 0 : i32
        %dma_start3A_204 = tpu.memref_slice %arg5[%dma_start3A_202, %dma_start3A_203] : memref<100000x64xf32, #tpu.memory_space<hbm>> -> memref<100000x64xf32, #tpu.memory_space<hbm>>
        tpu.enqueue_indirect_dma source(%dma_start3A_204 : memref<100000x64xf32, #tpu.memory_space<hbm>>) target(%dma_start3A_200 : memref<128x64xf32, #tpu.memory_space<vmem>>) offsets(%dma_start3A_201 : memref<128xi32, #tpu.memory_space<vmem>>) semaphore(%arg16 : memref<!tpu.dma_semaphore, #tpu.memory_space<semaphore_mem>>)
        %dma_start3A_205 = arith.constant 128 : i32
        %dma_start3A_206 = arith.constant 0 : i32
        %dma_start3A_207 = tpu.memref_slice %arg10[%dma_start3A_205, %dma_start3A_206] : memref<256x64xf32, #tpu.memory_space<vmem>> -> memref<128x64xf32, #tpu.memory_space<vmem>>
        %dma_start3A_208 = tpu.memref_slice %arg7[%add3A_190] : memref<25600xi32, #tpu.memory_space<vmem>> -> memref<128xi32, #tpu.memory_space<vmem>>
        %dma_start3A_209 = arith.constant 0 : i32
        %dma_start3A_210 = arith.constant 0 : i32
        %dma_start3A_211 = tpu.memref_slice %arg4[%dma_start3A_209, %dma_start3A_210] : memref<1000000x64xf32, #tpu.memory_space<hbm>> -> memref<1000000x64xf32, #tpu.memory_space<hbm>>
        tpu.enqueue_indirect_dma source(%dma_start3A_211 : memref<1000000x64xf32, #tpu.memory_space<hbm>>) target(%dma_start3A_207 : memref<128x64xf32, #tpu.memory_space<vmem>>) offsets(%dma_start3A_208 : memref<128xi32, #tpu.memory_space<vmem>>) semaphore(%arg16 : memref<!tpu.dma_semaphore, #tpu.memory_space<semaphore_mem>>)
        %dma_start3A_212 = arith.constant 128 : i32
        %dma_start3A_213 = arith.constant 0 : i32
        %dma_start3A_214 = tpu.memref_slice %arg12[%dma_start3A_212, %dma_start3A_213] : memref<256x64xf32, #tpu.memory_space<vmem>> -> memref<128x64xf32, #tpu.memory_space<vmem>>
        %dma_start3A_215 = tpu.memref_slice %arg8[%add3A_190] : memref<25600xi32, #tpu.memory_space<vmem>> -> memref<128xi32, #tpu.memory_space<vmem>>
        %dma_start3A_216 = arith.constant 0 : i32
        %dma_start3A_217 = arith.constant 0 : i32
        %dma_start3A_218 = tpu.memref_slice %arg5[%dma_start3A_216, %dma_start3A_217] : memref<100000x64xf32, #tpu.memory_space<hbm>> -> memref<100000x64xf32, #tpu.memory_space<hbm>>
        tpu.enqueue_indirect_dma source(%dma_start3A_218 : memref<100000x64xf32, #tpu.memory_space<hbm>>) target(%dma_start3A_214 : memref<128x64xf32, #tpu.memory_space<vmem>>) offsets(%dma_start3A_215 : memref<128xi32, #tpu.memory_space<vmem>>) semaphore(%arg16 : memref<!tpu.dma_semaphore, #tpu.memory_space<semaphore_mem>>)
      } else {
      }
      %dma_wait3A_123 = arith.constant 0 : i32
      %dma_wait3A_124 = tpu.memref_slice %arg7[%dma_wait3A_123] : memref<25600xi32, #tpu.memory_space<vmem>> -> memref<128xi32, #tpu.memory_space<vmem>>
      %dma_wait3A_125 = arith.constant 0 : i32
      %dma_wait3A_126 = arith.constant 0 : i32
      %dma_wait3A_127 = tpu.memref_slice %arg4[%dma_wait3A_125, %dma_wait3A_126] : memref<1000000x64xf32, #tpu.memory_space<hbm>> -> memref<1000000x64xf32, #tpu.memory_space<hbm>>
      tpu.wait_indirect_dma semaphore(%arg15 : memref<!tpu.dma_semaphore, #tpu.memory_space<semaphore_mem>>) src(%dma_wait3A_127 : memref<1000000x64xf32, #tpu.memory_space<hbm>>) dst(%arg9 : memref<256x64xf32, #tpu.memory_space<vmem>>)
      %dma_wait3A_128 = arith.constant 0 : i32
      %dma_wait3A_129 = tpu.memref_slice %arg8[%dma_wait3A_128] : memref<25600xi32, #tpu.memory_space<vmem>> -> memref<128xi32, #tpu.memory_space<vmem>>
      %dma_wait3A_130 = arith.constant 0 : i32
      %dma_wait3A_131 = arith.constant 0 : i32
      %dma_wait3A_132 = tpu.memref_slice %arg5[%dma_wait3A_130, %dma_wait3A_131] : memref<100000x64xf32, #tpu.memory_space<hbm>> -> memref<100000x64xf32, #tpu.memory_space<hbm>>
      tpu.wait_indirect_dma semaphore(%arg15 : memref<!tpu.dma_semaphore, #tpu.memory_space<semaphore_mem>>) src(%dma_wait3A_132 : memref<100000x64xf32, #tpu.memory_space<hbm>>) dst(%arg11 : memref<256x64xf32, #tpu.memory_space<vmem>>)
      %ge3A = arith.constant 2 : i32
      %ge3A_133 = arith.cmpi sge, %add3A_117, %ge3A : i32
      %convert_element_type3A_134 = arith.extui %ge3A_133 : i1 to i32
      %cond3A_135 = arith.constant 0 : i32
      %cond3A_136 = arith.cmpi ne, %convert_element_type3A_134, %cond3A_135 : i32
      scf.if %cond3A_136 {
        %sub3A = arith.constant 2 : i32
        %sub3A_183 = arith.subi %add3A_117, %sub3A : i32
        %mul3A_184 = arith.constant 256 : i32
        %mul3A_185 = arith.muli %sub3A_183, %mul3A_184 : i32
        %add3A_186 = arith.addi %mul3A_2, %mul3A_185 : i32
        %dma_wait3A_187 = tpu.memref_slice %arg6[%add3A_186] : memref<819200xf32, #tpu.memory_space<hbm>> -> memref<256xf32, #tpu.memory_space<hbm>>
        %dma_wait3A_188 = tpu.memref_slice %arg6[%add3A_186] : memref<819200xf32, #tpu.memory_space<hbm>> -> memref<256xf32, #tpu.memory_space<hbm>>
        tpu.wait_dma2 semaphore(%arg17 : memref<!tpu.dma_semaphore, #tpu.memory_space<semaphore_mem>>) src(%arg13 : memref<256xf32, #tpu.memory_space<vmem>>) dst(%dma_wait3A_188 : memref<256xf32, #tpu.memory_space<hbm>>)
      } else {
      }
      %scan3A_137 = arith.constant 0 : i32
      %scan3A_138 = arith.constant 16 : i32
      %scan3A_139 = arith.addi %scan3A_137, %scan3A_138 : i32
      %scan3A_140 = arith.constant 1 : i32
      scf.for %scan3A_183 = %scan3A_137 to %scan3A_139 step %scan3A_140  : i32 {
        %mul3A_184 = arith.constant 16 : i32
        %mul3A_185 = arith.muli %scan3A_183, %mul3A_184 : i32
        %add3A_186 = arith.constant 0 : i32
        %add3A_187 = arith.addi %mul3A_185, %add3A_186 : i32
        %get3A = arith.index_cast %add3A_187 : i32 to index
        %get3A_188 = arith.constant 0 : index
        %get3A_189 = tpu.vector_load %arg9[%get3A, %get3A_188] {strides = array<i32>} : memref<256x64xf32, #tpu.memory_space<vmem>>, vector<1x16xf32>,
        %get3A_190 = vector.shape_cast %get3A_189 : vector<1x16xf32> to vector<16xf32>
        %add3A_191 = arith.constant 0 : i32
        %add3A_192 = arith.addi %mul3A_185, %add3A_191 : i32
        %get3A_193 = arith.index_cast %add3A_192 : i32 to index
        %get3A_194 = arith.constant 0 : index
        %get3A_195 = tpu.vector_load %arg11[%get3A_193, %get3A_194] {strides = array<i32>} : memref<256x64xf32, #tpu.memory_space<vmem>>, vector<1x16xf32>,
        %get3A_196 = vector.shape_cast %get3A_195 : vector<1x16xf32> to vector<16xf32>
        %mul3A_197 = arith.mulf %get3A_190, %get3A_196 : vector<16xf32>
        %add3A_198 = arith.constant 1 : i32
        %add3A_199 = arith.addi %mul3A_185, %add3A_198 : i32
        %get3A_200 = arith.index_cast %add3A_199 : i32 to index
        %get3A_201 = arith.constant 0 : index
        %get3A_202 = tpu.vector_load %arg9[%get3A_200, %get3A_201] {strides = array<i32>} : memref<256x64xf32, #tpu.memory_space<vmem>>, vector<1x16xf32>,
        %get3A_203 = vector.shape_cast %get3A_202 : vector<1x16xf32> to vector<16xf32>
        %add3A_204 = arith.constant 1 : i32
        %add3A_205 = arith.addi %mul3A_185, %add3A_204 : i32
        %get3A_206 = arith.index_cast %add3A_205 : i32 to index
        %get3A_207 = arith.constant 0 : index
        %get3A_208 = tpu.vector_load %arg11[%get3A_206, %get3A_207] {strides = array<i32>} : memref<256x64xf32, #tpu.memory_space<vmem>>, vector<1x16xf32>,
        %get3A_209 = vector.shape_cast %get3A_208 : vector<1x16xf32> to vector<16xf32>
        %mul3A_210 = arith.mulf %get3A_203, %get3A_209 : vector<16xf32>
        %add3A_211 = arith.constant 2 : i32
        %add3A_212 = arith.addi %mul3A_185, %add3A_211 : i32
        %get3A_213 = arith.index_cast %add3A_212 : i32 to index
        %get3A_214 = arith.constant 0 : index
        %get3A_215 = tpu.vector_load %arg9[%get3A_213, %get3A_214] {strides = array<i32>} : memref<256x64xf32, #tpu.memory_space<vmem>>, vector<1x16xf32>,
        %get3A_216 = vector.shape_cast %get3A_215 : vector<1x16xf32> to vector<16xf32>
        %add3A_217 = arith.constant 2 : i32
        %add3A_218 = arith.addi %mul3A_185, %add3A_217 : i32
        %get3A_219 = arith.index_cast %add3A_218 : i32 to index
        %get3A_220 = arith.constant 0 : index
        %get3A_221 = tpu.vector_load %arg11[%get3A_219, %get3A_220] {strides = array<i32>} : memref<256x64xf32, #tpu.memory_space<vmem>>, vector<1x16xf32>,
        %get3A_222 = vector.shape_cast %get3A_221 : vector<1x16xf32> to vector<16xf32>
        %mul3A_223 = arith.mulf %get3A_216, %get3A_222 : vector<16xf32>
        %add3A_224 = arith.constant 3 : i32
        %add3A_225 = arith.addi %mul3A_185, %add3A_224 : i32
        %get3A_226 = arith.index_cast %add3A_225 : i32 to index
        %get3A_227 = arith.constant 0 : index
        %get3A_228 = tpu.vector_load %arg9[%get3A_226, %get3A_227] {strides = array<i32>} : memref<256x64xf32, #tpu.memory_space<vmem>>, vector<1x16xf32>,
        %get3A_229 = vector.shape_cast %get3A_228 : vector<1x16xf32> to vector<16xf32>
        %add3A_230 = arith.constant 3 : i32
        %add3A_231 = arith.addi %mul3A_185, %add3A_230 : i32
        %get3A_232 = arith.index_cast %add3A_231 : i32 to index
        %get3A_233 = arith.constant 0 : index
        %get3A_234 = tpu.vector_load %arg11[%get3A_232, %get3A_233] {strides = array<i32>} : memref<256x64xf32, #tpu.memory_space<vmem>>, vector<1x16xf32>,
        %get3A_235 = vector.shape_cast %get3A_234 : vector<1x16xf32> to vector<16xf32>
        %mul3A_236 = arith.mulf %get3A_229, %get3A_235 : vector<16xf32>
        %add3A_237 = arith.constant 4 : i32
        %add3A_238 = arith.addi %mul3A_185, %add3A_237 : i32
        %get3A_239 = arith.index_cast %add3A_238 : i32 to index
        %get3A_240 = arith.constant 0 : index
        %get3A_241 = tpu.vector_load %arg9[%get3A_239, %get3A_240] {strides = array<i32>} : memref<256x64xf32, #tpu.memory_space<vmem>>, vector<1x16xf32>,
        %get3A_242 = vector.shape_cast %get3A_241 : vector<1x16xf32> to vector<16xf32>
        %add3A_243 = arith.constant 4 : i32
        %add3A_244 = arith.addi %mul3A_185, %add3A_243 : i32
        %get3A_245 = arith.index_cast %add3A_244 : i32 to index
        %get3A_246 = arith.constant 0 : index
        %get3A_247 = tpu.vector_load %arg11[%get3A_245, %get3A_246] {strides = array<i32>} : memref<256x64xf32, #tpu.memory_space<vmem>>, vector<1x16xf32>,
        %get3A_248 = vector.shape_cast %get3A_247 : vector<1x16xf32> to vector<16xf32>
        %mul3A_249 = arith.mulf %get3A_242, %get3A_248 : vector<16xf32>
        %add3A_250 = arith.constant 5 : i32
        %add3A_251 = arith.addi %mul3A_185, %add3A_250 : i32
        %get3A_252 = arith.index_cast %add3A_251 : i32 to index
        %get3A_253 = arith.constant 0 : index
        %get3A_254 = tpu.vector_load %arg9[%get3A_252, %get3A_253] {strides = array<i32>} : memref<256x64xf32, #tpu.memory_space<vmem>>, vector<1x16xf32>,
        %get3A_255 = vector.shape_cast %get3A_254 : vector<1x16xf32> to vector<16xf32>
        %add3A_256 = arith.constant 5 : i32
        %add3A_257 = arith.addi %mul3A_185, %add3A_256 : i32
        %get3A_258 = arith.index_cast %add3A_257 : i32 to index
        %get3A_259 = arith.constant 0 : index
        %get3A_260 = tpu.vector_load %arg11[%get3A_258, %get3A_259] {strides = array<i32>} : memref<256x64xf32, #tpu.memory_space<vmem>>, vector<1x16xf32>,
        %get3A_261 = vector.shape_cast %get3A_260 : vector<1x16xf32> to vector<16xf32>
        %mul3A_262 = arith.mulf %get3A_255, %get3A_261 : vector<16xf32>
        %add3A_263 = arith.constant 6 : i32
        %add3A_264 = arith.addi %mul3A_185, %add3A_263 : i32
        %get3A_265 = arith.index_cast %add3A_264 : i32 to index
        %get3A_266 = arith.constant 0 : index
        %get3A_267 = tpu.vector_load %arg9[%get3A_265, %get3A_266] {strides = array<i32>} : memref<256x64xf32, #tpu.memory_space<vmem>>, vector<1x16xf32>,
        %get3A_268 = vector.shape_cast %get3A_267 : vector<1x16xf32> to vector<16xf32>
        %add3A_269 = arith.constant 6 : i32
        %add3A_270 = arith.addi %mul3A_185, %add3A_269 : i32
        %get3A_271 = arith.index_cast %add3A_270 : i32 to index
        %get3A_272 = arith.constant 0 : index
        %get3A_273 = tpu.vector_load %arg11[%get3A_271, %get3A_272] {strides = array<i32>} : memref<256x64xf32, #tpu.memory_space<vmem>>, vector<1x16xf32>,
        %get3A_274 = vector.shape_cast %get3A_273 : vector<1x16xf32> to vector<16xf32>
        %mul3A_275 = arith.mulf %get3A_268, %get3A_274 : vector<16xf32>
        %add3A_276 = arith.constant 7 : i32
        %add3A_277 = arith.addi %mul3A_185, %add3A_276 : i32
        %get3A_278 = arith.index_cast %add3A_277 : i32 to index
        %get3A_279 = arith.constant 0 : index
        %get3A_280 = tpu.vector_load %arg9[%get3A_278, %get3A_279] {strides = array<i32>} : memref<256x64xf32, #tpu.memory_space<vmem>>, vector<1x16xf32>,
        %get3A_281 = vector.shape_cast %get3A_280 : vector<1x16xf32> to vector<16xf32>
        %add3A_282 = arith.constant 7 : i32
        %add3A_283 = arith.addi %mul3A_185, %add3A_282 : i32
        %get3A_284 = arith.index_cast %add3A_283 : i32 to index
        %get3A_285 = arith.constant 0 : index
        %get3A_286 = tpu.vector_load %arg11[%get3A_284, %get3A_285] {strides = array<i32>} : memref<256x64xf32, #tpu.memory_space<vmem>>, vector<1x16xf32>,
        %get3A_287 = vector.shape_cast %get3A_286 : vector<1x16xf32> to vector<16xf32>
        %mul3A_288 = arith.mulf %get3A_281, %get3A_287 : vector<16xf32>
        %add3A_289 = arith.constant 8 : i32
        %add3A_290 = arith.addi %mul3A_185, %add3A_289 : i32
        %get3A_291 = arith.index_cast %add3A_290 : i32 to index
        %get3A_292 = arith.constant 0 : index
        %get3A_293 = tpu.vector_load %arg9[%get3A_291, %get3A_292] {strides = array<i32>} : memref<256x64xf32, #tpu.memory_space<vmem>>, vector<1x16xf32>,
        %get3A_294 = vector.shape_cast %get3A_293 : vector<1x16xf32> to vector<16xf32>
        %add3A_295 = arith.constant 8 : i32
        %add3A_296 = arith.addi %mul3A_185, %add3A_295 : i32
        %get3A_297 = arith.index_cast %add3A_296 : i32 to index
        %get3A_298 = arith.constant 0 : index
        %get3A_299 = tpu.vector_load %arg11[%get3A_297, %get3A_298] {strides = array<i32>} : memref<256x64xf32, #tpu.memory_space<vmem>>, vector<1x16xf32>,
        %get3A_300 = vector.shape_cast %get3A_299 : vector<1x16xf32> to vector<16xf32>
        %mul3A_301 = arith.mulf %get3A_294, %get3A_300 : vector<16xf32>
        %add3A_302 = arith.constant 9 : i32
        %add3A_303 = arith.addi %mul3A_185, %add3A_302 : i32
        %get3A_304 = arith.index_cast %add3A_303 : i32 to index
        %get3A_305 = arith.constant 0 : index
        %get3A_306 = tpu.vector_load %arg9[%get3A_304, %get3A_305] {strides = array<i32>} : memref<256x64xf32, #tpu.memory_space<vmem>>, vector<1x16xf32>,
        %get3A_307 = vector.shape_cast %get3A_306 : vector<1x16xf32> to vector<16xf32>
        %add3A_308 = arith.constant 9 : i32
        %add3A_309 = arith.addi %mul3A_185, %add3A_308 : i32
        %get3A_310 = arith.index_cast %add3A_309 : i32 to index
        %get3A_311 = arith.constant 0 : index
        %get3A_312 = tpu.vector_load %arg11[%get3A_310, %get3A_311] {strides = array<i32>} : memref<256x64xf32, #tpu.memory_space<vmem>>, vector<1x16xf32>,
        %get3A_313 = vector.shape_cast %get3A_312 : vector<1x16xf32> to vector<16xf32>
        %mul3A_314 = arith.mulf %get3A_307, %get3A_313 : vector<16xf32>
        %add3A_315 = arith.constant 10 : i32
        %add3A_316 = arith.addi %mul3A_185, %add3A_315 : i32
        %get3A_317 = arith.index_cast %add3A_316 : i32 to index
        %get3A_318 = arith.constant 0 : index
        %get3A_319 = tpu.vector_load %arg9[%get3A_317, %get3A_318] {strides = array<i32>} : memref<256x64xf32, #tpu.memory_space<vmem>>, vector<1x16xf32>,
        %get3A_320 = vector.shape_cast %get3A_319 : vector<1x16xf32> to vector<16xf32>
        %add3A_321 = arith.constant 10 : i32
        %add3A_322 = arith.addi %mul3A_185, %add3A_321 : i32
        %get3A_323 = arith.index_cast %add3A_322 : i32 to index
        %get3A_324 = arith.constant 0 : index
        %get3A_325 = tpu.vector_load %arg11[%get3A_323, %get3A_324] {strides = array<i32>} : memref<256x64xf32, #tpu.memory_space<vmem>>, vector<1x16xf32>,
        %get3A_326 = vector.shape_cast %get3A_325 : vector<1x16xf32> to vector<16xf32>
        %mul3A_327 = arith.mulf %get3A_320, %get3A_326 : vector<16xf32>
        %add3A_328 = arith.constant 11 : i32
        %add3A_329 = arith.addi %mul3A_185, %add3A_328 : i32
        %get3A_330 = arith.index_cast %add3A_329 : i32 to index
        %get3A_331 = arith.constant 0 : index
        %get3A_332 = tpu.vector_load %arg9[%get3A_330, %get3A_331] {strides = array<i32>} : memref<256x64xf32, #tpu.memory_space<vmem>>, vector<1x16xf32>,
        %get3A_333 = vector.shape_cast %get3A_332 : vector<1x16xf32> to vector<16xf32>
        %add3A_334 = arith.constant 11 : i32
        %add3A_335 = arith.addi %mul3A_185, %add3A_334 : i32
        %get3A_336 = arith.index_cast %add3A_335 : i32 to index
        %get3A_337 = arith.constant 0 : index
        %get3A_338 = tpu.vector_load %arg11[%get3A_336, %get3A_337] {strides = array<i32>} : memref<256x64xf32, #tpu.memory_space<vmem>>, vector<1x16xf32>,
        %get3A_339 = vector.shape_cast %get3A_338 : vector<1x16xf32> to vector<16xf32>
        %mul3A_340 = arith.mulf %get3A_333, %get3A_339 : vector<16xf32>
        %add3A_341 = arith.constant 12 : i32
        %add3A_342 = arith.addi %mul3A_185, %add3A_341 : i32
        %get3A_343 = arith.index_cast %add3A_342 : i32 to index
        %get3A_344 = arith.constant 0 : index
        %get3A_345 = tpu.vector_load %arg9[%get3A_343, %get3A_344] {strides = array<i32>} : memref<256x64xf32, #tpu.memory_space<vmem>>, vector<1x16xf32>,
        %get3A_346 = vector.shape_cast %get3A_345 : vector<1x16xf32> to vector<16xf32>
        %add3A_347 = arith.constant 12 : i32
        %add3A_348 = arith.addi %mul3A_185, %add3A_347 : i32
        %get3A_349 = arith.index_cast %add3A_348 : i32 to index
        %get3A_350 = arith.constant 0 : index
        %get3A_351 = tpu.vector_load %arg11[%get3A_349, %get3A_350] {strides = array<i32>} : memref<256x64xf32, #tpu.memory_space<vmem>>, vector<1x16xf32>,
        %get3A_352 = vector.shape_cast %get3A_351 : vector<1x16xf32> to vector<16xf32>
        %mul3A_353 = arith.mulf %get3A_346, %get3A_352 : vector<16xf32>
        %add3A_354 = arith.constant 13 : i32
        %add3A_355 = arith.addi %mul3A_185, %add3A_354 : i32
        %get3A_356 = arith.index_cast %add3A_355 : i32 to index
        %get3A_357 = arith.constant 0 : index
        %get3A_358 = tpu.vector_load %arg9[%get3A_356, %get3A_357] {strides = array<i32>} : memref<256x64xf32, #tpu.memory_space<vmem>>, vector<1x16xf32>,
        %get3A_359 = vector.shape_cast %get3A_358 : vector<1x16xf32> to vector<16xf32>
        %add3A_360 = arith.constant 13 : i32
        %add3A_361 = arith.addi %mul3A_185, %add3A_360 : i32
        %get3A_362 = arith.index_cast %add3A_361 : i32 to index
        %get3A_363 = arith.constant 0 : index
        %get3A_364 = tpu.vector_load %arg11[%get3A_362, %get3A_363] {strides = array<i32>} : memref<256x64xf32, #tpu.memory_space<vmem>>, vector<1x16xf32>,
        %get3A_365 = vector.shape_cast %get3A_364 : vector<1x16xf32> to vector<16xf32>
        %mul3A_366 = arith.mulf %get3A_359, %get3A_365 : vector<16xf32>
        %add3A_367 = arith.constant 14 : i32
        %add3A_368 = arith.addi %mul3A_185, %add3A_367 : i32
        %get3A_369 = arith.index_cast %add3A_368 : i32 to index
        %get3A_370 = arith.constant 0 : index
        %get3A_371 = tpu.vector_load %arg9[%get3A_369, %get3A_370] {strides = array<i32>} : memref<256x64xf32, #tpu.memory_space<vmem>>, vector<1x16xf32>,
        %get3A_372 = vector.shape_cast %get3A_371 : vector<1x16xf32> to vector<16xf32>
        %add3A_373 = arith.constant 14 : i32
        %add3A_374 = arith.addi %mul3A_185, %add3A_373 : i32
        %get3A_375 = arith.index_cast %add3A_374 : i32 to index
        %get3A_376 = arith.constant 0 : index
        %get3A_377 = tpu.vector_load %arg11[%get3A_375, %get3A_376] {strides = array<i32>} : memref<256x64xf32, #tpu.memory_space<vmem>>, vector<1x16xf32>,
        %get3A_378 = vector.shape_cast %get3A_377 : vector<1x16xf32> to vector<16xf32>
        %mul3A_379 = arith.mulf %get3A_372, %get3A_378 : vector<16xf32>
        %add3A_380 = arith.constant 15 : i32
        %add3A_381 = arith.addi %mul3A_185, %add3A_380 : i32
        %get3A_382 = arith.index_cast %add3A_381 : i32 to index
        %get3A_383 = arith.constant 0 : index
        %get3A_384 = tpu.vector_load %arg9[%get3A_382, %get3A_383] {strides = array<i32>} : memref<256x64xf32, #tpu.memory_space<vmem>>, vector<1x16xf32>,
        %get3A_385 = vector.shape_cast %get3A_384 : vector<1x16xf32> to vector<16xf32>
        %add3A_386 = arith.constant 15 : i32
        %add3A_387 = arith.addi %mul3A_185, %add3A_386 : i32
        %get3A_388 = arith.index_cast %add3A_387 : i32 to index
        %get3A_389 = arith.constant 0 : index
        %get3A_390 = tpu.vector_load %arg11[%get3A_388, %get3A_389] {strides = array<i32>} : memref<256x64xf32, #tpu.memory_space<vmem>>, vector<1x16xf32>,
        %get3A_391 = vector.shape_cast %get3A_390 : vector<1x16xf32> to vector<16xf32>
        %mul3A_392 = arith.mulf %get3A_385, %get3A_391 : vector<16xf32>
        %add3A_393 = arith.constant 0 : i32
        %add3A_394 = arith.addi %mul3A_185, %add3A_393 : i32
        %get3A_395 = arith.index_cast %add3A_394 : i32 to index
        %get3A_396 = arith.constant 16 : index
        %get3A_397 = tpu.vector_load %arg9[%get3A_395, %get3A_396] {strides = array<i32>} : memref<256x64xf32, #tpu.memory_space<vmem>>, vector<1x16xf32>,
        %get3A_398 = vector.shape_cast %get3A_397 : vector<1x16xf32> to vector<16xf32>
        %get3A_399 = arith.index_cast %add3A_394 : i32 to index
        %get3A_400 = arith.constant 16 : index
        %get3A_401 = tpu.vector_load %arg11[%get3A_399, %get3A_400] {strides = array<i32>} : memref<256x64xf32, #tpu.memory_space<vmem>>, vector<1x16xf32>,
        %get3A_402 = vector.shape_cast %get3A_401 : vector<1x16xf32> to vector<16xf32>
        %mul3A_403 = arith.mulf %get3A_398, %get3A_402 : vector<16xf32>
        %add3A_404 = arith.addf %mul3A_197, %mul3A_403 : vector<16xf32>
        %add3A_405 = arith.constant 1 : i32
        %add3A_406 = arith.addi %mul3A_185, %add3A_405 : i32
        %get3A_407 = arith.index_cast %add3A_406 : i32 to index
        %get3A_408 = arith.constant 16 : index
        %get3A_409 = tpu.vector_load %arg9[%get3A_407, %get3A_408] {strides = array<i32>} : memref<256x64xf32, #tpu.memory_space<vmem>>, vector<1x16xf32>,
        %get3A_410 = vector.shape_cast %get3A_409 : vector<1x16xf32> to vector<16xf32>
        %get3A_411 = arith.index_cast %add3A_406 : i32 to index
        %get3A_412 = arith.constant 16 : index
        %get3A_413 = tpu.vector_load %arg11[%get3A_411, %get3A_412] {strides = array<i32>} : memref<256x64xf32, #tpu.memory_space<vmem>>, vector<1x16xf32>,
        %get3A_414 = vector.shape_cast %get3A_413 : vector<1x16xf32> to vector<16xf32>
        %mul3A_415 = arith.mulf %get3A_410, %get3A_414 : vector<16xf32>
        %add3A_416 = arith.addf %mul3A_210, %mul3A_415 : vector<16xf32>
        %add3A_417 = arith.constant 2 : i32
        %add3A_418 = arith.addi %mul3A_185, %add3A_417 : i32
        %get3A_419 = arith.index_cast %add3A_418 : i32 to index
        %get3A_420 = arith.constant 16 : index
        %get3A_421 = tpu.vector_load %arg9[%get3A_419, %get3A_420] {strides = array<i32>} : memref<256x64xf32, #tpu.memory_space<vmem>>, vector<1x16xf32>,
        %get3A_422 = vector.shape_cast %get3A_421 : vector<1x16xf32> to vector<16xf32>
        %get3A_423 = arith.index_cast %add3A_418 : i32 to index
        %get3A_424 = arith.constant 16 : index
        %get3A_425 = tpu.vector_load %arg11[%get3A_423, %get3A_424] {strides = array<i32>} : memref<256x64xf32, #tpu.memory_space<vmem>>, vector<1x16xf32>,
        %get3A_426 = vector.shape_cast %get3A_425 : vector<1x16xf32> to vector<16xf32>
        %mul3A_427 = arith.mulf %get3A_422, %get3A_426 : vector<16xf32>
        %add3A_428 = arith.addf %mul3A_223, %mul3A_427 : vector<16xf32>
        %add3A_429 = arith.constant 3 : i32
        %add3A_430 = arith.addi %mul3A_185, %add3A_429 : i32
        %get3A_431 = arith.index_cast %add3A_430 : i32 to index
        %get3A_432 = arith.constant 16 : index
        %get3A_433 = tpu.vector_load %arg9[%get3A_431, %get3A_432] {strides = array<i32>} : memref<256x64xf32, #tpu.memory_space<vmem>>, vector<1x16xf32>,
        %get3A_434 = vector.shape_cast %get3A_433 : vector<1x16xf32> to vector<16xf32>
        %get3A_435 = arith.index_cast %add3A_430 : i32 to index
        %get3A_436 = arith.constant 16 : index
        %get3A_437 = tpu.vector_load %arg11[%get3A_435, %get3A_436] {strides = array<i32>} : memref<256x64xf32, #tpu.memory_space<vmem>>, vector<1x16xf32>,
        %get3A_438 = vector.shape_cast %get3A_437 : vector<1x16xf32> to vector<16xf32>
        %mul3A_439 = arith.mulf %get3A_434, %get3A_438 : vector<16xf32>
        %add3A_440 = arith.addf %mul3A_236, %mul3A_439 : vector<16xf32>
        %add3A_441 = arith.constant 4 : i32
        %add3A_442 = arith.addi %mul3A_185, %add3A_441 : i32
        %get3A_443 = arith.index_cast %add3A_442 : i32 to index
        %get3A_444 = arith.constant 16 : index
        %get3A_445 = tpu.vector_load %arg9[%get3A_443, %get3A_444] {strides = array<i32>} : memref<256x64xf32, #tpu.memory_space<vmem>>, vector<1x16xf32>,
        %get3A_446 = vector.shape_cast %get3A_445 : vector<1x16xf32> to vector<16xf32>
        %get3A_447 = arith.index_cast %add3A_442 : i32 to index
        %get3A_448 = arith.constant 16 : index
        %get3A_449 = tpu.vector_load %arg11[%get3A_447, %get3A_448] {strides = array<i32>} : memref<256x64xf32, #tpu.memory_space<vmem>>, vector<1x16xf32>,
        %get3A_450 = vector.shape_cast %get3A_449 : vector<1x16xf32> to vector<16xf32>
        %mul3A_451 = arith.mulf %get3A_446, %get3A_450 : vector<16xf32>
        %add3A_452 = arith.addf %mul3A_249, %mul3A_451 : vector<16xf32>
        %add3A_453 = arith.constant 5 : i32
        %add3A_454 = arith.addi %mul3A_185, %add3A_453 : i32
        %get3A_455 = arith.index_cast %add3A_454 : i32 to index
        %get3A_456 = arith.constant 16 : index
        %get3A_457 = tpu.vector_load %arg9[%get3A_455, %get3A_456] {strides = array<i32>} : memref<256x64xf32, #tpu.memory_space<vmem>>, vector<1x16xf32>,
        %get3A_458 = vector.shape_cast %get3A_457 : vector<1x16xf32> to vector<16xf32>
        %get3A_459 = arith.index_cast %add3A_454 : i32 to index
        %get3A_460 = arith.constant 16 : index
        %get3A_461 = tpu.vector_load %arg11[%get3A_459, %get3A_460] {strides = array<i32>} : memref<256x64xf32, #tpu.memory_space<vmem>>, vector<1x16xf32>,
        %get3A_462 = vector.shape_cast %get3A_461 : vector<1x16xf32> to vector<16xf32>
        %mul3A_463 = arith.mulf %get3A_458, %get3A_462 : vector<16xf32>
        %add3A_464 = arith.addf %mul3A_262, %mul3A_463 : vector<16xf32>
        %add3A_465 = arith.constant 6 : i32
        %add3A_466 = arith.addi %mul3A_185, %add3A_465 : i32
        %get3A_467 = arith.index_cast %add3A_466 : i32 to index
        %get3A_468 = arith.constant 16 : index
        %get3A_469 = tpu.vector_load %arg9[%get3A_467, %get3A_468] {strides = array<i32>} : memref<256x64xf32, #tpu.memory_space<vmem>>, vector<1x16xf32>,
        %get3A_470 = vector.shape_cast %get3A_469 : vector<1x16xf32> to vector<16xf32>
        %get3A_471 = arith.index_cast %add3A_466 : i32 to index
        %get3A_472 = arith.constant 16 : index
        %get3A_473 = tpu.vector_load %arg11[%get3A_471, %get3A_472] {strides = array<i32>} : memref<256x64xf32, #tpu.memory_space<vmem>>, vector<1x16xf32>,
        %get3A_474 = vector.shape_cast %get3A_473 : vector<1x16xf32> to vector<16xf32>
        %mul3A_475 = arith.mulf %get3A_470, %get3A_474 : vector<16xf32>
        %add3A_476 = arith.addf %mul3A_275, %mul3A_475 : vector<16xf32>
        %add3A_477 = arith.constant 7 : i32
        %add3A_478 = arith.addi %mul3A_185, %add3A_477 : i32
        %get3A_479 = arith.index_cast %add3A_478 : i32 to index
        %get3A_480 = arith.constant 16 : index
        %get3A_481 = tpu.vector_load %arg9[%get3A_479, %get3A_480] {strides = array<i32>} : memref<256x64xf32, #tpu.memory_space<vmem>>, vector<1x16xf32>,
        %get3A_482 = vector.shape_cast %get3A_481 : vector<1x16xf32> to vector<16xf32>
        %get3A_483 = arith.index_cast %add3A_478 : i32 to index
        %get3A_484 = arith.constant 16 : index
        %get3A_485 = tpu.vector_load %arg11[%get3A_483, %get3A_484] {strides = array<i32>} : memref<256x64xf32, #tpu.memory_space<vmem>>, vector<1x16xf32>,
        %get3A_486 = vector.shape_cast %get3A_485 : vector<1x16xf32> to vector<16xf32>
        %mul3A_487 = arith.mulf %get3A_482, %get3A_486 : vector<16xf32>
        %add3A_488 = arith.addf %mul3A_288, %mul3A_487 : vector<16xf32>
        %add3A_489 = arith.constant 8 : i32
        %add3A_490 = arith.addi %mul3A_185, %add3A_489 : i32
        %get3A_491 = arith.index_cast %add3A_490 : i32 to index
        %get3A_492 = arith.constant 16 : index
        %get3A_493 = tpu.vector_load %arg9[%get3A_491, %get3A_492] {strides = array<i32>} : memref<256x64xf32, #tpu.memory_space<vmem>>, vector<1x16xf32>,
        %get3A_494 = vector.shape_cast %get3A_493 : vector<1x16xf32> to vector<16xf32>
        %get3A_495 = arith.index_cast %add3A_490 : i32 to index
        %get3A_496 = arith.constant 16 : index
        %get3A_497 = tpu.vector_load %arg11[%get3A_495, %get3A_496] {strides = array<i32>} : memref<256x64xf32, #tpu.memory_space<vmem>>, vector<1x16xf32>,
        %get3A_498 = vector.shape_cast %get3A_497 : vector<1x16xf32> to vector<16xf32>
        %mul3A_499 = arith.mulf %get3A_494, %get3A_498 : vector<16xf32>
        %add3A_500 = arith.addf %mul3A_301, %mul3A_499 : vector<16xf32>
        %add3A_501 = arith.constant 9 : i32
        %add3A_502 = arith.addi %mul3A_185, %add3A_501 : i32
        %get3A_503 = arith.index_cast %add3A_502 : i32 to index
        %get3A_504 = arith.constant 16 : index
        %get3A_505 = tpu.vector_load %arg9[%get3A_503, %get3A_504] {strides = array<i32>} : memref<256x64xf32, #tpu.memory_space<vmem>>, vector<1x16xf32>,
        %get3A_506 = vector.shape_cast %get3A_505 : vector<1x16xf32> to vector<16xf32>
        %get3A_507 = arith.index_cast %add3A_502 : i32 to index
        %get3A_508 = arith.constant 16 : index
        %get3A_509 = tpu.vector_load %arg11[%get3A_507, %get3A_508] {strides = array<i32>} : memref<256x64xf32, #tpu.memory_space<vmem>>, vector<1x16xf32>,
        %get3A_510 = vector.shape_cast %get3A_509 : vector<1x16xf32> to vector<16xf32>
        %mul3A_511 = arith.mulf %get3A_506, %get3A_510 : vector<16xf32>
        %add3A_512 = arith.addf %mul3A_314, %mul3A_511 : vector<16xf32>
        %add3A_513 = arith.constant 10 : i32
        %add3A_514 = arith.addi %mul3A_185, %add3A_513 : i32
        %get3A_515 = arith.index_cast %add3A_514 : i32 to index
        %get3A_516 = arith.constant 16 : index
        %get3A_517 = tpu.vector_load %arg9[%get3A_515, %get3A_516] {strides = array<i32>} : memref<256x64xf32, #tpu.memory_space<vmem>>, vector<1x16xf32>,
        %get3A_518 = vector.shape_cast %get3A_517 : vector<1x16xf32> to vector<16xf32>
        %get3A_519 = arith.index_cast %add3A_514 : i32 to index
        %get3A_520 = arith.constant 16 : index
        %get3A_521 = tpu.vector_load %arg11[%get3A_519, %get3A_520] {strides = array<i32>} : memref<256x64xf32, #tpu.memory_space<vmem>>, vector<1x16xf32>,
        %get3A_522 = vector.shape_cast %get3A_521 : vector<1x16xf32> to vector<16xf32>
        %mul3A_523 = arith.mulf %get3A_518, %get3A_522 : vector<16xf32>
        %add3A_524 = arith.addf %mul3A_327, %mul3A_523 : vector<16xf32>
        %add3A_525 = arith.constant 11 : i32
        %add3A_526 = arith.addi %mul3A_185, %add3A_525 : i32
        %get3A_527 = arith.index_cast %add3A_526 : i32 to index
        %get3A_528 = arith.constant 16 : index
        %get3A_529 = tpu.vector_load %arg9[%get3A_527, %get3A_528] {strides = array<i32>} : memref<256x64xf32, #tpu.memory_space<vmem>>, vector<1x16xf32>,
        %get3A_530 = vector.shape_cast %get3A_529 : vector<1x16xf32> to vector<16xf32>
        %get3A_531 = arith.index_cast %add3A_526 : i32 to index
        %get3A_532 = arith.constant 16 : index
        %get3A_533 = tpu.vector_load %arg11[%get3A_531, %get3A_532] {strides = array<i32>} : memref<256x64xf32, #tpu.memory_space<vmem>>, vector<1x16xf32>,
        %get3A_534 = vector.shape_cast %get3A_533 : vector<1x16xf32> to vector<16xf32>
        %mul3A_535 = arith.mulf %get3A_530, %get3A_534 : vector<16xf32>
        %add3A_536 = arith.addf %mul3A_340, %mul3A_535 : vector<16xf32>
        %add3A_537 = arith.constant 12 : i32
        %add3A_538 = arith.addi %mul3A_185, %add3A_537 : i32
        %get3A_539 = arith.index_cast %add3A_538 : i32 to index
        %get3A_540 = arith.constant 16 : index
        %get3A_541 = tpu.vector_load %arg9[%get3A_539, %get3A_540] {strides = array<i32>} : memref<256x64xf32, #tpu.memory_space<vmem>>, vector<1x16xf32>,
        %get3A_542 = vector.shape_cast %get3A_541 : vector<1x16xf32> to vector<16xf32>
        %get3A_543 = arith.index_cast %add3A_538 : i32 to index
        %get3A_544 = arith.constant 16 : index
        %get3A_545 = tpu.vector_load %arg11[%get3A_543, %get3A_544] {strides = array<i32>} : memref<256x64xf32, #tpu.memory_space<vmem>>, vector<1x16xf32>,
        %get3A_546 = vector.shape_cast %get3A_545 : vector<1x16xf32> to vector<16xf32>
        %mul3A_547 = arith.mulf %get3A_542, %get3A_546 : vector<16xf32>
        %add3A_548 = arith.addf %mul3A_353, %mul3A_547 : vector<16xf32>
        %add3A_549 = arith.constant 13 : i32
        %add3A_550 = arith.addi %mul3A_185, %add3A_549 : i32
        %get3A_551 = arith.index_cast %add3A_550 : i32 to index
        %get3A_552 = arith.constant 16 : index
        %get3A_553 = tpu.vector_load %arg9[%get3A_551, %get3A_552] {strides = array<i32>} : memref<256x64xf32, #tpu.memory_space<vmem>>, vector<1x16xf32>,
        %get3A_554 = vector.shape_cast %get3A_553 : vector<1x16xf32> to vector<16xf32>
        %get3A_555 = arith.index_cast %add3A_550 : i32 to index
        %get3A_556 = arith.constant 16 : index
        %get3A_557 = tpu.vector_load %arg11[%get3A_555, %get3A_556] {strides = array<i32>} : memref<256x64xf32, #tpu.memory_space<vmem>>, vector<1x16xf32>,
        %get3A_558 = vector.shape_cast %get3A_557 : vector<1x16xf32> to vector<16xf32>
        %mul3A_559 = arith.mulf %get3A_554, %get3A_558 : vector<16xf32>
        %add3A_560 = arith.addf %mul3A_366, %mul3A_559 : vector<16xf32>
        %add3A_561 = arith.constant 14 : i32
        %add3A_562 = arith.addi %mul3A_185, %add3A_561 : i32
        %get3A_563 = arith.index_cast %add3A_562 : i32 to index
        %get3A_564 = arith.constant 16 : index
        %get3A_565 = tpu.vector_load %arg9[%get3A_563, %get3A_564] {strides = array<i32>} : memref<256x64xf32, #tpu.memory_space<vmem>>, vector<1x16xf32>,
        %get3A_566 = vector.shape_cast %get3A_565 : vector<1x16xf32> to vector<16xf32>
        %get3A_567 = arith.index_cast %add3A_562 : i32 to index
        %get3A_568 = arith.constant 16 : index
        %get3A_569 = tpu.vector_load %arg11[%get3A_567, %get3A_568] {strides = array<i32>} : memref<256x64xf32, #tpu.memory_space<vmem>>, vector<1x16xf32>,
        %get3A_570 = vector.shape_cast %get3A_569 : vector<1x16xf32> to vector<16xf32>
        %mul3A_571 = arith.mulf %get3A_566, %get3A_570 : vector<16xf32>
        %add3A_572 = arith.addf %mul3A_379, %mul3A_571 : vector<16xf32>
        %add3A_573 = arith.constant 15 : i32
        %add3A_574 = arith.addi %mul3A_185, %add3A_573 : i32
        %get3A_575 = arith.index_cast %add3A_574 : i32 to index
        %get3A_576 = arith.constant 16 : index
        %get3A_577 = tpu.vector_load %arg9[%get3A_575, %get3A_576] {strides = array<i32>} : memref<256x64xf32, #tpu.memory_space<vmem>>, vector<1x16xf32>,
        %get3A_578 = vector.shape_cast %get3A_577 : vector<1x16xf32> to vector<16xf32>
        %get3A_579 = arith.index_cast %add3A_574 : i32 to index
        %get3A_580 = arith.constant 16 : index
        %get3A_581 = tpu.vector_load %arg11[%get3A_579, %get3A_580] {strides = array<i32>} : memref<256x64xf32, #tpu.memory_space<vmem>>, vector<1x16xf32>,
        %get3A_582 = vector.shape_cast %get3A_581 : vector<1x16xf32> to vector<16xf32>
        %mul3A_583 = arith.mulf %get3A_578, %get3A_582 : vector<16xf32>
        %add3A_584 = arith.addf %mul3A_392, %mul3A_583 : vector<16xf32>
        %add3A_585 = arith.constant 0 : i32
        %add3A_586 = arith.addi %mul3A_185, %add3A_585 : i32
        %get3A_587 = arith.index_cast %add3A_586 : i32 to index
        %get3A_588 = arith.constant 32 : index
        %get3A_589 = tpu.vector_load %arg9[%get3A_587, %get3A_588] {strides = array<i32>} : memref<256x64xf32, #tpu.memory_space<vmem>>, vector<1x16xf32>,
        %get3A_590 = vector.shape_cast %get3A_589 : vector<1x16xf32> to vector<16xf32>
        %get3A_591 = arith.index_cast %add3A_586 : i32 to index
        %get3A_592 = arith.constant 32 : index
        %get3A_593 = tpu.vector_load %arg11[%get3A_591, %get3A_592] {strides = array<i32>} : memref<256x64xf32, #tpu.memory_space<vmem>>, vector<1x16xf32>,
        %get3A_594 = vector.shape_cast %get3A_593 : vector<1x16xf32> to vector<16xf32>
        %mul3A_595 = arith.mulf %get3A_590, %get3A_594 : vector<16xf32>
        %add3A_596 = arith.addf %add3A_404, %mul3A_595 : vector<16xf32>
        %add3A_597 = arith.constant 1 : i32
        %add3A_598 = arith.addi %mul3A_185, %add3A_597 : i32
        %get3A_599 = arith.index_cast %add3A_598 : i32 to index
        %get3A_600 = arith.constant 32 : index
        %get3A_601 = tpu.vector_load %arg9[%get3A_599, %get3A_600] {strides = array<i32>} : memref<256x64xf32, #tpu.memory_space<vmem>>, vector<1x16xf32>,
        %get3A_602 = vector.shape_cast %get3A_601 : vector<1x16xf32> to vector<16xf32>
        %get3A_603 = arith.index_cast %add3A_598 : i32 to index
        %get3A_604 = arith.constant 32 : index
        %get3A_605 = tpu.vector_load %arg11[%get3A_603, %get3A_604] {strides = array<i32>} : memref<256x64xf32, #tpu.memory_space<vmem>>, vector<1x16xf32>,
        %get3A_606 = vector.shape_cast %get3A_605 : vector<1x16xf32> to vector<16xf32>
        %mul3A_607 = arith.mulf %get3A_602, %get3A_606 : vector<16xf32>
        %add3A_608 = arith.addf %add3A_416, %mul3A_607 : vector<16xf32>
        %add3A_609 = arith.constant 2 : i32
        %add3A_610 = arith.addi %mul3A_185, %add3A_609 : i32
        %get3A_611 = arith.index_cast %add3A_610 : i32 to index
        %get3A_612 = arith.constant 32 : index
        %get3A_613 = tpu.vector_load %arg9[%get3A_611, %get3A_612] {strides = array<i32>} : memref<256x64xf32, #tpu.memory_space<vmem>>, vector<1x16xf32>,
        %get3A_614 = vector.shape_cast %get3A_613 : vector<1x16xf32> to vector<16xf32>
        %get3A_615 = arith.index_cast %add3A_610 : i32 to index
        %get3A_616 = arith.constant 32 : index
        %get3A_617 = tpu.vector_load %arg11[%get3A_615, %get3A_616] {strides = array<i32>} : memref<256x64xf32, #tpu.memory_space<vmem>>, vector<1x16xf32>,
        %get3A_618 = vector.shape_cast %get3A_617 : vector<1x16xf32> to vector<16xf32>
        %mul3A_619 = arith.mulf %get3A_614, %get3A_618 : vector<16xf32>
        %add3A_620 = arith.addf %add3A_428, %mul3A_619 : vector<16xf32>
        %add3A_621 = arith.constant 3 : i32
        %add3A_622 = arith.addi %mul3A_185, %add3A_621 : i32
        %get3A_623 = arith.index_cast %add3A_622 : i32 to index
        %get3A_624 = arith.constant 32 : index
        %get3A_625 = tpu.vector_load %arg9[%get3A_623, %get3A_624] {strides = array<i32>} : memref<256x64xf32, #tpu.memory_space<vmem>>, vector<1x16xf32>,
        %get3A_626 = vector.shape_cast %get3A_625 : vector<1x16xf32> to vector<16xf32>
        %get3A_627 = arith.index_cast %add3A_622 : i32 to index
        %get3A_628 = arith.constant 32 : index
        %get3A_629 = tpu.vector_load %arg11[%get3A_627, %get3A_628] {strides = array<i32>} : memref<256x64xf32, #tpu.memory_space<vmem>>, vector<1x16xf32>,
        %get3A_630 = vector.shape_cast %get3A_629 : vector<1x16xf32> to vector<16xf32>
        %mul3A_631 = arith.mulf %get3A_626, %get3A_630 : vector<16xf32>
        %add3A_632 = arith.addf %add3A_440, %mul3A_631 : vector<16xf32>
        %add3A_633 = arith.constant 4 : i32
        %add3A_634 = arith.addi %mul3A_185, %add3A_633 : i32
        %get3A_635 = arith.index_cast %add3A_634 : i32 to index
        %get3A_636 = arith.constant 32 : index
        %get3A_637 = tpu.vector_load %arg9[%get3A_635, %get3A_636] {strides = array<i32>} : memref<256x64xf32, #tpu.memory_space<vmem>>, vector<1x16xf32>,
        %get3A_638 = vector.shape_cast %get3A_637 : vector<1x16xf32> to vector<16xf32>
        %get3A_639 = arith.index_cast %add3A_634 : i32 to index
        %get3A_640 = arith.constant 32 : index
        %get3A_641 = tpu.vector_load %arg11[%get3A_639, %get3A_640] {strides = array<i32>} : memref<256x64xf32, #tpu.memory_space<vmem>>, vector<1x16xf32>,
        %get3A_642 = vector.shape_cast %get3A_641 : vector<1x16xf32> to vector<16xf32>
        %mul3A_643 = arith.mulf %get3A_638, %get3A_642 : vector<16xf32>
        %add3A_644 = arith.addf %add3A_452, %mul3A_643 : vector<16xf32>
        %add3A_645 = arith.constant 5 : i32
        %add3A_646 = arith.addi %mul3A_185, %add3A_645 : i32
        %get3A_647 = arith.index_cast %add3A_646 : i32 to index
        %get3A_648 = arith.constant 32 : index
        %get3A_649 = tpu.vector_load %arg9[%get3A_647, %get3A_648] {strides = array<i32>} : memref<256x64xf32, #tpu.memory_space<vmem>>, vector<1x16xf32>,
        %get3A_650 = vector.shape_cast %get3A_649 : vector<1x16xf32> to vector<16xf32>
        %get3A_651 = arith.index_cast %add3A_646 : i32 to index
        %get3A_652 = arith.constant 32 : index
        %get3A_653 = tpu.vector_load %arg11[%get3A_651, %get3A_652] {strides = array<i32>} : memref<256x64xf32, #tpu.memory_space<vmem>>, vector<1x16xf32>,
        %get3A_654 = vector.shape_cast %get3A_653 : vector<1x16xf32> to vector<16xf32>
        %mul3A_655 = arith.mulf %get3A_650, %get3A_654 : vector<16xf32>
        %add3A_656 = arith.addf %add3A_464, %mul3A_655 : vector<16xf32>
        %add3A_657 = arith.constant 6 : i32
        %add3A_658 = arith.addi %mul3A_185, %add3A_657 : i32
        %get3A_659 = arith.index_cast %add3A_658 : i32 to index
        %get3A_660 = arith.constant 32 : index
        %get3A_661 = tpu.vector_load %arg9[%get3A_659, %get3A_660] {strides = array<i32>} : memref<256x64xf32, #tpu.memory_space<vmem>>, vector<1x16xf32>,
        %get3A_662 = vector.shape_cast %get3A_661 : vector<1x16xf32> to vector<16xf32>
        %get3A_663 = arith.index_cast %add3A_658 : i32 to index
        %get3A_664 = arith.constant 32 : index
        %get3A_665 = tpu.vector_load %arg11[%get3A_663, %get3A_664] {strides = array<i32>} : memref<256x64xf32, #tpu.memory_space<vmem>>, vector<1x16xf32>,
        %get3A_666 = vector.shape_cast %get3A_665 : vector<1x16xf32> to vector<16xf32>
        %mul3A_667 = arith.mulf %get3A_662, %get3A_666 : vector<16xf32>
        %add3A_668 = arith.addf %add3A_476, %mul3A_667 : vector<16xf32>
        %add3A_669 = arith.constant 7 : i32
        %add3A_670 = arith.addi %mul3A_185, %add3A_669 : i32
        %get3A_671 = arith.index_cast %add3A_670 : i32 to index
        %get3A_672 = arith.constant 32 : index
        %get3A_673 = tpu.vector_load %arg9[%get3A_671, %get3A_672] {strides = array<i32>} : memref<256x64xf32, #tpu.memory_space<vmem>>, vector<1x16xf32>,
        %get3A_674 = vector.shape_cast %get3A_673 : vector<1x16xf32> to vector<16xf32>
        %get3A_675 = arith.index_cast %add3A_670 : i32 to index
        %get3A_676 = arith.constant 32 : index
        %get3A_677 = tpu.vector_load %arg11[%get3A_675, %get3A_676] {strides = array<i32>} : memref<256x64xf32, #tpu.memory_space<vmem>>, vector<1x16xf32>,
        %get3A_678 = vector.shape_cast %get3A_677 : vector<1x16xf32> to vector<16xf32>
        %mul3A_679 = arith.mulf %get3A_674, %get3A_678 : vector<16xf32>
        %add3A_680 = arith.addf %add3A_488, %mul3A_679 : vector<16xf32>
        %add3A_681 = arith.constant 8 : i32
        %add3A_682 = arith.addi %mul3A_185, %add3A_681 : i32
        %get3A_683 = arith.index_cast %add3A_682 : i32 to index
        %get3A_684 = arith.constant 32 : index
        %get3A_685 = tpu.vector_load %arg9[%get3A_683, %get3A_684] {strides = array<i32>} : memref<256x64xf32, #tpu.memory_space<vmem>>, vector<1x16xf32>,
        %get3A_686 = vector.shape_cast %get3A_685 : vector<1x16xf32> to vector<16xf32>
        %get3A_687 = arith.index_cast %add3A_682 : i32 to index
        %get3A_688 = arith.constant 32 : index
        %get3A_689 = tpu.vector_load %arg11[%get3A_687, %get3A_688] {strides = array<i32>} : memref<256x64xf32, #tpu.memory_space<vmem>>, vector<1x16xf32>,
        %get3A_690 = vector.shape_cast %get3A_689 : vector<1x16xf32> to vector<16xf32>
        %mul3A_691 = arith.mulf %get3A_686, %get3A_690 : vector<16xf32>
        %add3A_692 = arith.addf %add3A_500, %mul3A_691 : vector<16xf32>
        %add3A_693 = arith.constant 9 : i32
        %add3A_694 = arith.addi %mul3A_185, %add3A_693 : i32
        %get3A_695 = arith.index_cast %add3A_694 : i32 to index
        %get3A_696 = arith.constant 32 : index
        %get3A_697 = tpu.vector_load %arg9[%get3A_695, %get3A_696] {strides = array<i32>} : memref<256x64xf32, #tpu.memory_space<vmem>>, vector<1x16xf32>,
        %get3A_698 = vector.shape_cast %get3A_697 : vector<1x16xf32> to vector<16xf32>
        %get3A_699 = arith.index_cast %add3A_694 : i32 to index
        %get3A_700 = arith.constant 32 : index
        %get3A_701 = tpu.vector_load %arg11[%get3A_699, %get3A_700] {strides = array<i32>} : memref<256x64xf32, #tpu.memory_space<vmem>>, vector<1x16xf32>,
        %get3A_702 = vector.shape_cast %get3A_701 : vector<1x16xf32> to vector<16xf32>
        %mul3A_703 = arith.mulf %get3A_698, %get3A_702 : vector<16xf32>
        %add3A_704 = arith.addf %add3A_512, %mul3A_703 : vector<16xf32>
        %add3A_705 = arith.constant 10 : i32
        %add3A_706 = arith.addi %mul3A_185, %add3A_705 : i32
        %get3A_707 = arith.index_cast %add3A_706 : i32 to index
        %get3A_708 = arith.constant 32 : index
        %get3A_709 = tpu.vector_load %arg9[%get3A_707, %get3A_708] {strides = array<i32>} : memref<256x64xf32, #tpu.memory_space<vmem>>, vector<1x16xf32>,
        %get3A_710 = vector.shape_cast %get3A_709 : vector<1x16xf32> to vector<16xf32>
        %get3A_711 = arith.index_cast %add3A_706 : i32 to index
        %get3A_712 = arith.constant 32 : index
        %get3A_713 = tpu.vector_load %arg11[%get3A_711, %get3A_712] {strides = array<i32>} : memref<256x64xf32, #tpu.memory_space<vmem>>, vector<1x16xf32>,
        %get3A_714 = vector.shape_cast %get3A_713 : vector<1x16xf32> to vector<16xf32>
        %mul3A_715 = arith.mulf %get3A_710, %get3A_714 : vector<16xf32>
        %add3A_716 = arith.addf %add3A_524, %mul3A_715 : vector<16xf32>
        %add3A_717 = arith.constant 11 : i32
        %add3A_718 = arith.addi %mul3A_185, %add3A_717 : i32
        %get3A_719 = arith.index_cast %add3A_718 : i32 to index
        %get3A_720 = arith.constant 32 : index
        %get3A_721 = tpu.vector_load %arg9[%get3A_719, %get3A_720] {strides = array<i32>} : memref<256x64xf32, #tpu.memory_space<vmem>>, vector<1x16xf32>,
        %get3A_722 = vector.shape_cast %get3A_721 : vector<1x16xf32> to vector<16xf32>
        %get3A_723 = arith.index_cast %add3A_718 : i32 to index
        %get3A_724 = arith.constant 32 : index
        %get3A_725 = tpu.vector_load %arg11[%get3A_723, %get3A_724] {strides = array<i32>} : memref<256x64xf32, #tpu.memory_space<vmem>>, vector<1x16xf32>,
        %get3A_726 = vector.shape_cast %get3A_725 : vector<1x16xf32> to vector<16xf32>
        %mul3A_727 = arith.mulf %get3A_722, %get3A_726 : vector<16xf32>
        %add3A_728 = arith.addf %add3A_536, %mul3A_727 : vector<16xf32>
        %add3A_729 = arith.constant 12 : i32
        %add3A_730 = arith.addi %mul3A_185, %add3A_729 : i32
        %get3A_731 = arith.index_cast %add3A_730 : i32 to index
        %get3A_732 = arith.constant 32 : index
        %get3A_733 = tpu.vector_load %arg9[%get3A_731, %get3A_732] {strides = array<i32>} : memref<256x64xf32, #tpu.memory_space<vmem>>, vector<1x16xf32>,
        %get3A_734 = vector.shape_cast %get3A_733 : vector<1x16xf32> to vector<16xf32>
        %get3A_735 = arith.index_cast %add3A_730 : i32 to index
        %get3A_736 = arith.constant 32 : index
        %get3A_737 = tpu.vector_load %arg11[%get3A_735, %get3A_736] {strides = array<i32>} : memref<256x64xf32, #tpu.memory_space<vmem>>, vector<1x16xf32>,
        %get3A_738 = vector.shape_cast %get3A_737 : vector<1x16xf32> to vector<16xf32>
        %mul3A_739 = arith.mulf %get3A_734, %get3A_738 : vector<16xf32>
        %add3A_740 = arith.addf %add3A_548, %mul3A_739 : vector<16xf32>
        %add3A_741 = arith.constant 13 : i32
        %add3A_742 = arith.addi %mul3A_185, %add3A_741 : i32
        %get3A_743 = arith.index_cast %add3A_742 : i32 to index
        %get3A_744 = arith.constant 32 : index
        %get3A_745 = tpu.vector_load %arg9[%get3A_743, %get3A_744] {strides = array<i32>} : memref<256x64xf32, #tpu.memory_space<vmem>>, vector<1x16xf32>,
        %get3A_746 = vector.shape_cast %get3A_745 : vector<1x16xf32> to vector<16xf32>
        %get3A_747 = arith.index_cast %add3A_742 : i32 to index
        %get3A_748 = arith.constant 32 : index
        %get3A_749 = tpu.vector_load %arg11[%get3A_747, %get3A_748] {strides = array<i32>} : memref<256x64xf32, #tpu.memory_space<vmem>>, vector<1x16xf32>,
        %get3A_750 = vector.shape_cast %get3A_749 : vector<1x16xf32> to vector<16xf32>
        %mul3A_751 = arith.mulf %get3A_746, %get3A_750 : vector<16xf32>
        %add3A_752 = arith.addf %add3A_560, %mul3A_751 : vector<16xf32>
        %add3A_753 = arith.constant 14 : i32
        %add3A_754 = arith.addi %mul3A_185, %add3A_753 : i32
        %get3A_755 = arith.index_cast %add3A_754 : i32 to index
        %get3A_756 = arith.constant 32 : index
        %get3A_757 = tpu.vector_load %arg9[%get3A_755, %get3A_756] {strides = array<i32>} : memref<256x64xf32, #tpu.memory_space<vmem>>, vector<1x16xf32>,
        %get3A_758 = vector.shape_cast %get3A_757 : vector<1x16xf32> to vector<16xf32>
        %get3A_759 = arith.index_cast %add3A_754 : i32 to index
        %get3A_760 = arith.constant 32 : index
        %get3A_761 = tpu.vector_load %arg11[%get3A_759, %get3A_760] {strides = array<i32>} : memref<256x64xf32, #tpu.memory_space<vmem>>, vector<1x16xf32>,
        %get3A_762 = vector.shape_cast %get3A_761 : vector<1x16xf32> to vector<16xf32>
        %mul3A_763 = arith.mulf %get3A_758, %get3A_762 : vector<16xf32>
        %add3A_764 = arith.addf %add3A_572, %mul3A_763 : vector<16xf32>
        %add3A_765 = arith.constant 15 : i32
        %add3A_766 = arith.addi %mul3A_185, %add3A_765 : i32
        %get3A_767 = arith.index_cast %add3A_766 : i32 to index
        %get3A_768 = arith.constant 32 : index
        %get3A_769 = tpu.vector_load %arg9[%get3A_767, %get3A_768] {strides = array<i32>} : memref<256x64xf32, #tpu.memory_space<vmem>>, vector<1x16xf32>,
        %get3A_770 = vector.shape_cast %get3A_769 : vector<1x16xf32> to vector<16xf32>
        %get3A_771 = arith.index_cast %add3A_766 : i32 to index
        %get3A_772 = arith.constant 32 : index
        %get3A_773 = tpu.vector_load %arg11[%get3A_771, %get3A_772] {strides = array<i32>} : memref<256x64xf32, #tpu.memory_space<vmem>>, vector<1x16xf32>,
        %get3A_774 = vector.shape_cast %get3A_773 : vector<1x16xf32> to vector<16xf32>
        %mul3A_775 = arith.mulf %get3A_770, %get3A_774 : vector<16xf32>
        %add3A_776 = arith.addf %add3A_584, %mul3A_775 : vector<16xf32>
        %add3A_777 = arith.constant 0 : i32
        %add3A_778 = arith.addi %mul3A_185, %add3A_777 : i32
        %get3A_779 = arith.index_cast %add3A_778 : i32 to index
        %get3A_780 = arith.constant 48 : index
        %get3A_781 = tpu.vector_load %arg9[%get3A_779, %get3A_780] {strides = array<i32>} : memref<256x64xf32, #tpu.memory_space<vmem>>, vector<1x16xf32>,
        %get3A_782 = vector.shape_cast %get3A_781 : vector<1x16xf32> to vector<16xf32>
        %get3A_783 = arith.index_cast %add3A_778 : i32 to index
        %get3A_784 = arith.constant 48 : index
        %get3A_785 = tpu.vector_load %arg11[%get3A_783, %get3A_784] {strides = array<i32>} : memref<256x64xf32, #tpu.memory_space<vmem>>, vector<1x16xf32>,
        %get3A_786 = vector.shape_cast %get3A_785 : vector<1x16xf32> to vector<16xf32>
        %mul3A_787 = arith.mulf %get3A_782, %get3A_786 : vector<16xf32>
        %add3A_788 = arith.addf %add3A_596, %mul3A_787 : vector<16xf32>
        %add3A_789 = arith.constant 1 : i32
        %add3A_790 = arith.addi %mul3A_185, %add3A_789 : i32
        %get3A_791 = arith.index_cast %add3A_790 : i32 to index
        %get3A_792 = arith.constant 48 : index
        %get3A_793 = tpu.vector_load %arg9[%get3A_791, %get3A_792] {strides = array<i32>} : memref<256x64xf32, #tpu.memory_space<vmem>>, vector<1x16xf32>,
        %get3A_794 = vector.shape_cast %get3A_793 : vector<1x16xf32> to vector<16xf32>
        %get3A_795 = arith.index_cast %add3A_790 : i32 to index
        %get3A_796 = arith.constant 48 : index
        %get3A_797 = tpu.vector_load %arg11[%get3A_795, %get3A_796] {strides = array<i32>} : memref<256x64xf32, #tpu.memory_space<vmem>>, vector<1x16xf32>,
        %get3A_798 = vector.shape_cast %get3A_797 : vector<1x16xf32> to vector<16xf32>
        %mul3A_799 = arith.mulf %get3A_794, %get3A_798 : vector<16xf32>
        %add3A_800 = arith.addf %add3A_608, %mul3A_799 : vector<16xf32>
        %add3A_801 = arith.constant 2 : i32
        %add3A_802 = arith.addi %mul3A_185, %add3A_801 : i32
        %get3A_803 = arith.index_cast %add3A_802 : i32 to index
        %get3A_804 = arith.constant 48 : index
        %get3A_805 = tpu.vector_load %arg9[%get3A_803, %get3A_804] {strides = array<i32>} : memref<256x64xf32, #tpu.memory_space<vmem>>, vector<1x16xf32>,
        %get3A_806 = vector.shape_cast %get3A_805 : vector<1x16xf32> to vector<16xf32>
        %get3A_807 = arith.index_cast %add3A_802 : i32 to index
        %get3A_808 = arith.constant 48 : index
        %get3A_809 = tpu.vector_load %arg11[%get3A_807, %get3A_808] {strides = array<i32>} : memref<256x64xf32, #tpu.memory_space<vmem>>, vector<1x16xf32>,
        %get3A_810 = vector.shape_cast %get3A_809 : vector<1x16xf32> to vector<16xf32>
        %mul3A_811 = arith.mulf %get3A_806, %get3A_810 : vector<16xf32>
        %add3A_812 = arith.addf %add3A_620, %mul3A_811 : vector<16xf32>
        %add3A_813 = arith.constant 3 : i32
        %add3A_814 = arith.addi %mul3A_185, %add3A_813 : i32
        %get3A_815 = arith.index_cast %add3A_814 : i32 to index
        %get3A_816 = arith.constant 48 : index
        %get3A_817 = tpu.vector_load %arg9[%get3A_815, %get3A_816] {strides = array<i32>} : memref<256x64xf32, #tpu.memory_space<vmem>>, vector<1x16xf32>,
        %get3A_818 = vector.shape_cast %get3A_817 : vector<1x16xf32> to vector<16xf32>
        %get3A_819 = arith.index_cast %add3A_814 : i32 to index
        %get3A_820 = arith.constant 48 : index
        %get3A_821 = tpu.vector_load %arg11[%get3A_819, %get3A_820] {strides = array<i32>} : memref<256x64xf32, #tpu.memory_space<vmem>>, vector<1x16xf32>,
        %get3A_822 = vector.shape_cast %get3A_821 : vector<1x16xf32> to vector<16xf32>
        %mul3A_823 = arith.mulf %get3A_818, %get3A_822 : vector<16xf32>
        %add3A_824 = arith.addf %add3A_632, %mul3A_823 : vector<16xf32>
        %add3A_825 = arith.constant 4 : i32
        %add3A_826 = arith.addi %mul3A_185, %add3A_825 : i32
        %get3A_827 = arith.index_cast %add3A_826 : i32 to index
        %get3A_828 = arith.constant 48 : index
        %get3A_829 = tpu.vector_load %arg9[%get3A_827, %get3A_828] {strides = array<i32>} : memref<256x64xf32, #tpu.memory_space<vmem>>, vector<1x16xf32>,
        %get3A_830 = vector.shape_cast %get3A_829 : vector<1x16xf32> to vector<16xf32>
        %get3A_831 = arith.index_cast %add3A_826 : i32 to index
        %get3A_832 = arith.constant 48 : index
        %get3A_833 = tpu.vector_load %arg11[%get3A_831, %get3A_832] {strides = array<i32>} : memref<256x64xf32, #tpu.memory_space<vmem>>, vector<1x16xf32>,
        %get3A_834 = vector.shape_cast %get3A_833 : vector<1x16xf32> to vector<16xf32>
        %mul3A_835 = arith.mulf %get3A_830, %get3A_834 : vector<16xf32>
        %add3A_836 = arith.addf %add3A_644, %mul3A_835 : vector<16xf32>
        %add3A_837 = arith.constant 5 : i32
        %add3A_838 = arith.addi %mul3A_185, %add3A_837 : i32
        %get3A_839 = arith.index_cast %add3A_838 : i32 to index
        %get3A_840 = arith.constant 48 : index
        %get3A_841 = tpu.vector_load %arg9[%get3A_839, %get3A_840] {strides = array<i32>} : memref<256x64xf32, #tpu.memory_space<vmem>>, vector<1x16xf32>,
        %get3A_842 = vector.shape_cast %get3A_841 : vector<1x16xf32> to vector<16xf32>
        %get3A_843 = arith.index_cast %add3A_838 : i32 to index
        %get3A_844 = arith.constant 48 : index
        %get3A_845 = tpu.vector_load %arg11[%get3A_843, %get3A_844] {strides = array<i32>} : memref<256x64xf32, #tpu.memory_space<vmem>>, vector<1x16xf32>,
        %get3A_846 = vector.shape_cast %get3A_845 : vector<1x16xf32> to vector<16xf32>
        %mul3A_847 = arith.mulf %get3A_842, %get3A_846 : vector<16xf32>
        %add3A_848 = arith.addf %add3A_656, %mul3A_847 : vector<16xf32>
        %add3A_849 = arith.constant 6 : i32
        %add3A_850 = arith.addi %mul3A_185, %add3A_849 : i32
        %get3A_851 = arith.index_cast %add3A_850 : i32 to index
        %get3A_852 = arith.constant 48 : index
        %get3A_853 = tpu.vector_load %arg9[%get3A_851, %get3A_852] {strides = array<i32>} : memref<256x64xf32, #tpu.memory_space<vmem>>, vector<1x16xf32>,
        %get3A_854 = vector.shape_cast %get3A_853 : vector<1x16xf32> to vector<16xf32>
        %get3A_855 = arith.index_cast %add3A_850 : i32 to index
        %get3A_856 = arith.constant 48 : index
        %get3A_857 = tpu.vector_load %arg11[%get3A_855, %get3A_856] {strides = array<i32>} : memref<256x64xf32, #tpu.memory_space<vmem>>, vector<1x16xf32>,
        %get3A_858 = vector.shape_cast %get3A_857 : vector<1x16xf32> to vector<16xf32>
        %mul3A_859 = arith.mulf %get3A_854, %get3A_858 : vector<16xf32>
        %add3A_860 = arith.addf %add3A_668, %mul3A_859 : vector<16xf32>
        %add3A_861 = arith.constant 7 : i32
        %add3A_862 = arith.addi %mul3A_185, %add3A_861 : i32
        %get3A_863 = arith.index_cast %add3A_862 : i32 to index
        %get3A_864 = arith.constant 48 : index
        %get3A_865 = tpu.vector_load %arg9[%get3A_863, %get3A_864] {strides = array<i32>} : memref<256x64xf32, #tpu.memory_space<vmem>>, vector<1x16xf32>,
        %get3A_866 = vector.shape_cast %get3A_865 : vector<1x16xf32> to vector<16xf32>
        %get3A_867 = arith.index_cast %add3A_862 : i32 to index
        %get3A_868 = arith.constant 48 : index
        %get3A_869 = tpu.vector_load %arg11[%get3A_867, %get3A_868] {strides = array<i32>} : memref<256x64xf32, #tpu.memory_space<vmem>>, vector<1x16xf32>,
        %get3A_870 = vector.shape_cast %get3A_869 : vector<1x16xf32> to vector<16xf32>
        %mul3A_871 = arith.mulf %get3A_866, %get3A_870 : vector<16xf32>
        %add3A_872 = arith.addf %add3A_680, %mul3A_871 : vector<16xf32>
        %add3A_873 = arith.constant 8 : i32
        %add3A_874 = arith.addi %mul3A_185, %add3A_873 : i32
        %get3A_875 = arith.index_cast %add3A_874 : i32 to index
        %get3A_876 = arith.constant 48 : index
        %get3A_877 = tpu.vector_load %arg9[%get3A_875, %get3A_876] {strides = array<i32>} : memref<256x64xf32, #tpu.memory_space<vmem>>, vector<1x16xf32>,
        %get3A_878 = vector.shape_cast %get3A_877 : vector<1x16xf32> to vector<16xf32>
        %get3A_879 = arith.index_cast %add3A_874 : i32 to index
        %get3A_880 = arith.constant 48 : index
        %get3A_881 = tpu.vector_load %arg11[%get3A_879, %get3A_880] {strides = array<i32>} : memref<256x64xf32, #tpu.memory_space<vmem>>, vector<1x16xf32>,
        %get3A_882 = vector.shape_cast %get3A_881 : vector<1x16xf32> to vector<16xf32>
        %mul3A_883 = arith.mulf %get3A_878, %get3A_882 : vector<16xf32>
        %add3A_884 = arith.addf %add3A_692, %mul3A_883 : vector<16xf32>
        %add3A_885 = arith.constant 9 : i32
        %add3A_886 = arith.addi %mul3A_185, %add3A_885 : i32
        %get3A_887 = arith.index_cast %add3A_886 : i32 to index
        %get3A_888 = arith.constant 48 : index
        %get3A_889 = tpu.vector_load %arg9[%get3A_887, %get3A_888] {strides = array<i32>} : memref<256x64xf32, #tpu.memory_space<vmem>>, vector<1x16xf32>,
        %get3A_890 = vector.shape_cast %get3A_889 : vector<1x16xf32> to vector<16xf32>
        %get3A_891 = arith.index_cast %add3A_886 : i32 to index
        %get3A_892 = arith.constant 48 : index
        %get3A_893 = tpu.vector_load %arg11[%get3A_891, %get3A_892] {strides = array<i32>} : memref<256x64xf32, #tpu.memory_space<vmem>>, vector<1x16xf32>,
        %get3A_894 = vector.shape_cast %get3A_893 : vector<1x16xf32> to vector<16xf32>
        %mul3A_895 = arith.mulf %get3A_890, %get3A_894 : vector<16xf32>
        %add3A_896 = arith.addf %add3A_704, %mul3A_895 : vector<16xf32>
        %add3A_897 = arith.constant 10 : i32
        %add3A_898 = arith.addi %mul3A_185, %add3A_897 : i32
        %get3A_899 = arith.index_cast %add3A_898 : i32 to index
        %get3A_900 = arith.constant 48 : index
        %get3A_901 = tpu.vector_load %arg9[%get3A_899, %get3A_900] {strides = array<i32>} : memref<256x64xf32, #tpu.memory_space<vmem>>, vector<1x16xf32>,
        %get3A_902 = vector.shape_cast %get3A_901 : vector<1x16xf32> to vector<16xf32>
        %get3A_903 = arith.index_cast %add3A_898 : i32 to index
        %get3A_904 = arith.constant 48 : index
        %get3A_905 = tpu.vector_load %arg11[%get3A_903, %get3A_904] {strides = array<i32>} : memref<256x64xf32, #tpu.memory_space<vmem>>, vector<1x16xf32>,
        %get3A_906 = vector.shape_cast %get3A_905 : vector<1x16xf32> to vector<16xf32>
        %mul3A_907 = arith.mulf %get3A_902, %get3A_906 : vector<16xf32>
        %add3A_908 = arith.addf %add3A_716, %mul3A_907 : vector<16xf32>
        %add3A_909 = arith.constant 11 : i32
        %add3A_910 = arith.addi %mul3A_185, %add3A_909 : i32
        %get3A_911 = arith.index_cast %add3A_910 : i32 to index
        %get3A_912 = arith.constant 48 : index
        %get3A_913 = tpu.vector_load %arg9[%get3A_911, %get3A_912] {strides = array<i32>} : memref<256x64xf32, #tpu.memory_space<vmem>>, vector<1x16xf32>,
        %get3A_914 = vector.shape_cast %get3A_913 : vector<1x16xf32> to vector<16xf32>
        %get3A_915 = arith.index_cast %add3A_910 : i32 to index
        %get3A_916 = arith.constant 48 : index
        %get3A_917 = tpu.vector_load %arg11[%get3A_915, %get3A_916] {strides = array<i32>} : memref<256x64xf32, #tpu.memory_space<vmem>>, vector<1x16xf32>,
        %get3A_918 = vector.shape_cast %get3A_917 : vector<1x16xf32> to vector<16xf32>
        %mul3A_919 = arith.mulf %get3A_914, %get3A_918 : vector<16xf32>
        %add3A_920 = arith.addf %add3A_728, %mul3A_919 : vector<16xf32>
        %add3A_921 = arith.constant 12 : i32
        %add3A_922 = arith.addi %mul3A_185, %add3A_921 : i32
        %get3A_923 = arith.index_cast %add3A_922 : i32 to index
        %get3A_924 = arith.constant 48 : index
        %get3A_925 = tpu.vector_load %arg9[%get3A_923, %get3A_924] {strides = array<i32>} : memref<256x64xf32, #tpu.memory_space<vmem>>, vector<1x16xf32>,
        %get3A_926 = vector.shape_cast %get3A_925 : vector<1x16xf32> to vector<16xf32>
        %get3A_927 = arith.index_cast %add3A_922 : i32 to index
        %get3A_928 = arith.constant 48 : index
        %get3A_929 = tpu.vector_load %arg11[%get3A_927, %get3A_928] {strides = array<i32>} : memref<256x64xf32, #tpu.memory_space<vmem>>, vector<1x16xf32>,
        %get3A_930 = vector.shape_cast %get3A_929 : vector<1x16xf32> to vector<16xf32>
        %mul3A_931 = arith.mulf %get3A_926, %get3A_930 : vector<16xf32>
        %add3A_932 = arith.addf %add3A_740, %mul3A_931 : vector<16xf32>
        %add3A_933 = arith.constant 13 : i32
        %add3A_934 = arith.addi %mul3A_185, %add3A_933 : i32
        %get3A_935 = arith.index_cast %add3A_934 : i32 to index
        %get3A_936 = arith.constant 48 : index
        %get3A_937 = tpu.vector_load %arg9[%get3A_935, %get3A_936] {strides = array<i32>} : memref<256x64xf32, #tpu.memory_space<vmem>>, vector<1x16xf32>,
        %get3A_938 = vector.shape_cast %get3A_937 : vector<1x16xf32> to vector<16xf32>
        %get3A_939 = arith.index_cast %add3A_934 : i32 to index
        %get3A_940 = arith.constant 48 : index
        %get3A_941 = tpu.vector_load %arg11[%get3A_939, %get3A_940] {strides = array<i32>} : memref<256x64xf32, #tpu.memory_space<vmem>>, vector<1x16xf32>,
        %get3A_942 = vector.shape_cast %get3A_941 : vector<1x16xf32> to vector<16xf32>
        %mul3A_943 = arith.mulf %get3A_938, %get3A_942 : vector<16xf32>
        %add3A_944 = arith.addf %add3A_752, %mul3A_943 : vector<16xf32>
        %add3A_945 = arith.constant 14 : i32
        %add3A_946 = arith.addi %mul3A_185, %add3A_945 : i32
        %get3A_947 = arith.index_cast %add3A_946 : i32 to index
        %get3A_948 = arith.constant 48 : index
        %get3A_949 = tpu.vector_load %arg9[%get3A_947, %get3A_948] {strides = array<i32>} : memref<256x64xf32, #tpu.memory_space<vmem>>, vector<1x16xf32>,
        %get3A_950 = vector.shape_cast %get3A_949 : vector<1x16xf32> to vector<16xf32>
        %get3A_951 = arith.index_cast %add3A_946 : i32 to index
        %get3A_952 = arith.constant 48 : index
        %get3A_953 = tpu.vector_load %arg11[%get3A_951, %get3A_952] {strides = array<i32>} : memref<256x64xf32, #tpu.memory_space<vmem>>, vector<1x16xf32>,
        %get3A_954 = vector.shape_cast %get3A_953 : vector<1x16xf32> to vector<16xf32>
        %mul3A_955 = arith.mulf %get3A_950, %get3A_954 : vector<16xf32>
        %add3A_956 = arith.addf %add3A_764, %mul3A_955 : vector<16xf32>
        %add3A_957 = arith.constant 15 : i32
        %add3A_958 = arith.addi %mul3A_185, %add3A_957 : i32
        %get3A_959 = arith.index_cast %add3A_958 : i32 to index
        %get3A_960 = arith.constant 48 : index
        %get3A_961 = tpu.vector_load %arg9[%get3A_959, %get3A_960] {strides = array<i32>} : memref<256x64xf32, #tpu.memory_space<vmem>>, vector<1x16xf32>,
        %get3A_962 = vector.shape_cast %get3A_961 : vector<1x16xf32> to vector<16xf32>
        %get3A_963 = arith.index_cast %add3A_958 : i32 to index
        %get3A_964 = arith.constant 48 : index
        %get3A_965 = tpu.vector_load %arg11[%get3A_963, %get3A_964] {strides = array<i32>} : memref<256x64xf32, #tpu.memory_space<vmem>>, vector<1x16xf32>,
        %get3A_966 = vector.shape_cast %get3A_965 : vector<1x16xf32> to vector<16xf32>
        %mul3A_967 = arith.mulf %get3A_962, %get3A_966 : vector<16xf32>
        %add3A_968 = arith.addf %add3A_776, %mul3A_967 : vector<16xf32>
        %broadcast_in_dim3A = arith.constant 0.000000e+00 : f32
        %broadcast_in_dim3A_969 = vector.broadcast %broadcast_in_dim3A : f32 to vector<16xf32>
        %lt3A_970 = arith.constant 0 : i32
        %lt3A_971 = vector.broadcast %lt3A_970 : i32 to vector<16xi32>
        %lt3A_972 = arith.cmpi slt, %xor3A_4, %lt3A_971 : vector<16xi32>
        %add3A_973 = arith.constant 16 : i32
        %add3A_974 = vector.broadcast %add3A_973 : i32 to vector<16xi32>
        %add3A_975 = arith.addi %xor3A_4, %add3A_974 : vector<16xi32>
        %select_n3A = arith.select %lt3A_972, %add3A_975, %xor3A_4 : vector<16xi1>, vector<16xi32>
        %broadcast_in_dim3A_976 = vector.shape_cast %select_n3A : vector<16xi32> to vector<16x1xi32>
        %gather3A = vector.shape_cast %broadcast_in_dim3A_976 : vector<16x1xi32> to vector<16xi32>
        %gather3A_977 = tpu.dynamic_gather %add3A_788[%gather3A] in [0] : vector<16xf32>, vector<16xi32> -> vector<16xf32>
        %add3A_978 = arith.addf %add3A_788, %gather3A_977 : vector<16xf32>
        %lt3A_979 = arith.constant 0 : i32
        %lt3A_980 = vector.broadcast %lt3A_979 : i32 to vector<16xi32>
        %lt3A_981 = arith.cmpi slt, %xor3A_4, %lt3A_980 : vector<16xi32>
        %add3A_982 = arith.constant 16 : i32
        %add3A_983 = vector.broadcast %add3A_982 : i32 to vector<16xi32>
        %add3A_984 = arith.addi %xor3A_4, %add3A_983 : vector<16xi32>
        %select_n3A_985 = arith.select %lt3A_981, %add3A_984, %xor3A_4 : vector<16xi1>, vector<16xi32>
        %broadcast_in_dim3A_986 = vector.shape_cast %select_n3A_985 : vector<16xi32> to vector<16x1xi32>
        %gather3A_987 = vector.shape_cast %broadcast_in_dim3A_986 : vector<16x1xi32> to vector<16xi32>
        %gather3A_988 = tpu.dynamic_gather %add3A_884[%gather3A_987] in [0] : vector<16xf32>, vector<16xi32> -> vector<16xf32>
        %add3A_989 = arith.addf %add3A_884, %gather3A_988 : vector<16xf32>
        %select_n3A_990 = arith.select %lt3A_15, %add3A_978, %add3A_989 : vector<16xi1>, vector<16xf32>
        %lt3A_991 = arith.constant 0 : i32
        %lt3A_992 = vector.broadcast %lt3A_991 : i32 to vector<16xi32>
        %lt3A_993 = arith.cmpi slt, %xor3A_7, %lt3A_992 : vector<16xi32>
        %add3A_994 = arith.constant 16 : i32
        %add3A_995 = vector.broadcast %add3A_994 : i32 to vector<16xi32>
        %add3A_996 = arith.addi %xor3A_7, %add3A_995 : vector<16xi32>
        %select_n3A_997 = arith.select %lt3A_993, %add3A_996, %xor3A_7 : vector<16xi1>, vector<16xi32>
        %broadcast_in_dim3A_998 = vector.shape_cast %select_n3A_997 : vector<16xi32> to vector<16x1xi32>
        %gather3A_999 = vector.shape_cast %broadcast_in_dim3A_998 : vector<16x1xi32> to vector<16xi32>
        %gather3A_1000 = tpu.dynamic_gather %select_n3A_990[%gather3A_999] in [0] : vector<16xf32>, vector<16xi32> -> vector<16xf32>
        %add3A_1001 = arith.addf %select_n3A_990, %gather3A_1000 : vector<16xf32>
        %lt3A_1002 = arith.constant 0 : i32
        %lt3A_1003 = vector.broadcast %lt3A_1002 : i32 to vector<16xi32>
        %lt3A_1004 = arith.cmpi slt, %xor3A_10, %lt3A_1003 : vector<16xi32>
        %add3A_1005 = arith.constant 16 : i32
        %add3A_1006 = vector.broadcast %add3A_1005 : i32 to vector<16xi32>
        %add3A_1007 = arith.addi %xor3A_10, %add3A_1006 : vector<16xi32>
        %select_n3A_1008 = arith.select %lt3A_1004, %add3A_1007, %xor3A_10 : vector<16xi1>, vector<16xi32>
        %broadcast_in_dim3A_1009 = vector.shape_cast %select_n3A_1008 : vector<16xi32> to vector<16x1xi32>
        %gather3A_1010 = vector.shape_cast %broadcast_in_dim3A_1009 : vector<16x1xi32> to vector<16xi32>
        %gather3A_1011 = tpu.dynamic_gather %add3A_1001[%gather3A_1010] in [0] : vector<16xf32>, vector<16xi32> -> vector<16xf32>
        %add3A_1012 = arith.addf %add3A_1001, %gather3A_1011 : vector<16xf32>
        %lt3A_1013 = arith.constant 0 : i32
        %lt3A_1014 = vector.broadcast %lt3A_1013 : i32 to vector<16xi32>
        %lt3A_1015 = arith.cmpi slt, %xor3A_13, %lt3A_1014 : vector<16xi32>
        %add3A_1016 = arith.constant 16 : i32
        %add3A_1017 = vector.broadcast %add3A_1016 : i32 to vector<16xi32>
        %add3A_1018 = arith.addi %xor3A_13, %add3A_1017 : vector<16xi32>
        %select_n3A_1019 = arith.select %lt3A_1015, %add3A_1018, %xor3A_13 : vector<16xi1>, vector<16xi32>
        %broadcast_in_dim3A_1020 = vector.shape_cast %select_n3A_1019 : vector<16xi32> to vector<16x1xi32>
        %gather3A_1021 = vector.shape_cast %broadcast_in_dim3A_1020 : vector<16x1xi32> to vector<16xi32>
        %gather3A_1022 = tpu.dynamic_gather %add3A_1012[%gather3A_1021] in [0] : vector<16xf32>, vector<16xi32> -> vector<16xf32>
        %add3A_1023 = arith.addf %add3A_1012, %gather3A_1022 : vector<16xf32>
        %select_n3A_1024 = arith.select %or3A, %add3A_1023, %broadcast_in_dim3A_969 : vector<16xi1>, vector<16xf32>
        %lt3A_1025 = arith.constant 0 : i32
        %lt3A_1026 = vector.broadcast %lt3A_1025 : i32 to vector<16xi32>
        %lt3A_1027 = arith.cmpi slt, %xor3A_4, %lt3A_1026 : vector<16xi32>
        %add3A_1028 = arith.constant 16 : i32
        %add3A_1029 = vector.broadcast %add3A_1028 : i32 to vector<16xi32>
        %add3A_1030 = arith.addi %xor3A_4, %add3A_1029 : vector<16xi32>
        %select_n3A_1031 = arith.select %lt3A_1027, %add3A_1030, %xor3A_4 : vector<16xi1>, vector<16xi32>
        %broadcast_in_dim3A_1032 = vector.shape_cast %select_n3A_1031 : vector<16xi32> to vector<16x1xi32>
        %gather3A_1033 = vector.shape_cast %broadcast_in_dim3A_1032 : vector<16x1xi32> to vector<16xi32>
        %gather3A_1034 = tpu.dynamic_gather %add3A_800[%gather3A_1033] in [0] : vector<16xf32>, vector<16xi32> -> vector<16xf32>
        %add3A_1035 = arith.addf %add3A_800, %gather3A_1034 : vector<16xf32>
        %lt3A_1036 = arith.constant 0 : i32
        %lt3A_1037 = vector.broadcast %lt3A_1036 : i32 to vector<16xi32>
        %lt3A_1038 = arith.cmpi slt, %xor3A_4, %lt3A_1037 : vector<16xi32>
        %add3A_1039 = arith.constant 16 : i32
        %add3A_1040 = vector.broadcast %add3A_1039 : i32 to vector<16xi32>
        %add3A_1041 = arith.addi %xor3A_4, %add3A_1040 : vector<16xi32>
        %select_n3A_1042 = arith.select %lt3A_1038, %add3A_1041, %xor3A_4 : vector<16xi1>, vector<16xi32>
        %broadcast_in_dim3A_1043 = vector.shape_cast %select_n3A_1042 : vector<16xi32> to vector<16x1xi32>
        %gather3A_1044 = vector.shape_cast %broadcast_in_dim3A_1043 : vector<16x1xi32> to vector<16xi32>
        %gather3A_1045 = tpu.dynamic_gather %add3A_896[%gather3A_1044] in [0] : vector<16xf32>, vector<16xi32> -> vector<16xf32>
        %add3A_1046 = arith.addf %add3A_896, %gather3A_1045 : vector<16xf32>
        %select_n3A_1047 = arith.select %lt3A_15, %add3A_1035, %add3A_1046 : vector<16xi1>, vector<16xf32>
        %lt3A_1048 = arith.constant 0 : i32
        %lt3A_1049 = vector.broadcast %lt3A_1048 : i32 to vector<16xi32>
        %lt3A_1050 = arith.cmpi slt, %xor3A_7, %lt3A_1049 : vector<16xi32>
        %add3A_1051 = arith.constant 16 : i32
        %add3A_1052 = vector.broadcast %add3A_1051 : i32 to vector<16xi32>
        %add3A_1053 = arith.addi %xor3A_7, %add3A_1052 : vector<16xi32>
        %select_n3A_1054 = arith.select %lt3A_1050, %add3A_1053, %xor3A_7 : vector<16xi1>, vector<16xi32>
        %broadcast_in_dim3A_1055 = vector.shape_cast %select_n3A_1054 : vector<16xi32> to vector<16x1xi32>
        %gather3A_1056 = vector.shape_cast %broadcast_in_dim3A_1055 : vector<16x1xi32> to vector<16xi32>
        %gather3A_1057 = tpu.dynamic_gather %select_n3A_1047[%gather3A_1056] in [0] : vector<16xf32>, vector<16xi32> -> vector<16xf32>
        %add3A_1058 = arith.addf %select_n3A_1047, %gather3A_1057 : vector<16xf32>
        %lt3A_1059 = arith.constant 0 : i32
        %lt3A_1060 = vector.broadcast %lt3A_1059 : i32 to vector<16xi32>
        %lt3A_1061 = arith.cmpi slt, %xor3A_10, %lt3A_1060 : vector<16xi32>
        %add3A_1062 = arith.constant 16 : i32
        %add3A_1063 = vector.broadcast %add3A_1062 : i32 to vector<16xi32>
        %add3A_1064 = arith.addi %xor3A_10, %add3A_1063 : vector<16xi32>
        %select_n3A_1065 = arith.select %lt3A_1061, %add3A_1064, %xor3A_10 : vector<16xi1>, vector<16xi32>
        %broadcast_in_dim3A_1066 = vector.shape_cast %select_n3A_1065 : vector<16xi32> to vector<16x1xi32>
        %gather3A_1067 = vector.shape_cast %broadcast_in_dim3A_1066 : vector<16x1xi32> to vector<16xi32>
        %gather3A_1068 = tpu.dynamic_gather %add3A_1058[%gather3A_1067] in [0] : vector<16xf32>, vector<16xi32> -> vector<16xf32>
        %add3A_1069 = arith.addf %add3A_1058, %gather3A_1068 : vector<16xf32>
        %lt3A_1070 = arith.constant 0 : i32
        %lt3A_1071 = vector.broadcast %lt3A_1070 : i32 to vector<16xi32>
        %lt3A_1072 = arith.cmpi slt, %xor3A_13, %lt3A_1071 : vector<16xi32>
        %add3A_1073 = arith.constant 16 : i32
        %add3A_1074 = vector.broadcast %add3A_1073 : i32 to vector<16xi32>
        %add3A_1075 = arith.addi %xor3A_13, %add3A_1074 : vector<16xi32>
        %select_n3A_1076 = arith.select %lt3A_1072, %add3A_1075, %xor3A_13 : vector<16xi1>, vector<16xi32>
        %broadcast_in_dim3A_1077 = vector.shape_cast %select_n3A_1076 : vector<16xi32> to vector<16x1xi32>
        %gather3A_1078 = vector.shape_cast %broadcast_in_dim3A_1077 : vector<16x1xi32> to vector<16xi32>
        %gather3A_1079 = tpu.dynamic_gather %add3A_1069[%gather3A_1078] in [0] : vector<16xf32>, vector<16xi32> -> vector<16xf32>
        %add3A_1080 = arith.addf %add3A_1069, %gather3A_1079 : vector<16xf32>
        %select_n3A_1081 = arith.select %or3A_27, %add3A_1080, %select_n3A_1024 : vector<16xi1>, vector<16xf32>
        %lt3A_1082 = arith.constant 0 : i32
        %lt3A_1083 = vector.broadcast %lt3A_1082 : i32 to vector<16xi32>
        %lt3A_1084 = arith.cmpi slt, %xor3A_4, %lt3A_1083 : vector<16xi32>
        %add3A_1085 = arith.constant 16 : i32
        %add3A_1086 = vector.broadcast %add3A_1085 : i32 to vector<16xi32>
        %add3A_1087 = arith.addi %xor3A_4, %add3A_1086 : vector<16xi32>
        %select_n3A_1088 = arith.select %lt3A_1084, %add3A_1087, %xor3A_4 : vector<16xi1>, vector<16xi32>
        %broadcast_in_dim3A_1089 = vector.shape_cast %select_n3A_1088 : vector<16xi32> to vector<16x1xi32>
        %gather3A_1090 = vector.shape_cast %broadcast_in_dim3A_1089 : vector<16x1xi32> to vector<16xi32>
        %gather3A_1091 = tpu.dynamic_gather %add3A_812[%gather3A_1090] in [0] : vector<16xf32>, vector<16xi32> -> vector<16xf32>
        %add3A_1092 = arith.addf %add3A_812, %gather3A_1091 : vector<16xf32>
        %lt3A_1093 = arith.constant 0 : i32
        %lt3A_1094 = vector.broadcast %lt3A_1093 : i32 to vector<16xi32>
        %lt3A_1095 = arith.cmpi slt, %xor3A_4, %lt3A_1094 : vector<16xi32>
        %add3A_1096 = arith.constant 16 : i32
        %add3A_1097 = vector.broadcast %add3A_1096 : i32 to vector<16xi32>
        %add3A_1098 = arith.addi %xor3A_4, %add3A_1097 : vector<16xi32>
        %select_n3A_1099 = arith.select %lt3A_1095, %add3A_1098, %xor3A_4 : vector<16xi1>, vector<16xi32>
        %broadcast_in_dim3A_1100 = vector.shape_cast %select_n3A_1099 : vector<16xi32> to vector<16x1xi32>
        %gather3A_1101 = vector.shape_cast %broadcast_in_dim3A_1100 : vector<16x1xi32> to vector<16xi32>
        %gather3A_1102 = tpu.dynamic_gather %add3A_908[%gather3A_1101] in [0] : vector<16xf32>, vector<16xi32> -> vector<16xf32>
        %add3A_1103 = arith.addf %add3A_908, %gather3A_1102 : vector<16xf32>
        %select_n3A_1104 = arith.select %lt3A_15, %add3A_1092, %add3A_1103 : vector<16xi1>, vector<16xf32>
        %lt3A_1105 = arith.constant 0 : i32
        %lt3A_1106 = vector.broadcast %lt3A_1105 : i32 to vector<16xi32>
        %lt3A_1107 = arith.cmpi slt, %xor3A_7, %lt3A_1106 : vector<16xi32>
        %add3A_1108 = arith.constant 16 : i32
        %add3A_1109 = vector.broadcast %add3A_1108 : i32 to vector<16xi32>
        %add3A_1110 = arith.addi %xor3A_7, %add3A_1109 : vector<16xi32>
        %select_n3A_1111 = arith.select %lt3A_1107, %add3A_1110, %xor3A_7 : vector<16xi1>, vector<16xi32>
        %broadcast_in_dim3A_1112 = vector.shape_cast %select_n3A_1111 : vector<16xi32> to vector<16x1xi32>
        %gather3A_1113 = vector.shape_cast %broadcast_in_dim3A_1112 : vector<16x1xi32> to vector<16xi32>
        %gather3A_1114 = tpu.dynamic_gather %select_n3A_1104[%gather3A_1113] in [0] : vector<16xf32>, vector<16xi32> -> vector<16xf32>
        %add3A_1115 = arith.addf %select_n3A_1104, %gather3A_1114 : vector<16xf32>
        %lt3A_1116 = arith.constant 0 : i32
        %lt3A_1117 = vector.broadcast %lt3A_1116 : i32 to vector<16xi32>
        %lt3A_1118 = arith.cmpi slt, %xor3A_10, %lt3A_1117 : vector<16xi32>
        %add3A_1119 = arith.constant 16 : i32
        %add3A_1120 = vector.broadcast %add3A_1119 : i32 to vector<16xi32>
        %add3A_1121 = arith.addi %xor3A_10, %add3A_1120 : vector<16xi32>
        %select_n3A_1122 = arith.select %lt3A_1118, %add3A_1121, %xor3A_10 : vector<16xi1>, vector<16xi32>
        %broadcast_in_dim3A_1123 = vector.shape_cast %select_n3A_1122 : vector<16xi32> to vector<16x1xi32>
        %gather3A_1124 = vector.shape_cast %broadcast_in_dim3A_1123 : vector<16x1xi32> to vector<16xi32>
        %gather3A_1125 = tpu.dynamic_gather %add3A_1115[%gather3A_1124] in [0] : vector<16xf32>, vector<16xi32> -> vector<16xf32>
        %add3A_1126 = arith.addf %add3A_1115, %gather3A_1125 : vector<16xf32>
        %lt3A_1127 = arith.constant 0 : i32
        %lt3A_1128 = vector.broadcast %lt3A_1127 : i32 to vector<16xi32>
        %lt3A_1129 = arith.cmpi slt, %xor3A_13, %lt3A_1128 : vector<16xi32>
        %add3A_1130 = arith.constant 16 : i32
        %add3A_1131 = vector.broadcast %add3A_1130 : i32 to vector<16xi32>
        %add3A_1132 = arith.addi %xor3A_13, %add3A_1131 : vector<16xi32>
        %select_n3A_1133 = arith.select %lt3A_1129, %add3A_1132, %xor3A_13 : vector<16xi1>, vector<16xi32>
        %broadcast_in_dim3A_1134 = vector.shape_cast %select_n3A_1133 : vector<16xi32> to vector<16x1xi32>
        %gather3A_1135 = vector.shape_cast %broadcast_in_dim3A_1134 : vector<16x1xi32> to vector<16xi32>
        %gather3A_1136 = tpu.dynamic_gather %add3A_1126[%gather3A_1135] in [0] : vector<16xf32>, vector<16xi32> -> vector<16xf32>
        %add3A_1137 = arith.addf %add3A_1126, %gather3A_1136 : vector<16xf32>
        %select_n3A_1138 = arith.select %or3A_34, %add3A_1137, %select_n3A_1081 : vector<16xi1>, vector<16xf32>
        %lt3A_1139 = arith.constant 0 : i32
        %lt3A_1140 = vector.broadcast %lt3A_1139 : i32 to vector<16xi32>
        %lt3A_1141 = arith.cmpi slt, %xor3A_4, %lt3A_1140 : vector<16xi32>
        %add3A_1142 = arith.constant 16 : i32
        %add3A_1143 = vector.broadcast %add3A_1142 : i32 to vector<16xi32>
        %add3A_1144 = arith.addi %xor3A_4, %add3A_1143 : vector<16xi32>
        %select_n3A_1145 = arith.select %lt3A_1141, %add3A_1144, %xor3A_4 : vector<16xi1>, vector<16xi32>
        %broadcast_in_dim3A_1146 = vector.shape_cast %select_n3A_1145 : vector<16xi32> to vector<16x1xi32>
        %gather3A_1147 = vector.shape_cast %broadcast_in_dim3A_1146 : vector<16x1xi32> to vector<16xi32>
        %gather3A_1148 = tpu.dynamic_gather %add3A_824[%gather3A_1147] in [0] : vector<16xf32>, vector<16xi32> -> vector<16xf32>
        %add3A_1149 = arith.addf %add3A_824, %gather3A_1148 : vector<16xf32>
        %lt3A_1150 = arith.constant 0 : i32
        %lt3A_1151 = vector.broadcast %lt3A_1150 : i32 to vector<16xi32>
        %lt3A_1152 = arith.cmpi slt, %xor3A_4, %lt3A_1151 : vector<16xi32>
        %add3A_1153 = arith.constant 16 : i32
        %add3A_1154 = vector.broadcast %add3A_1153 : i32 to vector<16xi32>
        %add3A_1155 = arith.addi %xor3A_4, %add3A_1154 : vector<16xi32>
        %select_n3A_1156 = arith.select %lt3A_1152, %add3A_1155, %xor3A_4 : vector<16xi1>, vector<16xi32>
        %broadcast_in_dim3A_1157 = vector.shape_cast %select_n3A_1156 : vector<16xi32> to vector<16x1xi32>
        %gather3A_1158 = vector.shape_cast %broadcast_in_dim3A_1157 : vector<16x1xi32> to vector<16xi32>
        %gather3A_1159 = tpu.dynamic_gather %add3A_920[%gather3A_1158] in [0] : vector<16xf32>, vector<16xi32> -> vector<16xf32>
        %add3A_1160 = arith.addf %add3A_920, %gather3A_1159 : vector<16xf32>
        %select_n3A_1161 = arith.select %lt3A_15, %add3A_1149, %add3A_1160 : vector<16xi1>, vector<16xf32>
        %lt3A_1162 = arith.constant 0 : i32
        %lt3A_1163 = vector.broadcast %lt3A_1162 : i32 to vector<16xi32>
        %lt3A_1164 = arith.cmpi slt, %xor3A_7, %lt3A_1163 : vector<16xi32>
        %add3A_1165 = arith.constant 16 : i32
        %add3A_1166 = vector.broadcast %add3A_1165 : i32 to vector<16xi32>
        %add3A_1167 = arith.addi %xor3A_7, %add3A_1166 : vector<16xi32>
        %select_n3A_1168 = arith.select %lt3A_1164, %add3A_1167, %xor3A_7 : vector<16xi1>, vector<16xi32>
        %broadcast_in_dim3A_1169 = vector.shape_cast %select_n3A_1168 : vector<16xi32> to vector<16x1xi32>
        %gather3A_1170 = vector.shape_cast %broadcast_in_dim3A_1169 : vector<16x1xi32> to vector<16xi32>
        %gather3A_1171 = tpu.dynamic_gather %select_n3A_1161[%gather3A_1170] in [0] : vector<16xf32>, vector<16xi32> -> vector<16xf32>
        %add3A_1172 = arith.addf %select_n3A_1161, %gather3A_1171 : vector<16xf32>
        %lt3A_1173 = arith.constant 0 : i32
        %lt3A_1174 = vector.broadcast %lt3A_1173 : i32 to vector<16xi32>
        %lt3A_1175 = arith.cmpi slt, %xor3A_10, %lt3A_1174 : vector<16xi32>
        %add3A_1176 = arith.constant 16 : i32
        %add3A_1177 = vector.broadcast %add3A_1176 : i32 to vector<16xi32>
        %add3A_1178 = arith.addi %xor3A_10, %add3A_1177 : vector<16xi32>
        %select_n3A_1179 = arith.select %lt3A_1175, %add3A_1178, %xor3A_10 : vector<16xi1>, vector<16xi32>
        %broadcast_in_dim3A_1180 = vector.shape_cast %select_n3A_1179 : vector<16xi32> to vector<16x1xi32>
        %gather3A_1181 = vector.shape_cast %broadcast_in_dim3A_1180 : vector<16x1xi32> to vector<16xi32>
        %gather3A_1182 = tpu.dynamic_gather %add3A_1172[%gather3A_1181] in [0] : vector<16xf32>, vector<16xi32> -> vector<16xf32>
        %add3A_1183 = arith.addf %add3A_1172, %gather3A_1182 : vector<16xf32>
        %lt3A_1184 = arith.constant 0 : i32
        %lt3A_1185 = vector.broadcast %lt3A_1184 : i32 to vector<16xi32>
        %lt3A_1186 = arith.cmpi slt, %xor3A_13, %lt3A_1185 : vector<16xi32>
        %add3A_1187 = arith.constant 16 : i32
        %add3A_1188 = vector.broadcast %add3A_1187 : i32 to vector<16xi32>
        %add3A_1189 = arith.addi %xor3A_13, %add3A_1188 : vector<16xi32>
        %select_n3A_1190 = arith.select %lt3A_1186, %add3A_1189, %xor3A_13 : vector<16xi1>, vector<16xi32>
        %broadcast_in_dim3A_1191 = vector.shape_cast %select_n3A_1190 : vector<16xi32> to vector<16x1xi32>
        %gather3A_1192 = vector.shape_cast %broadcast_in_dim3A_1191 : vector<16x1xi32> to vector<16xi32>
        %gather3A_1193 = tpu.dynamic_gather %add3A_1183[%gather3A_1192] in [0] : vector<16xf32>, vector<16xi32> -> vector<16xf32>
        %add3A_1194 = arith.addf %add3A_1183, %gather3A_1193 : vector<16xf32>
        %select_n3A_1195 = arith.select %or3A_41, %add3A_1194, %select_n3A_1138 : vector<16xi1>, vector<16xf32>
        %lt3A_1196 = arith.constant 0 : i32
        %lt3A_1197 = vector.broadcast %lt3A_1196 : i32 to vector<16xi32>
        %lt3A_1198 = arith.cmpi slt, %xor3A_4, %lt3A_1197 : vector<16xi32>
        %add3A_1199 = arith.constant 16 : i32
        %add3A_1200 = vector.broadcast %add3A_1199 : i32 to vector<16xi32>
        %add3A_1201 = arith.addi %xor3A_4, %add3A_1200 : vector<16xi32>
        %select_n3A_1202 = arith.select %lt3A_1198, %add3A_1201, %xor3A_4 : vector<16xi1>, vector<16xi32>
        %broadcast_in_dim3A_1203 = vector.shape_cast %select_n3A_1202 : vector<16xi32> to vector<16x1xi32>
        %gather3A_1204 = vector.shape_cast %broadcast_in_dim3A_1203 : vector<16x1xi32> to vector<16xi32>
        %gather3A_1205 = tpu.dynamic_gather %add3A_836[%gather3A_1204] in [0] : vector<16xf32>, vector<16xi32> -> vector<16xf32>
        %add3A_1206 = arith.addf %add3A_836, %gather3A_1205 : vector<16xf32>
        %lt3A_1207 = arith.constant 0 : i32
        %lt3A_1208 = vector.broadcast %lt3A_1207 : i32 to vector<16xi32>
        %lt3A_1209 = arith.cmpi slt, %xor3A_4, %lt3A_1208 : vector<16xi32>
        %add3A_1210 = arith.constant 16 : i32
        %add3A_1211 = vector.broadcast %add3A_1210 : i32 to vector<16xi32>
        %add3A_1212 = arith.addi %xor3A_4, %add3A_1211 : vector<16xi32>
        %select_n3A_1213 = arith.select %lt3A_1209, %add3A_1212, %xor3A_4 : vector<16xi1>, vector<16xi32>
        %broadcast_in_dim3A_1214 = vector.shape_cast %select_n3A_1213 : vector<16xi32> to vector<16x1xi32>
        %gather3A_1215 = vector.shape_cast %broadcast_in_dim3A_1214 : vector<16x1xi32> to vector<16xi32>
        %gather3A_1216 = tpu.dynamic_gather %add3A_932[%gather3A_1215] in [0] : vector<16xf32>, vector<16xi32> -> vector<16xf32>
        %add3A_1217 = arith.addf %add3A_932, %gather3A_1216 : vector<16xf32>
        %select_n3A_1218 = arith.select %lt3A_15, %add3A_1206, %add3A_1217 : vector<16xi1>, vector<16xf32>
        %lt3A_1219 = arith.constant 0 : i32
        %lt3A_1220 = vector.broadcast %lt3A_1219 : i32 to vector<16xi32>
        %lt3A_1221 = arith.cmpi slt, %xor3A_7, %lt3A_1220 : vector<16xi32>
        %add3A_1222 = arith.constant 16 : i32
        %add3A_1223 = vector.broadcast %add3A_1222 : i32 to vector<16xi32>
        %add3A_1224 = arith.addi %xor3A_7, %add3A_1223 : vector<16xi32>
        %select_n3A_1225 = arith.select %lt3A_1221, %add3A_1224, %xor3A_7 : vector<16xi1>, vector<16xi32>
        %broadcast_in_dim3A_1226 = vector.shape_cast %select_n3A_1225 : vector<16xi32> to vector<16x1xi32>
        %gather3A_1227 = vector.shape_cast %broadcast_in_dim3A_1226 : vector<16x1xi32> to vector<16xi32>
        %gather3A_1228 = tpu.dynamic_gather %select_n3A_1218[%gather3A_1227] in [0] : vector<16xf32>, vector<16xi32> -> vector<16xf32>
        %add3A_1229 = arith.addf %select_n3A_1218, %gather3A_1228 : vector<16xf32>
        %lt3A_1230 = arith.constant 0 : i32
        %lt3A_1231 = vector.broadcast %lt3A_1230 : i32 to vector<16xi32>
        %lt3A_1232 = arith.cmpi slt, %xor3A_10, %lt3A_1231 : vector<16xi32>
        %add3A_1233 = arith.constant 16 : i32
        %add3A_1234 = vector.broadcast %add3A_1233 : i32 to vector<16xi32>
        %add3A_1235 = arith.addi %xor3A_10, %add3A_1234 : vector<16xi32>
        %select_n3A_1236 = arith.select %lt3A_1232, %add3A_1235, %xor3A_10 : vector<16xi1>, vector<16xi32>
        %broadcast_in_dim3A_1237 = vector.shape_cast %select_n3A_1236 : vector<16xi32> to vector<16x1xi32>
        %gather3A_1238 = vector.shape_cast %broadcast_in_dim3A_1237 : vector<16x1xi32> to vector<16xi32>
        %gather3A_1239 = tpu.dynamic_gather %add3A_1229[%gather3A_1238] in [0] : vector<16xf32>, vector<16xi32> -> vector<16xf32>
        %add3A_1240 = arith.addf %add3A_1229, %gather3A_1239 : vector<16xf32>
        %lt3A_1241 = arith.constant 0 : i32
        %lt3A_1242 = vector.broadcast %lt3A_1241 : i32 to vector<16xi32>
        %lt3A_1243 = arith.cmpi slt, %xor3A_13, %lt3A_1242 : vector<16xi32>
        %add3A_1244 = arith.constant 16 : i32
        %add3A_1245 = vector.broadcast %add3A_1244 : i32 to vector<16xi32>
        %add3A_1246 = arith.addi %xor3A_13, %add3A_1245 : vector<16xi32>
        %select_n3A_1247 = arith.select %lt3A_1243, %add3A_1246, %xor3A_13 : vector<16xi1>, vector<16xi32>
        %broadcast_in_dim3A_1248 = vector.shape_cast %select_n3A_1247 : vector<16xi32> to vector<16x1xi32>
        %gather3A_1249 = vector.shape_cast %broadcast_in_dim3A_1248 : vector<16x1xi32> to vector<16xi32>
        %gather3A_1250 = tpu.dynamic_gather %add3A_1240[%gather3A_1249] in [0] : vector<16xf32>, vector<16xi32> -> vector<16xf32>
        %add3A_1251 = arith.addf %add3A_1240, %gather3A_1250 : vector<16xf32>
        %select_n3A_1252 = arith.select %or3A_48, %add3A_1251, %select_n3A_1195 : vector<16xi1>, vector<16xf32>
        %lt3A_1253 = arith.constant 0 : i32
        %lt3A_1254 = vector.broadcast %lt3A_1253 : i32 to vector<16xi32>
        %lt3A_1255 = arith.cmpi slt, %xor3A_4, %lt3A_1254 : vector<16xi32>
        %add3A_1256 = arith.constant 16 : i32
        %add3A_1257 = vector.broadcast %add3A_1256 : i32 to vector<16xi32>
        %add3A_1258 = arith.addi %xor3A_4, %add3A_1257 : vector<16xi32>
        %select_n3A_1259 = arith.select %lt3A_1255, %add3A_1258, %xor3A_4 : vector<16xi1>, vector<16xi32>
        %broadcast_in_dim3A_1260 = vector.shape_cast %select_n3A_1259 : vector<16xi32> to vector<16x1xi32>
        %gather3A_1261 = vector.shape_cast %broadcast_in_dim3A_1260 : vector<16x1xi32> to vector<16xi32>
        %gather3A_1262 = tpu.dynamic_gather %add3A_848[%gather3A_1261] in [0] : vector<16xf32>, vector<16xi32> -> vector<16xf32>
        %add3A_1263 = arith.addf %add3A_848, %gather3A_1262 : vector<16xf32>
        %lt3A_1264 = arith.constant 0 : i32
        %lt3A_1265 = vector.broadcast %lt3A_1264 : i32 to vector<16xi32>
        %lt3A_1266 = arith.cmpi slt, %xor3A_4, %lt3A_1265 : vector<16xi32>
        %add3A_1267 = arith.constant 16 : i32
        %add3A_1268 = vector.broadcast %add3A_1267 : i32 to vector<16xi32>
        %add3A_1269 = arith.addi %xor3A_4, %add3A_1268 : vector<16xi32>
        %select_n3A_1270 = arith.select %lt3A_1266, %add3A_1269, %xor3A_4 : vector<16xi1>, vector<16xi32>
        %broadcast_in_dim3A_1271 = vector.shape_cast %select_n3A_1270 : vector<16xi32> to vector<16x1xi32>
        %gather3A_1272 = vector.shape_cast %broadcast_in_dim3A_1271 : vector<16x1xi32> to vector<16xi32>
        %gather3A_1273 = tpu.dynamic_gather %add3A_944[%gather3A_1272] in [0] : vector<16xf32>, vector<16xi32> -> vector<16xf32>
        %add3A_1274 = arith.addf %add3A_944, %gather3A_1273 : vector<16xf32>
        %select_n3A_1275 = arith.select %lt3A_15, %add3A_1263, %add3A_1274 : vector<16xi1>, vector<16xf32>
        %lt3A_1276 = arith.constant 0 : i32
        %lt3A_1277 = vector.broadcast %lt3A_1276 : i32 to vector<16xi32>
        %lt3A_1278 = arith.cmpi slt, %xor3A_7, %lt3A_1277 : vector<16xi32>
        %add3A_1279 = arith.constant 16 : i32
        %add3A_1280 = vector.broadcast %add3A_1279 : i32 to vector<16xi32>
        %add3A_1281 = arith.addi %xor3A_7, %add3A_1280 : vector<16xi32>
        %select_n3A_1282 = arith.select %lt3A_1278, %add3A_1281, %xor3A_7 : vector<16xi1>, vector<16xi32>
        %broadcast_in_dim3A_1283 = vector.shape_cast %select_n3A_1282 : vector<16xi32> to vector<16x1xi32>
        %gather3A_1284 = vector.shape_cast %broadcast_in_dim3A_1283 : vector<16x1xi32> to vector<16xi32>
        %gather3A_1285 = tpu.dynamic_gather %select_n3A_1275[%gather3A_1284] in [0] : vector<16xf32>, vector<16xi32> -> vector<16xf32>
        %add3A_1286 = arith.addf %select_n3A_1275, %gather3A_1285 : vector<16xf32>
        %lt3A_1287 = arith.constant 0 : i32
        %lt3A_1288 = vector.broadcast %lt3A_1287 : i32 to vector<16xi32>
        %lt3A_1289 = arith.cmpi slt, %xor3A_10, %lt3A_1288 : vector<16xi32>
        %add3A_1290 = arith.constant 16 : i32
        %add3A_1291 = vector.broadcast %add3A_1290 : i32 to vector<16xi32>
        %add3A_1292 = arith.addi %xor3A_10, %add3A_1291 : vector<16xi32>
        %select_n3A_1293 = arith.select %lt3A_1289, %add3A_1292, %xor3A_10 : vector<16xi1>, vector<16xi32>
        %broadcast_in_dim3A_1294 = vector.shape_cast %select_n3A_1293 : vector<16xi32> to vector<16x1xi32>
        %gather3A_1295 = vector.shape_cast %broadcast_in_dim3A_1294 : vector<16x1xi32> to vector<16xi32>
        %gather3A_1296 = tpu.dynamic_gather %add3A_1286[%gather3A_1295] in [0] : vector<16xf32>, vector<16xi32> -> vector<16xf32>
        %add3A_1297 = arith.addf %add3A_1286, %gather3A_1296 : vector<16xf32>
        %lt3A_1298 = arith.constant 0 : i32
        %lt3A_1299 = vector.broadcast %lt3A_1298 : i32 to vector<16xi32>
        %lt3A_1300 = arith.cmpi slt, %xor3A_13, %lt3A_1299 : vector<16xi32>
        %add3A_1301 = arith.constant 16 : i32
        %add3A_1302 = vector.broadcast %add3A_1301 : i32 to vector<16xi32>
        %add3A_1303 = arith.addi %xor3A_13, %add3A_1302 : vector<16xi32>
        %select_n3A_1304 = arith.select %lt3A_1300, %add3A_1303, %xor3A_13 : vector<16xi1>, vector<16xi32>
        %broadcast_in_dim3A_1305 = vector.shape_cast %select_n3A_1304 : vector<16xi32> to vector<16x1xi32>
        %gather3A_1306 = vector.shape_cast %broadcast_in_dim3A_1305 : vector<16x1xi32> to vector<16xi32>
        %gather3A_1307 = tpu.dynamic_gather %add3A_1297[%gather3A_1306] in [0] : vector<16xf32>, vector<16xi32> -> vector<16xf32>
        %add3A_1308 = arith.addf %add3A_1297, %gather3A_1307 : vector<16xf32>
        %select_n3A_1309 = arith.select %or3A_55, %add3A_1308, %select_n3A_1252 : vector<16xi1>, vector<16xf32>
        %lt3A_1310 = arith.constant 0 : i32
        %lt3A_1311 = vector.broadcast %lt3A_1310 : i32 to vector<16xi32>
        %lt3A_1312 = arith.cmpi slt, %xor3A_4, %lt3A_1311 : vector<16xi32>
        %add3A_1313 = arith.constant 16 : i32
        %add3A_1314 = vector.broadcast %add3A_1313 : i32 to vector<16xi32>
        %add3A_1315 = arith.addi %xor3A_4, %add3A_1314 : vector<16xi32>
        %select_n3A_1316 = arith.select %lt3A_1312, %add3A_1315, %xor3A_4 : vector<16xi1>, vector<16xi32>
        %broadcast_in_dim3A_1317 = vector.shape_cast %select_n3A_1316 : vector<16xi32> to vector<16x1xi32>
        %gather3A_1318 = vector.shape_cast %broadcast_in_dim3A_1317 : vector<16x1xi32> to vector<16xi32>
        %gather3A_1319 = tpu.dynamic_gather %add3A_860[%gather3A_1318] in [0] : vector<16xf32>, vector<16xi32> -> vector<16xf32>
        %add3A_1320 = arith.addf %add3A_860, %gather3A_1319 : vector<16xf32>
        %lt3A_1321 = arith.constant 0 : i32
        %lt3A_1322 = vector.broadcast %lt3A_1321 : i32 to vector<16xi32>
        %lt3A_1323 = arith.cmpi slt, %xor3A_4, %lt3A_1322 : vector<16xi32>
        %add3A_1324 = arith.constant 16 : i32
        %add3A_1325 = vector.broadcast %add3A_1324 : i32 to vector<16xi32>
        %add3A_1326 = arith.addi %xor3A_4, %add3A_1325 : vector<16xi32>
        %select_n3A_1327 = arith.select %lt3A_1323, %add3A_1326, %xor3A_4 : vector<16xi1>, vector<16xi32>
        %broadcast_in_dim3A_1328 = vector.shape_cast %select_n3A_1327 : vector<16xi32> to vector<16x1xi32>
        %gather3A_1329 = vector.shape_cast %broadcast_in_dim3A_1328 : vector<16x1xi32> to vector<16xi32>
        %gather3A_1330 = tpu.dynamic_gather %add3A_956[%gather3A_1329] in [0] : vector<16xf32>, vector<16xi32> -> vector<16xf32>
        %add3A_1331 = arith.addf %add3A_956, %gather3A_1330 : vector<16xf32>
        %select_n3A_1332 = arith.select %lt3A_15, %add3A_1320, %add3A_1331 : vector<16xi1>, vector<16xf32>
        %lt3A_1333 = arith.constant 0 : i32
        %lt3A_1334 = vector.broadcast %lt3A_1333 : i32 to vector<16xi32>
        %lt3A_1335 = arith.cmpi slt, %xor3A_7, %lt3A_1334 : vector<16xi32>
        %add3A_1336 = arith.constant 16 : i32
        %add3A_1337 = vector.broadcast %add3A_1336 : i32 to vector<16xi32>
        %add3A_1338 = arith.addi %xor3A_7, %add3A_1337 : vector<16xi32>
        %select_n3A_1339 = arith.select %lt3A_1335, %add3A_1338, %xor3A_7 : vector<16xi1>, vector<16xi32>
        %broadcast_in_dim3A_1340 = vector.shape_cast %select_n3A_1339 : vector<16xi32> to vector<16x1xi32>
        %gather3A_1341 = vector.shape_cast %broadcast_in_dim3A_1340 : vector<16x1xi32> to vector<16xi32>
        %gather3A_1342 = tpu.dynamic_gather %select_n3A_1332[%gather3A_1341] in [0] : vector<16xf32>, vector<16xi32> -> vector<16xf32>
        %add3A_1343 = arith.addf %select_n3A_1332, %gather3A_1342 : vector<16xf32>
        %lt3A_1344 = arith.constant 0 : i32
        %lt3A_1345 = vector.broadcast %lt3A_1344 : i32 to vector<16xi32>
        %lt3A_1346 = arith.cmpi slt, %xor3A_10, %lt3A_1345 : vector<16xi32>
        %add3A_1347 = arith.constant 16 : i32
        %add3A_1348 = vector.broadcast %add3A_1347 : i32 to vector<16xi32>
        %add3A_1349 = arith.addi %xor3A_10, %add3A_1348 : vector<16xi32>
        %select_n3A_1350 = arith.select %lt3A_1346, %add3A_1349, %xor3A_10 : vector<16xi1>, vector<16xi32>
        %broadcast_in_dim3A_1351 = vector.shape_cast %select_n3A_1350 : vector<16xi32> to vector<16x1xi32>
        %gather3A_1352 = vector.shape_cast %broadcast_in_dim3A_1351 : vector<16x1xi32> to vector<16xi32>
        %gather3A_1353 = tpu.dynamic_gather %add3A_1343[%gather3A_1352] in [0] : vector<16xf32>, vector<16xi32> -> vector<16xf32>
        %add3A_1354 = arith.addf %add3A_1343, %gather3A_1353 : vector<16xf32>
        %lt3A_1355 = arith.constant 0 : i32
        %lt3A_1356 = vector.broadcast %lt3A_1355 : i32 to vector<16xi32>
        %lt3A_1357 = arith.cmpi slt, %xor3A_13, %lt3A_1356 : vector<16xi32>
        %add3A_1358 = arith.constant 16 : i32
        %add3A_1359 = vector.broadcast %add3A_1358 : i32 to vector<16xi32>
        %add3A_1360 = arith.addi %xor3A_13, %add3A_1359 : vector<16xi32>
        %select_n3A_1361 = arith.select %lt3A_1357, %add3A_1360, %xor3A_13 : vector<16xi1>, vector<16xi32>
        %broadcast_in_dim3A_1362 = vector.shape_cast %select_n3A_1361 : vector<16xi32> to vector<16x1xi32>
        %gather3A_1363 = vector.shape_cast %broadcast_in_dim3A_1362 : vector<16x1xi32> to vector<16xi32>
        %gather3A_1364 = tpu.dynamic_gather %add3A_1354[%gather3A_1363] in [0] : vector<16xf32>, vector<16xi32> -> vector<16xf32>
        %add3A_1365 = arith.addf %add3A_1354, %gather3A_1364 : vector<16xf32>
        %select_n3A_1366 = arith.select %or3A_62, %add3A_1365, %select_n3A_1309 : vector<16xi1>, vector<16xf32>
        %lt3A_1367 = arith.constant 0 : i32
        %lt3A_1368 = vector.broadcast %lt3A_1367 : i32 to vector<16xi32>
        %lt3A_1369 = arith.cmpi slt, %xor3A_4, %lt3A_1368 : vector<16xi32>
        %add3A_1370 = arith.constant 16 : i32
        %add3A_1371 = vector.broadcast %add3A_1370 : i32 to vector<16xi32>
        %add3A_1372 = arith.addi %xor3A_4, %add3A_1371 : vector<16xi32>
        %select_n3A_1373 = arith.select %lt3A_1369, %add3A_1372, %xor3A_4 : vector<16xi1>, vector<16xi32>
        %broadcast_in_dim3A_1374 = vector.shape_cast %select_n3A_1373 : vector<16xi32> to vector<16x1xi32>
        %gather3A_1375 = vector.shape_cast %broadcast_in_dim3A_1374 : vector<16x1xi32> to vector<16xi32>
        %gather3A_1376 = tpu.dynamic_gather %add3A_872[%gather3A_1375] in [0] : vector<16xf32>, vector<16xi32> -> vector<16xf32>
        %add3A_1377 = arith.addf %add3A_872, %gather3A_1376 : vector<16xf32>
        %lt3A_1378 = arith.constant 0 : i32
        %lt3A_1379 = vector.broadcast %lt3A_1378 : i32 to vector<16xi32>
        %lt3A_1380 = arith.cmpi slt, %xor3A_4, %lt3A_1379 : vector<16xi32>
        %add3A_1381 = arith.constant 16 : i32
        %add3A_1382 = vector.broadcast %add3A_1381 : i32 to vector<16xi32>
        %add3A_1383 = arith.addi %xor3A_4, %add3A_1382 : vector<16xi32>
        %select_n3A_1384 = arith.select %lt3A_1380, %add3A_1383, %xor3A_4 : vector<16xi1>, vector<16xi32>
        %broadcast_in_dim3A_1385 = vector.shape_cast %select_n3A_1384 : vector<16xi32> to vector<16x1xi32>
        %gather3A_1386 = vector.shape_cast %broadcast_in_dim3A_1385 : vector<16x1xi32> to vector<16xi32>
        %gather3A_1387 = tpu.dynamic_gather %add3A_968[%gather3A_1386] in [0] : vector<16xf32>, vector<16xi32> -> vector<16xf32>
        %add3A_1388 = arith.addf %add3A_968, %gather3A_1387 : vector<16xf32>
        %select_n3A_1389 = arith.select %lt3A_15, %add3A_1377, %add3A_1388 : vector<16xi1>, vector<16xf32>
        %lt3A_1390 = arith.constant 0 : i32
        %lt3A_1391 = vector.broadcast %lt3A_1390 : i32 to vector<16xi32>
        %lt3A_1392 = arith.cmpi slt, %xor3A_7, %lt3A_1391 : vector<16xi32>
        %add3A_1393 = arith.constant 16 : i32
        %add3A_1394 = vector.broadcast %add3A_1393 : i32 to vector<16xi32>
        %add3A_1395 = arith.addi %xor3A_7, %add3A_1394 : vector<16xi32>
        %select_n3A_1396 = arith.select %lt3A_1392, %add3A_1395, %xor3A_7 : vector<16xi1>, vector<16xi32>
        %broadcast_in_dim3A_1397 = vector.shape_cast %select_n3A_1396 : vector<16xi32> to vector<16x1xi32>
        %gather3A_1398 = vector.shape_cast %broadcast_in_dim3A_1397 : vector<16x1xi32> to vector<16xi32>
        %gather3A_1399 = tpu.dynamic_gather %select_n3A_1389[%gather3A_1398] in [0] : vector<16xf32>, vector<16xi32> -> vector<16xf32>
        %add3A_1400 = arith.addf %select_n3A_1389, %gather3A_1399 : vector<16xf32>
        %lt3A_1401 = arith.constant 0 : i32
        %lt3A_1402 = vector.broadcast %lt3A_1401 : i32 to vector<16xi32>
        %lt3A_1403 = arith.cmpi slt, %xor3A_10, %lt3A_1402 : vector<16xi32>
        %add3A_1404 = arith.constant 16 : i32
        %add3A_1405 = vector.broadcast %add3A_1404 : i32 to vector<16xi32>
        %add3A_1406 = arith.addi %xor3A_10, %add3A_1405 : vector<16xi32>
        %select_n3A_1407 = arith.select %lt3A_1403, %add3A_1406, %xor3A_10 : vector<16xi1>, vector<16xi32>
        %broadcast_in_dim3A_1408 = vector.shape_cast %select_n3A_1407 : vector<16xi32> to vector<16x1xi32>
        %gather3A_1409 = vector.shape_cast %broadcast_in_dim3A_1408 : vector<16x1xi32> to vector<16xi32>
        %gather3A_1410 = tpu.dynamic_gather %add3A_1400[%gather3A_1409] in [0] : vector<16xf32>, vector<16xi32> -> vector<16xf32>
        %add3A_1411 = arith.addf %add3A_1400, %gather3A_1410 : vector<16xf32>
        %lt3A_1412 = arith.constant 0 : i32
        %lt3A_1413 = vector.broadcast %lt3A_1412 : i32 to vector<16xi32>
        %lt3A_1414 = arith.cmpi slt, %xor3A_13, %lt3A_1413 : vector<16xi32>
        %add3A_1415 = arith.constant 16 : i32
        %add3A_1416 = vector.broadcast %add3A_1415 : i32 to vector<16xi32>
        %add3A_1417 = arith.addi %xor3A_13, %add3A_1416 : vector<16xi32>
        %select_n3A_1418 = arith.select %lt3A_1414, %add3A_1417, %xor3A_13 : vector<16xi1>, vector<16xi32>
        %broadcast_in_dim3A_1419 = vector.shape_cast %select_n3A_1418 : vector<16xi32> to vector<16x1xi32>
        %gather3A_1420 = vector.shape_cast %broadcast_in_dim3A_1419 : vector<16x1xi32> to vector<16xi32>
        %gather3A_1421 = tpu.dynamic_gather %add3A_1411[%gather3A_1420] in [0] : vector<16xf32>, vector<16xi32> -> vector<16xf32>
        %add3A_1422 = arith.addf %add3A_1411, %gather3A_1421 : vector<16xf32>
        %select_n3A_1423 = arith.select %or3A_69, %add3A_1422, %select_n3A_1366 : vector<16xi1>, vector<16xf32>
        %swap3A = arith.index_cast %mul3A_185 : i32 to index
        %swap3A_1424 = tpu.vector_load %arg13[%swap3A] {strides = array<i32>} : memref<256xf32, #tpu.memory_space<vmem>>, vector<16xf32>,
        %swap3A_1425 = vector.shape_cast %swap3A_1424 : vector<16xf32> to vector<16xf32>
        %swap3A_1426 = vector.shape_cast %select_n3A_1423 : vector<16xf32> to vector<16xf32>
        tpu.vector_store %arg13[%swap3A], %swap3A_1426 {strides = array<i32>} : memref<256xf32, #tpu.memory_space<vmem>>, vector<16xf32>,
      }
      %scan3A_141 = arith.constant 16 : i32
      %mul3A_142 = arith.constant 256 : i32
      %mul3A_143 = arith.muli %add3A_117, %mul3A_142 : i32
      %add3A_144 = arith.addi %mul3A_2, %mul3A_143 : i32
      %dma_start3A_145 = tpu.memref_slice %arg6[%add3A_144] : memref<819200xf32, #tpu.memory_space<hbm>> -> memref<256xf32, #tpu.memory_space<hbm>>
      %dma_start3A_146 = tpu.memref_slice %arg6[%add3A_144] : memref<819200xf32, #tpu.memory_space<hbm>> -> memref<256xf32, #tpu.memory_space<hbm>>
      tpu.enqueue_dma source(%arg13 : memref<256xf32, #tpu.memory_space<vmem>>) target(%dma_start3A_146 : memref<256xf32, #tpu.memory_space<hbm>>) target_semaphore(%arg17 : memref<!tpu.dma_semaphore, #tpu.memory_space<semaphore_mem>>)
      %mul3A_147 = arith.constant 2 : i32
      %mul3A_148 = arith.muli %scan3A_113, %mul3A_147 : i32
      %add3A_149 = arith.constant 1 : i32
      %add3A_150 = arith.addi %mul3A_148, %add3A_149 : i32
      %add3A_151 = arith.constant 1 : i32
      %add3A_152 = arith.addi %add3A_150, %add3A_151 : i32
      %lt3A_153 = arith.constant 100 : i32
      %lt3A_154 = arith.cmpi slt, %add3A_152, %lt3A_153 : i32
      %convert_element_type3A_155 = arith.extui %lt3A_154 : i1 to i32
      %cond3A_156 = arith.constant 0 : i32
      %cond3A_157 = arith.cmpi ne, %convert_element_type3A_155, %cond3A_156 : i32
      scf.if %cond3A_157 {
        %mul3A_183 = arith.constant 256 : i32
        %mul3A_184 = arith.muli %add3A_152, %mul3A_183 : i32
        %add3A_185 = arith.constant 0 : i32
        %add3A_186 = arith.addi %mul3A_184, %add3A_185 : i32
        %mul3A_187 = arith.constant 256 : i32
        %mul3A_188 = arith.muli %add3A_152, %mul3A_187 : i32
        %add3A_189 = arith.constant 128 : i32
        %add3A_190 = arith.addi %mul3A_188, %add3A_189 : i32
        %dma_start3A_191 = arith.constant 0 : i32
        %dma_start3A_192 = arith.constant 0 : i32
        %dma_start3A_193 = tpu.memref_slice %arg9[%dma_start3A_191, %dma_start3A_192] : memref<256x64xf32, #tpu.memory_space<vmem>> -> memref<128x64xf32, #tpu.memory_space<vmem>>
        %dma_start3A_194 = tpu.memref_slice %arg7[%add3A_186] : memref<25600xi32, #tpu.memory_space<vmem>> -> memref<128xi32, #tpu.memory_space<vmem>>
        %dma_start3A_195 = arith.constant 0 : i32
        %dma_start3A_196 = arith.constant 0 : i32
        %dma_start3A_197 = tpu.memref_slice %arg4[%dma_start3A_195, %dma_start3A_196] : memref<1000000x64xf32, #tpu.memory_space<hbm>> -> memref<1000000x64xf32, #tpu.memory_space<hbm>>
        tpu.enqueue_indirect_dma source(%dma_start3A_197 : memref<1000000x64xf32, #tpu.memory_space<hbm>>) target(%dma_start3A_193 : memref<128x64xf32, #tpu.memory_space<vmem>>) offsets(%dma_start3A_194 : memref<128xi32, #tpu.memory_space<vmem>>) semaphore(%arg15 : memref<!tpu.dma_semaphore, #tpu.memory_space<semaphore_mem>>)
        %dma_start3A_198 = arith.constant 0 : i32
        %dma_start3A_199 = arith.constant 0 : i32
        %dma_start3A_200 = tpu.memref_slice %arg11[%dma_start3A_198, %dma_start3A_199] : memref<256x64xf32, #tpu.memory_space<vmem>> -> memref<128x64xf32, #tpu.memory_space<vmem>>
        %dma_start3A_201 = tpu.memref_slice %arg8[%add3A_186] : memref<25600xi32, #tpu.memory_space<vmem>> -> memref<128xi32, #tpu.memory_space<vmem>>
        %dma_start3A_202 = arith.constant 0 : i32
        %dma_start3A_203 = arith.constant 0 : i32
        %dma_start3A_204 = tpu.memref_slice %arg5[%dma_start3A_202, %dma_start3A_203] : memref<100000x64xf32, #tpu.memory_space<hbm>> -> memref<100000x64xf32, #tpu.memory_space<hbm>>
        tpu.enqueue_indirect_dma source(%dma_start3A_204 : memref<100000x64xf32, #tpu.memory_space<hbm>>) target(%dma_start3A_200 : memref<128x64xf32, #tpu.memory_space<vmem>>) offsets(%dma_start3A_201 : memref<128xi32, #tpu.memory_space<vmem>>) semaphore(%arg15 : memref<!tpu.dma_semaphore, #tpu.memory_space<semaphore_mem>>)
        %dma_start3A_205 = arith.constant 128 : i32
        %dma_start3A_206 = arith.constant 0 : i32
        %dma_start3A_207 = tpu.memref_slice %arg9[%dma_start3A_205, %dma_start3A_206] : memref<256x64xf32, #tpu.memory_space<vmem>> -> memref<128x64xf32, #tpu.memory_space<vmem>>
        %dma_start3A_208 = tpu.memref_slice %arg7[%add3A_190] : memref<25600xi32, #tpu.memory_space<vmem>> -> memref<128xi32, #tpu.memory_space<vmem>>
        %dma_start3A_209 = arith.constant 0 : i32
        %dma_start3A_210 = arith.constant 0 : i32
        %dma_start3A_211 = tpu.memref_slice %arg4[%dma_start3A_209, %dma_start3A_210] : memref<1000000x64xf32, #tpu.memory_space<hbm>> -> memref<1000000x64xf32, #tpu.memory_space<hbm>>
        tpu.enqueue_indirect_dma source(%dma_start3A_211 : memref<1000000x64xf32, #tpu.memory_space<hbm>>) target(%dma_start3A_207 : memref<128x64xf32, #tpu.memory_space<vmem>>) offsets(%dma_start3A_208 : memref<128xi32, #tpu.memory_space<vmem>>) semaphore(%arg15 : memref<!tpu.dma_semaphore, #tpu.memory_space<semaphore_mem>>)
        %dma_start3A_212 = arith.constant 128 : i32
        %dma_start3A_213 = arith.constant 0 : i32
        %dma_start3A_214 = tpu.memref_slice %arg11[%dma_start3A_212, %dma_start3A_213] : memref<256x64xf32, #tpu.memory_space<vmem>> -> memref<128x64xf32, #tpu.memory_space<vmem>>
        %dma_start3A_215 = tpu.memref_slice %arg8[%add3A_190] : memref<25600xi32, #tpu.memory_space<vmem>> -> memref<128xi32, #tpu.memory_space<vmem>>
        %dma_start3A_216 = arith.constant 0 : i32
        %dma_start3A_217 = arith.constant 0 : i32
        %dma_start3A_218 = tpu.memref_slice %arg5[%dma_start3A_216, %dma_start3A_217] : memref<100000x64xf32, #tpu.memory_space<hbm>> -> memref<100000x64xf32, #tpu.memory_space<hbm>>
        tpu.enqueue_indirect_dma source(%dma_start3A_218 : memref<100000x64xf32, #tpu.memory_space<hbm>>) target(%dma_start3A_214 : memref<128x64xf32, #tpu.memory_space<vmem>>) offsets(%dma_start3A_215 : memref<128xi32, #tpu.memory_space<vmem>>) semaphore(%arg15 : memref<!tpu.dma_semaphore, #tpu.memory_space<semaphore_mem>>)
      } else {
      }
      %dma_wait3A_158 = arith.constant 0 : i32
      %dma_wait3A_159 = tpu.memref_slice %arg7[%dma_wait3A_158] : memref<25600xi32, #tpu.memory_space<vmem>> -> memref<128xi32, #tpu.memory_space<vmem>>
      %dma_wait3A_160 = arith.constant 0 : i32
      %dma_wait3A_161 = arith.constant 0 : i32
      %dma_wait3A_162 = tpu.memref_slice %arg4[%dma_wait3A_160, %dma_wait3A_161] : memref<1000000x64xf32, #tpu.memory_space<hbm>> -> memref<1000000x64xf32, #tpu.memory_space<hbm>>
      tpu.wait_indirect_dma semaphore(%arg16 : memref<!tpu.dma_semaphore, #tpu.memory_space<semaphore_mem>>) src(%dma_wait3A_162 : memref<1000000x64xf32, #tpu.memory_space<hbm>>) dst(%arg10 : memref<256x64xf32, #tpu.memory_space<vmem>>)
      %dma_wait3A_163 = arith.constant 0 : i32
      %dma_wait3A_164 = tpu.memref_slice %arg8[%dma_wait3A_163] : memref<25600xi32, #tpu.memory_space<vmem>> -> memref<128xi32, #tpu.memory_space<vmem>>
      %dma_wait3A_165 = arith.constant 0 : i32
      %dma_wait3A_166 = arith.constant 0 : i32
      %dma_wait3A_167 = tpu.memref_slice %arg5[%dma_wait3A_165, %dma_wait3A_166] : memref<100000x64xf32, #tpu.memory_space<hbm>> -> memref<100000x64xf32, #tpu.memory_space<hbm>>
      tpu.wait_indirect_dma semaphore(%arg16 : memref<!tpu.dma_semaphore, #tpu.memory_space<semaphore_mem>>) src(%dma_wait3A_167 : memref<100000x64xf32, #tpu.memory_space<hbm>>) dst(%arg12 : memref<256x64xf32, #tpu.memory_space<vmem>>)
      %ge3A_168 = arith.constant 2 : i32
      %ge3A_169 = arith.cmpi sge, %add3A_150, %ge3A_168 : i32
      %convert_element_type3A_170 = arith.extui %ge3A_169 : i1 to i32
      %cond3A_171 = arith.constant 0 : i32
      %cond3A_172 = arith.cmpi ne, %convert_element_type3A_170, %cond3A_171 : i32
      scf.if %cond3A_172 {
        %sub3A = arith.constant 2 : i32
        %sub3A_183 = arith.subi %add3A_150, %sub3A : i32
        %mul3A_184 = arith.constant 256 : i32
        %mul3A_185 = arith.muli %sub3A_183, %mul3A_184 : i32
        %add3A_186 = arith.addi %mul3A_2, %mul3A_185 : i32
        %dma_wait3A_187 = tpu.memref_slice %arg6[%add3A_186] : memref<819200xf32, #tpu.memory_space<hbm>> -> memref<256xf32, #tpu.memory_space<hbm>>
        %dma_wait3A_188 = tpu.memref_slice %arg6[%add3A_186] : memref<819200xf32, #tpu.memory_space<hbm>> -> memref<256xf32, #tpu.memory_space<hbm>>
        tpu.wait_dma2 semaphore(%arg18 : memref<!tpu.dma_semaphore, #tpu.memory_space<semaphore_mem>>) src(%arg14 : memref<256xf32, #tpu.memory_space<vmem>>) dst(%dma_wait3A_188 : memref<256xf32, #tpu.memory_space<hbm>>)
      } else {
      }
      %scan3A_173 = arith.constant 0 : i32
      %scan3A_174 = arith.constant 16 : i32
      %scan3A_175 = arith.addi %scan3A_173, %scan3A_174 : i32
      %scan3A_176 = arith.constant 1 : i32
      scf.for %scan3A_183 = %scan3A_173 to %scan3A_175 step %scan3A_176  : i32 {
        %mul3A_184 = arith.constant 16 : i32
        %mul3A_185 = arith.muli %scan3A_183, %mul3A_184 : i32
        %add3A_186 = arith.constant 0 : i32
        %add3A_187 = arith.addi %mul3A_185, %add3A_186 : i32
        %get3A = arith.index_cast %add3A_187 : i32 to index
        %get3A_188 = arith.constant 0 : index
        %get3A_189 = tpu.vector_load %arg10[%get3A, %get3A_188] {strides = array<i32>} : memref<256x64xf32, #tpu.memory_space<vmem>>, vector<1x16xf32>,
        %get3A_190 = vector.shape_cast %get3A_189 : vector<1x16xf32> to vector<16xf32>
        %add3A_191 = arith.constant 0 : i32
        %add3A_192 = arith.addi %mul3A_185, %add3A_191 : i32
        %get3A_193 = arith.index_cast %add3A_192 : i32 to index
        %get3A_194 = arith.constant 0 : index
        %get3A_195 = tpu.vector_load %arg12[%get3A_193, %get3A_194] {strides = array<i32>} : memref<256x64xf32, #tpu.memory_space<vmem>>, vector<1x16xf32>,
        %get3A_196 = vector.shape_cast %get3A_195 : vector<1x16xf32> to vector<16xf32>
        %mul3A_197 = arith.mulf %get3A_190, %get3A_196 : vector<16xf32>
        %add3A_198 = arith.constant 1 : i32
        %add3A_199 = arith.addi %mul3A_185, %add3A_198 : i32
        %get3A_200 = arith.index_cast %add3A_199 : i32 to index
        %get3A_201 = arith.constant 0 : index
        %get3A_202 = tpu.vector_load %arg10[%get3A_200, %get3A_201] {strides = array<i32>} : memref<256x64xf32, #tpu.memory_space<vmem>>, vector<1x16xf32>,
        %get3A_203 = vector.shape_cast %get3A_202 : vector<1x16xf32> to vector<16xf32>
        %add3A_204 = arith.constant 1 : i32
        %add3A_205 = arith.addi %mul3A_185, %add3A_204 : i32
        %get3A_206 = arith.index_cast %add3A_205 : i32 to index
        %get3A_207 = arith.constant 0 : index
        %get3A_208 = tpu.vector_load %arg12[%get3A_206, %get3A_207] {strides = array<i32>} : memref<256x64xf32, #tpu.memory_space<vmem>>, vector<1x16xf32>,
        %get3A_209 = vector.shape_cast %get3A_208 : vector<1x16xf32> to vector<16xf32>
        %mul3A_210 = arith.mulf %get3A_203, %get3A_209 : vector<16xf32>
        %add3A_211 = arith.constant 2 : i32
        %add3A_212 = arith.addi %mul3A_185, %add3A_211 : i32
        %get3A_213 = arith.index_cast %add3A_212 : i32 to index
        %get3A_214 = arith.constant 0 : index
        %get3A_215 = tpu.vector_load %arg10[%get3A_213, %get3A_214] {strides = array<i32>} : memref<256x64xf32, #tpu.memory_space<vmem>>, vector<1x16xf32>,
        %get3A_216 = vector.shape_cast %get3A_215 : vector<1x16xf32> to vector<16xf32>
        %add3A_217 = arith.constant 2 : i32
        %add3A_218 = arith.addi %mul3A_185, %add3A_217 : i32
        %get3A_219 = arith.index_cast %add3A_218 : i32 to index
        %get3A_220 = arith.constant 0 : index
        %get3A_221 = tpu.vector_load %arg12[%get3A_219, %get3A_220] {strides = array<i32>} : memref<256x64xf32, #tpu.memory_space<vmem>>, vector<1x16xf32>,
        %get3A_222 = vector.shape_cast %get3A_221 : vector<1x16xf32> to vector<16xf32>
        %mul3A_223 = arith.mulf %get3A_216, %get3A_222 : vector<16xf32>
        %add3A_224 = arith.constant 3 : i32
        %add3A_225 = arith.addi %mul3A_185, %add3A_224 : i32
        %get3A_226 = arith.index_cast %add3A_225 : i32 to index
        %get3A_227 = arith.constant 0 : index
        %get3A_228 = tpu.vector_load %arg10[%get3A_226, %get3A_227] {strides = array<i32>} : memref<256x64xf32, #tpu.memory_space<vmem>>, vector<1x16xf32>,
        %get3A_229 = vector.shape_cast %get3A_228 : vector<1x16xf32> to vector<16xf32>
        %add3A_230 = arith.constant 3 : i32
        %add3A_231 = arith.addi %mul3A_185, %add3A_230 : i32
        %get3A_232 = arith.index_cast %add3A_231 : i32 to index
        %get3A_233 = arith.constant 0 : index
        %get3A_234 = tpu.vector_load %arg12[%get3A_232, %get3A_233] {strides = array<i32>} : memref<256x64xf32, #tpu.memory_space<vmem>>, vector<1x16xf32>,
        %get3A_235 = vector.shape_cast %get3A_234 : vector<1x16xf32> to vector<16xf32>
        %mul3A_236 = arith.mulf %get3A_229, %get3A_235 : vector<16xf32>
        %add3A_237 = arith.constant 4 : i32
        %add3A_238 = arith.addi %mul3A_185, %add3A_237 : i32
        %get3A_239 = arith.index_cast %add3A_238 : i32 to index
        %get3A_240 = arith.constant 0 : index
        %get3A_241 = tpu.vector_load %arg10[%get3A_239, %get3A_240] {strides = array<i32>} : memref<256x64xf32, #tpu.memory_space<vmem>>, vector<1x16xf32>,
        %get3A_242 = vector.shape_cast %get3A_241 : vector<1x16xf32> to vector<16xf32>
        %add3A_243 = arith.constant 4 : i32
        %add3A_244 = arith.addi %mul3A_185, %add3A_243 : i32
        %get3A_245 = arith.index_cast %add3A_244 : i32 to index
        %get3A_246 = arith.constant 0 : index
        %get3A_247 = tpu.vector_load %arg12[%get3A_245, %get3A_246] {strides = array<i32>} : memref<256x64xf32, #tpu.memory_space<vmem>>, vector<1x16xf32>,
        %get3A_248 = vector.shape_cast %get3A_247 : vector<1x16xf32> to vector<16xf32>
        %mul3A_249 = arith.mulf %get3A_242, %get3A_248 : vector<16xf32>
        %add3A_250 = arith.constant 5 : i32
        %add3A_251 = arith.addi %mul3A_185, %add3A_250 : i32
        %get3A_252 = arith.index_cast %add3A_251 : i32 to index
        %get3A_253 = arith.constant 0 : index
        %get3A_254 = tpu.vector_load %arg10[%get3A_252, %get3A_253] {strides = array<i32>} : memref<256x64xf32, #tpu.memory_space<vmem>>, vector<1x16xf32>,
        %get3A_255 = vector.shape_cast %get3A_254 : vector<1x16xf32> to vector<16xf32>
        %add3A_256 = arith.constant 5 : i32
        %add3A_257 = arith.addi %mul3A_185, %add3A_256 : i32
        %get3A_258 = arith.index_cast %add3A_257 : i32 to index
        %get3A_259 = arith.constant 0 : index
        %get3A_260 = tpu.vector_load %arg12[%get3A_258, %get3A_259] {strides = array<i32>} : memref<256x64xf32, #tpu.memory_space<vmem>>, vector<1x16xf32>,
        %get3A_261 = vector.shape_cast %get3A_260 : vector<1x16xf32> to vector<16xf32>
        %mul3A_262 = arith.mulf %get3A_255, %get3A_261 : vector<16xf32>
        %add3A_263 = arith.constant 6 : i32
        %add3A_264 = arith.addi %mul3A_185, %add3A_263 : i32
        %get3A_265 = arith.index_cast %add3A_264 : i32 to index
        %get3A_266 = arith.constant 0 : index
        %get3A_267 = tpu.vector_load %arg10[%get3A_265, %get3A_266] {strides = array<i32>} : memref<256x64xf32, #tpu.memory_space<vmem>>, vector<1x16xf32>,
        %get3A_268 = vector.shape_cast %get3A_267 : vector<1x16xf32> to vector<16xf32>
        %add3A_269 = arith.constant 6 : i32
        %add3A_270 = arith.addi %mul3A_185, %add3A_269 : i32
        %get3A_271 = arith.index_cast %add3A_270 : i32 to index
        %get3A_272 = arith.constant 0 : index
        %get3A_273 = tpu.vector_load %arg12[%get3A_271, %get3A_272] {strides = array<i32>} : memref<256x64xf32, #tpu.memory_space<vmem>>, vector<1x16xf32>,
        %get3A_274 = vector.shape_cast %get3A_273 : vector<1x16xf32> to vector<16xf32>
        %mul3A_275 = arith.mulf %get3A_268, %get3A_274 : vector<16xf32>
        %add3A_276 = arith.constant 7 : i32
        %add3A_277 = arith.addi %mul3A_185, %add3A_276 : i32
        %get3A_278 = arith.index_cast %add3A_277 : i32 to index
        %get3A_279 = arith.constant 0 : index
        %get3A_280 = tpu.vector_load %arg10[%get3A_278, %get3A_279] {strides = array<i32>} : memref<256x64xf32, #tpu.memory_space<vmem>>, vector<1x16xf32>,
        %get3A_281 = vector.shape_cast %get3A_280 : vector<1x16xf32> to vector<16xf32>
        %add3A_282 = arith.constant 7 : i32
        %add3A_283 = arith.addi %mul3A_185, %add3A_282 : i32
        %get3A_284 = arith.index_cast %add3A_283 : i32 to index
        %get3A_285 = arith.constant 0 : index
        %get3A_286 = tpu.vector_load %arg12[%get3A_284, %get3A_285] {strides = array<i32>} : memref<256x64xf32, #tpu.memory_space<vmem>>, vector<1x16xf32>,
        %get3A_287 = vector.shape_cast %get3A_286 : vector<1x16xf32> to vector<16xf32>
        %mul3A_288 = arith.mulf %get3A_281, %get3A_287 : vector<16xf32>
        %add3A_289 = arith.constant 8 : i32
        %add3A_290 = arith.addi %mul3A_185, %add3A_289 : i32
        %get3A_291 = arith.index_cast %add3A_290 : i32 to index
        %get3A_292 = arith.constant 0 : index
        %get3A_293 = tpu.vector_load %arg10[%get3A_291, %get3A_292] {strides = array<i32>} : memref<256x64xf32, #tpu.memory_space<vmem>>, vector<1x16xf32>,
        %get3A_294 = vector.shape_cast %get3A_293 : vector<1x16xf32> to vector<16xf32>
        %add3A_295 = arith.constant 8 : i32
        %add3A_296 = arith.addi %mul3A_185, %add3A_295 : i32
        %get3A_297 = arith.index_cast %add3A_296 : i32 to index
        %get3A_298 = arith.constant 0 : index
        %get3A_299 = tpu.vector_load %arg12[%get3A_297, %get3A_298] {strides = array<i32>} : memref<256x64xf32, #tpu.memory_space<vmem>>, vector<1x16xf32>,
        %get3A_300 = vector.shape_cast %get3A_299 : vector<1x16xf32> to vector<16xf32>
        %mul3A_301 = arith.mulf %get3A_294, %get3A_300 : vector<16xf32>
        %add3A_302 = arith.constant 9 : i32
        %add3A_303 = arith.addi %mul3A_185, %add3A_302 : i32
        %get3A_304 = arith.index_cast %add3A_303 : i32 to index
        %get3A_305 = arith.constant 0 : index
        %get3A_306 = tpu.vector_load %arg10[%get3A_304, %get3A_305] {strides = array<i32>} : memref<256x64xf32, #tpu.memory_space<vmem>>, vector<1x16xf32>,
        %get3A_307 = vector.shape_cast %get3A_306 : vector<1x16xf32> to vector<16xf32>
        %add3A_308 = arith.constant 9 : i32
        %add3A_309 = arith.addi %mul3A_185, %add3A_308 : i32
        %get3A_310 = arith.index_cast %add3A_309 : i32 to index
        %get3A_311 = arith.constant 0 : index
        %get3A_312 = tpu.vector_load %arg12[%get3A_310, %get3A_311] {strides = array<i32>} : memref<256x64xf32, #tpu.memory_space<vmem>>, vector<1x16xf32>,
        %get3A_313 = vector.shape_cast %get3A_312 : vector<1x16xf32> to vector<16xf32>
        %mul3A_314 = arith.mulf %get3A_307, %get3A_313 : vector<16xf32>
        %add3A_315 = arith.constant 10 : i32
        %add3A_316 = arith.addi %mul3A_185, %add3A_315 : i32
        %get3A_317 = arith.index_cast %add3A_316 : i32 to index
        %get3A_318 = arith.constant 0 : index
        %get3A_319 = tpu.vector_load %arg10[%get3A_317, %get3A_318] {strides = array<i32>} : memref<256x64xf32, #tpu.memory_space<vmem>>, vector<1x16xf32>,
        %get3A_320 = vector.shape_cast %get3A_319 : vector<1x16xf32> to vector<16xf32>
        %add3A_321 = arith.constant 10 : i32
        %add3A_322 = arith.addi %mul3A_185, %add3A_321 : i32
        %get3A_323 = arith.index_cast %add3A_322 : i32 to index
        %get3A_324 = arith.constant 0 : index
        %get3A_325 = tpu.vector_load %arg12[%get3A_323, %get3A_324] {strides = array<i32>} : memref<256x64xf32, #tpu.memory_space<vmem>>, vector<1x16xf32>,
        %get3A_326 = vector.shape_cast %get3A_325 : vector<1x16xf32> to vector<16xf32>
        %mul3A_327 = arith.mulf %get3A_320, %get3A_326 : vector<16xf32>
        %add3A_328 = arith.constant 11 : i32
        %add3A_329 = arith.addi %mul3A_185, %add3A_328 : i32
        %get3A_330 = arith.index_cast %add3A_329 : i32 to index
        %get3A_331 = arith.constant 0 : index
        %get3A_332 = tpu.vector_load %arg10[%get3A_330, %get3A_331] {strides = array<i32>} : memref<256x64xf32, #tpu.memory_space<vmem>>, vector<1x16xf32>,
        %get3A_333 = vector.shape_cast %get3A_332 : vector<1x16xf32> to vector<16xf32>
        %add3A_334 = arith.constant 11 : i32
        %add3A_335 = arith.addi %mul3A_185, %add3A_334 : i32
        %get3A_336 = arith.index_cast %add3A_335 : i32 to index
        %get3A_337 = arith.constant 0 : index
        %get3A_338 = tpu.vector_load %arg12[%get3A_336, %get3A_337] {strides = array<i32>} : memref<256x64xf32, #tpu.memory_space<vmem>>, vector<1x16xf32>,
        %get3A_339 = vector.shape_cast %get3A_338 : vector<1x16xf32> to vector<16xf32>
        %mul3A_340 = arith.mulf %get3A_333, %get3A_339 : vector<16xf32>
        %add3A_341 = arith.constant 12 : i32
        %add3A_342 = arith.addi %mul3A_185, %add3A_341 : i32
        %get3A_343 = arith.index_cast %add3A_342 : i32 to index
        %get3A_344 = arith.constant 0 : index
        %get3A_345 = tpu.vector_load %arg10[%get3A_343, %get3A_344] {strides = array<i32>} : memref<256x64xf32, #tpu.memory_space<vmem>>, vector<1x16xf32>,
        %get3A_346 = vector.shape_cast %get3A_345 : vector<1x16xf32> to vector<16xf32>
        %add3A_347 = arith.constant 12 : i32
        %add3A_348 = arith.addi %mul3A_185, %add3A_347 : i32
        %get3A_349 = arith.index_cast %add3A_348 : i32 to index
        %get3A_350 = arith.constant 0 : index
        %get3A_351 = tpu.vector_load %arg12[%get3A_349, %get3A_350] {strides = array<i32>} : memref<256x64xf32, #tpu.memory_space<vmem>>, vector<1x16xf32>,
        %get3A_352 = vector.shape_cast %get3A_351 : vector<1x16xf32> to vector<16xf32>
        %mul3A_353 = arith.mulf %get3A_346, %get3A_352 : vector<16xf32>
        %add3A_354 = arith.constant 13 : i32
        %add3A_355 = arith.addi %mul3A_185, %add3A_354 : i32
        %get3A_356 = arith.index_cast %add3A_355 : i32 to index
        %get3A_357 = arith.constant 0 : index
        %get3A_358 = tpu.vector_load %arg10[%get3A_356, %get3A_357] {strides = array<i32>} : memref<256x64xf32, #tpu.memory_space<vmem>>, vector<1x16xf32>,
        %get3A_359 = vector.shape_cast %get3A_358 : vector<1x16xf32> to vector<16xf32>
        %add3A_360 = arith.constant 13 : i32
        %add3A_361 = arith.addi %mul3A_185, %add3A_360 : i32
        %get3A_362 = arith.index_cast %add3A_361 : i32 to index
        %get3A_363 = arith.constant 0 : index
        %get3A_364 = tpu.vector_load %arg12[%get3A_362, %get3A_363] {strides = array<i32>} : memref<256x64xf32, #tpu.memory_space<vmem>>, vector<1x16xf32>,
        %get3A_365 = vector.shape_cast %get3A_364 : vector<1x16xf32> to vector<16xf32>
        %mul3A_366 = arith.mulf %get3A_359, %get3A_365 : vector<16xf32>
        %add3A_367 = arith.constant 14 : i32
        %add3A_368 = arith.addi %mul3A_185, %add3A_367 : i32
        %get3A_369 = arith.index_cast %add3A_368 : i32 to index
        %get3A_370 = arith.constant 0 : index
        %get3A_371 = tpu.vector_load %arg10[%get3A_369, %get3A_370] {strides = array<i32>} : memref<256x64xf32, #tpu.memory_space<vmem>>, vector<1x16xf32>,
        %get3A_372 = vector.shape_cast %get3A_371 : vector<1x16xf32> to vector<16xf32>
        %add3A_373 = arith.constant 14 : i32
        %add3A_374 = arith.addi %mul3A_185, %add3A_373 : i32
        %get3A_375 = arith.index_cast %add3A_374 : i32 to index
        %get3A_376 = arith.constant 0 : index
        %get3A_377 = tpu.vector_load %arg12[%get3A_375, %get3A_376] {strides = array<i32>} : memref<256x64xf32, #tpu.memory_space<vmem>>, vector<1x16xf32>,
        %get3A_378 = vector.shape_cast %get3A_377 : vector<1x16xf32> to vector<16xf32>
        %mul3A_379 = arith.mulf %get3A_372, %get3A_378 : vector<16xf32>
        %add3A_380 = arith.constant 15 : i32
        %add3A_381 = arith.addi %mul3A_185, %add3A_380 : i32
        %get3A_382 = arith.index_cast %add3A_381 : i32 to index
        %get3A_383 = arith.constant 0 : index
        %get3A_384 = tpu.vector_load %arg10[%get3A_382, %get3A_383] {strides = array<i32>} : memref<256x64xf32, #tpu.memory_space<vmem>>, vector<1x16xf32>,
        %get3A_385 = vector.shape_cast %get3A_384 : vector<1x16xf32> to vector<16xf32>
        %add3A_386 = arith.constant 15 : i32
        %add3A_387 = arith.addi %mul3A_185, %add3A_386 : i32
        %get3A_388 = arith.index_cast %add3A_387 : i32 to index
        %get3A_389 = arith.constant 0 : index
        %get3A_390 = tpu.vector_load %arg12[%get3A_388, %get3A_389] {strides = array<i32>} : memref<256x64xf32, #tpu.memory_space<vmem>>, vector<1x16xf32>,
        %get3A_391 = vector.shape_cast %get3A_390 : vector<1x16xf32> to vector<16xf32>
        %mul3A_392 = arith.mulf %get3A_385, %get3A_391 : vector<16xf32>
        %add3A_393 = arith.constant 0 : i32
        %add3A_394 = arith.addi %mul3A_185, %add3A_393 : i32
        %get3A_395 = arith.index_cast %add3A_394 : i32 to index
        %get3A_396 = arith.constant 16 : index
        %get3A_397 = tpu.vector_load %arg10[%get3A_395, %get3A_396] {strides = array<i32>} : memref<256x64xf32, #tpu.memory_space<vmem>>, vector<1x16xf32>,
        %get3A_398 = vector.shape_cast %get3A_397 : vector<1x16xf32> to vector<16xf32>
        %get3A_399 = arith.index_cast %add3A_394 : i32 to index
        %get3A_400 = arith.constant 16 : index
        %get3A_401 = tpu.vector_load %arg12[%get3A_399, %get3A_400] {strides = array<i32>} : memref<256x64xf32, #tpu.memory_space<vmem>>, vector<1x16xf32>,
        %get3A_402 = vector.shape_cast %get3A_401 : vector<1x16xf32> to vector<16xf32>
        %mul3A_403 = arith.mulf %get3A_398, %get3A_402 : vector<16xf32>
        %add3A_404 = arith.addf %mul3A_197, %mul3A_403 : vector<16xf32>
        %add3A_405 = arith.constant 1 : i32
        %add3A_406 = arith.addi %mul3A_185, %add3A_405 : i32
        %get3A_407 = arith.index_cast %add3A_406 : i32 to index
        %get3A_408 = arith.constant 16 : index
        %get3A_409 = tpu.vector_load %arg10[%get3A_407, %get3A_408] {strides = array<i32>} : memref<256x64xf32, #tpu.memory_space<vmem>>, vector<1x16xf32>,
        %get3A_410 = vector.shape_cast %get3A_409 : vector<1x16xf32> to vector<16xf32>
        %get3A_411 = arith.index_cast %add3A_406 : i32 to index
        %get3A_412 = arith.constant 16 : index
        %get3A_413 = tpu.vector_load %arg12[%get3A_411, %get3A_412] {strides = array<i32>} : memref<256x64xf32, #tpu.memory_space<vmem>>, vector<1x16xf32>,
        %get3A_414 = vector.shape_cast %get3A_413 : vector<1x16xf32> to vector<16xf32>
        %mul3A_415 = arith.mulf %get3A_410, %get3A_414 : vector<16xf32>
        %add3A_416 = arith.addf %mul3A_210, %mul3A_415 : vector<16xf32>
        %add3A_417 = arith.constant 2 : i32
        %add3A_418 = arith.addi %mul3A_185, %add3A_417 : i32
        %get3A_419 = arith.index_cast %add3A_418 : i32 to index
        %get3A_420 = arith.constant 16 : index
        %get3A_421 = tpu.vector_load %arg10[%get3A_419, %get3A_420] {strides = array<i32>} : memref<256x64xf32, #tpu.memory_space<vmem>>, vector<1x16xf32>,
        %get3A_422 = vector.shape_cast %get3A_421 : vector<1x16xf32> to vector<16xf32>
        %get3A_423 = arith.index_cast %add3A_418 : i32 to index
        %get3A_424 = arith.constant 16 : index
        %get3A_425 = tpu.vector_load %arg12[%get3A_423, %get3A_424] {strides = array<i32>} : memref<256x64xf32, #tpu.memory_space<vmem>>, vector<1x16xf32>,
        %get3A_426 = vector.shape_cast %get3A_425 : vector<1x16xf32> to vector<16xf32>
        %mul3A_427 = arith.mulf %get3A_422, %get3A_426 : vector<16xf32>
        %add3A_428 = arith.addf %mul3A_223, %mul3A_427 : vector<16xf32>
        %add3A_429 = arith.constant 3 : i32
        %add3A_430 = arith.addi %mul3A_185, %add3A_429 : i32
        %get3A_431 = arith.index_cast %add3A_430 : i32 to index
        %get3A_432 = arith.constant 16 : index
        %get3A_433 = tpu.vector_load %arg10[%get3A_431, %get3A_432] {strides = array<i32>} : memref<256x64xf32, #tpu.memory_space<vmem>>, vector<1x16xf32>,
        %get3A_434 = vector.shape_cast %get3A_433 : vector<1x16xf32> to vector<16xf32>
        %get3A_435 = arith.index_cast %add3A_430 : i32 to index
        %get3A_436 = arith.constant 16 : index
        %get3A_437 = tpu.vector_load %arg12[%get3A_435, %get3A_436] {strides = array<i32>} : memref<256x64xf32, #tpu.memory_space<vmem>>, vector<1x16xf32>,
        %get3A_438 = vector.shape_cast %get3A_437 : vector<1x16xf32> to vector<16xf32>
        %mul3A_439 = arith.mulf %get3A_434, %get3A_438 : vector<16xf32>
        %add3A_440 = arith.addf %mul3A_236, %mul3A_439 : vector<16xf32>
        %add3A_441 = arith.constant 4 : i32
        %add3A_442 = arith.addi %mul3A_185, %add3A_441 : i32
        %get3A_443 = arith.index_cast %add3A_442 : i32 to index
        %get3A_444 = arith.constant 16 : index
        %get3A_445 = tpu.vector_load %arg10[%get3A_443, %get3A_444] {strides = array<i32>} : memref<256x64xf32, #tpu.memory_space<vmem>>, vector<1x16xf32>,
        %get3A_446 = vector.shape_cast %get3A_445 : vector<1x16xf32> to vector<16xf32>
        %get3A_447 = arith.index_cast %add3A_442 : i32 to index
        %get3A_448 = arith.constant 16 : index
        %get3A_449 = tpu.vector_load %arg12[%get3A_447, %get3A_448] {strides = array<i32>} : memref<256x64xf32, #tpu.memory_space<vmem>>, vector<1x16xf32>,
        %get3A_450 = vector.shape_cast %get3A_449 : vector<1x16xf32> to vector<16xf32>
        %mul3A_451 = arith.mulf %get3A_446, %get3A_450 : vector<16xf32>
        %add3A_452 = arith.addf %mul3A_249, %mul3A_451 : vector<16xf32>
        %add3A_453 = arith.constant 5 : i32
        %add3A_454 = arith.addi %mul3A_185, %add3A_453 : i32
        %get3A_455 = arith.index_cast %add3A_454 : i32 to index
        %get3A_456 = arith.constant 16 : index
        %get3A_457 = tpu.vector_load %arg10[%get3A_455, %get3A_456] {strides = array<i32>} : memref<256x64xf32, #tpu.memory_space<vmem>>, vector<1x16xf32>,
        %get3A_458 = vector.shape_cast %get3A_457 : vector<1x16xf32> to vector<16xf32>
        %get3A_459 = arith.index_cast %add3A_454 : i32 to index
        %get3A_460 = arith.constant 16 : index
        %get3A_461 = tpu.vector_load %arg12[%get3A_459, %get3A_460] {strides = array<i32>} : memref<256x64xf32, #tpu.memory_space<vmem>>, vector<1x16xf32>,
        %get3A_462 = vector.shape_cast %get3A_461 : vector<1x16xf32> to vector<16xf32>
        %mul3A_463 = arith.mulf %get3A_458, %get3A_462 : vector<16xf32>
        %add3A_464 = arith.addf %mul3A_262, %mul3A_463 : vector<16xf32>
        %add3A_465 = arith.constant 6 : i32
        %add3A_466 = arith.addi %mul3A_185, %add3A_465 : i32
        %get3A_467 = arith.index_cast %add3A_466 : i32 to index
        %get3A_468 = arith.constant 16 : index
        %get3A_469 = tpu.vector_load %arg10[%get3A_467, %get3A_468] {strides = array<i32>} : memref<256x64xf32, #tpu.memory_space<vmem>>, vector<1x16xf32>,
        %get3A_470 = vector.shape_cast %get3A_469 : vector<1x16xf32> to vector<16xf32>
        %get3A_471 = arith.index_cast %add3A_466 : i32 to index
        %get3A_472 = arith.constant 16 : index
        %get3A_473 = tpu.vector_load %arg12[%get3A_471, %get3A_472] {strides = array<i32>} : memref<256x64xf32, #tpu.memory_space<vmem>>, vector<1x16xf32>,
        %get3A_474 = vector.shape_cast %get3A_473 : vector<1x16xf32> to vector<16xf32>
        %mul3A_475 = arith.mulf %get3A_470, %get3A_474 : vector<16xf32>
        %add3A_476 = arith.addf %mul3A_275, %mul3A_475 : vector<16xf32>
        %add3A_477 = arith.constant 7 : i32
        %add3A_478 = arith.addi %mul3A_185, %add3A_477 : i32
        %get3A_479 = arith.index_cast %add3A_478 : i32 to index
        %get3A_480 = arith.constant 16 : index
        %get3A_481 = tpu.vector_load %arg10[%get3A_479, %get3A_480] {strides = array<i32>} : memref<256x64xf32, #tpu.memory_space<vmem>>, vector<1x16xf32>,
        %get3A_482 = vector.shape_cast %get3A_481 : vector<1x16xf32> to vector<16xf32>
        %get3A_483 = arith.index_cast %add3A_478 : i32 to index
        %get3A_484 = arith.constant 16 : index
        %get3A_485 = tpu.vector_load %arg12[%get3A_483, %get3A_484] {strides = array<i32>} : memref<256x64xf32, #tpu.memory_space<vmem>>, vector<1x16xf32>,
        %get3A_486 = vector.shape_cast %get3A_485 : vector<1x16xf32> to vector<16xf32>
        %mul3A_487 = arith.mulf %get3A_482, %get3A_486 : vector<16xf32>
        %add3A_488 = arith.addf %mul3A_288, %mul3A_487 : vector<16xf32>
        %add3A_489 = arith.constant 8 : i32
        %add3A_490 = arith.addi %mul3A_185, %add3A_489 : i32
        %get3A_491 = arith.index_cast %add3A_490 : i32 to index
        %get3A_492 = arith.constant 16 : index
        %get3A_493 = tpu.vector_load %arg10[%get3A_491, %get3A_492] {strides = array<i32>} : memref<256x64xf32, #tpu.memory_space<vmem>>, vector<1x16xf32>,
        %get3A_494 = vector.shape_cast %get3A_493 : vector<1x16xf32> to vector<16xf32>
        %get3A_495 = arith.index_cast %add3A_490 : i32 to index
        %get3A_496 = arith.constant 16 : index
        %get3A_497 = tpu.vector_load %arg12[%get3A_495, %get3A_496] {strides = array<i32>} : memref<256x64xf32, #tpu.memory_space<vmem>>, vector<1x16xf32>,
        %get3A_498 = vector.shape_cast %get3A_497 : vector<1x16xf32> to vector<16xf32>
        %mul3A_499 = arith.mulf %get3A_494, %get3A_498 : vector<16xf32>
        %add3A_500 = arith.addf %mul3A_301, %mul3A_499 : vector<16xf32>
        %add3A_501 = arith.constant 9 : i32
        %add3A_502 = arith.addi %mul3A_185, %add3A_501 : i32
        %get3A_503 = arith.index_cast %add3A_502 : i32 to index
        %get3A_504 = arith.constant 16 : index
        %get3A_505 = tpu.vector_load %arg10[%get3A_503, %get3A_504] {strides = array<i32>} : memref<256x64xf32, #tpu.memory_space<vmem>>, vector<1x16xf32>,
        %get3A_506 = vector.shape_cast %get3A_505 : vector<1x16xf32> to vector<16xf32>
        %get3A_507 = arith.index_cast %add3A_502 : i32 to index
        %get3A_508 = arith.constant 16 : index
        %get3A_509 = tpu.vector_load %arg12[%get3A_507, %get3A_508] {strides = array<i32>} : memref<256x64xf32, #tpu.memory_space<vmem>>, vector<1x16xf32>,
        %get3A_510 = vector.shape_cast %get3A_509 : vector<1x16xf32> to vector<16xf32>
        %mul3A_511 = arith.mulf %get3A_506, %get3A_510 : vector<16xf32>
        %add3A_512 = arith.addf %mul3A_314, %mul3A_511 : vector<16xf32>
        %add3A_513 = arith.constant 10 : i32
        %add3A_514 = arith.addi %mul3A_185, %add3A_513 : i32
        %get3A_515 = arith.index_cast %add3A_514 : i32 to index
        %get3A_516 = arith.constant 16 : index
        %get3A_517 = tpu.vector_load %arg10[%get3A_515, %get3A_516] {strides = array<i32>} : memref<256x64xf32, #tpu.memory_space<vmem>>, vector<1x16xf32>,
        %get3A_518 = vector.shape_cast %get3A_517 : vector<1x16xf32> to vector<16xf32>
        %get3A_519 = arith.index_cast %add3A_514 : i32 to index
        %get3A_520 = arith.constant 16 : index
        %get3A_521 = tpu.vector_load %arg12[%get3A_519, %get3A_520] {strides = array<i32>} : memref<256x64xf32, #tpu.memory_space<vmem>>, vector<1x16xf32>,
        %get3A_522 = vector.shape_cast %get3A_521 : vector<1x16xf32> to vector<16xf32>
        %mul3A_523 = arith.mulf %get3A_518, %get3A_522 : vector<16xf32>
        %add3A_524 = arith.addf %mul3A_327, %mul3A_523 : vector<16xf32>
        %add3A_525 = arith.constant 11 : i32
        %add3A_526 = arith.addi %mul3A_185, %add3A_525 : i32
        %get3A_527 = arith.index_cast %add3A_526 : i32 to index
        %get3A_528 = arith.constant 16 : index
        %get3A_529 = tpu.vector_load %arg10[%get3A_527, %get3A_528] {strides = array<i32>} : memref<256x64xf32, #tpu.memory_space<vmem>>, vector<1x16xf32>,
        %get3A_530 = vector.shape_cast %get3A_529 : vector<1x16xf32> to vector<16xf32>
        %get3A_531 = arith.index_cast %add3A_526 : i32 to index
        %get3A_532 = arith.constant 16 : index
        %get3A_533 = tpu.vector_load %arg12[%get3A_531, %get3A_532] {strides = array<i32>} : memref<256x64xf32, #tpu.memory_space<vmem>>, vector<1x16xf32>,
        %get3A_534 = vector.shape_cast %get3A_533 : vector<1x16xf32> to vector<16xf32>
        %mul3A_535 = arith.mulf %get3A_530, %get3A_534 : vector<16xf32>
        %add3A_536 = arith.addf %mul3A_340, %mul3A_535 : vector<16xf32>
        %add3A_537 = arith.constant 12 : i32
        %add3A_538 = arith.addi %mul3A_185, %add3A_537 : i32
        %get3A_539 = arith.index_cast %add3A_538 : i32 to index
        %get3A_540 = arith.constant 16 : index
        %get3A_541 = tpu.vector_load %arg10[%get3A_539, %get3A_540] {strides = array<i32>} : memref<256x64xf32, #tpu.memory_space<vmem>>, vector<1x16xf32>,
        %get3A_542 = vector.shape_cast %get3A_541 : vector<1x16xf32> to vector<16xf32>
        %get3A_543 = arith.index_cast %add3A_538 : i32 to index
        %get3A_544 = arith.constant 16 : index
        %get3A_545 = tpu.vector_load %arg12[%get3A_543, %get3A_544] {strides = array<i32>} : memref<256x64xf32, #tpu.memory_space<vmem>>, vector<1x16xf32>,
        %get3A_546 = vector.shape_cast %get3A_545 : vector<1x16xf32> to vector<16xf32>
        %mul3A_547 = arith.mulf %get3A_542, %get3A_546 : vector<16xf32>
        %add3A_548 = arith.addf %mul3A_353, %mul3A_547 : vector<16xf32>
        %add3A_549 = arith.constant 13 : i32
        %add3A_550 = arith.addi %mul3A_185, %add3A_549 : i32
        %get3A_551 = arith.index_cast %add3A_550 : i32 to index
        %get3A_552 = arith.constant 16 : index
        %get3A_553 = tpu.vector_load %arg10[%get3A_551, %get3A_552] {strides = array<i32>} : memref<256x64xf32, #tpu.memory_space<vmem>>, vector<1x16xf32>,
        %get3A_554 = vector.shape_cast %get3A_553 : vector<1x16xf32> to vector<16xf32>
        %get3A_555 = arith.index_cast %add3A_550 : i32 to index
        %get3A_556 = arith.constant 16 : index
        %get3A_557 = tpu.vector_load %arg12[%get3A_555, %get3A_556] {strides = array<i32>} : memref<256x64xf32, #tpu.memory_space<vmem>>, vector<1x16xf32>,
        %get3A_558 = vector.shape_cast %get3A_557 : vector<1x16xf32> to vector<16xf32>
        %mul3A_559 = arith.mulf %get3A_554, %get3A_558 : vector<16xf32>
        %add3A_560 = arith.addf %mul3A_366, %mul3A_559 : vector<16xf32>
        %add3A_561 = arith.constant 14 : i32
        %add3A_562 = arith.addi %mul3A_185, %add3A_561 : i32
        %get3A_563 = arith.index_cast %add3A_562 : i32 to index
        %get3A_564 = arith.constant 16 : index
        %get3A_565 = tpu.vector_load %arg10[%get3A_563, %get3A_564] {strides = array<i32>} : memref<256x64xf32, #tpu.memory_space<vmem>>, vector<1x16xf32>,
        %get3A_566 = vector.shape_cast %get3A_565 : vector<1x16xf32> to vector<16xf32>
        %get3A_567 = arith.index_cast %add3A_562 : i32 to index
        %get3A_568 = arith.constant 16 : index
        %get3A_569 = tpu.vector_load %arg12[%get3A_567, %get3A_568] {strides = array<i32>} : memref<256x64xf32, #tpu.memory_space<vmem>>, vector<1x16xf32>,
        %get3A_570 = vector.shape_cast %get3A_569 : vector<1x16xf32> to vector<16xf32>
        %mul3A_571 = arith.mulf %get3A_566, %get3A_570 : vector<16xf32>
        %add3A_572 = arith.addf %mul3A_379, %mul3A_571 : vector<16xf32>
        %add3A_573 = arith.constant 15 : i32
        %add3A_574 = arith.addi %mul3A_185, %add3A_573 : i32
        %get3A_575 = arith.index_cast %add3A_574 : i32 to index
        %get3A_576 = arith.constant 16 : index
        %get3A_577 = tpu.vector_load %arg10[%get3A_575, %get3A_576] {strides = array<i32>} : memref<256x64xf32, #tpu.memory_space<vmem>>, vector<1x16xf32>,
        %get3A_578 = vector.shape_cast %get3A_577 : vector<1x16xf32> to vector<16xf32>
        %get3A_579 = arith.index_cast %add3A_574 : i32 to index
        %get3A_580 = arith.constant 16 : index
        %get3A_581 = tpu.vector_load %arg12[%get3A_579, %get3A_580] {strides = array<i32>} : memref<256x64xf32, #tpu.memory_space<vmem>>, vector<1x16xf32>,
        %get3A_582 = vector.shape_cast %get3A_581 : vector<1x16xf32> to vector<16xf32>
        %mul3A_583 = arith.mulf %get3A_578, %get3A_582 : vector<16xf32>
        %add3A_584 = arith.addf %mul3A_392, %mul3A_583 : vector<16xf32>
        %add3A_585 = arith.constant 0 : i32
        %add3A_586 = arith.addi %mul3A_185, %add3A_585 : i32
        %get3A_587 = arith.index_cast %add3A_586 : i32 to index
        %get3A_588 = arith.constant 32 : index
        %get3A_589 = tpu.vector_load %arg10[%get3A_587, %get3A_588] {strides = array<i32>} : memref<256x64xf32, #tpu.memory_space<vmem>>, vector<1x16xf32>,
        %get3A_590 = vector.shape_cast %get3A_589 : vector<1x16xf32> to vector<16xf32>
        %get3A_591 = arith.index_cast %add3A_586 : i32 to index
        %get3A_592 = arith.constant 32 : index
        %get3A_593 = tpu.vector_load %arg12[%get3A_591, %get3A_592] {strides = array<i32>} : memref<256x64xf32, #tpu.memory_space<vmem>>, vector<1x16xf32>,
        %get3A_594 = vector.shape_cast %get3A_593 : vector<1x16xf32> to vector<16xf32>
        %mul3A_595 = arith.mulf %get3A_590, %get3A_594 : vector<16xf32>
        %add3A_596 = arith.addf %add3A_404, %mul3A_595 : vector<16xf32>
        %add3A_597 = arith.constant 1 : i32
        %add3A_598 = arith.addi %mul3A_185, %add3A_597 : i32
        %get3A_599 = arith.index_cast %add3A_598 : i32 to index
        %get3A_600 = arith.constant 32 : index
        %get3A_601 = tpu.vector_load %arg10[%get3A_599, %get3A_600] {strides = array<i32>} : memref<256x64xf32, #tpu.memory_space<vmem>>, vector<1x16xf32>,
        %get3A_602 = vector.shape_cast %get3A_601 : vector<1x16xf32> to vector<16xf32>
        %get3A_603 = arith.index_cast %add3A_598 : i32 to index
        %get3A_604 = arith.constant 32 : index
        %get3A_605 = tpu.vector_load %arg12[%get3A_603, %get3A_604] {strides = array<i32>} : memref<256x64xf32, #tpu.memory_space<vmem>>, vector<1x16xf32>,
        %get3A_606 = vector.shape_cast %get3A_605 : vector<1x16xf32> to vector<16xf32>
        %mul3A_607 = arith.mulf %get3A_602, %get3A_606 : vector<16xf32>
        %add3A_608 = arith.addf %add3A_416, %mul3A_607 : vector<16xf32>
        %add3A_609 = arith.constant 2 : i32
        %add3A_610 = arith.addi %mul3A_185, %add3A_609 : i32
        %get3A_611 = arith.index_cast %add3A_610 : i32 to index
        %get3A_612 = arith.constant 32 : index
        %get3A_613 = tpu.vector_load %arg10[%get3A_611, %get3A_612] {strides = array<i32>} : memref<256x64xf32, #tpu.memory_space<vmem>>, vector<1x16xf32>,
        %get3A_614 = vector.shape_cast %get3A_613 : vector<1x16xf32> to vector<16xf32>
        %get3A_615 = arith.index_cast %add3A_610 : i32 to index
        %get3A_616 = arith.constant 32 : index
        %get3A_617 = tpu.vector_load %arg12[%get3A_615, %get3A_616] {strides = array<i32>} : memref<256x64xf32, #tpu.memory_space<vmem>>, vector<1x16xf32>,
        %get3A_618 = vector.shape_cast %get3A_617 : vector<1x16xf32> to vector<16xf32>
        %mul3A_619 = arith.mulf %get3A_614, %get3A_618 : vector<16xf32>
        %add3A_620 = arith.addf %add3A_428, %mul3A_619 : vector<16xf32>
        %add3A_621 = arith.constant 3 : i32
        %add3A_622 = arith.addi %mul3A_185, %add3A_621 : i32
        %get3A_623 = arith.index_cast %add3A_622 : i32 to index
        %get3A_624 = arith.constant 32 : index
        %get3A_625 = tpu.vector_load %arg10[%get3A_623, %get3A_624] {strides = array<i32>} : memref<256x64xf32, #tpu.memory_space<vmem>>, vector<1x16xf32>,
        %get3A_626 = vector.shape_cast %get3A_625 : vector<1x16xf32> to vector<16xf32>
        %get3A_627 = arith.index_cast %add3A_622 : i32 to index
        %get3A_628 = arith.constant 32 : index
        %get3A_629 = tpu.vector_load %arg12[%get3A_627, %get3A_628] {strides = array<i32>} : memref<256x64xf32, #tpu.memory_space<vmem>>, vector<1x16xf32>,
        %get3A_630 = vector.shape_cast %get3A_629 : vector<1x16xf32> to vector<16xf32>
        %mul3A_631 = arith.mulf %get3A_626, %get3A_630 : vector<16xf32>
        %add3A_632 = arith.addf %add3A_440, %mul3A_631 : vector<16xf32>
        %add3A_633 = arith.constant 4 : i32
        %add3A_634 = arith.addi %mul3A_185, %add3A_633 : i32
        %get3A_635 = arith.index_cast %add3A_634 : i32 to index
        %get3A_636 = arith.constant 32 : index
        %get3A_637 = tpu.vector_load %arg10[%get3A_635, %get3A_636] {strides = array<i32>} : memref<256x64xf32, #tpu.memory_space<vmem>>, vector<1x16xf32>,
        %get3A_638 = vector.shape_cast %get3A_637 : vector<1x16xf32> to vector<16xf32>
        %get3A_639 = arith.index_cast %add3A_634 : i32 to index
        %get3A_640 = arith.constant 32 : index
        %get3A_641 = tpu.vector_load %arg12[%get3A_639, %get3A_640] {strides = array<i32>} : memref<256x64xf32, #tpu.memory_space<vmem>>, vector<1x16xf32>,
        %get3A_642 = vector.shape_cast %get3A_641 : vector<1x16xf32> to vector<16xf32>
        %mul3A_643 = arith.mulf %get3A_638, %get3A_642 : vector<16xf32>
        %add3A_644 = arith.addf %add3A_452, %mul3A_643 : vector<16xf32>
        %add3A_645 = arith.constant 5 : i32
        %add3A_646 = arith.addi %mul3A_185, %add3A_645 : i32
        %get3A_647 = arith.index_cast %add3A_646 : i32 to index
        %get3A_648 = arith.constant 32 : index
        %get3A_649 = tpu.vector_load %arg10[%get3A_647, %get3A_648] {strides = array<i32>} : memref<256x64xf32, #tpu.memory_space<vmem>>, vector<1x16xf32>,
        %get3A_650 = vector.shape_cast %get3A_649 : vector<1x16xf32> to vector<16xf32>
        %get3A_651 = arith.index_cast %add3A_646 : i32 to index
        %get3A_652 = arith.constant 32 : index
        %get3A_653 = tpu.vector_load %arg12[%get3A_651, %get3A_652] {strides = array<i32>} : memref<256x64xf32, #tpu.memory_space<vmem>>, vector<1x16xf32>,
        %get3A_654 = vector.shape_cast %get3A_653 : vector<1x16xf32> to vector<16xf32>
        %mul3A_655 = arith.mulf %get3A_650, %get3A_654 : vector<16xf32>
        %add3A_656 = arith.addf %add3A_464, %mul3A_655 : vector<16xf32>
        %add3A_657 = arith.constant 6 : i32
        %add3A_658 = arith.addi %mul3A_185, %add3A_657 : i32
        %get3A_659 = arith.index_cast %add3A_658 : i32 to index
        %get3A_660 = arith.constant 32 : index
        %get3A_661 = tpu.vector_load %arg10[%get3A_659, %get3A_660] {strides = array<i32>} : memref<256x64xf32, #tpu.memory_space<vmem>>, vector<1x16xf32>,
        %get3A_662 = vector.shape_cast %get3A_661 : vector<1x16xf32> to vector<16xf32>
        %get3A_663 = arith.index_cast %add3A_658 : i32 to index
        %get3A_664 = arith.constant 32 : index
        %get3A_665 = tpu.vector_load %arg12[%get3A_663, %get3A_664] {strides = array<i32>} : memref<256x64xf32, #tpu.memory_space<vmem>>, vector<1x16xf32>,
        %get3A_666 = vector.shape_cast %get3A_665 : vector<1x16xf32> to vector<16xf32>
        %mul3A_667 = arith.mulf %get3A_662, %get3A_666 : vector<16xf32>
        %add3A_668 = arith.addf %add3A_476, %mul3A_667 : vector<16xf32>
        %add3A_669 = arith.constant 7 : i32
        %add3A_670 = arith.addi %mul3A_185, %add3A_669 : i32
        %get3A_671 = arith.index_cast %add3A_670 : i32 to index
        %get3A_672 = arith.constant 32 : index
        %get3A_673 = tpu.vector_load %arg10[%get3A_671, %get3A_672] {strides = array<i32>} : memref<256x64xf32, #tpu.memory_space<vmem>>, vector<1x16xf32>,
        %get3A_674 = vector.shape_cast %get3A_673 : vector<1x16xf32> to vector<16xf32>
        %get3A_675 = arith.index_cast %add3A_670 : i32 to index
        %get3A_676 = arith.constant 32 : index
        %get3A_677 = tpu.vector_load %arg12[%get3A_675, %get3A_676] {strides = array<i32>} : memref<256x64xf32, #tpu.memory_space<vmem>>, vector<1x16xf32>,
        %get3A_678 = vector.shape_cast %get3A_677 : vector<1x16xf32> to vector<16xf32>
        %mul3A_679 = arith.mulf %get3A_674, %get3A_678 : vector<16xf32>
        %add3A_680 = arith.addf %add3A_488, %mul3A_679 : vector<16xf32>
        %add3A_681 = arith.constant 8 : i32
        %add3A_682 = arith.addi %mul3A_185, %add3A_681 : i32
        %get3A_683 = arith.index_cast %add3A_682 : i32 to index
        %get3A_684 = arith.constant 32 : index
        %get3A_685 = tpu.vector_load %arg10[%get3A_683, %get3A_684] {strides = array<i32>} : memref<256x64xf32, #tpu.memory_space<vmem>>, vector<1x16xf32>,
        %get3A_686 = vector.shape_cast %get3A_685 : vector<1x16xf32> to vector<16xf32>
        %get3A_687 = arith.index_cast %add3A_682 : i32 to index
        %get3A_688 = arith.constant 32 : index
        %get3A_689 = tpu.vector_load %arg12[%get3A_687, %get3A_688] {strides = array<i32>} : memref<256x64xf32, #tpu.memory_space<vmem>>, vector<1x16xf32>,
        %get3A_690 = vector.shape_cast %get3A_689 : vector<1x16xf32> to vector<16xf32>
        %mul3A_691 = arith.mulf %get3A_686, %get3A_690 : vector<16xf32>
        %add3A_692 = arith.addf %add3A_500, %mul3A_691 : vector<16xf32>
        %add3A_693 = arith.constant 9 : i32
        %add3A_694 = arith.addi %mul3A_185, %add3A_693 : i32
        %get3A_695 = arith.index_cast %add3A_694 : i32 to index
        %get3A_696 = arith.constant 32 : index
        %get3A_697 = tpu.vector_load %arg10[%get3A_695, %get3A_696] {strides = array<i32>} : memref<256x64xf32, #tpu.memory_space<vmem>>, vector<1x16xf32>,
        %get3A_698 = vector.shape_cast %get3A_697 : vector<1x16xf32> to vector<16xf32>
        %get3A_699 = arith.index_cast %add3A_694 : i32 to index
        %get3A_700 = arith.constant 32 : index
        %get3A_701 = tpu.vector_load %arg12[%get3A_699, %get3A_700] {strides = array<i32>} : memref<256x64xf32, #tpu.memory_space<vmem>>, vector<1x16xf32>,
        %get3A_702 = vector.shape_cast %get3A_701 : vector<1x16xf32> to vector<16xf32>
        %mul3A_703 = arith.mulf %get3A_698, %get3A_702 : vector<16xf32>
        %add3A_704 = arith.addf %add3A_512, %mul3A_703 : vector<16xf32>
        %add3A_705 = arith.constant 10 : i32
        %add3A_706 = arith.addi %mul3A_185, %add3A_705 : i32
        %get3A_707 = arith.index_cast %add3A_706 : i32 to index
        %get3A_708 = arith.constant 32 : index
        %get3A_709 = tpu.vector_load %arg10[%get3A_707, %get3A_708] {strides = array<i32>} : memref<256x64xf32, #tpu.memory_space<vmem>>, vector<1x16xf32>,
        %get3A_710 = vector.shape_cast %get3A_709 : vector<1x16xf32> to vector<16xf32>
        %get3A_711 = arith.index_cast %add3A_706 : i32 to index
        %get3A_712 = arith.constant 32 : index
        %get3A_713 = tpu.vector_load %arg12[%get3A_711, %get3A_712] {strides = array<i32>} : memref<256x64xf32, #tpu.memory_space<vmem>>, vector<1x16xf32>,
        %get3A_714 = vector.shape_cast %get3A_713 : vector<1x16xf32> to vector<16xf32>
        %mul3A_715 = arith.mulf %get3A_710, %get3A_714 : vector<16xf32>
        %add3A_716 = arith.addf %add3A_524, %mul3A_715 : vector<16xf32>
        %add3A_717 = arith.constant 11 : i32
        %add3A_718 = arith.addi %mul3A_185, %add3A_717 : i32
        %get3A_719 = arith.index_cast %add3A_718 : i32 to index
        %get3A_720 = arith.constant 32 : index
        %get3A_721 = tpu.vector_load %arg10[%get3A_719, %get3A_720] {strides = array<i32>} : memref<256x64xf32, #tpu.memory_space<vmem>>, vector<1x16xf32>,
        %get3A_722 = vector.shape_cast %get3A_721 : vector<1x16xf32> to vector<16xf32>
        %get3A_723 = arith.index_cast %add3A_718 : i32 to index
        %get3A_724 = arith.constant 32 : index
        %get3A_725 = tpu.vector_load %arg12[%get3A_723, %get3A_724] {strides = array<i32>} : memref<256x64xf32, #tpu.memory_space<vmem>>, vector<1x16xf32>,
        %get3A_726 = vector.shape_cast %get3A_725 : vector<1x16xf32> to vector<16xf32>
        %mul3A_727 = arith.mulf %get3A_722, %get3A_726 : vector<16xf32>
        %add3A_728 = arith.addf %add3A_536, %mul3A_727 : vector<16xf32>
        %add3A_729 = arith.constant 12 : i32
        %add3A_730 = arith.addi %mul3A_185, %add3A_729 : i32
        %get3A_731 = arith.index_cast %add3A_730 : i32 to index
        %get3A_732 = arith.constant 32 : index
        %get3A_733 = tpu.vector_load %arg10[%get3A_731, %get3A_732] {strides = array<i32>} : memref<256x64xf32, #tpu.memory_space<vmem>>, vector<1x16xf32>,
        %get3A_734 = vector.shape_cast %get3A_733 : vector<1x16xf32> to vector<16xf32>
        %get3A_735 = arith.index_cast %add3A_730 : i32 to index
        %get3A_736 = arith.constant 32 : index
        %get3A_737 = tpu.vector_load %arg12[%get3A_735, %get3A_736] {strides = array<i32>} : memref<256x64xf32, #tpu.memory_space<vmem>>, vector<1x16xf32>,
        %get3A_738 = vector.shape_cast %get3A_737 : vector<1x16xf32> to vector<16xf32>
        %mul3A_739 = arith.mulf %get3A_734, %get3A_738 : vector<16xf32>
        %add3A_740 = arith.addf %add3A_548, %mul3A_739 : vector<16xf32>
        %add3A_741 = arith.constant 13 : i32
        %add3A_742 = arith.addi %mul3A_185, %add3A_741 : i32
        %get3A_743 = arith.index_cast %add3A_742 : i32 to index
        %get3A_744 = arith.constant 32 : index
        %get3A_745 = tpu.vector_load %arg10[%get3A_743, %get3A_744] {strides = array<i32>} : memref<256x64xf32, #tpu.memory_space<vmem>>, vector<1x16xf32>,
        %get3A_746 = vector.shape_cast %get3A_745 : vector<1x16xf32> to vector<16xf32>
        %get3A_747 = arith.index_cast %add3A_742 : i32 to index
        %get3A_748 = arith.constant 32 : index
        %get3A_749 = tpu.vector_load %arg12[%get3A_747, %get3A_748] {strides = array<i32>} : memref<256x64xf32, #tpu.memory_space<vmem>>, vector<1x16xf32>,
        %get3A_750 = vector.shape_cast %get3A_749 : vector<1x16xf32> to vector<16xf32>
        %mul3A_751 = arith.mulf %get3A_746, %get3A_750 : vector<16xf32>
        %add3A_752 = arith.addf %add3A_560, %mul3A_751 : vector<16xf32>
        %add3A_753 = arith.constant 14 : i32
        %add3A_754 = arith.addi %mul3A_185, %add3A_753 : i32
        %get3A_755 = arith.index_cast %add3A_754 : i32 to index
        %get3A_756 = arith.constant 32 : index
        %get3A_757 = tpu.vector_load %arg10[%get3A_755, %get3A_756] {strides = array<i32>} : memref<256x64xf32, #tpu.memory_space<vmem>>, vector<1x16xf32>,
        %get3A_758 = vector.shape_cast %get3A_757 : vector<1x16xf32> to vector<16xf32>
        %get3A_759 = arith.index_cast %add3A_754 : i32 to index
        %get3A_760 = arith.constant 32 : index
        %get3A_761 = tpu.vector_load %arg12[%get3A_759, %get3A_760] {strides = array<i32>} : memref<256x64xf32, #tpu.memory_space<vmem>>, vector<1x16xf32>,
        %get3A_762 = vector.shape_cast %get3A_761 : vector<1x16xf32> to vector<16xf32>
        %mul3A_763 = arith.mulf %get3A_758, %get3A_762 : vector<16xf32>
        %add3A_764 = arith.addf %add3A_572, %mul3A_763 : vector<16xf32>
        %add3A_765 = arith.constant 15 : i32
        %add3A_766 = arith.addi %mul3A_185, %add3A_765 : i32
        %get3A_767 = arith.index_cast %add3A_766 : i32 to index
        %get3A_768 = arith.constant 32 : index
        %get3A_769 = tpu.vector_load %arg10[%get3A_767, %get3A_768] {strides = array<i32>} : memref<256x64xf32, #tpu.memory_space<vmem>>, vector<1x16xf32>,
        %get3A_770 = vector.shape_cast %get3A_769 : vector<1x16xf32> to vector<16xf32>
        %get3A_771 = arith.index_cast %add3A_766 : i32 to index
        %get3A_772 = arith.constant 32 : index
        %get3A_773 = tpu.vector_load %arg12[%get3A_771, %get3A_772] {strides = array<i32>} : memref<256x64xf32, #tpu.memory_space<vmem>>, vector<1x16xf32>,
        %get3A_774 = vector.shape_cast %get3A_773 : vector<1x16xf32> to vector<16xf32>
        %mul3A_775 = arith.mulf %get3A_770, %get3A_774 : vector<16xf32>
        %add3A_776 = arith.addf %add3A_584, %mul3A_775 : vector<16xf32>
        %add3A_777 = arith.constant 0 : i32
        %add3A_778 = arith.addi %mul3A_185, %add3A_777 : i32
        %get3A_779 = arith.index_cast %add3A_778 : i32 to index
        %get3A_780 = arith.constant 48 : index
        %get3A_781 = tpu.vector_load %arg10[%get3A_779, %get3A_780] {strides = array<i32>} : memref<256x64xf32, #tpu.memory_space<vmem>>, vector<1x16xf32>,
        %get3A_782 = vector.shape_cast %get3A_781 : vector<1x16xf32> to vector<16xf32>
        %get3A_783 = arith.index_cast %add3A_778 : i32 to index
        %get3A_784 = arith.constant 48 : index
        %get3A_785 = tpu.vector_load %arg12[%get3A_783, %get3A_784] {strides = array<i32>} : memref<256x64xf32, #tpu.memory_space<vmem>>, vector<1x16xf32>,
        %get3A_786 = vector.shape_cast %get3A_785 : vector<1x16xf32> to vector<16xf32>
        %mul3A_787 = arith.mulf %get3A_782, %get3A_786 : vector<16xf32>
        %add3A_788 = arith.addf %add3A_596, %mul3A_787 : vector<16xf32>
        %add3A_789 = arith.constant 1 : i32
        %add3A_790 = arith.addi %mul3A_185, %add3A_789 : i32
        %get3A_791 = arith.index_cast %add3A_790 : i32 to index
        %get3A_792 = arith.constant 48 : index
        %get3A_793 = tpu.vector_load %arg10[%get3A_791, %get3A_792] {strides = array<i32>} : memref<256x64xf32, #tpu.memory_space<vmem>>, vector<1x16xf32>,
        %get3A_794 = vector.shape_cast %get3A_793 : vector<1x16xf32> to vector<16xf32>
        %get3A_795 = arith.index_cast %add3A_790 : i32 to index
        %get3A_796 = arith.constant 48 : index
        %get3A_797 = tpu.vector_load %arg12[%get3A_795, %get3A_796] {strides = array<i32>} : memref<256x64xf32, #tpu.memory_space<vmem>>, vector<1x16xf32>,
        %get3A_798 = vector.shape_cast %get3A_797 : vector<1x16xf32> to vector<16xf32>
        %mul3A_799 = arith.mulf %get3A_794, %get3A_798 : vector<16xf32>
        %add3A_800 = arith.addf %add3A_608, %mul3A_799 : vector<16xf32>
        %add3A_801 = arith.constant 2 : i32
        %add3A_802 = arith.addi %mul3A_185, %add3A_801 : i32
        %get3A_803 = arith.index_cast %add3A_802 : i32 to index
        %get3A_804 = arith.constant 48 : index
        %get3A_805 = tpu.vector_load %arg10[%get3A_803, %get3A_804] {strides = array<i32>} : memref<256x64xf32, #tpu.memory_space<vmem>>, vector<1x16xf32>,
        %get3A_806 = vector.shape_cast %get3A_805 : vector<1x16xf32> to vector<16xf32>
        %get3A_807 = arith.index_cast %add3A_802 : i32 to index
        %get3A_808 = arith.constant 48 : index
        %get3A_809 = tpu.vector_load %arg12[%get3A_807, %get3A_808] {strides = array<i32>} : memref<256x64xf32, #tpu.memory_space<vmem>>, vector<1x16xf32>,
        %get3A_810 = vector.shape_cast %get3A_809 : vector<1x16xf32> to vector<16xf32>
        %mul3A_811 = arith.mulf %get3A_806, %get3A_810 : vector<16xf32>
        %add3A_812 = arith.addf %add3A_620, %mul3A_811 : vector<16xf32>
        %add3A_813 = arith.constant 3 : i32
        %add3A_814 = arith.addi %mul3A_185, %add3A_813 : i32
        %get3A_815 = arith.index_cast %add3A_814 : i32 to index
        %get3A_816 = arith.constant 48 : index
        %get3A_817 = tpu.vector_load %arg10[%get3A_815, %get3A_816] {strides = array<i32>} : memref<256x64xf32, #tpu.memory_space<vmem>>, vector<1x16xf32>,
        %get3A_818 = vector.shape_cast %get3A_817 : vector<1x16xf32> to vector<16xf32>
        %get3A_819 = arith.index_cast %add3A_814 : i32 to index
        %get3A_820 = arith.constant 48 : index
        %get3A_821 = tpu.vector_load %arg12[%get3A_819, %get3A_820] {strides = array<i32>} : memref<256x64xf32, #tpu.memory_space<vmem>>, vector<1x16xf32>,
        %get3A_822 = vector.shape_cast %get3A_821 : vector<1x16xf32> to vector<16xf32>
        %mul3A_823 = arith.mulf %get3A_818, %get3A_822 : vector<16xf32>
        %add3A_824 = arith.addf %add3A_632, %mul3A_823 : vector<16xf32>
        %add3A_825 = arith.constant 4 : i32
        %add3A_826 = arith.addi %mul3A_185, %add3A_825 : i32
        %get3A_827 = arith.index_cast %add3A_826 : i32 to index
        %get3A_828 = arith.constant 48 : index
        %get3A_829 = tpu.vector_load %arg10[%get3A_827, %get3A_828] {strides = array<i32>} : memref<256x64xf32, #tpu.memory_space<vmem>>, vector<1x16xf32>,
        %get3A_830 = vector.shape_cast %get3A_829 : vector<1x16xf32> to vector<16xf32>
        %get3A_831 = arith.index_cast %add3A_826 : i32 to index
        %get3A_832 = arith.constant 48 : index
        %get3A_833 = tpu.vector_load %arg12[%get3A_831, %get3A_832] {strides = array<i32>} : memref<256x64xf32, #tpu.memory_space<vmem>>, vector<1x16xf32>,
        %get3A_834 = vector.shape_cast %get3A_833 : vector<1x16xf32> to vector<16xf32>
        %mul3A_835 = arith.mulf %get3A_830, %get3A_834 : vector<16xf32>
        %add3A_836 = arith.addf %add3A_644, %mul3A_835 : vector<16xf32>
        %add3A_837 = arith.constant 5 : i32
        %add3A_838 = arith.addi %mul3A_185, %add3A_837 : i32
        %get3A_839 = arith.index_cast %add3A_838 : i32 to index
        %get3A_840 = arith.constant 48 : index
        %get3A_841 = tpu.vector_load %arg10[%get3A_839, %get3A_840] {strides = array<i32>} : memref<256x64xf32, #tpu.memory_space<vmem>>, vector<1x16xf32>,
        %get3A_842 = vector.shape_cast %get3A_841 : vector<1x16xf32> to vector<16xf32>
        %get3A_843 = arith.index_cast %add3A_838 : i32 to index
        %get3A_844 = arith.constant 48 : index
        %get3A_845 = tpu.vector_load %arg12[%get3A_843, %get3A_844] {strides = array<i32>} : memref<256x64xf32, #tpu.memory_space<vmem>>, vector<1x16xf32>,
        %get3A_846 = vector.shape_cast %get3A_845 : vector<1x16xf32> to vector<16xf32>
        %mul3A_847 = arith.mulf %get3A_842, %get3A_846 : vector<16xf32>
        %add3A_848 = arith.addf %add3A_656, %mul3A_847 : vector<16xf32>
        %add3A_849 = arith.constant 6 : i32
        %add3A_850 = arith.addi %mul3A_185, %add3A_849 : i32
        %get3A_851 = arith.index_cast %add3A_850 : i32 to index
        %get3A_852 = arith.constant 48 : index
        %get3A_853 = tpu.vector_load %arg10[%get3A_851, %get3A_852] {strides = array<i32>} : memref<256x64xf32, #tpu.memory_space<vmem>>, vector<1x16xf32>,
        %get3A_854 = vector.shape_cast %get3A_853 : vector<1x16xf32> to vector<16xf32>
        %get3A_855 = arith.index_cast %add3A_850 : i32 to index
        %get3A_856 = arith.constant 48 : index
        %get3A_857 = tpu.vector_load %arg12[%get3A_855, %get3A_856] {strides = array<i32>} : memref<256x64xf32, #tpu.memory_space<vmem>>, vector<1x16xf32>,
        %get3A_858 = vector.shape_cast %get3A_857 : vector<1x16xf32> to vector<16xf32>
        %mul3A_859 = arith.mulf %get3A_854, %get3A_858 : vector<16xf32>
        %add3A_860 = arith.addf %add3A_668, %mul3A_859 : vector<16xf32>
        %add3A_861 = arith.constant 7 : i32
        %add3A_862 = arith.addi %mul3A_185, %add3A_861 : i32
        %get3A_863 = arith.index_cast %add3A_862 : i32 to index
        %get3A_864 = arith.constant 48 : index
        %get3A_865 = tpu.vector_load %arg10[%get3A_863, %get3A_864] {strides = array<i32>} : memref<256x64xf32, #tpu.memory_space<vmem>>, vector<1x16xf32>,
        %get3A_866 = vector.shape_cast %get3A_865 : vector<1x16xf32> to vector<16xf32>
        %get3A_867 = arith.index_cast %add3A_862 : i32 to index
        %get3A_868 = arith.constant 48 : index
        %get3A_869 = tpu.vector_load %arg12[%get3A_867, %get3A_868] {strides = array<i32>} : memref<256x64xf32, #tpu.memory_space<vmem>>, vector<1x16xf32>,
        %get3A_870 = vector.shape_cast %get3A_869 : vector<1x16xf32> to vector<16xf32>
        %mul3A_871 = arith.mulf %get3A_866, %get3A_870 : vector<16xf32>
        %add3A_872 = arith.addf %add3A_680, %mul3A_871 : vector<16xf32>
        %add3A_873 = arith.constant 8 : i32
        %add3A_874 = arith.addi %mul3A_185, %add3A_873 : i32
        %get3A_875 = arith.index_cast %add3A_874 : i32 to index
        %get3A_876 = arith.constant 48 : index
        %get3A_877 = tpu.vector_load %arg10[%get3A_875, %get3A_876] {strides = array<i32>} : memref<256x64xf32, #tpu.memory_space<vmem>>, vector<1x16xf32>,
        %get3A_878 = vector.shape_cast %get3A_877 : vector<1x16xf32> to vector<16xf32>
        %get3A_879 = arith.index_cast %add3A_874 : i32 to index
        %get3A_880 = arith.constant 48 : index
        %get3A_881 = tpu.vector_load %arg12[%get3A_879, %get3A_880] {strides = array<i32>} : memref<256x64xf32, #tpu.memory_space<vmem>>, vector<1x16xf32>,
        %get3A_882 = vector.shape_cast %get3A_881 : vector<1x16xf32> to vector<16xf32>
        %mul3A_883 = arith.mulf %get3A_878, %get3A_882 : vector<16xf32>
        %add3A_884 = arith.addf %add3A_692, %mul3A_883 : vector<16xf32>
        %add3A_885 = arith.constant 9 : i32
        %add3A_886 = arith.addi %mul3A_185, %add3A_885 : i32
        %get3A_887 = arith.index_cast %add3A_886 : i32 to index
        %get3A_888 = arith.constant 48 : index
        %get3A_889 = tpu.vector_load %arg10[%get3A_887, %get3A_888] {strides = array<i32>} : memref<256x64xf32, #tpu.memory_space<vmem>>, vector<1x16xf32>,
        %get3A_890 = vector.shape_cast %get3A_889 : vector<1x16xf32> to vector<16xf32>
        %get3A_891 = arith.index_cast %add3A_886 : i32 to index
        %get3A_892 = arith.constant 48 : index
        %get3A_893 = tpu.vector_load %arg12[%get3A_891, %get3A_892] {strides = array<i32>} : memref<256x64xf32, #tpu.memory_space<vmem>>, vector<1x16xf32>,
        %get3A_894 = vector.shape_cast %get3A_893 : vector<1x16xf32> to vector<16xf32>
        %mul3A_895 = arith.mulf %get3A_890, %get3A_894 : vector<16xf32>
        %add3A_896 = arith.addf %add3A_704, %mul3A_895 : vector<16xf32>
        %add3A_897 = arith.constant 10 : i32
        %add3A_898 = arith.addi %mul3A_185, %add3A_897 : i32
        %get3A_899 = arith.index_cast %add3A_898 : i32 to index
        %get3A_900 = arith.constant 48 : index
        %get3A_901 = tpu.vector_load %arg10[%get3A_899, %get3A_900] {strides = array<i32>} : memref<256x64xf32, #tpu.memory_space<vmem>>, vector<1x16xf32>,
        %get3A_902 = vector.shape_cast %get3A_901 : vector<1x16xf32> to vector<16xf32>
        %get3A_903 = arith.index_cast %add3A_898 : i32 to index
        %get3A_904 = arith.constant 48 : index
        %get3A_905 = tpu.vector_load %arg12[%get3A_903, %get3A_904] {strides = array<i32>} : memref<256x64xf32, #tpu.memory_space<vmem>>, vector<1x16xf32>,
        %get3A_906 = vector.shape_cast %get3A_905 : vector<1x16xf32> to vector<16xf32>
        %mul3A_907 = arith.mulf %get3A_902, %get3A_906 : vector<16xf32>
        %add3A_908 = arith.addf %add3A_716, %mul3A_907 : vector<16xf32>
        %add3A_909 = arith.constant 11 : i32
        %add3A_910 = arith.addi %mul3A_185, %add3A_909 : i32
        %get3A_911 = arith.index_cast %add3A_910 : i32 to index
        %get3A_912 = arith.constant 48 : index
        %get3A_913 = tpu.vector_load %arg10[%get3A_911, %get3A_912] {strides = array<i32>} : memref<256x64xf32, #tpu.memory_space<vmem>>, vector<1x16xf32>,
        %get3A_914 = vector.shape_cast %get3A_913 : vector<1x16xf32> to vector<16xf32>
        %get3A_915 = arith.index_cast %add3A_910 : i32 to index
        %get3A_916 = arith.constant 48 : index
        %get3A_917 = tpu.vector_load %arg12[%get3A_915, %get3A_916] {strides = array<i32>} : memref<256x64xf32, #tpu.memory_space<vmem>>, vector<1x16xf32>,
        %get3A_918 = vector.shape_cast %get3A_917 : vector<1x16xf32> to vector<16xf32>
        %mul3A_919 = arith.mulf %get3A_914, %get3A_918 : vector<16xf32>
        %add3A_920 = arith.addf %add3A_728, %mul3A_919 : vector<16xf32>
        %add3A_921 = arith.constant 12 : i32
        %add3A_922 = arith.addi %mul3A_185, %add3A_921 : i32
        %get3A_923 = arith.index_cast %add3A_922 : i32 to index
        %get3A_924 = arith.constant 48 : index
        %get3A_925 = tpu.vector_load %arg10[%get3A_923, %get3A_924] {strides = array<i32>} : memref<256x64xf32, #tpu.memory_space<vmem>>, vector<1x16xf32>,
        %get3A_926 = vector.shape_cast %get3A_925 : vector<1x16xf32> to vector<16xf32>
        %get3A_927 = arith.index_cast %add3A_922 : i32 to index
        %get3A_928 = arith.constant 48 : index
        %get3A_929 = tpu.vector_load %arg12[%get3A_927, %get3A_928] {strides = array<i32>} : memref<256x64xf32, #tpu.memory_space<vmem>>, vector<1x16xf32>,
        %get3A_930 = vector.shape_cast %get3A_929 : vector<1x16xf32> to vector<16xf32>
        %mul3A_931 = arith.mulf %get3A_926, %get3A_930 : vector<16xf32>
        %add3A_932 = arith.addf %add3A_740, %mul3A_931 : vector<16xf32>
        %add3A_933 = arith.constant 13 : i32
        %add3A_934 = arith.addi %mul3A_185, %add3A_933 : i32
        %get3A_935 = arith.index_cast %add3A_934 : i32 to index
        %get3A_936 = arith.constant 48 : index
        %get3A_937 = tpu.vector_load %arg10[%get3A_935, %get3A_936] {strides = array<i32>} : memref<256x64xf32, #tpu.memory_space<vmem>>, vector<1x16xf32>,
        %get3A_938 = vector.shape_cast %get3A_937 : vector<1x16xf32> to vector<16xf32>
        %get3A_939 = arith.index_cast %add3A_934 : i32 to index
        %get3A_940 = arith.constant 48 : index
        %get3A_941 = tpu.vector_load %arg12[%get3A_939, %get3A_940] {strides = array<i32>} : memref<256x64xf32, #tpu.memory_space<vmem>>, vector<1x16xf32>,
        %get3A_942 = vector.shape_cast %get3A_941 : vector<1x16xf32> to vector<16xf32>
        %mul3A_943 = arith.mulf %get3A_938, %get3A_942 : vector<16xf32>
        %add3A_944 = arith.addf %add3A_752, %mul3A_943 : vector<16xf32>
        %add3A_945 = arith.constant 14 : i32
        %add3A_946 = arith.addi %mul3A_185, %add3A_945 : i32
        %get3A_947 = arith.index_cast %add3A_946 : i32 to index
        %get3A_948 = arith.constant 48 : index
        %get3A_949 = tpu.vector_load %arg10[%get3A_947, %get3A_948] {strides = array<i32>} : memref<256x64xf32, #tpu.memory_space<vmem>>, vector<1x16xf32>,
        %get3A_950 = vector.shape_cast %get3A_949 : vector<1x16xf32> to vector<16xf32>
        %get3A_951 = arith.index_cast %add3A_946 : i32 to index
        %get3A_952 = arith.constant 48 : index
        %get3A_953 = tpu.vector_load %arg12[%get3A_951, %get3A_952] {strides = array<i32>} : memref<256x64xf32, #tpu.memory_space<vmem>>, vector<1x16xf32>,
        %get3A_954 = vector.shape_cast %get3A_953 : vector<1x16xf32> to vector<16xf32>
        %mul3A_955 = arith.mulf %get3A_950, %get3A_954 : vector<16xf32>
        %add3A_956 = arith.addf %add3A_764, %mul3A_955 : vector<16xf32>
        %add3A_957 = arith.constant 15 : i32
        %add3A_958 = arith.addi %mul3A_185, %add3A_957 : i32
        %get3A_959 = arith.index_cast %add3A_958 : i32 to index
        %get3A_960 = arith.constant 48 : index
        %get3A_961 = tpu.vector_load %arg10[%get3A_959, %get3A_960] {strides = array<i32>} : memref<256x64xf32, #tpu.memory_space<vmem>>, vector<1x16xf32>,
        %get3A_962 = vector.shape_cast %get3A_961 : vector<1x16xf32> to vector<16xf32>
        %get3A_963 = arith.index_cast %add3A_958 : i32 to index
        %get3A_964 = arith.constant 48 : index
        %get3A_965 = tpu.vector_load %arg12[%get3A_963, %get3A_964] {strides = array<i32>} : memref<256x64xf32, #tpu.memory_space<vmem>>, vector<1x16xf32>,
        %get3A_966 = vector.shape_cast %get3A_965 : vector<1x16xf32> to vector<16xf32>
        %mul3A_967 = arith.mulf %get3A_962, %get3A_966 : vector<16xf32>
        %add3A_968 = arith.addf %add3A_776, %mul3A_967 : vector<16xf32>
        %broadcast_in_dim3A = arith.constant 0.000000e+00 : f32
        %broadcast_in_dim3A_969 = vector.broadcast %broadcast_in_dim3A : f32 to vector<16xf32>
        %lt3A_970 = arith.constant 0 : i32
        %lt3A_971 = vector.broadcast %lt3A_970 : i32 to vector<16xi32>
        %lt3A_972 = arith.cmpi slt, %xor3A_4, %lt3A_971 : vector<16xi32>
        %add3A_973 = arith.constant 16 : i32
        %add3A_974 = vector.broadcast %add3A_973 : i32 to vector<16xi32>
        %add3A_975 = arith.addi %xor3A_4, %add3A_974 : vector<16xi32>
        %select_n3A = arith.select %lt3A_972, %add3A_975, %xor3A_4 : vector<16xi1>, vector<16xi32>
        %broadcast_in_dim3A_976 = vector.shape_cast %select_n3A : vector<16xi32> to vector<16x1xi32>
        %gather3A = vector.shape_cast %broadcast_in_dim3A_976 : vector<16x1xi32> to vector<16xi32>
        %gather3A_977 = tpu.dynamic_gather %add3A_788[%gather3A] in [0] : vector<16xf32>, vector<16xi32> -> vector<16xf32>
        %add3A_978 = arith.addf %add3A_788, %gather3A_977 : vector<16xf32>
        %lt3A_979 = arith.constant 0 : i32
        %lt3A_980 = vector.broadcast %lt3A_979 : i32 to vector<16xi32>
        %lt3A_981 = arith.cmpi slt, %xor3A_4, %lt3A_980 : vector<16xi32>
        %add3A_982 = arith.constant 16 : i32
        %add3A_983 = vector.broadcast %add3A_982 : i32 to vector<16xi32>
        %add3A_984 = arith.addi %xor3A_4, %add3A_983 : vector<16xi32>
        %select_n3A_985 = arith.select %lt3A_981, %add3A_984, %xor3A_4 : vector<16xi1>, vector<16xi32>
        %broadcast_in_dim3A_986 = vector.shape_cast %select_n3A_985 : vector<16xi32> to vector<16x1xi32>
        %gather3A_987 = vector.shape_cast %broadcast_in_dim3A_986 : vector<16x1xi32> to vector<16xi32>
        %gather3A_988 = tpu.dynamic_gather %add3A_884[%gather3A_987] in [0] : vector<16xf32>, vector<16xi32> -> vector<16xf32>
        %add3A_989 = arith.addf %add3A_884, %gather3A_988 : vector<16xf32>
        %select_n3A_990 = arith.select %lt3A_15, %add3A_978, %add3A_989 : vector<16xi1>, vector<16xf32>
        %lt3A_991 = arith.constant 0 : i32
        %lt3A_992 = vector.broadcast %lt3A_991 : i32 to vector<16xi32>
        %lt3A_993 = arith.cmpi slt, %xor3A_7, %lt3A_992 : vector<16xi32>
        %add3A_994 = arith.constant 16 : i32
        %add3A_995 = vector.broadcast %add3A_994 : i32 to vector<16xi32>
        %add3A_996 = arith.addi %xor3A_7, %add3A_995 : vector<16xi32>
        %select_n3A_997 = arith.select %lt3A_993, %add3A_996, %xor3A_7 : vector<16xi1>, vector<16xi32>
        %broadcast_in_dim3A_998 = vector.shape_cast %select_n3A_997 : vector<16xi32> to vector<16x1xi32>
        %gather3A_999 = vector.shape_cast %broadcast_in_dim3A_998 : vector<16x1xi32> to vector<16xi32>
        %gather3A_1000 = tpu.dynamic_gather %select_n3A_990[%gather3A_999] in [0] : vector<16xf32>, vector<16xi32> -> vector<16xf32>
        %add3A_1001 = arith.addf %select_n3A_990, %gather3A_1000 : vector<16xf32>
        %lt3A_1002 = arith.constant 0 : i32
        %lt3A_1003 = vector.broadcast %lt3A_1002 : i32 to vector<16xi32>
        %lt3A_1004 = arith.cmpi slt, %xor3A_10, %lt3A_1003 : vector<16xi32>
        %add3A_1005 = arith.constant 16 : i32
        %add3A_1006 = vector.broadcast %add3A_1005 : i32 to vector<16xi32>
        %add3A_1007 = arith.addi %xor3A_10, %add3A_1006 : vector<16xi32>
        %select_n3A_1008 = arith.select %lt3A_1004, %add3A_1007, %xor3A_10 : vector<16xi1>, vector<16xi32>
        %broadcast_in_dim3A_1009 = vector.shape_cast %select_n3A_1008 : vector<16xi32> to vector<16x1xi32>
        %gather3A_1010 = vector.shape_cast %broadcast_in_dim3A_1009 : vector<16x1xi32> to vector<16xi32>
        %gather3A_1011 = tpu.dynamic_gather %add3A_1001[%gather3A_1010] in [0] : vector<16xf32>, vector<16xi32> -> vector<16xf32>
        %add3A_1012 = arith.addf %add3A_1001, %gather3A_1011 : vector<16xf32>
        %lt3A_1013 = arith.constant 0 : i32
        %lt3A_1014 = vector.broadcast %lt3A_1013 : i32 to vector<16xi32>
        %lt3A_1015 = arith.cmpi slt, %xor3A_13, %lt3A_1014 : vector<16xi32>
        %add3A_1016 = arith.constant 16 : i32
        %add3A_1017 = vector.broadcast %add3A_1016 : i32 to vector<16xi32>
        %add3A_1018 = arith.addi %xor3A_13, %add3A_1017 : vector<16xi32>
        %select_n3A_1019 = arith.select %lt3A_1015, %add3A_1018, %xor3A_13 : vector<16xi1>, vector<16xi32>
        %broadcast_in_dim3A_1020 = vector.shape_cast %select_n3A_1019 : vector<16xi32> to vector<16x1xi32>
        %gather3A_1021 = vector.shape_cast %broadcast_in_dim3A_1020 : vector<16x1xi32> to vector<16xi32>
        %gather3A_1022 = tpu.dynamic_gather %add3A_1012[%gather3A_1021] in [0] : vector<16xf32>, vector<16xi32> -> vector<16xf32>
        %add3A_1023 = arith.addf %add3A_1012, %gather3A_1022 : vector<16xf32>
        %select_n3A_1024 = arith.select %or3A, %add3A_1023, %broadcast_in_dim3A_969 : vector<16xi1>, vector<16xf32>
        %lt3A_1025 = arith.constant 0 : i32
        %lt3A_1026 = vector.broadcast %lt3A_1025 : i32 to vector<16xi32>
        %lt3A_1027 = arith.cmpi slt, %xor3A_4, %lt3A_1026 : vector<16xi32>
        %add3A_1028 = arith.constant 16 : i32
        %add3A_1029 = vector.broadcast %add3A_1028 : i32 to vector<16xi32>
        %add3A_1030 = arith.addi %xor3A_4, %add3A_1029 : vector<16xi32>
        %select_n3A_1031 = arith.select %lt3A_1027, %add3A_1030, %xor3A_4 : vector<16xi1>, vector<16xi32>
        %broadcast_in_dim3A_1032 = vector.shape_cast %select_n3A_1031 : vector<16xi32> to vector<16x1xi32>
        %gather3A_1033 = vector.shape_cast %broadcast_in_dim3A_1032 : vector<16x1xi32> to vector<16xi32>
        %gather3A_1034 = tpu.dynamic_gather %add3A_800[%gather3A_1033] in [0] : vector<16xf32>, vector<16xi32> -> vector<16xf32>
        %add3A_1035 = arith.addf %add3A_800, %gather3A_1034 : vector<16xf32>
        %lt3A_1036 = arith.constant 0 : i32
        %lt3A_1037 = vector.broadcast %lt3A_1036 : i32 to vector<16xi32>
        %lt3A_1038 = arith.cmpi slt, %xor3A_4, %lt3A_1037 : vector<16xi32>
        %add3A_1039 = arith.constant 16 : i32
        %add3A_1040 = vector.broadcast %add3A_1039 : i32 to vector<16xi32>
        %add3A_1041 = arith.addi %xor3A_4, %add3A_1040 : vector<16xi32>
        %select_n3A_1042 = arith.select %lt3A_1038, %add3A_1041, %xor3A_4 : vector<16xi1>, vector<16xi32>
        %broadcast_in_dim3A_1043 = vector.shape_cast %select_n3A_1042 : vector<16xi32> to vector<16x1xi32>
        %gather3A_1044 = vector.shape_cast %broadcast_in_dim3A_1043 : vector<16x1xi32> to vector<16xi32>
        %gather3A_1045 = tpu.dynamic_gather %add3A_896[%gather3A_1044] in [0] : vector<16xf32>, vector<16xi32> -> vector<16xf32>
        %add3A_1046 = arith.addf %add3A_896, %gather3A_1045 : vector<16xf32>
        %select_n3A_1047 = arith.select %lt3A_15, %add3A_1035, %add3A_1046 : vector<16xi1>, vector<16xf32>
        %lt3A_1048 = arith.constant 0 : i32
        %lt3A_1049 = vector.broadcast %lt3A_1048 : i32 to vector<16xi32>
        %lt3A_1050 = arith.cmpi slt, %xor3A_7, %lt3A_1049 : vector<16xi32>
        %add3A_1051 = arith.constant 16 : i32
        %add3A_1052 = vector.broadcast %add3A_1051 : i32 to vector<16xi32>
        %add3A_1053 = arith.addi %xor3A_7, %add3A_1052 : vector<16xi32>
        %select_n3A_1054 = arith.select %lt3A_1050, %add3A_1053, %xor3A_7 : vector<16xi1>, vector<16xi32>
        %broadcast_in_dim3A_1055 = vector.shape_cast %select_n3A_1054 : vector<16xi32> to vector<16x1xi32>
        %gather3A_1056 = vector.shape_cast %broadcast_in_dim3A_1055 : vector<16x1xi32> to vector<16xi32>
        %gather3A_1057 = tpu.dynamic_gather %select_n3A_1047[%gather3A_1056] in [0] : vector<16xf32>, vector<16xi32> -> vector<16xf32>
        %add3A_1058 = arith.addf %select_n3A_1047, %gather3A_1057 : vector<16xf32>
        %lt3A_1059 = arith.constant 0 : i32
        %lt3A_1060 = vector.broadcast %lt3A_1059 : i32 to vector<16xi32>
        %lt3A_1061 = arith.cmpi slt, %xor3A_10, %lt3A_1060 : vector<16xi32>
        %add3A_1062 = arith.constant 16 : i32
        %add3A_1063 = vector.broadcast %add3A_1062 : i32 to vector<16xi32>
        %add3A_1064 = arith.addi %xor3A_10, %add3A_1063 : vector<16xi32>
        %select_n3A_1065 = arith.select %lt3A_1061, %add3A_1064, %xor3A_10 : vector<16xi1>, vector<16xi32>
        %broadcast_in_dim3A_1066 = vector.shape_cast %select_n3A_1065 : vector<16xi32> to vector<16x1xi32>
        %gather3A_1067 = vector.shape_cast %broadcast_in_dim3A_1066 : vector<16x1xi32> to vector<16xi32>
        %gather3A_1068 = tpu.dynamic_gather %add3A_1058[%gather3A_1067] in [0] : vector<16xf32>, vector<16xi32> -> vector<16xf32>
        %add3A_1069 = arith.addf %add3A_1058, %gather3A_1068 : vector<16xf32>
        %lt3A_1070 = arith.constant 0 : i32
        %lt3A_1071 = vector.broadcast %lt3A_1070 : i32 to vector<16xi32>
        %lt3A_1072 = arith.cmpi slt, %xor3A_13, %lt3A_1071 : vector<16xi32>
        %add3A_1073 = arith.constant 16 : i32
        %add3A_1074 = vector.broadcast %add3A_1073 : i32 to vector<16xi32>
        %add3A_1075 = arith.addi %xor3A_13, %add3A_1074 : vector<16xi32>
        %select_n3A_1076 = arith.select %lt3A_1072, %add3A_1075, %xor3A_13 : vector<16xi1>, vector<16xi32>
        %broadcast_in_dim3A_1077 = vector.shape_cast %select_n3A_1076 : vector<16xi32> to vector<16x1xi32>
        %gather3A_1078 = vector.shape_cast %broadcast_in_dim3A_1077 : vector<16x1xi32> to vector<16xi32>
        %gather3A_1079 = tpu.dynamic_gather %add3A_1069[%gather3A_1078] in [0] : vector<16xf32>, vector<16xi32> -> vector<16xf32>
        %add3A_1080 = arith.addf %add3A_1069, %gather3A_1079 : vector<16xf32>
        %select_n3A_1081 = arith.select %or3A_27, %add3A_1080, %select_n3A_1024 : vector<16xi1>, vector<16xf32>
        %lt3A_1082 = arith.constant 0 : i32
        %lt3A_1083 = vector.broadcast %lt3A_1082 : i32 to vector<16xi32>
        %lt3A_1084 = arith.cmpi slt, %xor3A_4, %lt3A_1083 : vector<16xi32>
        %add3A_1085 = arith.constant 16 : i32
        %add3A_1086 = vector.broadcast %add3A_1085 : i32 to vector<16xi32>
        %add3A_1087 = arith.addi %xor3A_4, %add3A_1086 : vector<16xi32>
        %select_n3A_1088 = arith.select %lt3A_1084, %add3A_1087, %xor3A_4 : vector<16xi1>, vector<16xi32>
        %broadcast_in_dim3A_1089 = vector.shape_cast %select_n3A_1088 : vector<16xi32> to vector<16x1xi32>
        %gather3A_1090 = vector.shape_cast %broadcast_in_dim3A_1089 : vector<16x1xi32> to vector<16xi32>
        %gather3A_1091 = tpu.dynamic_gather %add3A_812[%gather3A_1090] in [0] : vector<16xf32>, vector<16xi32> -> vector<16xf32>
        %add3A_1092 = arith.addf %add3A_812, %gather3A_1091 : vector<16xf32>
        %lt3A_1093 = arith.constant 0 : i32
        %lt3A_1094 = vector.broadcast %lt3A_1093 : i32 to vector<16xi32>
        %lt3A_1095 = arith.cmpi slt, %xor3A_4, %lt3A_1094 : vector<16xi32>
        %add3A_1096 = arith.constant 16 : i32
        %add3A_1097 = vector.broadcast %add3A_1096 : i32 to vector<16xi32>
        %add3A_1098 = arith.addi %xor3A_4, %add3A_1097 : vector<16xi32>
        %select_n3A_1099 = arith.select %lt3A_1095, %add3A_1098, %xor3A_4 : vector<16xi1>, vector<16xi32>
        %broadcast_in_dim3A_1100 = vector.shape_cast %select_n3A_1099 : vector<16xi32> to vector<16x1xi32>
        %gather3A_1101 = vector.shape_cast %broadcast_in_dim3A_1100 : vector<16x1xi32> to vector<16xi32>
        %gather3A_1102 = tpu.dynamic_gather %add3A_908[%gather3A_1101] in [0] : vector<16xf32>, vector<16xi32> -> vector<16xf32>
        %add3A_1103 = arith.addf %add3A_908, %gather3A_1102 : vector<16xf32>
        %select_n3A_1104 = arith.select %lt3A_15, %add3A_1092, %add3A_1103 : vector<16xi1>, vector<16xf32>
        %lt3A_1105 = arith.constant 0 : i32
        %lt3A_1106 = vector.broadcast %lt3A_1105 : i32 to vector<16xi32>
        %lt3A_1107 = arith.cmpi slt, %xor3A_7, %lt3A_1106 : vector<16xi32>
        %add3A_1108 = arith.constant 16 : i32
        %add3A_1109 = vector.broadcast %add3A_1108 : i32 to vector<16xi32>
        %add3A_1110 = arith.addi %xor3A_7, %add3A_1109 : vector<16xi32>
        %select_n3A_1111 = arith.select %lt3A_1107, %add3A_1110, %xor3A_7 : vector<16xi1>, vector<16xi32>
        %broadcast_in_dim3A_1112 = vector.shape_cast %select_n3A_1111 : vector<16xi32> to vector<16x1xi32>
        %gather3A_1113 = vector.shape_cast %broadcast_in_dim3A_1112 : vector<16x1xi32> to vector<16xi32>
        %gather3A_1114 = tpu.dynamic_gather %select_n3A_1104[%gather3A_1113] in [0] : vector<16xf32>, vector<16xi32> -> vector<16xf32>
        %add3A_1115 = arith.addf %select_n3A_1104, %gather3A_1114 : vector<16xf32>
        %lt3A_1116 = arith.constant 0 : i32
        %lt3A_1117 = vector.broadcast %lt3A_1116 : i32 to vector<16xi32>
        %lt3A_1118 = arith.cmpi slt, %xor3A_10, %lt3A_1117 : vector<16xi32>
        %add3A_1119 = arith.constant 16 : i32
        %add3A_1120 = vector.broadcast %add3A_1119 : i32 to vector<16xi32>
        %add3A_1121 = arith.addi %xor3A_10, %add3A_1120 : vector<16xi32>
        %select_n3A_1122 = arith.select %lt3A_1118, %add3A_1121, %xor3A_10 : vector<16xi1>, vector<16xi32>
        %broadcast_in_dim3A_1123 = vector.shape_cast %select_n3A_1122 : vector<16xi32> to vector<16x1xi32>
        %gather3A_1124 = vector.shape_cast %broadcast_in_dim3A_1123 : vector<16x1xi32> to vector<16xi32>
        %gather3A_1125 = tpu.dynamic_gather %add3A_1115[%gather3A_1124] in [0] : vector<16xf32>, vector<16xi32> -> vector<16xf32>
        %add3A_1126 = arith.addf %add3A_1115, %gather3A_1125 : vector<16xf32>
        %lt3A_1127 = arith.constant 0 : i32
        %lt3A_1128 = vector.broadcast %lt3A_1127 : i32 to vector<16xi32>
        %lt3A_1129 = arith.cmpi slt, %xor3A_13, %lt3A_1128 : vector<16xi32>
        %add3A_1130 = arith.constant 16 : i32
        %add3A_1131 = vector.broadcast %add3A_1130 : i32 to vector<16xi32>
        %add3A_1132 = arith.addi %xor3A_13, %add3A_1131 : vector<16xi32>
        %select_n3A_1133 = arith.select %lt3A_1129, %add3A_1132, %xor3A_13 : vector<16xi1>, vector<16xi32>
        %broadcast_in_dim3A_1134 = vector.shape_cast %select_n3A_1133 : vector<16xi32> to vector<16x1xi32>
        %gather3A_1135 = vector.shape_cast %broadcast_in_dim3A_1134 : vector<16x1xi32> to vector<16xi32>
        %gather3A_1136 = tpu.dynamic_gather %add3A_1126[%gather3A_1135] in [0] : vector<16xf32>, vector<16xi32> -> vector<16xf32>
        %add3A_1137 = arith.addf %add3A_1126, %gather3A_1136 : vector<16xf32>
        %select_n3A_1138 = arith.select %or3A_34, %add3A_1137, %select_n3A_1081 : vector<16xi1>, vector<16xf32>
        %lt3A_1139 = arith.constant 0 : i32
        %lt3A_1140 = vector.broadcast %lt3A_1139 : i32 to vector<16xi32>
        %lt3A_1141 = arith.cmpi slt, %xor3A_4, %lt3A_1140 : vector<16xi32>
        %add3A_1142 = arith.constant 16 : i32
        %add3A_1143 = vector.broadcast %add3A_1142 : i32 to vector<16xi32>
        %add3A_1144 = arith.addi %xor3A_4, %add3A_1143 : vector<16xi32>
        %select_n3A_1145 = arith.select %lt3A_1141, %add3A_1144, %xor3A_4 : vector<16xi1>, vector<16xi32>
        %broadcast_in_dim3A_1146 = vector.shape_cast %select_n3A_1145 : vector<16xi32> to vector<16x1xi32>
        %gather3A_1147 = vector.shape_cast %broadcast_in_dim3A_1146 : vector<16x1xi32> to vector<16xi32>
        %gather3A_1148 = tpu.dynamic_gather %add3A_824[%gather3A_1147] in [0] : vector<16xf32>, vector<16xi32> -> vector<16xf32>
        %add3A_1149 = arith.addf %add3A_824, %gather3A_1148 : vector<16xf32>
        %lt3A_1150 = arith.constant 0 : i32
        %lt3A_1151 = vector.broadcast %lt3A_1150 : i32 to vector<16xi32>
        %lt3A_1152 = arith.cmpi slt, %xor3A_4, %lt3A_1151 : vector<16xi32>
        %add3A_1153 = arith.constant 16 : i32
        %add3A_1154 = vector.broadcast %add3A_1153 : i32 to vector<16xi32>
        %add3A_1155 = arith.addi %xor3A_4, %add3A_1154 : vector<16xi32>
        %select_n3A_1156 = arith.select %lt3A_1152, %add3A_1155, %xor3A_4 : vector<16xi1>, vector<16xi32>
        %broadcast_in_dim3A_1157 = vector.shape_cast %select_n3A_1156 : vector<16xi32> to vector<16x1xi32>
        %gather3A_1158 = vector.shape_cast %broadcast_in_dim3A_1157 : vector<16x1xi32> to vector<16xi32>
        %gather3A_1159 = tpu.dynamic_gather %add3A_920[%gather3A_1158] in [0] : vector<16xf32>, vector<16xi32> -> vector<16xf32>
        %add3A_1160 = arith.addf %add3A_920, %gather3A_1159 : vector<16xf32>
        %select_n3A_1161 = arith.select %lt3A_15, %add3A_1149, %add3A_1160 : vector<16xi1>, vector<16xf32>
        %lt3A_1162 = arith.constant 0 : i32
        %lt3A_1163 = vector.broadcast %lt3A_1162 : i32 to vector<16xi32>
        %lt3A_1164 = arith.cmpi slt, %xor3A_7, %lt3A_1163 : vector<16xi32>
        %add3A_1165 = arith.constant 16 : i32
        %add3A_1166 = vector.broadcast %add3A_1165 : i32 to vector<16xi32>
        %add3A_1167 = arith.addi %xor3A_7, %add3A_1166 : vector<16xi32>
        %select_n3A_1168 = arith.select %lt3A_1164, %add3A_1167, %xor3A_7 : vector<16xi1>, vector<16xi32>
        %broadcast_in_dim3A_1169 = vector.shape_cast %select_n3A_1168 : vector<16xi32> to vector<16x1xi32>
        %gather3A_1170 = vector.shape_cast %broadcast_in_dim3A_1169 : vector<16x1xi32> to vector<16xi32>
        %gather3A_1171 = tpu.dynamic_gather %select_n3A_1161[%gather3A_1170] in [0] : vector<16xf32>, vector<16xi32> -> vector<16xf32>
        %add3A_1172 = arith.addf %select_n3A_1161, %gather3A_1171 : vector<16xf32>
        %lt3A_1173 = arith.constant 0 : i32
        %lt3A_1174 = vector.broadcast %lt3A_1173 : i32 to vector<16xi32>
        %lt3A_1175 = arith.cmpi slt, %xor3A_10, %lt3A_1174 : vector<16xi32>
        %add3A_1176 = arith.constant 16 : i32
        %add3A_1177 = vector.broadcast %add3A_1176 : i32 to vector<16xi32>
        %add3A_1178 = arith.addi %xor3A_10, %add3A_1177 : vector<16xi32>
        %select_n3A_1179 = arith.select %lt3A_1175, %add3A_1178, %xor3A_10 : vector<16xi1>, vector<16xi32>
        %broadcast_in_dim3A_1180 = vector.shape_cast %select_n3A_1179 : vector<16xi32> to vector<16x1xi32>
        %gather3A_1181 = vector.shape_cast %broadcast_in_dim3A_1180 : vector<16x1xi32> to vector<16xi32>
        %gather3A_1182 = tpu.dynamic_gather %add3A_1172[%gather3A_1181] in [0] : vector<16xf32>, vector<16xi32> -> vector<16xf32>
        %add3A_1183 = arith.addf %add3A_1172, %gather3A_1182 : vector<16xf32>
        %lt3A_1184 = arith.constant 0 : i32
        %lt3A_1185 = vector.broadcast %lt3A_1184 : i32 to vector<16xi32>
        %lt3A_1186 = arith.cmpi slt, %xor3A_13, %lt3A_1185 : vector<16xi32>
        %add3A_1187 = arith.constant 16 : i32
        %add3A_1188 = vector.broadcast %add3A_1187 : i32 to vector<16xi32>
        %add3A_1189 = arith.addi %xor3A_13, %add3A_1188 : vector<16xi32>
        %select_n3A_1190 = arith.select %lt3A_1186, %add3A_1189, %xor3A_13 : vector<16xi1>, vector<16xi32>
        %broadcast_in_dim3A_1191 = vector.shape_cast %select_n3A_1190 : vector<16xi32> to vector<16x1xi32>
        %gather3A_1192 = vector.shape_cast %broadcast_in_dim3A_1191 : vector<16x1xi32> to vector<16xi32>
        %gather3A_1193 = tpu.dynamic_gather %add3A_1183[%gather3A_1192] in [0] : vector<16xf32>, vector<16xi32> -> vector<16xf32>
        %add3A_1194 = arith.addf %add3A_1183, %gather3A_1193 : vector<16xf32>
        %select_n3A_1195 = arith.select %or3A_41, %add3A_1194, %select_n3A_1138 : vector<16xi1>, vector<16xf32>
        %lt3A_1196 = arith.constant 0 : i32
        %lt3A_1197 = vector.broadcast %lt3A_1196 : i32 to vector<16xi32>
        %lt3A_1198 = arith.cmpi slt, %xor3A_4, %lt3A_1197 : vector<16xi32>
        %add3A_1199 = arith.constant 16 : i32
        %add3A_1200 = vector.broadcast %add3A_1199 : i32 to vector<16xi32>
        %add3A_1201 = arith.addi %xor3A_4, %add3A_1200 : vector<16xi32>
        %select_n3A_1202 = arith.select %lt3A_1198, %add3A_1201, %xor3A_4 : vector<16xi1>, vector<16xi32>
        %broadcast_in_dim3A_1203 = vector.shape_cast %select_n3A_1202 : vector<16xi32> to vector<16x1xi32>
        %gather3A_1204 = vector.shape_cast %broadcast_in_dim3A_1203 : vector<16x1xi32> to vector<16xi32>
        %gather3A_1205 = tpu.dynamic_gather %add3A_836[%gather3A_1204] in [0] : vector<16xf32>, vector<16xi32> -> vector<16xf32>
        %add3A_1206 = arith.addf %add3A_836, %gather3A_1205 : vector<16xf32>
        %lt3A_1207 = arith.constant 0 : i32
        %lt3A_1208 = vector.broadcast %lt3A_1207 : i32 to vector<16xi32>
        %lt3A_1209 = arith.cmpi slt, %xor3A_4, %lt3A_1208 : vector<16xi32>
        %add3A_1210 = arith.constant 16 : i32
        %add3A_1211 = vector.broadcast %add3A_1210 : i32 to vector<16xi32>
        %add3A_1212 = arith.addi %xor3A_4, %add3A_1211 : vector<16xi32>
        %select_n3A_1213 = arith.select %lt3A_1209, %add3A_1212, %xor3A_4 : vector<16xi1>, vector<16xi32>
        %broadcast_in_dim3A_1214 = vector.shape_cast %select_n3A_1213 : vector<16xi32> to vector<16x1xi32>
        %gather3A_1215 = vector.shape_cast %broadcast_in_dim3A_1214 : vector<16x1xi32> to vector<16xi32>
        %gather3A_1216 = tpu.dynamic_gather %add3A_932[%gather3A_1215] in [0] : vector<16xf32>, vector<16xi32> -> vector<16xf32>
        %add3A_1217 = arith.addf %add3A_932, %gather3A_1216 : vector<16xf32>
        %select_n3A_1218 = arith.select %lt3A_15, %add3A_1206, %add3A_1217 : vector<16xi1>, vector<16xf32>
        %lt3A_1219 = arith.constant 0 : i32
        %lt3A_1220 = vector.broadcast %lt3A_1219 : i32 to vector<16xi32>
        %lt3A_1221 = arith.cmpi slt, %xor3A_7, %lt3A_1220 : vector<16xi32>
        %add3A_1222 = arith.constant 16 : i32
        %add3A_1223 = vector.broadcast %add3A_1222 : i32 to vector<16xi32>
        %add3A_1224 = arith.addi %xor3A_7, %add3A_1223 : vector<16xi32>
        %select_n3A_1225 = arith.select %lt3A_1221, %add3A_1224, %xor3A_7 : vector<16xi1>, vector<16xi32>
        %broadcast_in_dim3A_1226 = vector.shape_cast %select_n3A_1225 : vector<16xi32> to vector<16x1xi32>
        %gather3A_1227 = vector.shape_cast %broadcast_in_dim3A_1226 : vector<16x1xi32> to vector<16xi32>
        %gather3A_1228 = tpu.dynamic_gather %select_n3A_1218[%gather3A_1227] in [0] : vector<16xf32>, vector<16xi32> -> vector<16xf32>
        %add3A_1229 = arith.addf %select_n3A_1218, %gather3A_1228 : vector<16xf32>
        %lt3A_1230 = arith.constant 0 : i32
        %lt3A_1231 = vector.broadcast %lt3A_1230 : i32 to vector<16xi32>
        %lt3A_1232 = arith.cmpi slt, %xor3A_10, %lt3A_1231 : vector<16xi32>
        %add3A_1233 = arith.constant 16 : i32
        %add3A_1234 = vector.broadcast %add3A_1233 : i32 to vector<16xi32>
        %add3A_1235 = arith.addi %xor3A_10, %add3A_1234 : vector<16xi32>
        %select_n3A_1236 = arith.select %lt3A_1232, %add3A_1235, %xor3A_10 : vector<16xi1>, vector<16xi32>
        %broadcast_in_dim3A_1237 = vector.shape_cast %select_n3A_1236 : vector<16xi32> to vector<16x1xi32>
        %gather3A_1238 = vector.shape_cast %broadcast_in_dim3A_1237 : vector<16x1xi32> to vector<16xi32>
        %gather3A_1239 = tpu.dynamic_gather %add3A_1229[%gather3A_1238] in [0] : vector<16xf32>, vector<16xi32> -> vector<16xf32>
        %add3A_1240 = arith.addf %add3A_1229, %gather3A_1239 : vector<16xf32>
        %lt3A_1241 = arith.constant 0 : i32
        %lt3A_1242 = vector.broadcast %lt3A_1241 : i32 to vector<16xi32>
        %lt3A_1243 = arith.cmpi slt, %xor3A_13, %lt3A_1242 : vector<16xi32>
        %add3A_1244 = arith.constant 16 : i32
        %add3A_1245 = vector.broadcast %add3A_1244 : i32 to vector<16xi32>
        %add3A_1246 = arith.addi %xor3A_13, %add3A_1245 : vector<16xi32>
        %select_n3A_1247 = arith.select %lt3A_1243, %add3A_1246, %xor3A_13 : vector<16xi1>, vector<16xi32>
        %broadcast_in_dim3A_1248 = vector.shape_cast %select_n3A_1247 : vector<16xi32> to vector<16x1xi32>
        %gather3A_1249 = vector.shape_cast %broadcast_in_dim3A_1248 : vector<16x1xi32> to vector<16xi32>
        %gather3A_1250 = tpu.dynamic_gather %add3A_1240[%gather3A_1249] in [0] : vector<16xf32>, vector<16xi32> -> vector<16xf32>
        %add3A_1251 = arith.addf %add3A_1240, %gather3A_1250 : vector<16xf32>
        %select_n3A_1252 = arith.select %or3A_48, %add3A_1251, %select_n3A_1195 : vector<16xi1>, vector<16xf32>
        %lt3A_1253 = arith.constant 0 : i32
        %lt3A_1254 = vector.broadcast %lt3A_1253 : i32 to vector<16xi32>
        %lt3A_1255 = arith.cmpi slt, %xor3A_4, %lt3A_1254 : vector<16xi32>
        %add3A_1256 = arith.constant 16 : i32
        %add3A_1257 = vector.broadcast %add3A_1256 : i32 to vector<16xi32>
        %add3A_1258 = arith.addi %xor3A_4, %add3A_1257 : vector<16xi32>
        %select_n3A_1259 = arith.select %lt3A_1255, %add3A_1258, %xor3A_4 : vector<16xi1>, vector<16xi32>
        %broadcast_in_dim3A_1260 = vector.shape_cast %select_n3A_1259 : vector<16xi32> to vector<16x1xi32>
        %gather3A_1261 = vector.shape_cast %broadcast_in_dim3A_1260 : vector<16x1xi32> to vector<16xi32>
        %gather3A_1262 = tpu.dynamic_gather %add3A_848[%gather3A_1261] in [0] : vector<16xf32>, vector<16xi32> -> vector<16xf32>
        %add3A_1263 = arith.addf %add3A_848, %gather3A_1262 : vector<16xf32>
        %lt3A_1264 = arith.constant 0 : i32
        %lt3A_1265 = vector.broadcast %lt3A_1264 : i32 to vector<16xi32>
        %lt3A_1266 = arith.cmpi slt, %xor3A_4, %lt3A_1265 : vector<16xi32>
        %add3A_1267 = arith.constant 16 : i32
        %add3A_1268 = vector.broadcast %add3A_1267 : i32 to vector<16xi32>
        %add3A_1269 = arith.addi %xor3A_4, %add3A_1268 : vector<16xi32>
        %select_n3A_1270 = arith.select %lt3A_1266, %add3A_1269, %xor3A_4 : vector<16xi1>, vector<16xi32>
        %broadcast_in_dim3A_1271 = vector.shape_cast %select_n3A_1270 : vector<16xi32> to vector<16x1xi32>
        %gather3A_1272 = vector.shape_cast %broadcast_in_dim3A_1271 : vector<16x1xi32> to vector<16xi32>
        %gather3A_1273 = tpu.dynamic_gather %add3A_944[%gather3A_1272] in [0] : vector<16xf32>, vector<16xi32> -> vector<16xf32>
        %add3A_1274 = arith.addf %add3A_944, %gather3A_1273 : vector<16xf32>
        %select_n3A_1275 = arith.select %lt3A_15, %add3A_1263, %add3A_1274 : vector<16xi1>, vector<16xf32>
        %lt3A_1276 = arith.constant 0 : i32
        %lt3A_1277 = vector.broadcast %lt3A_1276 : i32 to vector<16xi32>
        %lt3A_1278 = arith.cmpi slt, %xor3A_7, %lt3A_1277 : vector<16xi32>
        %add3A_1279 = arith.constant 16 : i32
        %add3A_1280 = vector.broadcast %add3A_1279 : i32 to vector<16xi32>
        %add3A_1281 = arith.addi %xor3A_7, %add3A_1280 : vector<16xi32>
        %select_n3A_1282 = arith.select %lt3A_1278, %add3A_1281, %xor3A_7 : vector<16xi1>, vector<16xi32>
        %broadcast_in_dim3A_1283 = vector.shape_cast %select_n3A_1282 : vector<16xi32> to vector<16x1xi32>
        %gather3A_1284 = vector.shape_cast %broadcast_in_dim3A_1283 : vector<16x1xi32> to vector<16xi32>
        %gather3A_1285 = tpu.dynamic_gather %select_n3A_1275[%gather3A_1284] in [0] : vector<16xf32>, vector<16xi32> -> vector<16xf32>
        %add3A_1286 = arith.addf %select_n3A_1275, %gather3A_1285 : vector<16xf32>
        %lt3A_1287 = arith.constant 0 : i32
        %lt3A_1288 = vector.broadcast %lt3A_1287 : i32 to vector<16xi32>
        %lt3A_1289 = arith.cmpi slt, %xor3A_10, %lt3A_1288 : vector<16xi32>
        %add3A_1290 = arith.constant 16 : i32
        %add3A_1291 = vector.broadcast %add3A_1290 : i32 to vector<16xi32>
        %add3A_1292 = arith.addi %xor3A_10, %add3A_1291 : vector<16xi32>
        %select_n3A_1293 = arith.select %lt3A_1289, %add3A_1292, %xor3A_10 : vector<16xi1>, vector<16xi32>
        %broadcast_in_dim3A_1294 = vector.shape_cast %select_n3A_1293 : vector<16xi32> to vector<16x1xi32>
        %gather3A_1295 = vector.shape_cast %broadcast_in_dim3A_1294 : vector<16x1xi32> to vector<16xi32>
        %gather3A_1296 = tpu.dynamic_gather %add3A_1286[%gather3A_1295] in [0] : vector<16xf32>, vector<16xi32> -> vector<16xf32>
        %add3A_1297 = arith.addf %add3A_1286, %gather3A_1296 : vector<16xf32>
        %lt3A_1298 = arith.constant 0 : i32
        %lt3A_1299 = vector.broadcast %lt3A_1298 : i32 to vector<16xi32>
        %lt3A_1300 = arith.cmpi slt, %xor3A_13, %lt3A_1299 : vector<16xi32>
        %add3A_1301 = arith.constant 16 : i32
        %add3A_1302 = vector.broadcast %add3A_1301 : i32 to vector<16xi32>
        %add3A_1303 = arith.addi %xor3A_13, %add3A_1302 : vector<16xi32>
        %select_n3A_1304 = arith.select %lt3A_1300, %add3A_1303, %xor3A_13 : vector<16xi1>, vector<16xi32>
        %broadcast_in_dim3A_1305 = vector.shape_cast %select_n3A_1304 : vector<16xi32> to vector<16x1xi32>
        %gather3A_1306 = vector.shape_cast %broadcast_in_dim3A_1305 : vector<16x1xi32> to vector<16xi32>
        %gather3A_1307 = tpu.dynamic_gather %add3A_1297[%gather3A_1306] in [0] : vector<16xf32>, vector<16xi32> -> vector<16xf32>
        %add3A_1308 = arith.addf %add3A_1297, %gather3A_1307 : vector<16xf32>
        %select_n3A_1309 = arith.select %or3A_55, %add3A_1308, %select_n3A_1252 : vector<16xi1>, vector<16xf32>
        %lt3A_1310 = arith.constant 0 : i32
        %lt3A_1311 = vector.broadcast %lt3A_1310 : i32 to vector<16xi32>
        %lt3A_1312 = arith.cmpi slt, %xor3A_4, %lt3A_1311 : vector<16xi32>
        %add3A_1313 = arith.constant 16 : i32
        %add3A_1314 = vector.broadcast %add3A_1313 : i32 to vector<16xi32>
        %add3A_1315 = arith.addi %xor3A_4, %add3A_1314 : vector<16xi32>
        %select_n3A_1316 = arith.select %lt3A_1312, %add3A_1315, %xor3A_4 : vector<16xi1>, vector<16xi32>
        %broadcast_in_dim3A_1317 = vector.shape_cast %select_n3A_1316 : vector<16xi32> to vector<16x1xi32>
        %gather3A_1318 = vector.shape_cast %broadcast_in_dim3A_1317 : vector<16x1xi32> to vector<16xi32>
        %gather3A_1319 = tpu.dynamic_gather %add3A_860[%gather3A_1318] in [0] : vector<16xf32>, vector<16xi32> -> vector<16xf32>
        %add3A_1320 = arith.addf %add3A_860, %gather3A_1319 : vector<16xf32>
        %lt3A_1321 = arith.constant 0 : i32
        %lt3A_1322 = vector.broadcast %lt3A_1321 : i32 to vector<16xi32>
        %lt3A_1323 = arith.cmpi slt, %xor3A_4, %lt3A_1322 : vector<16xi32>
        %add3A_1324 = arith.constant 16 : i32
        %add3A_1325 = vector.broadcast %add3A_1324 : i32 to vector<16xi32>
        %add3A_1326 = arith.addi %xor3A_4, %add3A_1325 : vector<16xi32>
        %select_n3A_1327 = arith.select %lt3A_1323, %add3A_1326, %xor3A_4 : vector<16xi1>, vector<16xi32>
        %broadcast_in_dim3A_1328 = vector.shape_cast %select_n3A_1327 : vector<16xi32> to vector<16x1xi32>
        %gather3A_1329 = vector.shape_cast %broadcast_in_dim3A_1328 : vector<16x1xi32> to vector<16xi32>
        %gather3A_1330 = tpu.dynamic_gather %add3A_956[%gather3A_1329] in [0] : vector<16xf32>, vector<16xi32> -> vector<16xf32>
        %add3A_1331 = arith.addf %add3A_956, %gather3A_1330 : vector<16xf32>
        %select_n3A_1332 = arith.select %lt3A_15, %add3A_1320, %add3A_1331 : vector<16xi1>, vector<16xf32>
        %lt3A_1333 = arith.constant 0 : i32
        %lt3A_1334 = vector.broadcast %lt3A_1333 : i32 to vector<16xi32>
        %lt3A_1335 = arith.cmpi slt, %xor3A_7, %lt3A_1334 : vector<16xi32>
        %add3A_1336 = arith.constant 16 : i32
        %add3A_1337 = vector.broadcast %add3A_1336 : i32 to vector<16xi32>
        %add3A_1338 = arith.addi %xor3A_7, %add3A_1337 : vector<16xi32>
        %select_n3A_1339 = arith.select %lt3A_1335, %add3A_1338, %xor3A_7 : vector<16xi1>, vector<16xi32>
        %broadcast_in_dim3A_1340 = vector.shape_cast %select_n3A_1339 : vector<16xi32> to vector<16x1xi32>
        %gather3A_1341 = vector.shape_cast %broadcast_in_dim3A_1340 : vector<16x1xi32> to vector<16xi32>
        %gather3A_1342 = tpu.dynamic_gather %select_n3A_1332[%gather3A_1341] in [0] : vector<16xf32>, vector<16xi32> -> vector<16xf32>
        %add3A_1343 = arith.addf %select_n3A_1332, %gather3A_1342 : vector<16xf32>
        %lt3A_1344 = arith.constant 0 : i32
        %lt3A_1345 = vector.broadcast %lt3A_1344 : i32 to vector<16xi32>
        %lt3A_1346 = arith.cmpi slt, %xor3A_10, %lt3A_1345 : vector<16xi32>
        %add3A_1347 = arith.constant 16 : i32
        %add3A_1348 = vector.broadcast %add3A_1347 : i32 to vector<16xi32>
        %add3A_1349 = arith.addi %xor3A_10, %add3A_1348 : vector<16xi32>
        %select_n3A_1350 = arith.select %lt3A_1346, %add3A_1349, %xor3A_10 : vector<16xi1>, vector<16xi32>
        %broadcast_in_dim3A_1351 = vector.shape_cast %select_n3A_1350 : vector<16xi32> to vector<16x1xi32>
        %gather3A_1352 = vector.shape_cast %broadcast_in_dim3A_1351 : vector<16x1xi32> to vector<16xi32>
        %gather3A_1353 = tpu.dynamic_gather %add3A_1343[%gather3A_1352] in [0] : vector<16xf32>, vector<16xi32> -> vector<16xf32>
        %add3A_1354 = arith.addf %add3A_1343, %gather3A_1353 : vector<16xf32>
        %lt3A_1355 = arith.constant 0 : i32
        %lt3A_1356 = vector.broadcast %lt3A_1355 : i32 to vector<16xi32>
        %lt3A_1357 = arith.cmpi slt, %xor3A_13, %lt3A_1356 : vector<16xi32>
        %add3A_1358 = arith.constant 16 : i32
        %add3A_1359 = vector.broadcast %add3A_1358 : i32 to vector<16xi32>
        %add3A_1360 = arith.addi %xor3A_13, %add3A_1359 : vector<16xi32>
        %select_n3A_1361 = arith.select %lt3A_1357, %add3A_1360, %xor3A_13 : vector<16xi1>, vector<16xi32>
        %broadcast_in_dim3A_1362 = vector.shape_cast %select_n3A_1361 : vector<16xi32> to vector<16x1xi32>
        %gather3A_1363 = vector.shape_cast %broadcast_in_dim3A_1362 : vector<16x1xi32> to vector<16xi32>
        %gather3A_1364 = tpu.dynamic_gather %add3A_1354[%gather3A_1363] in [0] : vector<16xf32>, vector<16xi32> -> vector<16xf32>
        %add3A_1365 = arith.addf %add3A_1354, %gather3A_1364 : vector<16xf32>
        %select_n3A_1366 = arith.select %or3A_62, %add3A_1365, %select_n3A_1309 : vector<16xi1>, vector<16xf32>
        %lt3A_1367 = arith.constant 0 : i32
        %lt3A_1368 = vector.broadcast %lt3A_1367 : i32 to vector<16xi32>
        %lt3A_1369 = arith.cmpi slt, %xor3A_4, %lt3A_1368 : vector<16xi32>
        %add3A_1370 = arith.constant 16 : i32
        %add3A_1371 = vector.broadcast %add3A_1370 : i32 to vector<16xi32>
        %add3A_1372 = arith.addi %xor3A_4, %add3A_1371 : vector<16xi32>
        %select_n3A_1373 = arith.select %lt3A_1369, %add3A_1372, %xor3A_4 : vector<16xi1>, vector<16xi32>
        %broadcast_in_dim3A_1374 = vector.shape_cast %select_n3A_1373 : vector<16xi32> to vector<16x1xi32>
        %gather3A_1375 = vector.shape_cast %broadcast_in_dim3A_1374 : vector<16x1xi32> to vector<16xi32>
        %gather3A_1376 = tpu.dynamic_gather %add3A_872[%gather3A_1375] in [0] : vector<16xf32>, vector<16xi32> -> vector<16xf32>
        %add3A_1377 = arith.addf %add3A_872, %gather3A_1376 : vector<16xf32>
        %lt3A_1378 = arith.constant 0 : i32
        %lt3A_1379 = vector.broadcast %lt3A_1378 : i32 to vector<16xi32>
        %lt3A_1380 = arith.cmpi slt, %xor3A_4, %lt3A_1379 : vector<16xi32>
        %add3A_1381 = arith.constant 16 : i32
        %add3A_1382 = vector.broadcast %add3A_1381 : i32 to vector<16xi32>
        %add3A_1383 = arith.addi %xor3A_4, %add3A_1382 : vector<16xi32>
        %select_n3A_1384 = arith.select %lt3A_1380, %add3A_1383, %xor3A_4 : vector<16xi1>, vector<16xi32>
        %broadcast_in_dim3A_1385 = vector.shape_cast %select_n3A_1384 : vector<16xi32> to vector<16x1xi32>
        %gather3A_1386 = vector.shape_cast %broadcast_in_dim3A_1385 : vector<16x1xi32> to vector<16xi32>
        %gather3A_1387 = tpu.dynamic_gather %add3A_968[%gather3A_1386] in [0] : vector<16xf32>, vector<16xi32> -> vector<16xf32>
        %add3A_1388 = arith.addf %add3A_968, %gather3A_1387 : vector<16xf32>
        %select_n3A_1389 = arith.select %lt3A_15, %add3A_1377, %add3A_1388 : vector<16xi1>, vector<16xf32>
        %lt3A_1390 = arith.constant 0 : i32
        %lt3A_1391 = vector.broadcast %lt3A_1390 : i32 to vector<16xi32>
        %lt3A_1392 = arith.cmpi slt, %xor3A_7, %lt3A_1391 : vector<16xi32>
        %add3A_1393 = arith.constant 16 : i32
        %add3A_1394 = vector.broadcast %add3A_1393 : i32 to vector<16xi32>
        %add3A_1395 = arith.addi %xor3A_7, %add3A_1394 : vector<16xi32>
        %select_n3A_1396 = arith.select %lt3A_1392, %add3A_1395, %xor3A_7 : vector<16xi1>, vector<16xi32>
        %broadcast_in_dim3A_1397 = vector.shape_cast %select_n3A_1396 : vector<16xi32> to vector<16x1xi32>
        %gather3A_1398 = vector.shape_cast %broadcast_in_dim3A_1397 : vector<16x1xi32> to vector<16xi32>
        %gather3A_1399 = tpu.dynamic_gather %select_n3A_1389[%gather3A_1398] in [0] : vector<16xf32>, vector<16xi32> -> vector<16xf32>
        %add3A_1400 = arith.addf %select_n3A_1389, %gather3A_1399 : vector<16xf32>
        %lt3A_1401 = arith.constant 0 : i32
        %lt3A_1402 = vector.broadcast %lt3A_1401 : i32 to vector<16xi32>
        %lt3A_1403 = arith.cmpi slt, %xor3A_10, %lt3A_1402 : vector<16xi32>
        %add3A_1404 = arith.constant 16 : i32
        %add3A_1405 = vector.broadcast %add3A_1404 : i32 to vector<16xi32>
        %add3A_1406 = arith.addi %xor3A_10, %add3A_1405 : vector<16xi32>
        %select_n3A_1407 = arith.select %lt3A_1403, %add3A_1406, %xor3A_10 : vector<16xi1>, vector<16xi32>
        %broadcast_in_dim3A_1408 = vector.shape_cast %select_n3A_1407 : vector<16xi32> to vector<16x1xi32>
        %gather3A_1409 = vector.shape_cast %broadcast_in_dim3A_1408 : vector<16x1xi32> to vector<16xi32>
        %gather3A_1410 = tpu.dynamic_gather %add3A_1400[%gather3A_1409] in [0] : vector<16xf32>, vector<16xi32> -> vector<16xf32>
        %add3A_1411 = arith.addf %add3A_1400, %gather3A_1410 : vector<16xf32>
        %lt3A_1412 = arith.constant 0 : i32
        %lt3A_1413 = vector.broadcast %lt3A_1412 : i32 to vector<16xi32>
        %lt3A_1414 = arith.cmpi slt, %xor3A_13, %lt3A_1413 : vector<16xi32>
        %add3A_1415 = arith.constant 16 : i32
        %add3A_1416 = vector.broadcast %add3A_1415 : i32 to vector<16xi32>
        %add3A_1417 = arith.addi %xor3A_13, %add3A_1416 : vector<16xi32>
        %select_n3A_1418 = arith.select %lt3A_1414, %add3A_1417, %xor3A_13 : vector<16xi1>, vector<16xi32>
        %broadcast_in_dim3A_1419 = vector.shape_cast %select_n3A_1418 : vector<16xi32> to vector<16x1xi32>
        %gather3A_1420 = vector.shape_cast %broadcast_in_dim3A_1419 : vector<16x1xi32> to vector<16xi32>
        %gather3A_1421 = tpu.dynamic_gather %add3A_1411[%gather3A_1420] in [0] : vector<16xf32>, vector<16xi32> -> vector<16xf32>
        %add3A_1422 = arith.addf %add3A_1411, %gather3A_1421 : vector<16xf32>
        %select_n3A_1423 = arith.select %or3A_69, %add3A_1422, %select_n3A_1366 : vector<16xi1>, vector<16xf32>
        %swap3A = arith.index_cast %mul3A_185 : i32 to index
        %swap3A_1424 = tpu.vector_load %arg14[%swap3A] {strides = array<i32>} : memref<256xf32, #tpu.memory_space<vmem>>, vector<16xf32>,
        %swap3A_1425 = vector.shape_cast %swap3A_1424 : vector<16xf32> to vector<16xf32>
        %swap3A_1426 = vector.shape_cast %select_n3A_1423 : vector<16xf32> to vector<16xf32>
        tpu.vector_store %arg14[%swap3A], %swap3A_1426 {strides = array<i32>} : memref<256xf32, #tpu.memory_space<vmem>>, vector<16xf32>,
      }
      %scan3A_177 = arith.constant 16 : i32
      %mul3A_178 = arith.constant 256 : i32
      %mul3A_179 = arith.muli %add3A_150, %mul3A_178 : i32
      %add3A_180 = arith.addi %mul3A_2, %mul3A_179 : i32
      %dma_start3A_181 = tpu.memref_slice %arg6[%add3A_180] : memref<819200xf32, #tpu.memory_space<hbm>> -> memref<256xf32, #tpu.memory_space<hbm>>
      %dma_start3A_182 = tpu.memref_slice %arg6[%add3A_180] : memref<819200xf32, #tpu.memory_space<hbm>> -> memref<256xf32, #tpu.memory_space<hbm>>
      tpu.enqueue_dma source(%arg14 : memref<256xf32, #tpu.memory_space<vmem>>) target(%dma_start3A_182 : memref<256xf32, #tpu.memory_space<hbm>>) target_semaphore(%arg18 : memref<!tpu.dma_semaphore, #tpu.memory_space<semaphore_mem>>)
    }
    %scan3A_105 = arith.constant 50 : i32
    %add3A_106 = arith.constant 25088 : i32
    %add3A_107 = arith.addi %mul3A_2, %add3A_106 : i32
    %dma_wait3A = tpu.memref_slice %arg6[%add3A_107] : memref<819200xf32, #tpu.memory_space<hbm>> -> memref<256xf32, #tpu.memory_space<hbm>>
    %dma_wait3A_108 = tpu.memref_slice %arg6[%add3A_107] : memref<819200xf32, #tpu.memory_space<hbm>> -> memref<256xf32, #tpu.memory_space<hbm>>
    tpu.wait_dma2 semaphore(%arg17 : memref<!tpu.dma_semaphore, #tpu.memory_space<semaphore_mem>>) src(%arg13 : memref<256xf32, #tpu.memory_space<vmem>>) dst(%dma_wait3A_108 : memref<256xf32, #tpu.memory_space<hbm>>)
    %add3A_109 = arith.constant 25344 : i32
    %add3A_110 = arith.addi %mul3A_2, %add3A_109 : i32
    %dma_wait3A_111 = tpu.memref_slice %arg6[%add3A_110] : memref<819200xf32, #tpu.memory_space<hbm>> -> memref<256xf32, #tpu.memory_space<hbm>>
    %dma_wait3A_112 = tpu.memref_slice %arg6[%add3A_110] : memref<819200xf32, #tpu.memory_space<hbm>> -> memref<256xf32, #tpu.memory_space<hbm>>
    tpu.wait_dma2 semaphore(%arg18 : memref<!tpu.dma_semaphore, #tpu.memory_space<semaphore_mem>>) src(%arg14 : memref<256xf32, #tpu.memory_space<vmem>>) dst(%dma_wait3A_112 : memref<256xf32, #tpu.memory_space<hbm>>)
    return
  }
}

</mosaic_0001>

<sc_bundles>
// kernel: kernel.3.cloned.1.call-start
scs
__scs_entry_jumppad:
0x0: {  	(pc) =	sbr.rel $0x88, $3  }
0x1: {  	(tag) =	ssettag $0x0;
	lr =	simm.s32 $0x1  }
0x2: {  	[smem:$0x3F9D] =	sst lr;
	_ =	strace $0xD0000000  }
0x3: {  	_ = 	snop  }
0x4: {  	_ = 	snop  }
0x5: {  	_ = 	snop  }
0x6: {  	_ = 	snop  }
0x7: {  	_ = 	snop  }
__scs_overlays_trampoline_lowered:
0x8: {  	[smem:$0x3FAC] =	sst s0  }
0x9: {  	[smem:$0x3FAD] =	sst s1  }
0xa: {  	[smem:$0x3FAE] =	sst s2  }
0xb: {  	[smem:$0x3FAF] =	sst s3  }
0xc: {  	[smem:$0x3FB0] =	sst s4  }
0xd: {  	[smem:$0x3FB1] =	sst s5  }
0xe: {  	[smem:$0x3FB2] =	sst s6  }
0xf: {  	[smem:$0x3FB3] =	sst s7  }
0x10: {  	[smem:$0x3FB4] =	sst s8  }
0x11: {  	[smem:$0x3FB5] =	sst s9;
	s0 =	simm.s32 @!p0 $0x0  }
0x12: {  	s1 =	sld [smem:$0x3F9B];
	s0 =	simm.s32 @p0 $0x1  }
0x13: {  	[smem:$0x3FB6] =	sst s0;
	s0 =	simm.s32 @!p1 $0x0  }
0x14: {  	s2 =	sld [smem:$0x3F9A];
	s0 =	simm.s32 @p1 $0x1  }
0x15: {  	[smem:$0x3FB7] =	sst s0;
	s0 =	simm.s32 @!p2 $0x0  }
0x16: {  	s3 =	sld [smem:$0x3FDB];
	s0 =	simm.s32 @p2 $0x1  }
0x17: {  	s4 =	simm.s32 $0x1BF5;
	[smem:$0x3FB9] =	sst s0  }
0x18: {  	s0 =	sld [smem:$0x3F9C];
	_ =	swait.ge [sflag:s4], $0x0  }
0x19: {  	s7 =	sld [smem:$0x3F9D]  }
0x1a: {  	s8 =	sadd.s32 $0xFFFFE003, lr  }
0x1b: {  	s9 =	sadd.s32 $0xFFFFFEF7, lr;
	s5 =	simm.s32 $0xFFFFFFFF;
	p2 =	slt.u32 s8, $0xFFFFF086  }
0x1c: {  	p1 =	slt.u32 s9, $0xF7A;
	s5 =	simm.s32 @!p2 $0x0  }
0x1d: {  	s5 =	simm.s32 @p1 $0x1;
	p0 =	seq.s32 s7, s2  }
0x1e: {  	s7 =	smul.u32 @!p0 $0xF7A, s2;
	p2 =	seq.s32 @!p0 s5, $0x0  }
0x1f: {  	s9 =	smul.u32 $0xF7A, s1;
	s8 =	simm.s32 @!p0 $0x1BF5;
	p2 =	por !p2, p0  }
0x20: {  	[sflag:s8] =	ssyncset.s32 @!p0 $0xFFFFF086;
	s6 =	sadd.s32 @!p0 s3, s7;
	s7 =	simm.s32 @!p0 $0x108  }
0x21: {  	s3 =	sadd.s32 s3, s9;
	s6 =	sadd.s32 @!p0 $0x88, s6;
	s7 =	simm.s32 @p2 $0x1082  }
0x22: {  	[simem:s7], [sflag:s8] =	dma.local @!p0 [hbm:s6], $0xF7A  }
0x23: {  	s9 =	sor.u32 $0xD0000000, s2;
	s6 =	simm.s32 $0x108;
	_ =	swait.ge @!p0 [sflag:s8], $0x0  }
0x24: {  	s3 =	sadd.s32 $0x88, s3;
	s6 =	simm.s32 @!p1 $0x1082;
	[sflag:s4] =	ssyncset.s32 $0xFFFFF086  }
0x25: {  	[simem:s6], [sflag:s4] =	dma.local [hbm:s3], $0xF7A  }
0x26: {  	[smem:$0x3F9D] =	sst s1;
	(tag) =	ssettag s2;
	_ =	strace s9  }
0x27: {  	s1 =	sld [smem:$0x3FAD]  }
0x28: {  	s2 =	sld [smem:$0x3FAE]  }
0x29: {  	s4 =	sld [smem:$0x3FB0]  }
0x2a: {  	p0 =	seq.s32 s5, $0x0;
	s5 =	sld [smem:$0x3FB1]  }
0x2b: {  	s6 =	sld [smem:$0x3FB2]  }
0x2c: {  	s7 =	sld [smem:$0x3FB3]  }
0x2d: {  	s3 =	simm.s32 $0x108;
	s8 =	sld [smem:$0x3FB4]  }
0x2e: {  	s3 =	simm.s32 @!p0 $0x1082;
	s9 =	sld [smem:$0x3FB5]  }
0x2f: {  	lr =	sadd.s32 s0, s3;
	s0 =	sld [smem:$0x3FAC]  }
0x30: {  	s3 =	sld [smem:$0x3FAF]  }
0x31: {  	[smem:$0x3FB8] =	sst s10  }
0x32: {  	s10 =	sld [smem:$0x3FB6];
	_ =	sdelay $0x3  }
0x33: {  	p0 =	seq.s32 s10, $0x1;
	s10 =	sld [smem:$0x3FB8];
	_ =	sdelay $0x3  }
0x34: {  	[smem:$0x3FB8] =	sst s10  }
0x35: {  	s10 =	sld [smem:$0x3FB7];
	_ =	sdelay $0x3  }
0x36: {  	p1 =	seq.s32 s10, $0x1;
	s10 =	sld [smem:$0x3FB8];
	_ =	sdelay $0x3  }
0x37: {  	[smem:$0x3FB8] =	sst s10  }
0x38: {  	s10 =	sld [smem:$0x3FB9]  }
0x39: {  	_ = 	snop;
	(pc) =	sbr.ind lr, $3  }
0x3a: {  	_ = 	snop  }
0x3b: {  	_ = 	snop  }
0x3c: {  	p2 =	seq.s32 s10, $0x1;
	s10 =	sld [smem:$0x3FB8]  }
0x3d: {  	_ =	shalt  }
0x3e: {  	_ =	shalt  }
0x3f: {  	_ =	shalt  }
0x40: {  	_ =	shalt  }
0x41: {  	_ =	shalt  }
0x42: {  	_ =	shalt  }
0x43: {  	_ =	shalt  }
0x44: {  	_ =	shalt  }
0x45: {  	_ =	shalt  }
0x46: {  	_ =	shalt  }
0x47: {  	_ =	shalt  }
0x48: {  	_ =	shalt  }
0x49: {  	_ =	shalt  }
0x4a: {  	_ =	shalt  }
0x4b: {  	_ =	shalt  }
0x4c: {  	_ =	shalt  }
0x4d: {  	_ =	shalt  }
0x4e: {  	_ =	shalt  }
0x4f: {  	_ =	shalt  }
0x50: {  	_ =	shalt  }
0x51: {  	_ =	shalt  }
0x52: {  	_ =	shalt  }
0x53: {  	_ =	shalt  }
0x54: {  	_ =	shalt  }
0x55: {  	_ =	shalt  }
0x56: {  	_ =	shalt  }
0x57: {  	_ =	shalt  }
0x58: {  	_ =	shalt  }
0x59: {  	_ =	shalt  }
0x5a: {  	_ =	shalt  }
0x5b: {  	_ =	shalt  }
0x5c: {  	_ =	shalt  }
0x5d: {  	_ =	shalt  }
0x5e: {  	_ =	shalt  }
0x5f: {  	_ =	shalt  }
0x60: {  	_ =	shalt  }
0x61: {  	_ =	shalt  }
0x62: {  	_ =	shalt  }
0x63: {  	_ =	shalt  }
0x64: {  	_ =	shalt  }
0x65: {  	_ =	shalt  }
0x66: {  	_ =	shalt  }
0x67: {  	_ =	shalt  }
0x68: {  	_ =	shalt  }
0x69: {  	_ =	shalt  }
0x6a: {  	_ =	shalt  }
0x6b: {  	_ =	shalt  }
0x6c: {  	_ =	shalt  }
0x6d: {  	_ =	shalt  }
0x6e: {  	_ =	shalt  }
0x6f: {  	_ =	shalt  }
0x70: {  	_ =	shalt  }
0x71: {  	_ =	shalt  }
0x72: {  	_ =	shalt  }
0x73: {  	_ =	shalt  }
0x74: {  	_ =	shalt  }
0x75: {  	_ =	shalt  }
0x76: {  	_ =	shalt  }
0x77: {  	_ =	shalt  }
0x78: {  	_ =	shalt  }
0x79: {  	_ =	shalt  }
0x7a: {  	_ =	shalt  }
0x7b: {  	_ =	shalt  }
0x7c: {  	_ =	shalt  }
0x7d: {  	_ =	shalt  }
0x7e: {  	_ =	shalt  }
0x7f: {  	_ =	shalt  }
0x80: {  	_ =	shalt  }
0x81: {  	_ =	shalt  }
0x82: {  	_ =	shalt  }
0x83: {  	_ =	shalt  }
0x84: {  	_ =	shalt  }
0x85: {  	_ =	shalt  }
0x86: {  	_ =	shalt  }
0x87: {  	_ =	shalt  }
.Lfunc_end0:
.L_simem_size_0:
called_computation_lowered:
.L_overlay_start_0:
0x88: {  	s2 =	sld [smem:$0x3FD9]  }
0x89: {  	s3 =	sld [smem:$0x3FFE];
	_ =	sdelay $0x1  }
0x8a: {  	s1 =	srdreg.scid  }
0x8b: {  	s0 =	sand.u32 $0x1, s1  }
0x8c: {  	s17 =	sshll.u32 s0, $0xA;
	s2 =	sadd.s32 s3, s2  }
0x8d: {  	s2 =	sadd.s32 s2, s17  }
0x8e: {  	[smem:$0x3FC4] =	sst s2  }
0x8f: {  	_ = 	snop  }
0x90: {  	s2 =	sld [smem:$0x3FD0];
	(tm) =	ssettm $0x1  }
0x91: {  	s18 =	sld [smem:$0x3FFB];
	_ =	sdelay $0x3  }
0x92: {  	_ =	strace s18  }
0x93: {  	s3 =	sld [smem:$0x3FFC];
	_ =	sdelay $0x3  }
0x94: {  	_ =	strace s3  }
0x95: {  	s3 =	sld [smem:$0x3FFD];
	_ =	sdelay $0x3  }
0x96: {  	_ =	strace s3  }
0x97: {  	_ =	strace $0x8FFFFFFF  }
0x98: {  	s19 =	sld [smem:$0x3FDB];
	_ =	sdelay $0x1  }
0x99: {  	s4 =	simm.s32 $_scs_section_size  }
0x9a: {  	s5 =	simm.s32 $_size__tile_overlayer_lowered;
	s6 =	simm.s32 $_tile_overlayer_lowered  }
0x9b: {  	s22 =	simm.s32 $0x1BFF;
	s21 =	sshll.u32 s6, $0x1;
	s3 =	sadd.s32 s4, s19  }
0x9c: {  	s7 =	simm.s32 $0x0;
	s20 =	sshll.u32 s5, $0x1;
	s5 =	sadd.s32 s21, s3  }
0x9d: {  	[timem:s7], [sflag:s22] =	dma.local [hbm:s5], s20  }
0x9e: {  	_ =	swait.ge [sflag:s22], s20  }
0x9f: {  	s4 =	ssub.s32 $0x0, s20;
	[sflag:s22] =	ssyncset.done $0x0  }
0xa0: {  	[sflag:s22] =	ssyncadd.s32 s4;
	_ =	sdelay $0x1  }
0xa1: {  	s23 =	simm.s32 $0x1B8B  }
0xa2: {  	_ =	swait.ge [sflag:s23], $0x1  }
0xa3: {  	[sflag:s23] =	ssyncset.done $0x0  }
0xa4: {  	s25 =	simm.s32 $0x1B8E;
	s24 =	sld [smem:$0x3FFE];
	[sflag:s23] =	ssyncadd.s32 $0xFFFFFFFF  }
0xa5: {  	s26 =	simm.s32 $execute0_lowered;
	[smem:$0x3FD2] =	sst s25  }
0xa6: {  	s5 =	sshll.u32 s26, $0x1;
	_ =	strace $0x80000046;
	[dreg:$0x1] =	wrdreg $0xFFFFFFFF  }
0xa7: {  	s28 =	simm.s32 $_size_execute0_lowered;
	s3 =	sadd.s32 s3, s5;
	[dreg:$0x0] =	wrdreg $0x0  }
0xa8: {  	s5 =	sshll.u32 s28, $0x1;
	[dreg:$0x2] =	wrdreg s3  }
0xa9: {  	[dreg:$0x3] =	wrdreg s5  }
0xaa: {  	[dreg:$0x4] =	wrdreg $0xC0  }
0xab: {  	_ =	task [dreg:s7], $0x5FFFF  }
0xac: {  	[dreg:$0x1] =	wrdreg $0xFFFFFFFF  }
0xad: {  	[dreg:$0x0] =	wrdreg $0x60  }
0xae: {  	[dreg:$0x2] =	wrdreg s2  }
0xaf: {  	[dreg:$0x3] =	wrdreg s24  }
0xb0: {  	[dreg:$0x4] =	wrdreg $0x9  }
0xb1: {  	_ =	task.clear_ibuf [dreg:s7], $0x5FFFF;
	_ =	strace $0x90000046  }
0xb2: {  	s29 =	simm.s32 $0x9;
	_ =	strace $0x80000048  }
0xb3: {  	_ =	swait.ge [sflag:s29], $0x1  }
0xb4: {  	[sflag:s29] =	ssyncadd.s32 $0xFFFFFFFF  }
0xb5: {  	_ =	strace $0x90000048  }
0xb6: {  	_ =	sfence  }
0xb7: {  	s30 =	sld [smem:$0x0];
	_ =	sdelay $0x2  }
0xb8: {  	s31 =	sshll.u32 s1, $0xD;
	s1 =	sshrl.u32 s1, $0x2  }
0xb9: {  	s3 =	sand.u32 $0x4000, s31;
	s1 =	sadd.s32 s1, s30  }
0xba: {  	s0 =	sor.u32 s3, s0;
	s1 =	sshll.u32 s1, $0x11  }
0xbb: {  	s0 =	sor.u32 s1, s0  }
0xbc: {  	s0 =	sadd.s32 $0x8F2B, s0  }
0xbd: {  	[sflag:s0] =	ssyncadd.remote.s32 $0x1  }
0xbe: {  	_ =	sfence.sel $0xFFFF  }
0xbf: {  	[dreg:$0x0] =	wrdreg $0xFFFFFFFF;
	(pc) =	sbr.abs _section_cstart, $3  }
0xc0: {  	[dreg:$0x1] =	wrdreg $0xFFFFFFFF  }
0xc1: {  	_ =	task.clear_ibuf [dreg:s7], $0x2FFFF;
	_ =	strace $0x9FFFFFFF  }
0xc2: {  	(tm) =	ssettm $0x7FFFFFFF  }
0xc3: {  	_ =	shalt  }
tec
execute0_lowered:
.L_overlay_start_1:
0x0: {  	(tag) =	ssettag $0x1  }
0x1: {  	v0 =	vimm.s32 $0xBA98FEDC;
	v1 =	vimm.s32 $0x32107654;
	v2 =	vimm.s32 $0xFEDCBA98  }
0x2: {  	v3 =	vimm.s32 $0x76543210;
	v4 =	vimm.s32 $0xDCFE98BA;
	v59 =	vimm.s32 $0x54761032  }
0x3: {  	v5 =	vimm.s32 $0xEFCDAB89;
	v6 =	vimm.s32 $0x67452301;
	vm1 =	vcmask $0x2320  }
0x4: {  	vm2 =	vcmask $0x300;
	vm3 =	vcmask $0x700;
	vm4 =	vcmask $0xB00  }
0x5: {  	s0 =	srdreg.scid;
	vm5 =	vcmask $0xF00;
	vm6 =	vcmask $0x1300;
	vm7 =	vcmask $0x1700  }
0x6: {  	s1 =	stileid.u32;
	s7 =	rddreg [dreg:$0x0];
	vm8 =	vcmask $0x1B00;
	v0 =	vunpack.c.l.s4.s8 v0;
	v1 =	vunpack.c.l.s4.s8 v1  }
0x7: {  	s6 =	rddreg [dreg:$0x1];
	s3 =	simm.s32 $0x0;
	s10 =	simm.s32 $0x5;
	v2 =	vunpack.c.l.s4.s8 v2;
	v3 =	vunpack.c.l.s4.s8 v3;
	v58 =	vunpack.c.l.s4.s8 v4  }
0x8: {  	s11 =	simm.s32 $0x6400;
	s12 =	simm.s32 $0x80;
	s15 =	simm.s32 $0xE800;
	v4 =	vunpack.c.l.s4.s8 v59;
	vm1 =	vmor vm2, vm1;
	vm2 =	vcmask $0x2720  }
0x9: {  	s16 =	simm.s32 $0x6480;
	s17 =	simm.s32 $0x16800;
	s18 =	simm.s32 $0x10800;
	v5 =	vunpack.c.l.s4.s8 v5;
	v6 =	vunpack.c.l.s4.s8 v6;
	vm2 =	vmor vm3, vm2  }
0xa: {  	s19 =	simm.s32 $0x18800;
	s20 =	simm.s32 $0x12800;
	s21 =	simm.s32 $0x1A800;
	vm3 =	vcmask $0x2B20;
	v0 =	vunpack.c.0.s8.s32 v0;
	v1 =	vunpack.c.0.s8.s32 v1  }
0xb: {  	s22 =	simm.s32 $0x1;
	s23 =	simm.s32 $0x1C800;
	s24 =	simm.s32 $0x2;
	v2 =	vunpack.c.0.s8.s32 v2;
	v3 =	vunpack.c.0.s8.s32 v3;
	v4 =	vunpack.c.0.s8.s32 v4  }
0xc: {  	s25 =	simm.s32 $0x1C900;
	s0 =	sand.u32 $0x1, s0;
	s1 =	sshll.u32 s1, $0x1;
	v60 =	vunpack.c.0.s8.s32 v5;
	v61 =	vunpack.c.0.s8.s32 v6;
	vm3 =	vmor vm4, vm3  }
0xd: {  	s26 =	simm.s32 $0x3;
	s28 =	simm.s32 $0x4;
	s1 =	sor.u32 s0, s1;
	vm4 =	vcmask $0x2F20;
	v0 =	vcombine.low v1, v0;
	v1 =	vunpack.c.0.s8.s32 v58  }
0xe: {  	s29 =	simm.s32 $0x0;
	s0 =	ssub.s32 $0x2, s0;
	s2 =	smul.u32 $0x6400, s1;
	vm4 =	vmor vm5, vm4;
	vm5 =	vcmask $0x3320;
	v62 =	vcombine.low v61, v60  }
0xf: {  	[smem:$0x7FF] =	sst s3;
	s4 =	sadd.s32 $0xF42C00, s6;
	s9 =	sshrl.u32 s0, $0x1;
	v2 =	vand.u32 $0xF, v2;
	v1 =	vcombine.low v4, v1;
	v31 =	vand.u32 $0xF, v0  }
0x10: {  	_ =	strace $0x80000047;
	s0 =	ssub.s32 s0, s9;
	s1 =	sshrl.u32 s2, $0x3;
	vm5 =	vmor vm6, vm5;
	vm6 =	vcmask $0x3720;
	v28 =	vand.u32 $0xF, v62;
	[tilespmem:$0x1FFE0] =	vst v31  }
0x11: {  	s5 =	sadd.s32 $0x187200, s6;
	s9 =	smax.u32 s0, $0x1;
	s8 =	sadd.s32 s1, s6;
	vm6 =	vmor vm7, vm6;
	vm7 =	vcmask $0x3B20;
	[tilespmem:$0x1FFF0] =	vst v28;
	v56 =	vand.u32 $0xF, v1  }
0x12: {  	vm0 =	vmmov $0xff;
	v63 =	vcombine.low v2, v3;
	s6 =	sadd.s32 $0x19800, s6;
	s7 =	sadd.s32 s7, s1;
	s8 =	sadd.s32 $0x800, s8;
	vm7 =	vmor vm8, vm7;
	[tilespmem:$0x1FFD0] =	vst v56  }
.LBB2_1:
0x13: {  	[tilespmem:s3], [sflag:$0x5] =	stream.linear.gather [hbm4b:s7+s3], $0x6400, $0x38;
	[tilespmem:$0x1CA00] =	vst v63  }
0x14: {  	_ =	swait.ge [sflag:s10], $0x6400  }
0x15: {  	[sflag:s10] =	ssyncset.done $0x0  }
0x16: {  	[sflag:s10] =	ssyncadd.s32 $0xFFFF9C00  }
0x17: {  	[tilespmem:s11], [sflag:$0x5] =	stream.linear.gather [hbm4b:s8+s3], $0x6400, $0x38;
	[tilespmem:$0x1CA00] =	vst v63  }
0x18: {  	_ =	swait.ge [sflag:s10], $0x6400  }
0x19: {  	[sflag:s10] =	ssyncset.done $0x0  }
0x1a: {  	s0 =	simm.s32 $0xC800;
	[sflag:s10] =	ssyncadd.s32 $0xFFFF9C00  }
0x1b: {  	[tilespmem:s0], [sflag:$0x1] =	stream.indirect.gather [hbm4b:s4+s12], $0x40, s3, s12, $0xb8;
	[tilespmem:$0x1CA00] =	vst v63  }
0x1c: {  	s31 =	simm.s32 $0x14800  }
0x1d: {  	[tilespmem:s31], [sflag:$0x1] =	stream.indirect.gather [hbm4b:s5+s12], $0x40, s11, s12, $0xb8;
	[tilespmem:$0x1CA00] =	vst v63  }
0x1e: {  	_ = 	snop  }
0x1f: {  	[tilespmem:s15], [sflag:$0x1] =	stream.indirect.gather [hbm4b:s4+s12], $0x40, s12, s12, $0xb8;
	[tilespmem:$0x1CA00] =	vst v63  }
0x20: {  	s30 =	simm.s32 $0x0  }
0x21: {  	[tilespmem:s17], [sflag:$0x1] =	stream.indirect.gather [hbm4b:s5+s12], $0x40, s16, s12, $0xb8;
	[tilespmem:$0x1CA00] =	vst v63  }
.LBB2_2:
0x22: {  	s1 =	sshll.u32 s30, $0x9  }
0x23: {  	s31 =	sor.u32 $0x100, s1  }
0x24: {  	[tilespmem:s18], [sflag:$0x2] =	stream.indirect.gather [hbm4b:s4+s12], $0x40, s31, s12, $0xb8;
	[tilespmem:$0x1CA00] =	vst v63  }
0x25: {  	s0 =	sadd.s32 $0x6500, s1  }
0x26: {  	[tilespmem:s19], [sflag:$0x2] =	stream.indirect.gather [hbm4b:s5+s12], $0x40, s0, s12, $0xb8;
	[tilespmem:$0x1CA00] =	vst v63  }
0x27: {  	s14 =	sor.u32 $0x180, s1  }
0x28: {  	[tilespmem:s20], [sflag:$0x2] =	stream.indirect.gather [hbm4b:s4+s12], $0x40, s14, s12, $0xb8;
	[tilespmem:$0x1CA00] =	vst v63  }
0x29: {  	s13 =	sadd.s32 $0x6580, s1  }
0x2a: {  	[tilespmem:s21], [sflag:$0x2] =	stream.indirect.gather [hbm4b:s5+s12], $0x40, s13, s12, $0xb8;
	[tilespmem:$0x1CA00] =	vst v63  }
0x2b: {  	_ =	swait.ge [sflag:s22], $0x4000  }
0x2c: {  	[sflag:s22] =	ssyncset.done $0x0  }
0x2d: {  	[sflag:s22] =	ssyncadd.s32 $0xFFFFC000  }
0x2e: {  	_ =	swait.ge [sflag:s22], $0x4000  }
0x2f: {  	p0 =	seq.s32 s30, $0x0;
	[sflag:s22] =	ssyncset.done $0x0  }
0x30: {  	s0 =	simm.s32 @!p0 $0x3;
	[sflag:s22] =	ssyncadd.s32 $0xFFFFC000  }
0x31: {  	_ =	swait.ge @!p0 [sflag:s0], $0x100  }
0x32: {  	[sflag:s0] =	ssyncset.done @!p0 $0x0  }
0x33: {  	s14 =	simm.s32 $0x0;
	[sflag:s0] =	ssyncadd.s32 @!p0 $0xFFFFFF00  }
0x34: {  	v9 =	vld [tilespmem:s14+$0xC9F0]  }
0x35: {  	v8 =	vld [tilespmem:s14+$0x149F0]  }
0x36: {  	v18 =	vld [tilespmem:s14+$0xCBF0]  }
0x37: {  	v19 =	vld [tilespmem:s14+$0x14BF0]  }
0x38: {  	v20 =	vld [tilespmem:s14+$0xC9B0]  }
0x39: {  	v21 =	vld [tilespmem:s14+$0x149B0]  }
0x3a: {  	v22 =	vld [tilespmem:s14+$0xCBB0]  }
0x3b: {  	v23 =	vld [tilespmem:s14+$0x14BB0]  }
0x3c: {  	v24 =	vld [tilespmem:s14+$0xC9E0]  }
0x3d: {  	v25 =	vld [tilespmem:s14+$0x149E0]  }
0x3e: {  	v26 =	vld [tilespmem:s14+$0xCBE0]  }
0x3f: {  	v27 =	vld [tilespmem:s14+$0x14BE0]  }
0x40: {  	v0 =	vld [tilespmem:s14+$0xC970]  }
0x41: {  	v29 =	vld [tilespmem:s14+$0x14970]  }
0x42: {  	v33 =	vld [tilespmem:s14+$0xC9A0]  }
0x43: {  	v34 =	vld [tilespmem:s14+$0x149A0]  }
0x44: {  	v35 =	vld [tilespmem:s14+$0xCBA0]  }
0x45: {  	v36 =	vld [tilespmem:s14+$0x14BA0]  }
0x46: {  	v37 =	vld [tilespmem:s14+$0xC9C0]  }
0x47: {  	v38 =	vld [tilespmem:s14+$0x149C0]  }
0x48: {  	v39 =	vld [tilespmem:s14+$0xC9D0]  }
0x49: {  	v40 =	vld [tilespmem:s14+$0x149D0]  }
0x4a: {  	v41 =	vld [tilespmem:s14+$0xCBC0]  }
0x4b: {  	v42 =	vld [tilespmem:s14+$0x14BC0]  }
0x4c: {  	v43 =	vld [tilespmem:s14+$0xCBD0]  }
0x4d: {  	v44 =	vld [tilespmem:s14+$0x14BD0]  }
0x4e: {  	v30 =	vld [tilespmem:s14+$0xC930]  }
0x4f: {  	v45 =	vld [tilespmem:s14+$0x14930]  }
0x50: {  	v48 =	vld [tilespmem:s14+$0xCB30]  }
0x51: {  	v46 =	vld [tilespmem:s14+$0x14B30]  }
0x52: {  	v49 =	vld [tilespmem:s14+$0xC960]  }
0x53: {  	v50 =	vld [tilespmem:s14+$0x14960]  }
0x54: {  	v47 =	vld [tilespmem:s14+$0xCB60]  }
0x55: {  	v51 =	vld [tilespmem:s14+$0x14B60]  }
0x56: {  	v52 =	vld [tilespmem:s14+$0xC980]  }
0x57: {  	v53 =	vld [tilespmem:s14+$0x14980]  }
0x58: {  	v54 =	vld [tilespmem:s14+$0xC990]  }
0x59: {  	v55 =	vld [tilespmem:s14+$0x14990]  }
0x5a: {  	v56 =	vld [tilespmem:s14+$0xCB80]  }
0x5b: {  	v57 =	vld [tilespmem:s14+$0x14B80]  }
0x5c: {  	v58 =	vld [tilespmem:s14+$0xCB90]  }
0x5d: {  	v59 =	vld [tilespmem:s14+$0x14B90]  }
0x5e: {  	v61 =	vld [tilespmem:s14+$0xC920]  }
0x5f: {  	v62 =	vld [tilespmem:s14+$0x14920]  }
0x60: {  	v1 =	vld [tilespmem:s14+$0xC940]  }
0x61: {  	v3 =	vld [tilespmem:s14+$0xC950]  }
0x62: {  	v2 =	vld [tilespmem:s14+$0x14950]  }
0x63: {  	v15 =	vld [tilespmem:s14+$0xCB40]  }
0x64: {  	v12 =	vld [tilespmem:s14+$0x14B40]  }
0x65: {  	v17 =	vld [tilespmem:s14+$0xCB50]  }
0x66: {  	v16 =	vld [tilespmem:s14+$0x14B50]  }
0x67: {  	v4 =	vld [tilespmem:s14+$0xC8B0]  }
0x68: {  	v60 =	vld [tilespmem:s14+$0x148E0]  }
0x69: {  	v7 =	vld [tilespmem:s14+$0xC900]  }
0x6a: {  	v6 =	vld [tilespmem:s14+$0xC910]  }
0x6b: {  	v5 =	vld [tilespmem:s14+$0x14910]  }
0x6c: {  	v32 =	vld [tilespmem:s14+$0xC830]  }
0x6d: {  	v14 =	vld [tilespmem:s14+$0xCB00]  }
0x6e: {  	v10 =	vld [tilespmem:s14+$0x14B00]  }
0x6f: {  	v13 =	vld [tilespmem:s14+$0xCB10]  }
0x70: {  	v11 =	vld [tilespmem:s14+$0x14B10]  }
0x71: {  	[tilespmem:$0x1FDA0] =	vst v32;
	v32 =	vld [tilespmem:s14+$0x14830]  }
0x72: {  	[tilespmem:$0x1FCC0] =	vst v0;
	v0 =	vld [tilespmem:s14+$0xCB70]  }
0x73: {  	[tilespmem:$0x1FD80] =	vst v4;
	v4 =	vld [tilespmem:s14+$0x148B0]  }
0x74: {  	v37 =	vmul.f32 v38, v37;
	v38 =	vmul.f32 v40, v39;
	v39 =	vld [tilespmem:s14+$0xC8C0]  }
0x75: {  	v40 =	vmul.f32 v42, v41;
	v42 =	vld [tilespmem:s14+$0x148C0]  }
0x76: {  	[tilespmem:$0x1FDB0] =	vst v32;
	v32 =	vld [tilespmem:s14+$0xCA30]  }
0x77: {  	v24 =	vmul.f32 v25, v24;
	v25 =	vld [tilespmem:s14+$0xC8D0]  }
0x78: {  	v26 =	vmul.f32 v27, v26;
	v8 =	vmul.f32 v8, v9;
	v9 =	vld [tilespmem:s14+$0x148D0]  }
0x79: {  	v18 =	vmul.f32 v19, v18;
	v19 =	vmul.f32 v34, v33;
	v33 =	vld [tilespmem:s14+$0xCAD0]  }
0x7a: {  	v27 =	vmul.f32 v53, v52;
	v52 =	vmul.f32 v36, v35;
	v35 =	vld [tilespmem:s14+$0x14AD0]  }
0x7b: {  	[tilespmem:$0x1FDC0] =	vst v32;
	v32 =	vld [tilespmem:s14+$0x14A30]  }
0x7c: {  	v20 =	vmul.f32 v21, v20;
	v21 =	vld [tilespmem:s14+$0xC820]  }
0x7d: {  	v22 =	vmul.f32 v23, v22;
	v23 =	vld [tilespmem:s14+$0x14820]  }
0x7e: {  	v36 =	vld [tilespmem:s14+$0x14860]  }
0x7f: {  	v34 =	vld [tilespmem:s14+$0x14880]  }
0x80: {  	[tilespmem:$0x1FDD0] =	vst v32;
	v32 =	vld [tilespmem:s14+$0xC870]  }
0x81: {  	v41 =	vld [tilespmem:s14+$0xCA80]  }
0x82: {  	[tilespmem:$0x1FCD0] =	vst v0;
	v0 =	vld [tilespmem:s14+$0x14B70]  }
0x83: {  	[tilespmem:$0x1FD90] =	vst v4;
	v4 =	vld [tilespmem:s14+$0xCAB0]  }
0x84: {  	v12 =	vmul.f32 v12, v15;
	v15 =	vld [tilespmem:s14+$0x14A80]  }
0x85: {  	[tilespmem:$0x1FE20] =	vst v32;
	v32 =	vld [tilespmem:s14+$0x14870]  }
0x86: {  	v5 =	vmul.f32 v5, v6;
	v6 =	vld [tilespmem:$0x1FFD0]  }
0x87: {  	[tilespmem:$0x1FCE0] =	vst v0;
	v0 =	vld [tilespmem:s14+$0xC8F0]  }
0x88: {  	[tilespmem:$0x1FE40] =	vst v4;
	v4 =	vld [tilespmem:s14+$0xC8E0]  }
0x89: {  	v10 =	vmul.f32 v10, v14;
	v14 =	vld [tilespmem:s14+$0xC800]  }
0x8a: {  	[tilespmem:$0x1FE30] =	vst v32;
	v32 =	vld [tilespmem:s14+$0xC8A0]  }
0x8b: {  	v11 =	vmul.f32 v11, v13;
	v13 =	vld [tilespmem:s14+$0xC810]  }
0x8c: {  	v55 =	vmul.f32 v55, v54;
	[tilespmem:$0x1FD10] =	vst v0;
	v0 =	vld [tilespmem:s14+$0x148F0]  }
0x8d: {  	[tilespmem:$0x1FD30] =	vst v4;
	v4 =	vld [tilespmem:s14+$0xCAE0]  }
0x8e: {  	v27 =	vadd.f32 v55, v27;
	v10 =	vadd.f32 v11, v10;
	v11 =	vld [tilespmem:s14+$0xCA00]  }
0x8f: {  	[tilespmem:$0x1FDE0] =	vst v32;
	v32 =	vld [tilespmem:s14+$0x148A0]  }
0x90: {  	v19 =	vadd.f32 v19, v27;
	v27 =	vld [tilespmem:s14+$0xCA20]  }
0x91: {  	v37 =	vadd.f32 v38, v37;
	[tilespmem:$0x1FD20] =	vst v0;
	v0 =	vld [tilespmem:s14+$0xCAF0]  }
0x92: {  	[tilespmem:$0x1FD60] =	vst v4;
	v4 =	vld [tilespmem:s14+$0x14AE0]  }
0x93: {  	v57 =	vmul.f32 v57, v56;
	v59 =	vmul.f32 v59, v58;
	v24 =	vadd.f32 v24, v37;
	v37 =	vld [tilespmem:s14+$0xC890]  }
0x94: {  	v16 =	vmul.f32 v16, v17;
	[tilespmem:$0x1FDF0] =	vst v32;
	v32 =	vld [tilespmem:s14+$0xCAA0]  }
0x95: {  	v17 =	vmul.f32 v62, v61;
	v8 =	vadd.f32 v8, v24;
	v24 =	vadd.f32 v59, v57;
	v61 =	vld [tilespmem:$0x1FD90]  }
0x96: {  	[tilespmem:$0x1FD40] =	vst v0;
	v0 =	vld [tilespmem:s14+$0x14AF0]  }
0x97: {  	v24 =	vadd.f32 v52, v24;
	[tilespmem:$0x1FD70] =	vst v4;
	v4 =	vld [tilespmem:s14+$0x14900]  }
0x98: {  	v52 =	vld [tilespmem:$0x1FDA0]  }
0x99: {  	v22 =	vadd.f32 v22, v24;
	[tilespmem:$0x1FE00] =	vst v32;
	v32 =	vld [tilespmem:s14+$0x14AA0]  }
0x9a: {  	v24 =	vld [tilespmem:s14+$0x14A20]  }
0x9b: {  	v54 =	vld [tilespmem:$0x1FCE0];
	v53 =	vperm.xlane v22, v63  }
0x9c: {  	[tilespmem:$0x1FD50] =	vst v0;
	v0 =	vld [tilespmem:s14+$0xCB20];
	v4 =	vmul.f32 v4, v7  }
0x9d: {  	v22 =	vadd.f32 v53, v22;
	v53 =	vld [tilespmem:$0x1FDB0]  }
0x9e: {  	v9 =	vmul.f32 v9, v25;
	v25 =	vld [tilespmem:$0x1FD20];
	v4 =	vadd.f32 v5, v4;
	[tilespmem:$0x1FE10] =	vst v32;
	v32 =	vmul.f32 v44, v43  }
0x9f: {  	v58 =	vld [tilespmem:$0x1FD60]  }
0xa0: {  	v4 =	vadd.f32 v17, v4;
	v17 =	vld [tilespmem:$0x1FD10];
	v44 =	vadd.f32 v32, v40  }
0xa1: {  	[tilespmem:$0x1FCF0] =	vst v0;
	v0 =	vld [tilespmem:s14+$0x14B20]  }
0xa2: {  	v59 =	vld [tilespmem:$0x1FD70];
	v26 =	vadd.f32 v26, v44  }
0xa3: {  	v7 =	vld [tilespmem:s14+$0x14A90]  }
0xa4: {  	v55 =	vmul.f32 v45, v30;
	v30 =	vld [tilespmem:$0x1FD50];
	v18 =	vadd.f32 v18, v26  }
0xa5: {  	v19 =	vadd.f32 v20, v19;
	v20 =	vperm.xlane v8, v63;
	v17 =	vmul.f32 v25, v17;
	v25 =	vld [tilespmem:s14+$0x14A00]  }
0xa6: {  	[tilespmem:$0x1FD00] =	vst v0;
	v0 =	vld [tilespmem:s14+$0x14940];
	v26 =	vperm.xlane v18, v63  }
0xa7: {  	v8 =	vadd.f32 v20, v8;
	v5 =	vld [tilespmem:$0x1FCF0]  }
0xa8: {  	v20 =	vperm.xlane v19, v63;
	v4 =	vadd.f32 v55, v4;
	v55 =	vld [tilespmem:$0x1FDC0];
	v18 =	vadd.f32 v26, v18  }
0xa9: {  	v2 =	vmul.f32 v2, v3;
	v38 =	vmul.f32 v59, v58;
	v58 =	vld [tilespmem:$0x1FDF0]  }
0xaa: {  	v11 =	vmul.f32 v25, v11;
	v25 =	vld [tilespmem:s14+$0x14A70];
	v8 =	vsel vm0, v8, v18;
	v18 =	vadd.f32 v20, v19  }
0xab: {  	v43 =	vld [tilespmem:s14+$0x14AC0];
	v0 =	vmul.f32 v0, v1;
	v1 =	vperm.xlane v8, v31  }
0xac: {  	v3 =	vmul.f32 v50, v49;
	v40 =	vld [tilespmem:s14+$0xCAC0];
	v18 =	vsel vm0, v18, v22  }
0xad: {  	v2 =	vadd.f32 v2, v0;
	v32 =	vld [tilespmem:s14+$0xC840];
	v1 =	vadd.f32 v8, v1;
	v8 =	vperm.xlane v18, v31  }
0xae: {  	v19 =	vld [tilespmem:$0x1FCC0]  }
0xaf: {  	v2 =	vadd.f32 v3, v2;
	v3 =	vld [tilespmem:$0x1FFD0];
	v0 =	vadd.f32 v18, v8  }
0xb0: {  	v44 =	vld [tilespmem:s14+$0xC850]  }
0xb1: {  	v8 =	vperm.xlane v0, v6;
	v6 =	vadd.f32 v16, v12;
	v16 =	vld [tilespmem:$0x1FD00]  }
0xb2: {  	v26 =	vld [tilespmem:s14+$0xC860]  }
0xb3: {  	v19 =	vmul.f32 v29, v19;
	v29 =	vld [tilespmem:$0x1FCD0]  }
0xb4: {  	v20 =	vld [tilespmem:s14+$0xC880]  }
0xb5: {  	v57 =	vmul.f32 v51, v47;
	v22 =	vld [tilespmem:s14+$0x14890]  }
0xb6: {  	v18 =	vld [tilespmem:s14+$0xCA90];
	v5 =	vmul.f32 v16, v5;
	v16 =	vmul.f32 v42, v39  }
0xb7: {  	v12 =	vld [tilespmem:s14+$0x14800]  }
0xb8: {  	v6 =	vadd.f32 v57, v6;
	v29 =	vmul.f32 v54, v29;
	v9 =	vadd.f32 v9, v16;
	v16 =	vld [tilespmem:$0x1FD30]  }
0xb9: {  	v3 =	vperm.xlane v1, v3;
	v2 =	vadd.f32 v19, v2;
	v19 =	vld [tilespmem:s14+$0x14810]  }
0xba: {  	v6 =	vadd.f32 v29, v6;
	v29 =	vld [tilespmem:$0x1FD40]  }
0xbb: {  	v1 =	vadd.f32 v1, v3;
	v3 =	vld [tilespmem:s14+$0x14840]  }
0xbc: {  	v57 =	vld [tilespmem:$0x1FDE0]  }
0xbd: {  	v7 =	vmul.f32 v7, v18;
	v18 =	vld [tilespmem:s14+$0xCA60];
	v16 =	vmul.f32 v60, v16  }
0xbe: {  	v5 =	vadd.f32 v5, v10;
	v60 =	vld [tilespmem:$0x1FD80]  }
0xbf: {  	v10 =	vld [tilespmem:s14+$0xCA10];
	v49 =	vmul.f32 v30, v29;
	v29 =	vperm.xlane v2, v63;
	v9 =	vadd.f32 v16, v9  }
0xc0: {  	v30 =	vld [tilespmem:s14+$0x14A10];
	v16 =	vperm.xlane v6, v63  }
0xc1: {  	v2 =	vadd.f32 v29, v2;
	v29 =	vld [tilespmem:s14+$0x14850];
	v9 =	vadd.f32 v17, v9;
	v17 =	vperm.xlane v4, v63  }
0xc2: {  	v56 =	vmul.f32 v46, v48;
	v22 =	vmul.f32 v22, v37;
	v6 =	vadd.f32 v16, v6;
	v16 =	vld [tilespmem:s14+$0xCA40]  }
0xc3: {  	v39 =	vmul.f32 v61, v60;
	v60 =	vld [tilespmem:s14+$0xCA50];
	v4 =	vadd.f32 v17, v4;
	v17 =	vmul.f32 v34, v20  }
0xc4: {  	v15 =	vmul.f32 v15, v41;
	v20 =	vld [tilespmem:s14+$0x14A40]  }
0xc5: {  	v48 =	vmul.f32 v58, v57;
	v5 =	vadd.f32 v56, v5;
	v17 =	vadd.f32 v22, v17;
	v22 =	vld [tilespmem:s14+$0x14A50]  }
0xc6: {  	v33 =	vmul.f32 v35, v33;
	v21 =	vmul.f32 v23, v21;
	v7 =	vadd.f32 v7, v15;
	v15 =	vld [tilespmem:s14+$0xCA70]  }
0xc7: {  	v12 =	vmul.f32 v12, v14;
	v62 =	vperm.xlane v5, v63;
	v14 =	vadd.f32 v48, v17;
	v17 =	vld [tilespmem:s14+$0x14A60]  }
0xc8: {  	v13 =	vmul.f32 v19, v13;
	v3 =	vmul.f32 v3, v32;
	v56 =	vld [tilespmem:$0x1FDD0]  }
0xc9: {  	v5 =	vadd.f32 v62, v5;
	v62 =	vld [tilespmem:$0x1FE10];
	v10 =	vmul.f32 v30, v10;
	v19 =	vmul.f32 v29, v44  }
0xca: {  	v61 =	vld [tilespmem:$0x1FE00];
	v16 =	vmul.f32 v20, v16;
	v20 =	vmul.f32 v22, v60  }
0xcb: {  	v12 =	vadd.f32 v13, v12;
	v10 =	vadd.f32 v10, v11;
	v11 =	vmul.f32 v36, v26;
	v22 =	vld [tilespmem:s14+$0x14AB0]  }
0xcc: {  	v3 =	vadd.f32 v19, v3;
	v13 =	vadd.f32 v20, v16;
	v16 =	vmul.f32 v17, v18;
	v17 =	vld [tilespmem:$0x1FE20]  }
0xcd: {  	v23 =	vmul.f32 v24, v27;
	v40 =	vmul.f32 v43, v40;
	v18 =	vld [tilespmem:$0x1FE30]  }
0xce: {  	v3 =	vadd.f32 v11, v3;
	v11 =	vadd.f32 v16, v13;
	v13 =	vmul.f32 v25, v15;
	v15 =	vld [tilespmem:$0x1FE40]  }
0xcf: {  	v33 =	vadd.f32 v33, v40;
	v54 =	vmul.f32 v53, v52  }
0xd0: {  	v12 =	vadd.f32 v21, v12;
	v45 =	vmul.f32 v56, v55;
	v10 =	vadd.f32 v23, v10  }
0xd1: {  	v24 =	vadd.f32 v38, v33;
	v59 =	vperm.xlane v9, v63;
	v35 =	vmul.f32 v62, v61  }
0xd2: {  	v12 =	vadd.f32 v54, v12;
	v10 =	vadd.f32 v45, v10;
	v17 =	vmul.f32 v18, v17  }
0xd3: {  	v9 =	vadd.f32 v59, v9;
	v7 =	vadd.f32 v35, v7;
	v15 =	vmul.f32 v22, v15  }
0xd4: {  	v16 =	vperm.xlane v10, v63;
	v11 =	vadd.f32 v13, v11;
	v3 =	vadd.f32 v17, v3  }
0xd5: {  	v17 =	vadd.f32 v49, v24;
	v7 =	vadd.f32 v15, v7;
	v15 =	vperm.xlane v12, v63  }
0xd6: {  	v14 =	vadd.f32 v39, v14;
	v19 =	vperm.xlane v11, v63;
	v18 =	vperm.xlane v3, v63  }
0xd7: {  	v10 =	vadd.f32 v16, v10;
	v16 =	vperm.xlane v17, v63;
	v12 =	vadd.f32 v15, v12  }
0xd8: {  	v2 =	vsel vm0, v2, v6;
	v11 =	vadd.f32 v19, v11;
	v3 =	vadd.f32 v18, v3  }
0xd9: {  	v13 =	vperm.xlane v14, v63;
	v6 =	vsel vm0, v12, v10;
	v10 =	vadd.f32 v16, v17  }
0xda: {  	v15 =	vperm.xlane v7, v63;
	v3 =	vsel vm0, v3, v11;
	v11 =	vperm.xlane v6, v31  }
0xdb: {  	v4 =	vsel vm0, v4, v5;
	v13 =	vadd.f32 v13, v14;
	v9 =	vsel vm0, v9, v10  }
0xdc: {  	v7 =	vadd.f32 v15, v7;
	v5 =	vadd.f32 v6, v11;
	v6 =	vperm.xlane v9, v31;
	_ =	sdelay $0x1  }
0xdd: {  	v7 =	vsel vm0, v13, v7;
	v6 =	vadd.f32 v9, v6;
	v9 =	vld [tilespmem:$0x1FFD0]  }
0xde: {  	v12 =	vperm.xlane v3, v31;
	v13 =	vperm.xlane v7, v31;
	_ =	sdelay $0x1  }
0xdf: {  	v10 =	vperm.xlane v4, v31;
	v3 =	vadd.f32 v3, v12;
	v12 =	vld [tilespmem:$0x1FFD0];
	v7 =	vadd.f32 v7, v13  }
0xe0: {  	v11 =	vperm.xlane v2, v31;
	v13 =	vld [tilespmem:$0x1FFD0]  }
0xe1: {  	v4 =	vadd.f32 v4, v10;
	v10 =	vld [tilespmem:$0x1FFD0];
	v9 =	vperm.xlane v7, v9  }
0xe2: {  	v2 =	vadd.f32 v2, v11;
	v11 =	vld [tilespmem:$0x1FFD0]  }
0xe3: {  	v7 =	vadd.f32 v7, v9;
	v9 =	vld [tilespmem:$0x1FFD0];
	_ =	sdelay $0x1  }
0xe4: {  	v12 =	vperm.xlane v5, v12;
	v13 =	vperm.xlane v3, v13;
	_ =	sdelay $0x1  }
0xe5: {  	v10 =	vperm.xlane v6, v10;
	v5 =	vadd.f32 v5, v12;
	v3 =	vadd.f32 v3, v13  }
0xe6: {  	v11 =	vperm.xlane v2, v11;
	v9 =	vperm.xlane v4, v9  }
0xe7: {  	v6 =	vadd.f32 v6, v10;
	v12 =	vperm.xlane v5, v28;
	v13 =	vperm.xlane v3, v28  }
0xe8: {  	v2 =	vadd.f32 v2, v11;
	v10 =	vperm.xlane v7, v28;
	v4 =	vadd.f32 v4, v9  }
0xe9: {  	v5 =	vadd.f32 v5, v12;
	v3 =	vadd.f32 v3, v13;
	v9 =	vperm.xlane v6, v28  }
0xea: {  	v0 =	vadd.f32 v0, v8;
	v7 =	vadd.f32 v7, v10;
	v10 =	vperm.xlane v4, v28  }
0xeb: {  	v3 =	vsel vm1, v5, v3;
	v5 =	vadd.f32 v6, v9;
	v6 =	vperm.xlane v2, v28  }
0xec: {  	v3 =	vsel vm2, v3, v7;
	v7 =	vperm.xlane v0, v28;
	v4 =	vadd.f32 v4, v10  }
0xed: {  	v3 =	vsel vm3, v3, v5;
	v2 =	vadd.f32 v2, v6;
	v5 =	vperm.xlane v1, v28  }
0xee: {  	v0 =	vadd.f32 v0, v7;
	v3 =	vsel vm4, v3, v4  }
0xef: {  	v1 =	vadd.f32 v1, v5;
	v2 =	vsel vm5, v3, v2  }
0xf0: {  	v0 =	vsel vm6, v2, v0  }
0xf1: {  	s0 =	simm.s32 $0x1C800;
	v0 =	vsel vm7, v0, v1  }
0xf2: {  	s13 =	simm.s32 $0x400;
	[tilespmem:s0+$0x0] =	vst v0  }
0xf3: {  	v9 =	vld [tilespmem:s13+$0xC9F0]  }
0xf4: {  	v7 =	vld [tilespmem:s13+$0x149F0]  }
0xf5: {  	v11 =	vld [tilespmem:s13+$0xCBF0]  }
0xf6: {  	v10 =	vld [tilespmem:s13+$0x14BF0]  }
0xf7: {  	v13 =	vld [tilespmem:s13+$0xC9B0]  }
0xf8: {  	v12 =	vld [tilespmem:s13+$0x149B0]  }
0xf9: {  	v20 =	vld [tilespmem:s13+$0xCBB0]  }
0xfa: {  	v14 =	vld [tilespmem:s13+$0x14BB0]  }
0xfb: {  	v15 =	vld [tilespmem:s13+$0xC9E0]  }
0xfc: {  	v16 =	vld [tilespmem:s13+$0x149E0]  }
0xfd: {  	v17 =	vld [tilespmem:s13+$0xCBE0]  }
0xfe: {  	v18 =	vld [tilespmem:s13+$0x14BE0]  }
0xff: {  	v0 =	vld [tilespmem:s13+$0xC970]  }
0x100: {  	v23 =	vld [tilespmem:s13+$0xC9A0]  }
0x101: {  	v24 =	vld [tilespmem:s13+$0x149A0]  }
0x102: {  	v26 =	vld [tilespmem:s13+$0xCBA0]  }
0x103: {  	v27 =	vld [tilespmem:s13+$0x14BA0]  }
0x104: {  	v28 =	vld [tilespmem:s13+$0xC9C0]  }
0x105: {  	v29 =	vld [tilespmem:s13+$0x149C0]  }
0x106: {  	v30 =	vld [tilespmem:s13+$0xC9D0]  }
0x107: {  	v32 =	vld [tilespmem:s13+$0x149D0]  }
0x108: {  	v33 =	vld [tilespmem:s13+$0xCBC0]  }
0x109: {  	v34 =	vld [tilespmem:s13+$0x14BC0]  }
0x10a: {  	v35 =	vld [tilespmem:s13+$0xCBD0]  }
0x10b: {  	v36 =	vld [tilespmem:s13+$0x14BD0]  }
0x10c: {  	v37 =	vld [tilespmem:s13+$0xC930]  }
0x10d: {  	v38 =	vld [tilespmem:s13+$0x14930]  }
0x10e: {  	v40 =	vld [tilespmem:s13+$0x14B30]  }
0x10f: {  	v41 =	vld [tilespmem:s13+$0xC960]  }
0x110: {  	v42 =	vld [tilespmem:s13+$0x14960]  }
0x111: {  	v43 =	vld [tilespmem:s13+$0xCB60]  }
0x112: {  	v44 =	vld [tilespmem:s13+$0x14B60]  }
0x113: {  	v45 =	vld [tilespmem:s13+$0x14980]  }
0x114: {  	v48 =	vld [tilespmem:s13+$0xC990]  }
0x115: {  	v46 =	vld [tilespmem:s13+$0x14990]  }
0x116: {  	v49 =	vld [tilespmem:s13+$0xCB80]  }
0x117: {  	v50 =	vld [tilespmem:s13+$0x14B80]  }
0x118: {  	v47 =	vld [tilespmem:s13+$0xCB90]  }
0x119: {  	v51 =	vld [tilespmem:s13+$0x14B90]  }
0x11a: {  	v1 =	vld [tilespmem:s13+$0xC8F0]  }
0x11b: {  	v52 =	vld [tilespmem:s13+$0xC920]  }
0x11c: {  	v53 =	vld [tilespmem:s13+$0x14920]  }
0x11d: {  	v55 =	vld [tilespmem:s13+$0x14B20]  }
0x11e: {  	v56 =	vld [tilespmem:s13+$0xC940]  }
0x11f: {  	v57 =	vld [tilespmem:s13+$0x14940]  }
0x120: {  	v58 =	vld [tilespmem:s13+$0xC950]  }
0x121: {  	v59 =	vld [tilespmem:s13+$0x14950]  }
0x122: {  	v61 =	vld [tilespmem:s13+$0xCB40]  }
0x123: {  	v62 =	vld [tilespmem:s13+$0x14B40]  }
0x124: {  	v60 =	vld [tilespmem:s13+$0xCB50]  }
0x125: {  	v19 =	vld [tilespmem:s13+$0x14B50]  }
0x126: {  	v39 =	vld [tilespmem:s13+$0x148E0]  }
0x127: {  	v8 =	vld [tilespmem:s13+$0xC900]  }
0x128: {  	v2 =	vld [tilespmem:s13+$0x14900]  }
0x129: {  	v5 =	vld [tilespmem:s13+$0xC910]  }
0x12a: {  	v3 =	vld [tilespmem:s13+$0x14910]  }
0x12b: {  	v22 =	vld [tilespmem:s13+$0xCB00]  }
0x12c: {  	v21 =	vld [tilespmem:s13+$0xCA30]  }
0x12d: {  	[tilespmem:$0x1FEE0] =	vst v1;
	v1 =	vld [tilespmem:s13+$0x148F0]  }
0x12e: {  	[tilespmem:$0x1FE80] =	vst v0;
	v0 =	vld [tilespmem:s13+$0x14970]  }
0x12f: {  	v6 =	vld [tilespmem:s13+$0x14B00]  }
0x130: {  	v4 =	vld [tilespmem:s13+$0xCB10]  }
0x131: {  	[tilespmem:$0x1FF70] =	vst v21;
	v21 =	vld [tilespmem:s13+$0x14A30]  }
0x132: {  	[tilespmem:$0x1FEF0] =	vst v1;
	v1 =	vld [tilespmem:s13+$0xCAF0]  }
0x133: {  	[tilespmem:$0x1FE90] =	vst v0;
	v0 =	vld [tilespmem:s13+$0xCB70]  }
0x134: {  	v54 =	vld [tilespmem:s13+$0xC830]  }
0x135: {  	v25 =	vld [tilespmem:s13+$0x14830]  }
0x136: {  	[tilespmem:$0x1FF80] =	vst v21;
	v21 =	vld [tilespmem:s13+$0xC870]  }
0x137: {  	[tilespmem:$0x1FF10] =	vst v1;
	v1 =	vld [tilespmem:s13+$0x14AF0]  }
0x138: {  	[tilespmem:$0x1FEA0] =	vst v0;
	v0 =	vld [tilespmem:s13+$0x14B70]  }
0x139: {  	v28 =	vmul.f32 v29, v28;
	v29 =	vmul.f32 v32, v30;
	v30 =	vld [tilespmem:s13+$0xC8C0]  }
0x13a: {  	v32 =	vmul.f32 v34, v33;
	v34 =	vld [tilespmem:s13+$0x148C0]  }
0x13b: {  	[tilespmem:$0x1FE60] =	vst v21;
	v21 =	vld [tilespmem:s13+$0x14870]  }
0x13c: {  	[tilespmem:$0x1FF20] =	vst v1;
	v1 =	vld [tilespmem:s13+$0xCB20]  }
0x13d: {  	[tilespmem:$0x1FEB0] =	vst v0;
	v0 =	vld [tilespmem:s13+$0xCB30]  }
0x13e: {  	v15 =	vmul.f32 v16, v15;
	v16 =	vld [tilespmem:s13+$0xC8D0]  }
0x13f: {  	v7 =	vmul.f32 v7, v9;
	v9 =	vld [tilespmem:s13+$0x148D0]  }
0x140: {  	[tilespmem:$0x1FE70] =	vst v21;
	v21 =	vld [tilespmem:s13+$0xC8A0]  }
0x141: {  	[tilespmem:$0x1FED0] =	vst v1;
	v1 =	vld [tilespmem:s13+$0xC8B0]  }
0x142: {  	[tilespmem:$0x1FEC0] =	vst v0;
	v0 =	vld [tilespmem:s13+$0xC980]  }
0x143: {  	v36 =	vmul.f32 v36, v35;
	v35 =	vld [tilespmem:s13+$0xCAC0]  }
0x144: {  	v33 =	vld [tilespmem:s13+$0xC840]  }
0x145: {  	v28 =	vadd.f32 v29, v28;
	[tilespmem:$0x1FF90] =	vst v21;
	v21 =	vld [tilespmem:s13+$0x148A0]  }
0x146: {  	v17 =	vmul.f32 v18, v17;
	v29 =	vadd.f32 v36, v32;
	[tilespmem:$0x1FF50] =	vst v1;
	v1 =	vld [tilespmem:s13+$0x148B0]  }
0x147: {  	v36 =	vld [tilespmem:s13+$0x14AC0];
	v15 =	vadd.f32 v15, v28;
	v28 =	vmul.f32 v46, v48;
	v18 =	vmul.f32 v45, v0  }
0x148: {  	v10 =	vmul.f32 v10, v11;
	v32 =	vmul.f32 v38, v37;
	v37 =	vld [tilespmem:s13+$0xC850]  }
0x149: {  	v11 =	vmul.f32 v24, v23;
	v38 =	vld [tilespmem:s13+$0x14850];
	v17 =	vadd.f32 v17, v29;
	v18 =	vadd.f32 v28, v18  }
0x14a: {  	v29 =	vmul.f32 v50, v49;
	v7 =	vadd.f32 v7, v15;
	[tilespmem:$0x1FFA0] =	vst v21;
	v21 =	vld [tilespmem:s13+$0xCAA0]  }
0x14b: {  	v10 =	vadd.f32 v10, v17;
	v17 =	vmul.f32 v12, v13;
	v11 =	vadd.f32 v11, v18;
	[tilespmem:$0x1FF60] =	vst v1;
	v1 =	vld [tilespmem:s13+$0xCAB0]  }
0x14c: {  	v50 =	vmul.f32 v51, v47;
	v47 =	vld [tilespmem:s13+$0xCAD0];
	v18 =	vmul.f32 v14, v20  }
0x14d: {  	v48 =	vld [tilespmem:s13+$0xC880];
	v20 =	vperm.xlane v10, v63;
	v17 =	vadd.f32 v17, v11;
	v11 =	vperm.xlane v7, v63  }
0x14e: {  	v0 =	vld [tilespmem:$0x1FE80]  }
0x14f: {  	[tilespmem:$0x1FFB0] =	vst v21;
	v21 =	vld [tilespmem:s13+$0x14AA0];
	v20 =	vadd.f32 v20, v10;
	v7 =	vadd.f32 v11, v7  }
0x150: {  	[tilespmem:$0x1FE50] =	vst v1;
	v1 =	vld [tilespmem:s13+$0xC8E0]  }
0x151: {  	v7 =	vsel vm0, v7, v20;
	v20 =	vld [tilespmem:$0x1FE90]  }
0x152: {  	v46 =	vld [tilespmem:s13+$0x14880]  }
0x153: {  	v49 =	vld [tilespmem:s13+$0xC890]  }
0x154: {  	v23 =	vmul.f32 v27, v26;
	v15 =	vadd.f32 v50, v29;
	[tilespmem:$0x1FFC0] =	vst v21;
	v21 =	vld [tilespmem:$0x1FEB0]  }
0x155: {  	[tilespmem:$0x1FF00] =	vst v1;
	v1 =	vld [tilespmem:s13+$0xCAE0]  }
0x156: {  	v15 =	vadd.f32 v23, v15;
	v20 =	vmul.f32 v20, v0;
	v0 =	vld [tilespmem:$0x1FEA0]  }
0x157: {  	v51 =	vld [tilespmem:s13+$0x14890]  }
0x158: {  	v12 =	vld [tilespmem:s13+$0xC820];
	v18 =	vadd.f32 v18, v15  }
0x159: {  	v45 =	vld [tilespmem:s13+$0x14AD0]  }
0x15a: {  	v23 =	vperm.xlane v17, v63;
	v24 =	vperm.xlane v18, v63;
	[tilespmem:$0x1FF30] =	vst v1;
	v1 =	vld [tilespmem:s13+$0x14AE0]  }
0x15b: {  	v28 =	vmul.f32 v21, v0;
	v0 =	vld [tilespmem:$0x1FEC0]  }
0x15c: {  	v27 =	vmul.f32 v62, v61;
	v13 =	vld [tilespmem:s13+$0x14820];
	v17 =	vadd.f32 v23, v17;
	v18 =	vadd.f32 v24, v18  }
0x15d: {  	v35 =	vmul.f32 v36, v35;
	v36 =	vld [tilespmem:s13+$0xCA50];
	v23 =	vperm.xlane v7, v31  }
0x15e: {  	v2 =	vmul.f32 v2, v8;
	v14 =	vld [tilespmem:s13+$0xCA20];
	v62 =	vmul.f32 v45, v47;
	v18 =	vsel vm0, v17, v18  }
0x15f: {  	v24 =	vmul.f32 v59, v58;
	v58 =	vadd.f32 v7, v23;
	v7 =	vperm.xlane v18, v31;
	[tilespmem:$0x1FF40] =	vst v1;
	v1 =	vld [tilespmem:s13+$0x14B10]  }
0x160: {  	v15 =	vld [tilespmem:s13+$0x14A20];
	v59 =	vmul.f32 v40, v0;
	v0 =	vmul.f32 v3, v5  }
0x161: {  	v26 =	vmul.f32 v42, v41;
	v10 =	vld [tilespmem:s13+$0xC860];
	v42 =	vadd.f32 v62, v35;
	v21 =	vmul.f32 v57, v56  }
0x162: {  	v7 =	vadd.f32 v18, v7;
	v0 =	vadd.f32 v0, v2;
	v2 =	vld [tilespmem:$0x1FED0]  }
0x163: {  	v35 =	vld [tilespmem:s13+$0x14A40];
	v18 =	vmul.f32 v19, v60;
	v19 =	vmul.f32 v53, v52;
	v24 =	vadd.f32 v24, v21  }
0x164: {  	v57 =	vld [tilespmem:$0x1FFD0];
	v3 =	vmul.f32 v6, v22;
	v1 =	vmul.f32 v1, v4  }
0x165: {  	v29 =	vmul.f32 v44, v43;
	v11 =	vld [tilespmem:s13+$0x14860];
	v60 =	vadd.f32 v26, v24;
	v5 =	vadd.f32 v18, v27  }
0x166: {  	v8 =	vmul.f32 v9, v16;
	v1 =	vadd.f32 v1, v3;
	v3 =	vadd.f32 v19, v0;
	v0 =	vld [tilespmem:$0x1FEE0]  }
0x167: {  	v6 =	vmul.f32 v34, v30;
	v5 =	vadd.f32 v29, v5;
	v4 =	vmul.f32 v55, v2;
	v2 =	vld [tilespmem:$0x1FEF0]  }
0x168: {  	v17 =	vld [tilespmem:s13+$0xCA80];
	v18 =	vadd.f32 v20, v60  }
0x169: {  	v23 =	vld [tilespmem:s13+$0xCA90];
	v20 =	vadd.f32 v28, v5;
	v5 =	vadd.f32 v8, v6;
	v8 =	vperm.xlane v58, v57  }
0x16a: {  	v28 =	vmul.f32 v25, v54;
	v25 =	vld [tilespmem:$0x1FF80]  }
0x16b: {  	v55 =	vadd.f32 v58, v8;
	v8 =	vld [tilespmem:$0x1FF70]  }
0x16c: {  	v9 =	vmul.f32 v2, v0;
	v0 =	vld [tilespmem:$0x1FF00]  }
0x16d: {  	v61 =	vadd.f32 v32, v3;
	v3 =	vld [tilespmem:$0x1FF10]  }
0x16e: {  	v1 =	vadd.f32 v4, v1;
	v4 =	vld [tilespmem:$0x1FF20]  }
0x16f: {  	v21 =	vld [tilespmem:s13+$0x14A80]  }
0x170: {  	v24 =	vld [tilespmem:s13+$0x14A90]  }
0x171: {  	v26 =	vld [tilespmem:s13+$0x14800];
	v6 =	vmul.f32 v39, v0  }
0x172: {  	v30 =	vmul.f32 v25, v8;
	v8 =	vld [tilespmem:$0x1FF90]  }
0x173: {  	v16 =	vmul.f32 v4, v3;
	v4 =	vld [tilespmem:$0x1FF30];
	v19 =	vadd.f32 v6, v5  }
0x174: {  	v5 =	vld [tilespmem:$0x1FF40]  }
0x175: {  	v25 =	vadd.f32 v9, v19;
	v19 =	vld [tilespmem:$0x1FFA0]  }
0x176: {  	v27 =	vld [tilespmem:s13+$0xC800]  }
0x177: {  	v29 =	vld [tilespmem:s13+$0xC810]  }
0x178: {  	v32 =	vld [tilespmem:s13+$0x14840]  }
0x179: {  	v22 =	vperm.xlane v18, v63;
	v1 =	vadd.f32 v59, v1;
	v2 =	vld [tilespmem:s13+$0x14810];
	v9 =	vperm.xlane v20, v63  }
0x17a: {  	v34 =	vmul.f32 v5, v4;
	v4 =	vld [tilespmem:$0x1FF50];
	v40 =	vmul.f32 v19, v8  }
0x17b: {  	v5 =	vld [tilespmem:$0x1FF60];
	v19 =	vadd.f32 v22, v18;
	v22 =	vadd.f32 v9, v20;
	v9 =	vperm.xlane v1, v63  }
0x17c: {  	v8 =	vld [tilespmem:$0x1FFC0]  }
0x17d: {  	v20 =	vadd.f32 v9, v1;
	v1 =	vld [tilespmem:$0x1FFB0]  }
0x17e: {  	v3 =	vld [tilespmem:s13+$0x14A00]  }
0x17f: {  	v0 =	vld [tilespmem:s13+$0xCA00];
	v18 =	vperm.xlane v61, v63  }
0x180: {  	v43 =	vmul.f32 v46, v48;
	v39 =	vld [tilespmem:s13+$0xCA40];
	v31 =	vperm.xlane v25, v63  }
0x181: {  	v44 =	vmul.f32 v51, v49;
	v6 =	vld [tilespmem:s13+$0xCA10];
	v18 =	vadd.f32 v18, v61;
	v61 =	vperm.xlane v7, v57  }
0x182: {  	s14 =	simm.s32 $0x2000;
	v25 =	vadd.f32 v31, v25;
	v4 =	vmul.f32 v5, v4;
	v5 =	vld [tilespmem:s13+$0x14A10];
	v1 =	vmul.f32 v8, v1  }
.LBB2_3:
0x183: {  	v54 =	vld [tilespmem:s13+$0x14A50]  }
0x184: {  	v8 =	vld [tilespmem:$0x1FE60];
	v12 =	vmul.f32 v13, v12  }
0x185: {  	v9 =	vld [tilespmem:$0x1FE70];
	v41 =	vadd.f32 v44, v43;
	v13 =	vmul.f32 v15, v14;
	v14 =	vmul.f32 v21, v17  }
0x186: {  	v15 =	vmul.f32 v24, v23;
	v17 =	vld [tilespmem:s13+$0xCA60];
	v23 =	vmul.f32 v26, v27  }
0x187: {  	v2 =	vmul.f32 v2, v29;
	v24 =	vadd.f32 v40, v41;
	v26 =	vld [tilespmem:s13+$0x14A60];
	v0 =	vmul.f32 v3, v0  }
0x188: {  	v3 =	vmul.f32 v5, v6;
	v6 =	vld [tilespmem:s13+$0xCA70];
	v27 =	vmul.f32 v35, v39;
	v5 =	vadd.f32 v15, v14  }
0x189: {  	v29 =	vmul.f32 v54, v36;
	v4 =	vadd.f32 v4, v24;
	v24 =	vld [tilespmem:s13+$0x14A70];
	v2 =	vadd.f32 v2, v23  }
0x18a: {  	v14 =	vmul.f32 v32, v33;
	v15 =	vmul.f32 v38, v37;
	v1 =	vadd.f32 v1, v5;
	v5 =	vld [tilespmem:s13+$0x14AB0]  }
0x18b: {  	v0 =	vadd.f32 v3, v0;
	v2 =	vadd.f32 v12, v2;
	v12 =	vmul.f32 v9, v8;
	v8 =	vld [tilespmem:$0x1FE50]  }
0x18c: {  	v3 =	vmul.f32 v11, v10;
	v10 =	vadd.f32 v15, v14  }
0x18d: {  	v11 =	vadd.f32 v29, v27;
	v0 =	vadd.f32 v13, v0;
	v14 =	vmul.f32 v26, v17  }
0x18e: {  	v3 =	vadd.f32 v3, v10  }
0x18f: {  	v0 =	vadd.f32 v30, v0;
	v10 =	vadd.f32 v14, v11;
	v6 =	vmul.f32 v24, v6  }
0x190: {  	v21 =	vadd.f32 v34, v42;
	v2 =	vadd.f32 v28, v2;
	v5 =	vmul.f32 v5, v8  }
0x191: {  	v3 =	vadd.f32 v12, v3;
	v11 =	vperm.xlane v0, v63;
	v6 =	vadd.f32 v6, v10  }
0x192: {  	v10 =	vperm.xlane v4, v63;
	v1 =	vadd.f32 v5, v1;
	v5 =	vperm.xlane v2, v63  }
0x193: {  	v12 =	vadd.f32 v16, v21;
	v8 =	vld [tilespmem:$0x1FFE0];
	v13 =	vperm.xlane v3, v63;
	v14 =	vperm.xlane v6, v63  }
0x194: {  	v0 =	vadd.f32 v11, v0;
	v2 =	vadd.f32 v5, v2;
	v5 =	vperm.xlane v1, v63  }
0x195: {  	v11 =	vperm.xlane v12, v63;
	v3 =	vadd.f32 v13, v3;
	v6 =	vadd.f32 v14, v6  }
0x196: {  	v4 =	vadd.f32 v10, v4;
	v1 =	vadd.f32 v5, v1;
	v5 =	vsel vm0, v19, v22  }
0x197: {  	v0 =	vsel vm0, v2, v0;
	v2 =	vsel vm0, v3, v6;
	v3 =	vadd.f32 v11, v12  }
0x198: {  	v6 =	vperm.xlane v0, v8;
	v10 =	vperm.xlane v2, v8;
	v1 =	vsel vm0, v4, v1  }
0x199: {  	v11 =	vsel vm0, v18, v20;
	v3 =	vsel vm0, v25, v3;
	v4 =	vperm.xlane v1, v8  }
0x19a: {  	v0 =	vadd.f32 v0, v6;
	v2 =	vadd.f32 v2, v10;
	v6 =	vperm.xlane v3, v8  }
0x19b: {  	v9 =	vld [tilespmem:$0x1FFF0];
	v10 =	vperm.xlane v5, v8;
	v1 =	vadd.f32 v1, v4;
	v4 =	vperm.xlane v11, v8  }
0x19c: {  	v12 =	vperm.xlane v0, v57;
	v13 =	vperm.xlane v2, v57;
	v3 =	vadd.f32 v3, v6  }
0x19d: {  	v5 =	vadd.f32 v5, v10;
	v6 =	vperm.xlane v1, v57;
	v4 =	vadd.f32 v11, v4  }
0x19e: {  	v0 =	vadd.f32 v0, v12;
	v2 =	vadd.f32 v2, v13;
	v10 =	vperm.xlane v3, v57  }
0x19f: {  	v11 =	vperm.xlane v5, v57;
	v1 =	vadd.f32 v1, v6;
	v6 =	vperm.xlane v4, v57  }
0x1a0: {  	v12 =	vperm.xlane v0, v9;
	v13 =	vperm.xlane v2, v9;
	v3 =	vadd.f32 v3, v10  }
0x1a1: {  	v5 =	vadd.f32 v5, v11;
	v10 =	vperm.xlane v1, v9;
	v4 =	vadd.f32 v4, v6  }
0x1a2: {  	v0 =	vadd.f32 v0, v12;
	v2 =	vadd.f32 v2, v13;
	v6 =	vperm.xlane v3, v9  }
0x1a3: {  	v7 =	vadd.f32 v7, v61;
	v1 =	vadd.f32 v1, v10;
	v10 =	vperm.xlane v4, v9  }
0x1a4: {  	v0 =	vsel vm1, v0, v2;
	v2 =	vadd.f32 v3, v6;
	v3 =	vperm.xlane v5, v9  }
0x1a5: {  	v0 =	vsel vm2, v0, v1;
	v1 =	vadd.f32 v4, v10;
	v4 =	vperm.xlane v7, v9  }
0x1a6: {  	v0 =	vsel vm3, v0, v2;
	v2 =	vadd.f32 v5, v3;
	v3 =	vperm.xlane v55, v9  }
0x1a7: {  	v0 =	vsel vm4, v0, v1;
	v1 =	vadd.f32 v7, v4  }
0x1a8: {  	v0 =	vsel vm5, v0, v2;
	v2 =	vadd.f32 v55, v3  }
0x1a9: {  	v0 =	vsel vm6, v0, v1  }
0x1aa: {  	s0 =	sadd.s32 $0x10, s0;
	v0 =	vsel vm7, v0, v2  }
0x1ab: {  	s13 =	sshra.s32 s14, $0x2;
	[tilespmem:s0+$0x0] =	vst v0  }
0x1ac: {  	v22 =	vld [tilespmem:s13+$0xC9F0]  }
0x1ad: {  	v35 =	vld [tilespmem:s13+$0x149F0]  }
0x1ae: {  	v21 =	vld [tilespmem:s13+$0xCBF0]  }
0x1af: {  	v36 =	vld [tilespmem:s13+$0x14BF0]  }
0x1b0: {  	v0 =	vld [tilespmem:s13+$0xC9B0]  }
0x1b1: {  	v41 =	vld [tilespmem:s13+$0xC9E0]  }
0x1b2: {  	v11 =	vld [tilespmem:s13+$0x149E0]  }
0x1b3: {  	v14 =	vld [tilespmem:s13+$0xCBE0]  }
0x1b4: {  	v12 =	vld [tilespmem:s13+$0x14BE0]  }
0x1b5: {  	v13 =	vld [tilespmem:s13+$0xC9A0]  }
0x1b6: {  	v10 =	vld [tilespmem:s13+$0x149A0]  }
0x1b7: {  	v17 =	vld [tilespmem:s13+$0xCBA0]  }
0x1b8: {  	v15 =	vld [tilespmem:s13+$0x14BA0]  }
0x1b9: {  	v49 =	vld [tilespmem:s13+$0xC9C0]  }
0x1ba: {  	v50 =	vld [tilespmem:s13+$0x149C0]  }
0x1bb: {  	v31 =	vld [tilespmem:s13+$0xC9D0]  }
0x1bc: {  	v45 =	vld [tilespmem:s13+$0x149D0]  }
0x1bd: {  	v46 =	vld [tilespmem:s13+$0xCBC0]  }
0x1be: {  	v48 =	vld [tilespmem:s13+$0x14BC0]  }
0x1bf: {  	v47 =	vld [tilespmem:s13+$0xCBD0]  }
0x1c0: {  	v51 =	vld [tilespmem:s13+$0x14BD0]  }
0x1c1: {  	v27 =	vld [tilespmem:s13+$0xC930]  }
0x1c2: {  	v30 =	vld [tilespmem:s13+$0x14930]  }
0x1c3: {  	v26 =	vld [tilespmem:s13+$0xC960]  }
0x1c4: {  	v29 =	vld [tilespmem:s13+$0x14960]  }
0x1c5: {  	v24 =	vld [tilespmem:s13+$0xCB60]  }
0x1c6: {  	v28 =	vld [tilespmem:s13+$0x14B60]  }
0x1c7: {  	v52 =	vld [tilespmem:s13+$0xC980]  }
0x1c8: {  	v53 =	vld [tilespmem:s13+$0x14980]  }
0x1c9: {  	v54 =	vld [tilespmem:s13+$0xC990]  }
0x1ca: {  	v55 =	vld [tilespmem:s13+$0x14990]  }
0x1cb: {  	v56 =	vld [tilespmem:s13+$0xCB80]  }
0x1cc: {  	v57 =	vld [tilespmem:s13+$0x14B80]  }
0x1cd: {  	v58 =	vld [tilespmem:s13+$0xCB90]  }
0x1ce: {  	v59 =	vld [tilespmem:s13+$0x14B90]  }
0x1cf: {  	v39 =	vld [tilespmem:s13+$0xC920]  }
0x1d0: {  	v43 =	vld [tilespmem:s13+$0x14920]  }
0x1d1: {  	v25 =	vld [tilespmem:s13+$0xCB20]  }
0x1d2: {  	v33 =	vld [tilespmem:s13+$0x14B20]  }
0x1d3: {  	[tilespmem:$0x1FBB0] =	vst v0;
	v0 =	vld [tilespmem:s13+$0x149B0]  }
0x1d4: {  	v1 =	vld [tilespmem:s13+$0xC940]  }
0x1d5: {  	v7 =	vld [tilespmem:s13+$0x14940]  }
0x1d6: {  	v61 =	vld [tilespmem:s13+$0xC950]  }
0x1d7: {  	v62 =	vld [tilespmem:s13+$0x14950]  }
0x1d8: {  	[tilespmem:$0x1FBC0] =	vst v0;
	v0 =	vld [tilespmem:s13+$0xCBB0]  }
0x1d9: {  	v20 =	vld [tilespmem:s13+$0xCB40]  }
0x1da: {  	v16 =	vld [tilespmem:s13+$0x14B40]  }
0x1db: {  	v19 =	vld [tilespmem:s13+$0xCB50]  }
0x1dc: {  	v18 =	vld [tilespmem:s13+$0x14B50]  }
0x1dd: {  	[tilespmem:$0x1FBD0] =	vst v0;
	v0 =	vld [tilespmem:s13+$0x14BB0]  }
0x1de: {  	v37 =	vld [tilespmem:s13+$0xC8E0]  }
0x1df: {  	v40 =	vld [tilespmem:s13+$0x148E0]  }
0x1e0: {  	v32 =	vld [tilespmem:s13+$0xCAE0]  }
0x1e1: {  	v34 =	vld [tilespmem:s13+$0x14AE0]  }
0x1e2: {  	[tilespmem:$0x1FBE0] =	vst v0;
	v0 =	vld [tilespmem:s13+$0xC970]  }
0x1e3: {  	v60 =	vld [tilespmem:s13+$0xC900]  }
0x1e4: {  	v9 =	vld [tilespmem:s13+$0x14900]  }
0x1e5: {  	v3 =	vld [tilespmem:s13+$0xC910]  }
0x1e6: {  	v5 =	vld [tilespmem:s13+$0x14910]  }
0x1e7: {  	[tilespmem:$0x1FBF0] =	vst v0;
	v0 =	vld [tilespmem:s13+$0x14970]  }
0x1e8: {  	v2 =	vld [tilespmem:s13+$0xCB00]  }
0x1e9: {  	v4 =	vld [tilespmem:s13+$0x14B00]  }
0x1ea: {  	v6 =	vld [tilespmem:s13+$0xCB10]  }
0x1eb: {  	v23 =	vld [tilespmem:s13+$0xC830]  }
0x1ec: {  	[tilespmem:$0x1FC00] =	vst v0;
	v0 =	vld [tilespmem:s13+$0xCB70]  }
0x1ed: {  	v42 =	vld [tilespmem:s13+$0x14830]  }
0x1ee: {  	v44 =	vld [tilespmem:s13+$0xCA30]  }
0x1ef: {  	v38 =	vld [tilespmem:s13+$0x14A30]  }
0x1f0: {  	[tilespmem:$0x1FCB0] =	vst v23;
	v23 =	vld [tilespmem:s13+$0xC870]  }
0x1f1: {  	[tilespmem:$0x1FC10] =	vst v0;
	v0 =	vld [tilespmem:s13+$0x14B70]  }
0x1f2: {  	v50 =	vmul.f32 v50, v49;
	v49 =	vld [tilespmem:s13+$0xC8A0]  }
0x1f3: {  	v31 =	vmul.f32 v45, v31;
	v11 =	vmul.f32 v11, v41;
	v41 =	vld [tilespmem:s13+$0xCAA0]  }
0x1f4: {  	v12 =	vmul.f32 v12, v14;
	v14 =	vmul.f32 v35, v22;
	v22 =	vld [tilespmem:s13+$0xC8C0]  }
0x1f5: {  	v45 =	vmul.f32 v48, v46;
	v46 =	vmul.f32 v51, v47;
	v47 =	vld [tilespmem:s13+$0x148D0]  }
0x1f6: {  	[tilespmem:$0x1FC20] =	vst v0;
	v0 =	vld [tilespmem:s13+$0xCB30]  }
0x1f7: {  	v35 =	vld [tilespmem:s13+$0xCAC0]  }
0x1f8: {  	v21 =	vmul.f32 v36, v21;
	v36 =	vld [tilespmem:s13+$0x14AC0]  }
0x1f9: {  	v48 =	vld [tilespmem:s13+$0xCAD0]  }
0x1fa: {  	v51 =	vld [tilespmem:s13+$0x14AD0]  }
0x1fb: {  	[tilespmem:$0x1FC30] =	vst v0;
	v0 =	vld [tilespmem:s13+$0x14B30]  }
0x1fc: {  	v10 =	vmul.f32 v10, v13;
	v13 =	vmul.f32 v53, v52;
	v52 =	vld [tilespmem:s13+$0xC880]  }
0x1fd: {  	v7 =	vmul.f32 v7, v1;
	v1 =	vld [tilespmem:s13+$0x14890]  }
0x1fe: {  	v28 =	vmul.f32 v28, v24;
	v24 =	vld [tilespmem:s13+$0x14A90]  }
0x1ff: {  	v4 =	vmul.f32 v4, v2;
	v2 =	vld [tilespmem:s13+$0x14810]  }
0x200: {  	v31 =	vadd.f32 v31, v50;
	[tilespmem:$0x1FC40] =	vst v0;
	v0 =	vld [tilespmem:s13+$0xC8F0]  }
0x201: {  	v34 =	vmul.f32 v34, v32;
	v32 =	vld [tilespmem:s13+$0x14840];
	v45 =	vadd.f32 v46, v45  }
0x202: {  	v18 =	vmul.f32 v18, v19;
	v19 =	vmul.f32 v43, v39;
	v39 =	vld [tilespmem:s13+$0xCA40];
	v11 =	vadd.f32 v11, v31  }
0x203: {  	v15 =	vmul.f32 v15, v17;
	v17 =	vld [tilespmem:$0x1FBB0];
	v12 =	vadd.f32 v12, v45  }
0x204: {  	v50 =	vld [tilespmem:s13+$0x148A0];
	v11 =	vadd.f32 v14, v11;
	v14 =	vmul.f32 v55, v54  }
0x205: {  	v12 =	vadd.f32 v21, v12;
	v21 =	vmul.f32 v57, v56;
	v56 =	vmul.f32 v59, v58;
	[tilespmem:$0x1FC50] =	vst v0;
	v0 =	vld [tilespmem:s13+$0x148F0]  }
0x206: {  	v46 =	vld [tilespmem:s13+$0xC8D0]  }
0x207: {  	v61 =	vmul.f32 v62, v61;
	v13 =	vadd.f32 v14, v13;
	v14 =	vadd.f32 v56, v21;
	v21 =	vld [tilespmem:$0x1FBC0]  }
0x208: {  	v31 =	vld [tilespmem:s13+$0x14AA0]  }
0x209: {  	v26 =	vmul.f32 v29, v26;
	v16 =	vmul.f32 v16, v20;
	v29 =	vadd.f32 v61, v7;
	v45 =	vld [tilespmem:s13+$0x148C0]  }
0x20a: {  	v58 =	vperm.xlane v12, v63;
	[tilespmem:$0x1FC60] =	vst v0;
	v0 =	vld [tilespmem:s13+$0xCAF0]  }
0x20b: {  	v3 =	vmul.f32 v5, v3;
	v5 =	vadd.f32 v18, v16;
	v29 =	vadd.f32 v26, v29;
	v26 =	vld [tilespmem:s13+$0x14800]  }
0x20c: {  	v57 =	vperm.xlane v11, v63;
	v17 =	vmul.f32 v21, v17;
	v21 =	vadd.f32 v58, v12;
	v12 =	vld [tilespmem:$0x1FBD0]  }
0x20d: {  	v10 =	vadd.f32 v10, v13;
	v13 =	vld [tilespmem:$0x1FBE0]  }
0x20e: {  	v5 =	vadd.f32 v28, v5;
	v28 =	vmul.f32 v40, v37;
	v37 =	vld [tilespmem:s13+$0xC850];
	v11 =	vadd.f32 v57, v11  }
0x20f: {  	[tilespmem:$0x1FC70] =	vst v0;
	v0 =	vld [tilespmem:s13+$0x14AF0]  }
0x210: {  	[tilespmem:$0x1FE60] =	vst v23;
	v23 =	vld [tilespmem:s13+$0x14870];
	v11 =	vsel vm0, v11, v21  }
0x211: {  	v54 =	vld [tilespmem:s13+$0x14880];
	v21 =	vperm.xlane v11, v8  }
0x212: {  	v14 =	vadd.f32 v15, v14;
	v17 =	vadd.f32 v17, v10;
	v10 =	vld [tilespmem:s13+$0xC860];
	v15 =	vmul.f32 v13, v12  }
0x213: {  	v55 =	vadd.f32 v11, v21;
	v11 =	vld [tilespmem:s13+$0x14860]  }
0x214: {  	v59 =	vadd.f32 v15, v14;
	[tilespmem:$0x1FC80] =	vst v0;
	v0 =	vld [tilespmem:s13+$0xC8B0]  }
0x215: {  	v12 =	vld [tilespmem:s13+$0xC820]  }
0x216: {  	v13 =	vld [tilespmem:s13+$0x14820];
	v58 =	vperm.xlane v59, v63  }
0x217: {  	[tilespmem:$0x1FE70] =	vst v23;
	v23 =	vld [tilespmem:$0x1FBF0]  }
0x218: {  	v57 =	vperm.xlane v17, v63;
	v21 =	vadd.f32 v58, v59;
	v59 =	vld [tilespmem:$0x1FC00]  }
0x219: {  	[tilespmem:$0x1FC90] =	vst v0;
	v0 =	vld [tilespmem:s13+$0x148B0]  }
0x21a: {  	v17 =	vadd.f32 v57, v17;
	v14 =	vld [tilespmem:s13+$0xCA20]  }
0x21b: {  	v15 =	vld [tilespmem:s13+$0x14A20]  }
0x21c: {  	v57 =	vsel vm0, v17, v21;
	v17 =	vld [tilespmem:$0x1FFD0]  }
0x21d: {  	v53 =	vmul.f32 v59, v23;
	v23 =	vld [tilespmem:$0x1FC10]  }
0x21e: {  	[tilespmem:$0x1FCA0] =	vst v0;
	v0 =	vld [tilespmem:s13+$0xCAB0]  }
0x21f: {  	v30 =	vmul.f32 v30, v27;
	v27 =	vperm.xlane v57, v8;
	v8 =	vld [tilespmem:$0x1FC30]  }
0x220: {  	v21 =	vld [tilespmem:$0x1FC40]  }
0x221: {  	v59 =	vld [tilespmem:s13+$0xC890]  }
0x222: {  	v56 =	vld [tilespmem:$0x1FC20]  }
0x223: {  	[tilespmem:$0x1FE50] =	vst v0;
	v0 =	vld [tilespmem:s13+$0x14B10]  }
0x224: {  	v7 =	vadd.f32 v57, v27;
	v57 =	vld [tilespmem:$0x1FFD0]  }
0x225: {  	v27 =	vld [tilespmem:s13+$0xC800];
	v62 =	vmul.f32 v21, v8;
	v8 =	vmul.f32 v9, v60  }
0x226: {  	v58 =	vperm.xlane v55, v17;
	v17 =	vld [tilespmem:s13+$0xCA80]  }
0x227: {  	v18 =	vadd.f32 v53, v29;
	v29 =	vld [tilespmem:s13+$0xC810];
	v3 =	vadd.f32 v3, v8  }
0x228: {  	v56 =	vmul.f32 v56, v23;
	v23 =	vld [tilespmem:s13+$0xCA90];
	v0 =	vmul.f32 v0, v6  }
0x229: {  	v16 =	vmul.f32 v47, v46;
	v8 =	vmul.f32 v45, v22;
	v19 =	vadd.f32 v19, v3;
	v3 =	vld [tilespmem:$0x1FC50]  }
0x22a: {  	v9 =	vld [tilespmem:$0x1FC60];
	v6 =	vmul.f32 v33, v25;
	v4 =	vadd.f32 v0, v4  }
0x22b: {  	v21 =	vld [tilespmem:s13+$0x14A80];
	v8 =	vadd.f32 v16, v8  }
0x22c: {  	v43 =	vadd.f32 v30, v19;
	v30 =	vmul.f32 v38, v44;
	v38 =	vld [tilespmem:s13+$0x14850];
	v4 =	vadd.f32 v6, v4  }
0x22d: {  	v28 =	vadd.f32 v28, v8;
	v8 =	vld [tilespmem:$0x1FCA0]  }
0x22e: {  	v45 =	vadd.f32 v62, v4;
	v4 =	vld [tilespmem:$0x1FC90]  }
0x22f: {  	v22 =	vmul.f32 v9, v3;
	v9 =	vld [tilespmem:$0x1FC80]  }
0x230: {  	v40 =	vmul.f32 v50, v49;
	v25 =	vadd.f32 v56, v5;
	v5 =	vld [tilespmem:$0x1FC70]  }
0x231: {  	v61 =	vperm.xlane v7, v57;
	v19 =	vperm.xlane v18, v63;
	v3 =	vld [tilespmem:s13+$0x14A00];
	v46 =	vadd.f32 v22, v28  }
0x232: {  	v44 =	vmul.f32 v1, v59;
	v1 =	vmul.f32 v31, v41;
	v33 =	vld [tilespmem:s13+$0xC840]  }
0x233: {  	p1 =	sne.s32 s14, $0xF000;
	v60 =	vperm.xlane v46, v63;
	v4 =	vmul.f32 v8, v4;
	v8 =	vld [tilespmem:$0x1FCB0]  }
.Ltmp0:
0x234: {  	v55 =	vadd.f32 v55, v58;
	v56 =	vperm.xlane v43, v63;
	v0 =	vld [tilespmem:s13+$0xCA00];
	v62 =	vperm.xlane v25, v63;
	(pc) =	sbr.rel @p1 .LBB2_3-.Ltmp0, $4  }
0x235: {  	v19 =	vadd.f32 v19, v18;
	v6 =	vld [tilespmem:s13+$0xCA10];
	v16 =	vmul.f32 v9, v5;
	v58 =	vperm.xlane v45, v63  }
0x236: {  	v5 =	vld [tilespmem:s13+$0x14A10];
	v22 =	vadd.f32 v62, v25;
	v25 =	vmul.f32 v36, v35;
	v62 =	vmul.f32 v51, v48  }
0x237: {  	v18 =	vadd.f32 v56, v43;
	v43 =	vmul.f32 v54, v52;
	v35 =	vld [tilespmem:s13+$0x14A40];
	v20 =	vadd.f32 v58, v45  }
0x238: {  	s14 =	sadd.s32 $0x1000, s14;
	v36 =	vld [tilespmem:s13+$0xCA50];
	v28 =	vmul.f32 v42, v8;
	v42 =	vadd.f32 v62, v25;
	v25 =	vadd.f32 v60, v46  }
0x239: {  	v41 =	vld [tilespmem:s13+$0x14A50];
	v12 =	vmul.f32 v13, v12  }
0x23a: {  	v13 =	vmul.f32 v15, v14;
	v14 =	vmul.f32 v21, v17;
	v17 =	vld [tilespmem:s13+$0xCA60]  }
0x23b: {  	v31 =	vadd.f32 v44, v43;
	v8 =	vld [tilespmem:$0x1FE60]  }
0x23c: {  	v15 =	vmul.f32 v24, v23;
	v23 =	vmul.f32 v26, v27;
	v9 =	vld [tilespmem:$0x1FE70]  }
0x23d: {  	v2 =	vmul.f32 v2, v29;
	v26 =	vld [tilespmem:s13+$0x14A60];
	v0 =	vmul.f32 v3, v0;
	v24 =	vadd.f32 v40, v31  }
0x23e: {  	v3 =	vmul.f32 v5, v6;
	v5 =	vadd.f32 v15, v14;
	v6 =	vld [tilespmem:s13+$0xCA70];
	v14 =	vmul.f32 v32, v33  }
0x23f: {  	v15 =	vmul.f32 v38, v37;
	v2 =	vadd.f32 v2, v23;
	v4 =	vadd.f32 v4, v24;
	v24 =	vld [tilespmem:s13+$0x14A70]  }
0x240: {  	v27 =	vmul.f32 v35, v39;
	v1 =	vadd.f32 v1, v5;
	v5 =	vld [tilespmem:s13+$0x14AB0];
	v0 =	vadd.f32 v3, v0  }
0x241: {  	v2 =	vadd.f32 v12, v2;
	v29 =	vmul.f32 v41, v36;
	v12 =	vmul.f32 v9, v8;
	v8 =	vld [tilespmem:$0x1FE50]  }
0x242: {  	v3 =	vmul.f32 v11, v10;
	v10 =	vadd.f32 v15, v14  }
0x243: {  	v14 =	vmul.f32 v26, v17;
	v0 =	vadd.f32 v13, v0;
	v11 =	vadd.f32 v29, v27  }
0x244: {  	v3 =	vadd.f32 v3, v10  }
0x245: {  	v0 =	vadd.f32 v30, v0;
	v10 =	vadd.f32 v14, v11;
	v6 =	vmul.f32 v24, v6  }
0x246: {  	v2 =	vadd.f32 v28, v2;
	v3 =	vadd.f32 v12, v3;
	v5 =	vmul.f32 v5, v8  }
0x247: {  	v21 =	vadd.f32 v34, v42;
	v11 =	vperm.xlane v0, v63;
	v6 =	vadd.f32 v6, v10  }
0x248: {  	v13 =	vperm.xlane v3, v63;
	v1 =	vadd.f32 v5, v1;
	v5 =	vperm.xlane v2, v63  }
0x249: {  	v12 =	vadd.f32 v16, v21;
	v30 =	vld [tilespmem:$0x1FFE0];
	v10 =	vperm.xlane v4, v63;
	v14 =	vperm.xlane v6, v63  }
0x24a: {  	v0 =	vadd.f32 v11, v0;
	v2 =	vadd.f32 v5, v2;
	v5 =	vperm.xlane v1, v63  }
0x24b: {  	v3 =	vadd.f32 v13, v3;
	v11 =	vperm.xlane v12, v63;
	v6 =	vadd.f32 v14, v6  }
0x24c: {  	v4 =	vadd.f32 v10, v4;
	v1 =	vadd.f32 v5, v1;
	v5 =	vsel vm0, v19, v22  }
0x24d: {  	v0 =	vsel vm0, v2, v0;
	v2 =	vsel vm0, v3, v6;
	v3 =	vadd.f32 v11, v12  }
0x24e: {  	v6 =	vperm.xlane v0, v30;
	v10 =	vperm.xlane v2, v30;
	v1 =	vsel vm0, v4, v1  }
0x24f: {  	v11 =	vsel vm0, v18, v20;
	v4 =	vperm.xlane v1, v30;
	v3 =	vsel vm0, v25, v3  }
0x250: {  	v0 =	vadd.f32 v0, v6;
	v2 =	vadd.f32 v2, v10;
	v6 =	vperm.xlane v3, v30  }
0x251: {  	v21 =	vld [tilespmem:$0x1FFF0];
	v10 =	vperm.xlane v5, v30;
	v1 =	vadd.f32 v1, v4;
	v4 =	vperm.xlane v11, v30  }
0x252: {  	v12 =	vperm.xlane v0, v57;
	v13 =	vperm.xlane v2, v57;
	v3 =	vadd.f32 v3, v6  }
0x253: {  	v5 =	vadd.f32 v5, v10;
	v6 =	vperm.xlane v1, v57;
	v4 =	vadd.f32 v11, v4  }
0x254: {  	v0 =	vadd.f32 v0, v12;
	v2 =	vadd.f32 v2, v13;
	v10 =	vperm.xlane v3, v57  }
0x255: {  	v11 =	vperm.xlane v5, v57;
	v1 =	vadd.f32 v1, v6;
	v6 =	vperm.xlane v4, v57  }
0x256: {  	v12 =	vperm.xlane v0, v21;
	v13 =	vperm.xlane v2, v21;
	v3 =	vadd.f32 v3, v10  }
0x257: {  	v5 =	vadd.f32 v5, v11;
	v10 =	vperm.xlane v1, v21;
	v4 =	vadd.f32 v4, v6  }
0x258: {  	v0 =	vadd.f32 v0, v12;
	v2 =	vadd.f32 v2, v13;
	v6 =	vperm.xlane v3, v21  }
0x259: {  	v7 =	vadd.f32 v7, v61;
	v1 =	vadd.f32 v1, v10;
	v10 =	vperm.xlane v4, v21  }
0x25a: {  	v0 =	vsel vm1, v0, v2;
	v2 =	vadd.f32 v3, v6;
	v3 =	vperm.xlane v5, v21  }
0x25b: {  	v0 =	vsel vm2, v0, v1;
	v1 =	vadd.f32 v4, v10;
	v4 =	vperm.xlane v7, v21  }
0x25c: {  	v0 =	vsel vm3, v0, v2;
	v2 =	vadd.f32 v5, v3;
	v3 =	vperm.xlane v55, v21  }
0x25d: {  	v0 =	vsel vm4, v0, v1;
	v1 =	vadd.f32 v7, v4  }
0x25e: {  	v0 =	vsel vm5, v0, v2;
	v2 =	vadd.f32 v55, v3  }
0x25f: {  	s14 =	sadd.s32 s2, s1;
	v0 =	vsel vm6, v0, v1  }
0x260: {  	s0 =	sadd.s32 $0x10, s0;
	s13 =	sshrl.u32 s14, $0x3;
	v0 =	vsel vm7, v0, v2  }
0x261: {  	p1 =	seq.s32 s30, $0x31;
	s13 =	sadd.s32 s6, s13;
	[tilespmem:s0+$0x0] =	vst v0  }
0x262: {  	[hbm4b:s13+s3] =	stream.linear.scatter [tilespmem:s23], [sflag:$0x3], $0x100, $0x38;
	[tilespmem:$0x1CA00] =	vst v63  }
0x263: {  	s14 =	simm.s32 @!p1 $0xC800;
	s0 =	sadd.s32 @!p1 $0x200, s1;
	s13 =	simm.s32 @!p1 $0x80  }
0x264: {  	[tilespmem:s14], [sflag:$0x1] =	stream.indirect.gather @!p1 [hbm4b:s4+s13], $0x40, s0, s13, $0xb8;
	[tilespmem:$0x1CA00] =	vst v63  }
0x265: {  	s0 =	sadd.s32 @!p1 $0x6600, s1;
	s14 =	simm.s32 @!p1 $0x14800  }
0x266: {  	[tilespmem:s14], [sflag:$0x1] =	stream.indirect.gather @!p1 [hbm4b:s5+s13], $0x40, s0, s13, $0xb8;
	[tilespmem:$0x1CA00] =	vst v63  }
0x267: {  	s0 =	sadd.s32 @!p1 $0x280, s1;
	s14 =	simm.s32 @!p1 $0xE800  }
0x268: {  	[tilespmem:s14], [sflag:$0x1] =	stream.indirect.gather @!p1 [hbm4b:s4+s13], $0x40, s0, s13, $0xb8;
	[tilespmem:$0x1CA00] =	vst v63  }
0x269: {  	s0 =	sadd.s32 @!p1 $0x6680, s1;
	s1 =	simm.s32 @!p1 $0x16800  }
0x26a: {  	[tilespmem:s1], [sflag:$0x1] =	stream.indirect.gather @!p1 [hbm4b:s5+s13], $0x40, s0, s13, $0xb8;
	[tilespmem:$0x1CA00] =	vst v63  }
0x26b: {  	_ =	swait.ge [sflag:s24], $0x4000  }
0x26c: {  	[sflag:s24] =	ssyncset.done $0x0  }
0x26d: {  	[sflag:s24] =	ssyncadd.s32 $0xFFFFC000  }
0x26e: {  	_ =	swait.ge [sflag:s24], $0x4000  }
0x26f: {  	[sflag:s24] =	ssyncset.done $0x0  }
0x270: {  	s0 =	simm.s32 @!p0 $0x4;
	[sflag:s24] =	ssyncadd.s32 $0xFFFFC000  }
0x271: {  	_ =	swait.ge @!p0 [sflag:s0], $0x100  }
0x272: {  	[sflag:s0] =	ssyncset.done @!p0 $0x0  }
0x273: {  	s14 =	simm.s32 $0x0;
	[sflag:s0] =	ssyncadd.s32 @!p0 $0xFFFFFF00  }
0x274: {  	v9 =	vld [tilespmem:s14+$0x109F0]  }
0x275: {  	v8 =	vld [tilespmem:s14+$0x189F0]  }
0x276: {  	v18 =	vld [tilespmem:s14+$0x10BF0]  }
0x277: {  	v19 =	vld [tilespmem:s14+$0x18BF0]  }
0x278: {  	v22 =	vld [tilespmem:s14+$0x109B0]  }
0x279: {  	v20 =	vld [tilespmem:s14+$0x189B0]  }
0x27a: {  	v28 =	vld [tilespmem:s14+$0x10BB0]  }
0x27b: {  	v23 =	vld [tilespmem:s14+$0x18BB0]  }
0x27c: {  	v24 =	vld [tilespmem:s14+$0x109E0]  }
0x27d: {  	v25 =	vld [tilespmem:s14+$0x189E0]  }
0x27e: {  	v26 =	vld [tilespmem:s14+$0x10BE0]  }
0x27f: {  	v27 =	vld [tilespmem:s14+$0x18BE0]  }
0x280: {  	v0 =	vld [tilespmem:s14+$0x10970]  }
0x281: {  	v29 =	vld [tilespmem:s14+$0x18970]  }
0x282: {  	v32 =	vld [tilespmem:s14+$0x109A0]  }
0x283: {  	v33 =	vld [tilespmem:s14+$0x189A0]  }
0x284: {  	v34 =	vld [tilespmem:s14+$0x10BA0]  }
0x285: {  	v35 =	vld [tilespmem:s14+$0x18BA0]  }
0x286: {  	v36 =	vld [tilespmem:s14+$0x109C0]  }
0x287: {  	v37 =	vld [tilespmem:s14+$0x189C0]  }
0x288: {  	v38 =	vld [tilespmem:s14+$0x109D0]  }
0x289: {  	v39 =	vld [tilespmem:s14+$0x189D0]  }
0x28a: {  	v40 =	vld [tilespmem:s14+$0x10BC0]  }
0x28b: {  	v41 =	vld [tilespmem:s14+$0x18BC0]  }
0x28c: {  	v42 =	vld [tilespmem:s14+$0x10BD0]  }
0x28d: {  	v43 =	vld [tilespmem:s14+$0x18BD0]  }
0x28e: {  	v44 =	vld [tilespmem:s14+$0x10930]  }
0x28f: {  	v45 =	vld [tilespmem:s14+$0x18930]  }
0x290: {  	v46 =	vld [tilespmem:s14+$0x10B30]  }
0x291: {  	v47 =	vld [tilespmem:s14+$0x18B30]  }
0x292: {  	v48 =	vld [tilespmem:s14+$0x10960]  }
0x293: {  	v49 =	vld [tilespmem:s14+$0x18960]  }
0x294: {  	v50 =	vld [tilespmem:s14+$0x10B60]  }
0x295: {  	v51 =	vld [tilespmem:s14+$0x18B60]  }
0x296: {  	v52 =	vld [tilespmem:s14+$0x10980]  }
0x297: {  	v53 =	vld [tilespmem:s14+$0x18980]  }
0x298: {  	v54 =	vld [tilespmem:s14+$0x10990]  }
0x299: {  	v55 =	vld [tilespmem:s14+$0x18990]  }
0x29a: {  	v56 =	vld [tilespmem:s14+$0x10B80]  }
0x29b: {  	v57 =	vld [tilespmem:s14+$0x18B80]  }
0x29c: {  	v58 =	vld [tilespmem:s14+$0x10B90]  }
0x29d: {  	v59 =	vld [tilespmem:s14+$0x18B90]  }
0x29e: {  	v61 =	vld [tilespmem:s14+$0x10920]  }
0x29f: {  	v62 =	vld [tilespmem:s14+$0x18920]  }
0x2a0: {  	v1 =	vld [tilespmem:s14+$0x10940]  }
0x2a1: {  	v3 =	vld [tilespmem:s14+$0x10950]  }
0x2a2: {  	v2 =	vld [tilespmem:s14+$0x18950]  }
0x2a3: {  	v15 =	vld [tilespmem:s14+$0x10B40]  }
0x2a4: {  	v12 =	vld [tilespmem:s14+$0x18B40]  }
0x2a5: {  	v17 =	vld [tilespmem:s14+$0x10B50]  }
0x2a6: {  	v16 =	vld [tilespmem:s14+$0x18B50]  }
0x2a7: {  	v4 =	vld [tilespmem:s14+$0x108B0]  }
0x2a8: {  	v60 =	vld [tilespmem:s14+$0x188E0]  }
0x2a9: {  	v7 =	vld [tilespmem:s14+$0x10900]  }
0x2aa: {  	v6 =	vld [tilespmem:s14+$0x10910]  }
0x2ab: {  	v5 =	vld [tilespmem:s14+$0x18910]  }
0x2ac: {  	v14 =	vld [tilespmem:s14+$0x10B00]  }
0x2ad: {  	v10 =	vld [tilespmem:s14+$0x18B00]  }
0x2ae: {  	v31 =	vld [tilespmem:s14+$0x10830]  }
0x2af: {  	v13 =	vld [tilespmem:s14+$0x10B10]  }
0x2b0: {  	v11 =	vld [tilespmem:s14+$0x18B10]  }
0x2b1: {  	[tilespmem:$0x1F8A0] =	vst v0;
	v0 =	vld [tilespmem:s14+$0x10B70]  }
0x2b2: {  	[tilespmem:$0x1F960] =	vst v4;
	v4 =	vld [tilespmem:s14+$0x188B0]  }
0x2b3: {  	[tilespmem:$0x1F980] =	vst v31;
	v31 =	vld [tilespmem:s14+$0x18830]  }
0x2b4: {  	v36 =	vmul.f32 v37, v36;
	v37 =	vmul.f32 v39, v38;
	v38 =	vld [tilespmem:s14+$0x108C0]  }
0x2b5: {  	v39 =	vmul.f32 v41, v40;
	v41 =	vld [tilespmem:s14+$0x188C0]  }
0x2b6: {  	v24 =	vmul.f32 v25, v24;
	v25 =	vld [tilespmem:s14+$0x108D0]  }
0x2b7: {  	v8 =	vmul.f32 v8, v9;
	v9 =	vld [tilespmem:s14+$0x188D0]  }
0x2b8: {  	v40 =	vmul.f32 v43, v42;
	v42 =	vld [tilespmem:s14+$0x18AC0]  }
0x2b9: {  	v18 =	vmul.f32 v19, v18;
	v19 =	vmul.f32 v33, v32;
	v32 =	vld [tilespmem:s14+$0x10AD0]  }
0x2ba: {  	v26 =	vmul.f32 v27, v26;
	v27 =	vmul.f32 v53, v52;
	v52 =	vld [tilespmem:s14+$0x10820]  }
0x2bb: {  	v20 =	vmul.f32 v20, v22;
	v22 =	vmul.f32 v23, v28;
	v23 =	vld [tilespmem:s14+$0x18820]  }
0x2bc: {  	v33 =	vld [tilespmem:s14+$0x18880]  }
0x2bd: {  	v12 =	vmul.f32 v12, v15;
	v15 =	vld [tilespmem:s14+$0x18A80]  }
0x2be: {  	v5 =	vmul.f32 v5, v6;
	v6 =	vld [tilespmem:$0x1FFD0]  }
0x2bf: {  	v10 =	vmul.f32 v10, v14;
	v14 =	vld [tilespmem:s14+$0x10800]  }
0x2c0: {  	v2 =	vmul.f32 v2, v3;
	v11 =	vmul.f32 v11, v13;
	v13 =	vld [tilespmem:s14+$0x10810]  }
0x2c1: {  	v3 =	vmul.f32 v49, v48;
	v48 =	vmul.f32 v51, v50;
	v51 =	vld [tilespmem:$0x1F960]  }
0x2c2: {  	v57 =	vmul.f32 v57, v56;
	v56 =	vld [tilespmem:$0x1F980]  }
0x2c3: {  	[tilespmem:$0x1F8B0] =	vst v0;
	v0 =	vld [tilespmem:s14+$0x18B70]  }
0x2c4: {  	v43 =	vadd.f32 v40, v39;
	v39 =	vld [tilespmem:s14+$0x10AC0]  }
0x2c5: {  	v40 =	vmul.f32 v35, v34;
	v34 =	vld [tilespmem:s14+$0x18AD0]  }
0x2c6: {  	v55 =	vmul.f32 v55, v54;
	v35 =	vld [tilespmem:s14+$0x18860]  }
0x2c7: {  	v10 =	vadd.f32 v11, v10;
	v11 =	vld [tilespmem:s14+$0x10A00]  }
0x2c8: {  	v27 =	vadd.f32 v55, v27;
	[tilespmem:$0x1F8C0] =	vst v0;
	v0 =	vld [tilespmem:s14+$0x108F0]  }
0x2c9: {  	v36 =	vadd.f32 v37, v36;
	v55 =	vld [tilespmem:s14+$0x10850]  }
0x2ca: {  	v19 =	vadd.f32 v19, v27;
	v27 =	vld [tilespmem:s14+$0x10A20]  }
0x2cb: {  	v24 =	vadd.f32 v24, v36;
	v36 =	vld [tilespmem:s14+$0x10890]  }
0x2cc: {  	[tilespmem:$0x1F990] =	vst v31;
	v31 =	vld [tilespmem:s14+$0x10A30]  }
0x2cd: {  	[tilespmem:$0x1F8F0] =	vst v0;
	v0 =	vld [tilespmem:s14+$0x188F0]  }
0x2ce: {  	[tilespmem:$0x1F970] =	vst v4;
	v4 =	vld [tilespmem:s14+$0x10AB0]  }
0x2cf: {  	v28 =	vld [tilespmem:$0x1F8B0]  }
0x2d0: {  	v59 =	vmul.f32 v59, v58;
	v53 =	vld [tilespmem:$0x1F970]  }
0x2d1: {  	[tilespmem:$0x1F9A0] =	vst v31;
	v31 =	vld [tilespmem:s14+$0x18A30]  }
0x2d2: {  	v8 =	vadd.f32 v8, v24;
	v24 =	vadd.f32 v59, v57;
	[tilespmem:$0x1F900] =	vst v0;
	v0 =	vld [tilespmem:s14+$0x10AF0]  }
0x2d3: {  	v26 =	vadd.f32 v26, v43;
	v57 =	vld [tilespmem:$0x1F990]  }
0x2d4: {  	v24 =	vadd.f32 v40, v24;
	v40 =	vld [tilespmem:s14+$0x10A80]  }
0x2d5: {  	v18 =	vadd.f32 v18, v26;
	[tilespmem:$0x1FA20] =	vst v4;
	v4 =	vld [tilespmem:s14+$0x108E0]  }
0x2d6: {  	[tilespmem:$0x1F9B0] =	vst v31;
	v31 =	vld [tilespmem:s14+$0x10870]  }
0x2d7: {  	v26 =	vperm.xlane v18, v63;
	[tilespmem:$0x1F920] =	vst v0;
	v0 =	vld [tilespmem:s14+$0x18AF0]  }
0x2d8: {  	v22 =	vadd.f32 v22, v24;
	v24 =	vld [tilespmem:s14+$0x18A20]  }
0x2d9: {  	v18 =	vadd.f32 v26, v18;
	v26 =	vld [tilespmem:s14+$0x10860]  }
0x2da: {  	v19 =	vadd.f32 v20, v19;
	v20 =	vperm.xlane v8, v63;
	[tilespmem:$0x1F910] =	vst v4;
	v4 =	vld [tilespmem:s14+$0x10AE0]  }
0x2db: {  	[tilespmem:$0x1FA00] =	vst v31;
	v31 =	vld [tilespmem:s14+$0x18870]  }
0x2dc: {  	v8 =	vadd.f32 v20, v8;
	v20 =	vperm.xlane v19, v63;
	[tilespmem:$0x1F930] =	vst v0;
	v0 =	vld [tilespmem:s14+$0x10B20]  }
0x2dd: {  	v58 =	vld [tilespmem:$0x1F9A0]  }
0x2de: {  	v8 =	vsel vm0, v8, v18;
	v18 =	vadd.f32 v20, v19;
	v19 =	vld [tilespmem:$0x1F8A0]  }
0x2df: {  	v43 =	vperm.xlane v22, v63;
	[tilespmem:$0x1F940] =	vst v4;
	v4 =	vld [tilespmem:s14+$0x18AE0]  }
0x2e0: {  	[tilespmem:$0x1FA10] =	vst v31;
	v31 =	vld [tilespmem:s14+$0x108A0]  }
0x2e1: {  	v22 =	vadd.f32 v43, v22;
	[tilespmem:$0x1F8D0] =	vst v0;
	v0 =	vld [tilespmem:s14+$0x18B20]  }
0x2e2: {  	v20 =	vld [tilespmem:s14+$0x10880]  }
0x2e3: {  	v18 =	vsel vm0, v18, v22;
	v22 =	vld [tilespmem:s14+$0x18890]  }
0x2e4: {  	[tilespmem:$0x1F950] =	vst v4;
	v4 =	vld [tilespmem:s14+$0x18900]  }
0x2e5: {  	[tilespmem:$0x1F9C0] =	vst v31;
	v31 =	vld [tilespmem:s14+$0x188A0]  }
0x2e6: {  	[tilespmem:$0x1F8E0] =	vst v0;
	v0 =	vld [tilespmem:s14+$0x18940]  }
0x2e7: {  	v19 =	vmul.f32 v29, v19;
	v29 =	vld [tilespmem:$0x1F8C0]  }
0x2e8: {  	v59 =	vld [tilespmem:$0x1F9B0]  }
0x2e9: {  	v9 =	vmul.f32 v9, v25;
	v25 =	vld [tilespmem:$0x1F900]  }
0x2ea: {  	v16 =	vmul.f32 v16, v17;
	v4 =	vmul.f32 v4, v7;
	[tilespmem:$0x1F9D0] =	vst v31;
	v31 =	vld [tilespmem:s14+$0x10AA0]  }
0x2eb: {  	v49 =	vld [tilespmem:$0x1F940];
	v0 =	vmul.f32 v0, v1;
	v1 =	vperm.xlane v8, v30  }
0x2ec: {  	v17 =	vmul.f32 v62, v61;
	v29 =	vmul.f32 v29, v28;
	v28 =	vld [tilespmem:$0x1F920];
	v4 =	vadd.f32 v5, v4  }
0x2ed: {  	v50 =	vld [tilespmem:$0x1F950];
	v1 =	vadd.f32 v8, v1;
	v8 =	vperm.xlane v18, v30  }
0x2ee: {  	v4 =	vadd.f32 v17, v4;
	v17 =	vld [tilespmem:$0x1F8F0]  }
0x2ef: {  	[tilespmem:$0x1F9E0] =	vst v31;
	v31 =	vld [tilespmem:s14+$0x18AA0];
	v2 =	vadd.f32 v2, v0;
	v0 =	vadd.f32 v18, v8  }
0x2f0: {  	v5 =	vld [tilespmem:$0x1F8D0]  }
0x2f1: {  	v8 =	vperm.xlane v0, v6;
	v6 =	vadd.f32 v16, v12;
	v16 =	vld [tilespmem:$0x1F8E0]  }
0x2f2: {  	v7 =	vld [tilespmem:s14+$0x18A90]  }
0x2f3: {  	v61 =	vld [tilespmem:$0x1F9D0]  }
0x2f4: {  	v17 =	vmul.f32 v25, v17;
	v25 =	vld [tilespmem:s14+$0x18A00];
	[tilespmem:$0x1F9F0] =	vst v31;
	v31 =	vmul.f32 v45, v44  }
0x2f5: {  	v39 =	vmul.f32 v42, v39;
	v42 =	vld [tilespmem:$0x1F9E0]  }
0x2f6: {  	v4 =	vadd.f32 v31, v4;
	v31 =	vld [tilespmem:s14+$0x10840];
	v5 =	vmul.f32 v16, v5;
	v16 =	vmul.f32 v41, v38  }
0x2f7: {  	v2 =	vadd.f32 v3, v2;
	v3 =	vld [tilespmem:$0x1FFD0]  }
0x2f8: {  	v9 =	vadd.f32 v9, v16;
	v16 =	vld [tilespmem:$0x1F910]  }
0x2f9: {  	v18 =	vld [tilespmem:s14+$0x10A90];
	v6 =	vadd.f32 v48, v6  }
0x2fa: {  	v12 =	vld [tilespmem:s14+$0x18800]  }
0x2fb: {  	v6 =	vadd.f32 v29, v6;
	v29 =	vld [tilespmem:$0x1F930]  }
0x2fc: {  	v2 =	vadd.f32 v19, v2;
	v19 =	vld [tilespmem:s14+$0x18810];
	v3 =	vperm.xlane v1, v3  }
0x2fd: {  	v48 =	vld [tilespmem:s14+$0x18A10];
	v16 =	vmul.f32 v60, v16  }
0x2fe: {  	v1 =	vadd.f32 v1, v3;
	v3 =	vld [tilespmem:s14+$0x18840]  }
0x2ff: {  	v41 =	vld [tilespmem:s14+$0x10A50];
	v9 =	vadd.f32 v16, v9  }
0x300: {  	v5 =	vadd.f32 v5, v10;
	v28 =	vmul.f32 v29, v28;
	v29 =	vperm.xlane v2, v63;
	v60 =	vld [tilespmem:$0x1F9C0]  }
0x301: {  	v10 =	vld [tilespmem:s14+$0x10A10];
	v16 =	vperm.xlane v6, v63;
	v9 =	vadd.f32 v17, v9;
	v17 =	vperm.xlane v4, v63  }
0x302: {  	v47 =	vmul.f32 v47, v46;
	v22 =	vmul.f32 v22, v36;
	v2 =	vadd.f32 v29, v2;
	v29 =	vld [tilespmem:s14+$0x18850]  }
0x303: {  	v6 =	vadd.f32 v16, v6;
	v16 =	vld [tilespmem:s14+$0x10A40];
	v4 =	vadd.f32 v17, v4;
	v17 =	vmul.f32 v33, v20  }
0x304: {  	v32 =	vmul.f32 v34, v32;
	v15 =	vmul.f32 v15, v40;
	v20 =	vld [tilespmem:s14+$0x18A40]  }
0x305: {  	v37 =	vmul.f32 v50, v49;
	v46 =	vmul.f32 v61, v60;
	v17 =	vadd.f32 v22, v17;
	v22 =	vld [tilespmem:s14+$0x18A50]  }
0x306: {  	v50 =	vmul.f32 v23, v52;
	v7 =	vmul.f32 v7, v18;
	v18 =	vld [tilespmem:s14+$0x10A60]  }
0x307: {  	v11 =	vmul.f32 v25, v11;
	v12 =	vmul.f32 v12, v14;
	v14 =	vadd.f32 v46, v17;
	v17 =	vld [tilespmem:s14+$0x18A60]  }
0x308: {  	v25 =	vld [tilespmem:s14+$0x18A70];
	v13 =	vmul.f32 v19, v13;
	v3 =	vmul.f32 v3, v31  }
0x309: {  	v7 =	vadd.f32 v7, v15;
	v15 =	vld [tilespmem:s14+$0x10A70];
	v10 =	vmul.f32 v48, v10;
	v19 =	vmul.f32 v29, v55  }
0x30a: {  	v32 =	vadd.f32 v32, v39;
	v49 =	vld [tilespmem:$0x1F9F0];
	v16 =	vmul.f32 v20, v16;
	v20 =	vmul.f32 v22, v41  }
0x30b: {  	v12 =	vadd.f32 v13, v12;
	v10 =	vadd.f32 v10, v11;
	v11 =	vmul.f32 v35, v26;
	v22 =	vld [tilespmem:s14+$0x18AB0]  }
0x30c: {  	v3 =	vadd.f32 v19, v3;
	v13 =	vadd.f32 v20, v16;
	v16 =	vmul.f32 v17, v18;
	v17 =	vld [tilespmem:$0x1FA00]  }
0x30d: {  	v23 =	vmul.f32 v24, v27;
	v24 =	vadd.f32 v37, v32;
	v44 =	vmul.f32 v57, v56;
	v18 =	vld [tilespmem:$0x1FA10]  }
0x30e: {  	v3 =	vadd.f32 v11, v3;
	v11 =	vadd.f32 v16, v13;
	v13 =	vmul.f32 v25, v15;
	v15 =	vld [tilespmem:$0x1FA20]  }
0x30f: {  	v45 =	vmul.f32 v59, v58;
	v34 =	vmul.f32 v49, v42;
	v5 =	vadd.f32 v47, v5  }
0x310: {  	v38 =	vmul.f32 v53, v51;
	v12 =	vadd.f32 v50, v12;
	v10 =	vadd.f32 v23, v10  }
0x311: {  	v7 =	vadd.f32 v34, v7;
	v54 =	vperm.xlane v5, v63;
	v62 =	vperm.xlane v9, v63  }
0x312: {  	v12 =	vadd.f32 v44, v12;
	v10 =	vadd.f32 v45, v10;
	v17 =	vmul.f32 v18, v17  }
0x313: {  	v5 =	vadd.f32 v54, v5;
	v9 =	vadd.f32 v62, v9;
	v15 =	vmul.f32 v22, v15  }
0x314: {  	v16 =	vperm.xlane v10, v63;
	v11 =	vadd.f32 v13, v11;
	v3 =	vadd.f32 v17, v3  }
0x315: {  	v17 =	vadd.f32 v28, v24;
	v7 =	vadd.f32 v15, v7;
	v15 =	vperm.xlane v12, v63  }
0x316: {  	v14 =	vadd.f32 v38, v14;
	v19 =	vperm.xlane v11, v63;
	v18 =	vperm.xlane v3, v63  }
0x317: {  	v10 =	vadd.f32 v16, v10;
	v16 =	vperm.xlane v17, v63;
	v12 =	vadd.f32 v15, v12  }
0x318: {  	v2 =	vsel vm0, v2, v6;
	v11 =	vadd.f32 v19, v11;
	v3 =	vadd.f32 v18, v3  }
0x319: {  	v13 =	vperm.xlane v14, v63;
	v6 =	vsel vm0, v12, v10;
	v10 =	vadd.f32 v16, v17  }
0x31a: {  	v15 =	vperm.xlane v7, v63;
	v3 =	vsel vm0, v3, v11;
	v11 =	vperm.xlane v6, v30  }
0x31b: {  	v4 =	vsel vm0, v4, v5;
	v13 =	vadd.f32 v13, v14;
	v9 =	vsel vm0, v9, v10  }
0x31c: {  	v7 =	vadd.f32 v15, v7;
	v5 =	vadd.f32 v6, v11;
	v6 =	vperm.xlane v9, v30;
	_ =	sdelay $0x1  }
0x31d: {  	v7 =	vsel vm0, v13, v7;
	v6 =	vadd.f32 v9, v6;
	v9 =	vld [tilespmem:$0x1FFD0]  }
0x31e: {  	v12 =	vperm.xlane v3, v30;
	v13 =	vperm.xlane v7, v30;
	_ =	sdelay $0x1  }
0x31f: {  	v10 =	vperm.xlane v4, v30;
	v3 =	vadd.f32 v3, v12;
	v12 =	vld [tilespmem:$0x1FFD0];
	v7 =	vadd.f32 v7, v13  }
0x320: {  	v11 =	vperm.xlane v2, v30;
	v13 =	vld [tilespmem:$0x1FFD0]  }
0x321: {  	v4 =	vadd.f32 v4, v10;
	v10 =	vld [tilespmem:$0x1FFD0];
	v9 =	vperm.xlane v7, v9  }
0x322: {  	v2 =	vadd.f32 v2, v11;
	v11 =	vld [tilespmem:$0x1FFD0]  }
0x323: {  	v7 =	vadd.f32 v7, v9;
	v9 =	vld [tilespmem:$0x1FFD0];
	_ =	sdelay $0x1  }
0x324: {  	v12 =	vperm.xlane v5, v12;
	v13 =	vperm.xlane v3, v13;
	_ =	sdelay $0x1  }
0x325: {  	v10 =	vperm.xlane v6, v10;
	v5 =	vadd.f32 v5, v12;
	v3 =	vadd.f32 v3, v13  }
0x326: {  	v11 =	vperm.xlane v2, v11;
	v9 =	vperm.xlane v4, v9  }
0x327: {  	v6 =	vadd.f32 v6, v10;
	v12 =	vperm.xlane v5, v21;
	v13 =	vperm.xlane v3, v21  }
0x328: {  	v2 =	vadd.f32 v2, v11;
	v10 =	vperm.xlane v7, v21;
	v4 =	vadd.f32 v4, v9  }
0x329: {  	v5 =	vadd.f32 v5, v12;
	v3 =	vadd.f32 v3, v13;
	v9 =	vperm.xlane v6, v21  }
0x32a: {  	v0 =	vadd.f32 v0, v8;
	v7 =	vadd.f32 v7, v10;
	v10 =	vperm.xlane v4, v21  }
0x32b: {  	v3 =	vsel vm1, v5, v3;
	v5 =	vadd.f32 v6, v9;
	v6 =	vperm.xlane v2, v21  }
0x32c: {  	v3 =	vsel vm2, v3, v7;
	v7 =	vperm.xlane v0, v21;
	v4 =	vadd.f32 v4, v10  }
0x32d: {  	v3 =	vsel vm3, v3, v5;
	v2 =	vadd.f32 v2, v6;
	v5 =	vperm.xlane v1, v21  }
0x32e: {  	v0 =	vadd.f32 v0, v7;
	v3 =	vsel vm4, v3, v4  }
0x32f: {  	v1 =	vadd.f32 v1, v5;
	v2 =	vsel vm5, v3, v2  }
0x330: {  	v0 =	vsel vm6, v2, v0  }
0x331: {  	s0 =	simm.s32 $0x1C900;
	v0 =	vsel vm7, v0, v1  }
0x332: {  	s1 =	simm.s32 $0x400;
	[tilespmem:s0+$0x0] =	vst v0  }
0x333: {  	v9 =	vld [tilespmem:s1+$0x109F0]  }
0x334: {  	v7 =	vld [tilespmem:s1+$0x189F0]  }
0x335: {  	v11 =	vld [tilespmem:s1+$0x10BF0]  }
0x336: {  	v10 =	vld [tilespmem:s1+$0x18BF0]  }
0x337: {  	v13 =	vld [tilespmem:s1+$0x109B0]  }
0x338: {  	v12 =	vld [tilespmem:s1+$0x189B0]  }
0x339: {  	v21 =	vld [tilespmem:s1+$0x10BB0]  }
0x33a: {  	v20 =	vld [tilespmem:s1+$0x18BB0]  }
0x33b: {  	v15 =	vld [tilespmem:s1+$0x109E0]  }
0x33c: {  	v16 =	vld [tilespmem:s1+$0x189E0]  }
0x33d: {  	v17 =	vld [tilespmem:s1+$0x10BE0]  }
0x33e: {  	v18 =	vld [tilespmem:s1+$0x18BE0]  }
0x33f: {  	v0 =	vld [tilespmem:s1+$0x10970]  }
0x340: {  	v23 =	vld [tilespmem:s1+$0x109A0]  }
0x341: {  	v24 =	vld [tilespmem:s1+$0x189A0]  }
0x342: {  	v26 =	vld [tilespmem:s1+$0x10BA0]  }
0x343: {  	v27 =	vld [tilespmem:s1+$0x18BA0]  }
0x344: {  	v28 =	vld [tilespmem:s1+$0x109C0]  }
0x345: {  	v29 =	vld [tilespmem:s1+$0x189C0]  }
0x346: {  	v31 =	vld [tilespmem:s1+$0x189D0]  }
0x347: {  	v32 =	vld [tilespmem:s1+$0x10BC0]  }
0x348: {  	v33 =	vld [tilespmem:s1+$0x18BC0]  }
0x349: {  	v34 =	vld [tilespmem:s1+$0x10BD0]  }
0x34a: {  	v35 =	vld [tilespmem:s1+$0x18BD0]  }
0x34b: {  	v36 =	vld [tilespmem:s1+$0x10930]  }
0x34c: {  	v37 =	vld [tilespmem:s1+$0x18930]  }
0x34d: {  	v1 =	vld [tilespmem:s1+$0x10B30]  }
0x34e: {  	v39 =	vld [tilespmem:s1+$0x18B30]  }
0x34f: {  	v40 =	vld [tilespmem:s1+$0x10960]  }
0x350: {  	v41 =	vld [tilespmem:s1+$0x18960]  }
0x351: {  	v42 =	vld [tilespmem:s1+$0x10B60]  }
0x352: {  	v43 =	vld [tilespmem:s1+$0x18B60]  }
0x353: {  	v44 =	vld [tilespmem:s1+$0x10980]  }
0x354: {  	v45 =	vld [tilespmem:s1+$0x18980]  }
0x355: {  	v46 =	vld [tilespmem:s1+$0x10990]  }
0x356: {  	v47 =	vld [tilespmem:s1+$0x18990]  }
0x357: {  	v48 =	vld [tilespmem:s1+$0x10B80]  }
0x358: {  	v49 =	vld [tilespmem:s1+$0x18B80]  }
0x359: {  	v50 =	vld [tilespmem:s1+$0x10B90]  }
0x35a: {  	v51 =	vld [tilespmem:s1+$0x18B90]  }
0x35b: {  	v52 =	vld [tilespmem:s1+$0x10920]  }
0x35c: {  	v53 =	vld [tilespmem:s1+$0x18920]  }
0x35d: {  	v55 =	vld [tilespmem:s1+$0x18B20]  }
0x35e: {  	v56 =	vld [tilespmem:s1+$0x10940]  }
0x35f: {  	v57 =	vld [tilespmem:s1+$0x18940]  }
0x360: {  	v58 =	vld [tilespmem:s1+$0x10950]  }
0x361: {  	v59 =	vld [tilespmem:s1+$0x18950]  }
0x362: {  	v61 =	vld [tilespmem:s1+$0x10B40]  }
0x363: {  	v62 =	vld [tilespmem:s1+$0x18B40]  }
0x364: {  	v60 =	vld [tilespmem:s1+$0x10B50]  }
0x365: {  	v19 =	vld [tilespmem:s1+$0x18B50]  }
0x366: {  	v38 =	vld [tilespmem:s1+$0x188E0]  }
0x367: {  	v22 =	vld [tilespmem:s1+$0x10900]  }
0x368: {  	v2 =	vld [tilespmem:s1+$0x18900]  }
0x369: {  	v8 =	vld [tilespmem:s1+$0x10A30]  }
0x36a: {  	[tilespmem:$0x1FAA0] =	vst v1;
	v1 =	vld [tilespmem:s1+$0x108F0]  }
0x36b: {  	v5 =	vld [tilespmem:s1+$0x10910]  }
0x36c: {  	v3 =	vld [tilespmem:s1+$0x18910]  }
0x36d: {  	v14 =	vld [tilespmem:s1+$0x10B00]  }
0x36e: {  	[tilespmem:$0x1FB50] =	vst v8;
	v8 =	vld [tilespmem:s1+$0x18A30]  }
0x36f: {  	[tilespmem:$0x1FAC0] =	vst v1;
	v1 =	vld [tilespmem:s1+$0x188F0]  }
0x370: {  	[tilespmem:$0x1FA60] =	vst v0;
	v0 =	vld [tilespmem:s1+$0x18970]  }
0x371: {  	v6 =	vld [tilespmem:s1+$0x18B00]  }
0x372: {  	v4 =	vld [tilespmem:s1+$0x10B10]  }
0x373: {  	[tilespmem:$0x1FB60] =	vst v8;
	v8 =	vld [tilespmem:s1+$0x10870]  }
0x374: {  	[tilespmem:$0x1FAD0] =	vst v1;
	v1 =	vld [tilespmem:s1+$0x10AF0]  }
0x375: {  	[tilespmem:$0x1FA70] =	vst v0;
	v0 =	vld [tilespmem:s1+$0x10B70]  }
0x376: {  	v54 =	vld [tilespmem:s1+$0x10830]  }
0x377: {  	v25 =	vld [tilespmem:s1+$0x18830]  }
0x378: {  	[tilespmem:$0x1FA40] =	vst v8;
	v8 =	vld [tilespmem:s1+$0x18870]  }
0x379: {  	[tilespmem:$0x1FAF0] =	vst v1;
	v1 =	vld [tilespmem:s1+$0x18AF0]  }
0x37a: {  	[tilespmem:$0x1FA80] =	vst v0;
	v0 =	vld [tilespmem:s1+$0x18B70]  }
0x37b: {  	v15 =	vmul.f32 v16, v15;
	v16 =	vld [tilespmem:s1+$0x108D0]  }
0x37c: {  	v7 =	vmul.f32 v7, v9;
	v9 =	vld [tilespmem:s1+$0x188D0]  }
0x37d: {  	[tilespmem:$0x1FA50] =	vst v8;
	v8 =	vld [tilespmem:s1+$0x108A0]  }
0x37e: {  	[tilespmem:$0x1FB00] =	vst v1;
	v1 =	vld [tilespmem:s1+$0x10B20]  }
0x37f: {  	[tilespmem:$0x1FA90] =	vst v0;
	v0 =	vld [tilespmem:s1+$0x109D0]  }
0x380: {  	v17 =	vmul.f32 v18, v17;
	v18 =	vmul.f32 v45, v44;
	v44 =	vld [tilespmem:s1+$0x18AC0]  }
0x381: {  	v45 =	vld [tilespmem:s1+$0x10AD0]  }
0x382: {  	[tilespmem:$0x1FB70] =	vst v8;
	v8 =	vld [tilespmem:s1+$0x188A0]  }
0x383: {  	v28 =	vmul.f32 v29, v28;
	[tilespmem:$0x1FAB0] =	vst v1;
	v1 =	vld [tilespmem:s1+$0x108B0]  }
0x384: {  	v29 =	vmul.f32 v31, v0;
	v31 =	vmul.f32 v33, v32;
	v33 =	vld [tilespmem:s1+$0x188C0]  }
0x385: {  	v32 =	vmul.f32 v35, v34;
	v0 =	vld [tilespmem:$0x1FA60]  }
0x386: {  	v35 =	vld [tilespmem:s1+$0x10840]  }
0x387: {  	v28 =	vadd.f32 v29, v28;
	v29 =	vadd.f32 v32, v31;
	v31 =	vld [tilespmem:s1+$0x10AC0]  }
0x388: {  	[tilespmem:$0x1FB30] =	vst v1;
	v1 =	vld [tilespmem:s1+$0x188B0]  }
0x389: {  	v32 =	vmul.f32 v37, v36;
	v36 =	vld [tilespmem:s1+$0x18880]  }
0x38a: {  	v37 =	vld [tilespmem:s1+$0x10850]  }
0x38b: {  	v15 =	vadd.f32 v15, v28;
	v28 =	vmul.f32 v47, v46;
	v46 =	vld [tilespmem:s1+$0x18AD0]  }
0x38c: {  	v17 =	vadd.f32 v17, v29;
	v29 =	vmul.f32 v49, v48;
	v49 =	vld [tilespmem:s1+$0x10A20]  }
0x38d: {  	v10 =	vmul.f32 v10, v11;
	[tilespmem:$0x1FB40] =	vst v1;
	v1 =	vld [tilespmem:s1+$0x10AB0]  }
0x38e: {  	v48 =	vld [tilespmem:s1+$0x10860]  }
0x38f: {  	v11 =	vmul.f32 v24, v23;
	v47 =	vld [tilespmem:s1+$0x10880];
	v18 =	vadd.f32 v28, v18;
	v10 =	vadd.f32 v10, v17  }
0x390: {  	[tilespmem:$0x1FB80] =	vst v8;
	v8 =	vld [tilespmem:s1+$0x10AA0];
	v17 =	vmul.f32 v12, v13  }
0x391: {  	v12 =	vld [tilespmem:s1+$0x10820];
	v11 =	vadd.f32 v11, v18;
	v18 =	vmul.f32 v20, v21;
	v20 =	vperm.xlane v10, v63  }
0x392: {  	v7 =	vadd.f32 v7, v15;
	[tilespmem:$0x1FA30] =	vst v1;
	v1 =	vld [tilespmem:s1+$0x108E0]  }
0x393: {  	v51 =	vmul.f32 v51, v50;
	v20 =	vadd.f32 v20, v10;
	v10 =	vld [tilespmem:$0x1FA70]  }
0x394: {  	v13 =	vld [tilespmem:s1+$0x18820];
	v17 =	vadd.f32 v17, v11;
	v11 =	vperm.xlane v7, v63  }
0x395: {  	v23 =	vmul.f32 v27, v26;
	v15 =	vadd.f32 v51, v29;
	v21 =	vmul.f32 v57, v56;
	v56 =	vld [tilespmem:$0x1FFD0]  }
0x396: {  	v57 =	vld [tilespmem:s1+$0x18890];
	v7 =	vadd.f32 v11, v7  }
0x397: {  	v15 =	vadd.f32 v23, v15;
	[tilespmem:$0x1FAE0] =	vst v1;
	v1 =	vld [tilespmem:s1+$0x10AE0]  }
0x398: {  	v7 =	vsel vm0, v7, v20;
	v20 =	vmul.f32 v10, v0;
	v0 =	vld [tilespmem:$0x1FA80]  }
0x399: {  	v18 =	vadd.f32 v18, v15;
	v10 =	vld [tilespmem:$0x1FA90]  }
0x39a: {  	v29 =	vmul.f32 v43, v42;
	v43 =	vmul.f32 v36, v47;
	v36 =	vld [tilespmem:s1+$0x10A50]  }
0x39b: {  	[tilespmem:$0x1FB90] =	vst v8;
	v8 =	vld [tilespmem:s1+$0x18AA0];
	v23 =	vperm.xlane v17, v63;
	v24 =	vperm.xlane v18, v63  }
0x39c: {  	[tilespmem:$0x1FB10] =	vst v1;
	v1 =	vld [tilespmem:s1+$0x18AE0]  }
0x39d: {  	v15 =	vld [tilespmem:s1+$0x18A20];
	v17 =	vadd.f32 v23, v17;
	v18 =	vadd.f32 v24, v18  }
0x39e: {  	v23 =	vperm.xlane v7, v30;
	v28 =	vmul.f32 v10, v0;
	v0 =	vld [tilespmem:$0x1FAA0]  }
0x39f: {  	v26 =	vmul.f32 v41, v40;
	v11 =	vld [tilespmem:s1+$0x18860];
	v18 =	vsel vm0, v17, v18  }
0x3a0: {  	v24 =	vmul.f32 v59, v58;
	[tilespmem:$0x1FBA0] =	vst v8;
	v8 =	vld [tilespmem:s1+$0x108C0];
	v58 =	vadd.f32 v7, v23;
	v7 =	vperm.xlane v18, v30  }
0x3a1: {  	v27 =	vmul.f32 v62, v61;
	v2 =	vmul.f32 v2, v22;
	[tilespmem:$0x1FB20] =	vst v1;
	v1 =	vld [tilespmem:s1+$0x18B10]  }
0x3a2: {  	v17 =	vld [tilespmem:s1+$0x10A80];
	v24 =	vadd.f32 v24, v21;
	v51 =	vadd.f32 v18, v7;
	v18 =	vmul.f32 v19, v60  }
0x3a3: {  	v21 =	vld [tilespmem:s1+$0x18A80];
	v59 =	vmul.f32 v39, v0;
	v0 =	vmul.f32 v3, v5  }
0x3a4: {  	v23 =	vld [tilespmem:s1+$0x10A90];
	v19 =	vmul.f32 v53, v52;
	v60 =	vadd.f32 v26, v24  }
0x3a5: {  	v24 =	vld [tilespmem:s1+$0x18A90];
	v5 =	vadd.f32 v18, v27;
	v3 =	vmul.f32 v6, v14;
	v0 =	vadd.f32 v0, v2  }
0x3a6: {  	v7 =	vld [tilespmem:$0x1FB00];
	v6 =	vmul.f32 v9, v16;
	v1 =	vmul.f32 v1, v4  }
0x3a7: {  	v4 =	vadd.f32 v29, v5;
	v5 =	vmul.f32 v33, v8;
	v8 =	vadd.f32 v19, v0;
	v0 =	vld [tilespmem:$0x1FAC0]  }
0x3a8: {  	v18 =	vadd.f32 v20, v60;
	v1 =	vadd.f32 v1, v3;
	v3 =	vld [tilespmem:$0x1FAD0]  }
0x3a9: {  	v20 =	vadd.f32 v28, v4;
	v4 =	vadd.f32 v6, v5;
	v6 =	vld [tilespmem:$0x1FAF0]  }
0x3aa: {  	v26 =	vld [tilespmem:s1+$0x18800]  }
0x3ab: {  	v10 =	vld [tilespmem:s1+$0x10890]  }
0x3ac: {  	v14 =	vld [tilespmem:$0x1FB60]  }
0x3ad: {  	v9 =	vmul.f32 v3, v0;
	v0 =	vld [tilespmem:$0x1FAE0]  }
0x3ae: {  	v16 =	vmul.f32 v7, v6;
	v7 =	vld [tilespmem:$0x1FB50]  }
0x3af: {  	v27 =	vld [tilespmem:s1+$0x10800]  }
0x3b0: {  	v2 =	vld [tilespmem:$0x1FAB0]  }
0x3b1: {  	v39 =	vld [tilespmem:s1+$0x10A40]  }
0x3b2: {  	v29 =	vld [tilespmem:s1+$0x10810]  }
0x3b3: {  	v5 =	vmul.f32 v38, v0;
	v30 =	vmul.f32 v14, v7;
	v7 =	vld [tilespmem:$0x1FB70]  }
0x3b4: {  	v14 =	vld [tilespmem:$0x1FB80]  }
0x3b5: {  	v2 =	vmul.f32 v55, v2;
	v19 =	vadd.f32 v5, v4;
	v4 =	vld [tilespmem:$0x1FB10]  }
0x3b6: {  	v5 =	vld [tilespmem:$0x1FB20]  }
0x3b7: {  	v33 =	vld [tilespmem:s1+$0x10A10];
	v1 =	vadd.f32 v2, v1  }
0x3b8: {  	v22 =	vperm.xlane v18, v63;
	v28 =	vmul.f32 v25, v54;
	v2 =	vadd.f32 v32, v8;
	v32 =	vld [tilespmem:s1+$0x18840]  }
0x3b9: {  	v1 =	vadd.f32 v59, v1;
	v3 =	vld [tilespmem:s1+$0x18810];
	v25 =	vadd.f32 v9, v19;
	v9 =	vperm.xlane v20, v63  }
0x3ba: {  	v19 =	vadd.f32 v22, v18;
	v40 =	vmul.f32 v14, v7;
	v7 =	vld [tilespmem:$0x1FBA0]  }
0x3bb: {  	v22 =	vadd.f32 v9, v20;
	v9 =	vperm.xlane v1, v63;
	v34 =	vmul.f32 v5, v4;
	v4 =	vld [tilespmem:$0x1FB30]  }
0x3bc: {  	v5 =	vld [tilespmem:$0x1FB40]  }
0x3bd: {  	v20 =	vadd.f32 v9, v1;
	v1 =	vld [tilespmem:$0x1FB90]  }
0x3be: {  	v31 =	vmul.f32 v44, v31;
	v61 =	vmul.f32 v46, v45;
	v6 =	vld [tilespmem:s1+$0x18A00]  }
0x3bf: {  	v8 =	vperm.xlane v58, v56;
	v0 =	vld [tilespmem:s1+$0x10A00];
	v18 =	vperm.xlane v2, v63  }
0x3c0: {  	v42 =	vadd.f32 v61, v31;
	v44 =	vmul.f32 v57, v10;
	v38 =	vld [tilespmem:s1+$0x18850];
	v62 =	vperm.xlane v25, v63  }
0x3c1: {  	v54 =	vperm.xlane v51, v56;
	v8 =	vadd.f32 v58, v8;
	v18 =	vadd.f32 v18, v2;
	v2 =	vld [tilespmem:s1+$0x18A40]  }
0x3c2: {  	s13 =	simm.s32 $0x2000;
	v25 =	vadd.f32 v62, v25;
	v4 =	vmul.f32 v5, v4;
	v5 =	vld [tilespmem:s1+$0x18A10];
	v1 =	vmul.f32 v7, v1  }
.LBB2_5:
0x3c3: {  	v41 =	vld [tilespmem:s1+$0x18A50];
	v12 =	vmul.f32 v13, v12  }
0x3c4: {  	v7 =	vld [tilespmem:$0x1FA40];
	v13 =	vmul.f32 v15, v49;
	v14 =	vmul.f32 v21, v17  }
0x3c5: {  	v9 =	vld [tilespmem:$0x1FA50];
	v31 =	vadd.f32 v44, v43;
	v15 =	vmul.f32 v24, v23;
	v23 =	vmul.f32 v26, v27  }
0x3c6: {  	v17 =	vld [tilespmem:s1+$0x10A60];
	v3 =	vmul.f32 v3, v29;
	v0 =	vmul.f32 v6, v0  }
0x3c7: {  	v24 =	vadd.f32 v40, v31;
	v26 =	vld [tilespmem:s1+$0x18A60];
	v5 =	vmul.f32 v5, v33;
	v27 =	vmul.f32 v38, v37  }
0x3c8: {  	v2 =	vmul.f32 v2, v39;
	v29 =	vmul.f32 v41, v36;
	v6 =	vadd.f32 v15, v14;
	v14 =	vld [tilespmem:s1+$0x10A70]  }
0x3c9: {  	v15 =	vmul.f32 v32, v35;
	v4 =	vadd.f32 v4, v24;
	v24 =	vld [tilespmem:s1+$0x18A70];
	v3 =	vadd.f32 v3, v23  }
0x3ca: {  	v0 =	vadd.f32 v5, v0;
	v2 =	vadd.f32 v29, v2  }
0x3cb: {  	v5 =	vmul.f32 v11, v48;
	v1 =	vadd.f32 v1, v6;
	v6 =	vld [tilespmem:s1+$0x18AB0];
	v10 =	vadd.f32 v27, v15  }
0x3cc: {  	v3 =	vadd.f32 v12, v3;
	v12 =	vmul.f32 v9, v7;
	v7 =	vld [tilespmem:$0x1FA30];
	v11 =	vmul.f32 v26, v17;
	_ =	sdelay $0x1  }
0x3cd: {  	v5 =	vadd.f32 v5, v10;
	v2 =	vadd.f32 v11, v2;
	v10 =	vmul.f32 v24, v14  }
0x3ce: {  	v0 =	vadd.f32 v13, v0  }
0x3cf: {  	v2 =	vadd.f32 v10, v2  }
0x3d0: {  	v3 =	vadd.f32 v28, v3;
	v0 =	vadd.f32 v30, v0;
	v6 =	vmul.f32 v6, v7  }
0x3d1: {  	v21 =	vadd.f32 v34, v42;
	v5 =	vadd.f32 v12, v5;
	v14 =	vperm.xlane v2, v63  }
0x3d2: {  	v11 =	vperm.xlane v0, v63;
	v1 =	vadd.f32 v6, v1;
	v6 =	vperm.xlane v3, v63  }
0x3d3: {  	v12 =	vadd.f32 v16, v21;
	v13 =	vperm.xlane v5, v63;
	v2 =	vadd.f32 v14, v2;
	v14 =	vld [tilespmem:$0x1FFE0]  }
0x3d4: {  	v10 =	vperm.xlane v4, v63;
	v3 =	vadd.f32 v6, v3;
	v6 =	vperm.xlane v1, v63  }
0x3d5: {  	v0 =	vadd.f32 v11, v0;
	v11 =	vperm.xlane v12, v63;
	v5 =	vadd.f32 v13, v5  }
0x3d6: {  	v4 =	vadd.f32 v10, v4;
	v1 =	vadd.f32 v6, v1;
	v6 =	vsel vm0, v19, v22  }
0x3d7: {  	v0 =	vsel vm0, v3, v0;
	v2 =	vsel vm0, v5, v2;
	v3 =	vadd.f32 v11, v12  }
0x3d8: {  	v1 =	vsel vm0, v4, v1;
	v5 =	vperm.xlane v0, v14;
	v10 =	vperm.xlane v2, v14  }
0x3d9: {  	v11 =	vsel vm0, v18, v20;
	v3 =	vsel vm0, v25, v3;
	v4 =	vperm.xlane v1, v14  }
0x3da: {  	v0 =	vadd.f32 v0, v5;
	v2 =	vadd.f32 v2, v10;
	v5 =	vperm.xlane v3, v14  }
0x3db: {  	v9 =	vld [tilespmem:$0x1FFF0];
	v1 =	vadd.f32 v1, v4;
	v4 =	vperm.xlane v11, v14;
	v10 =	vperm.xlane v6, v14  }
0x3dc: {  	v12 =	vperm.xlane v0, v56;
	v13 =	vperm.xlane v2, v56;
	v3 =	vadd.f32 v3, v5  }
0x3dd: {  	v5 =	vperm.xlane v1, v56;
	v4 =	vadd.f32 v11, v4;
	v6 =	vadd.f32 v6, v10  }
0x3de: {  	v0 =	vadd.f32 v0, v12;
	v2 =	vadd.f32 v2, v13;
	v10 =	vperm.xlane v3, v56  }
0x3df: {  	v1 =	vadd.f32 v1, v5;
	v5 =	vperm.xlane v4, v56;
	v11 =	vperm.xlane v6, v56  }
0x3e0: {  	v12 =	vperm.xlane v0, v9;
	v13 =	vperm.xlane v2, v9;
	v3 =	vadd.f32 v3, v10  }
0x3e1: {  	v10 =	vperm.xlane v1, v9;
	v4 =	vadd.f32 v4, v5;
	v5 =	vadd.f32 v6, v11  }
0x3e2: {  	v0 =	vadd.f32 v0, v12;
	v2 =	vadd.f32 v2, v13;
	v6 =	vperm.xlane v3, v9  }
0x3e3: {  	v7 =	vadd.f32 v51, v54;
	v1 =	vadd.f32 v1, v10;
	v10 =	vperm.xlane v4, v9  }
0x3e4: {  	v0 =	vsel vm1, v0, v2;
	v2 =	vadd.f32 v3, v6;
	v3 =	vperm.xlane v5, v9  }
0x3e5: {  	v0 =	vsel vm2, v0, v1;
	v1 =	vadd.f32 v4, v10;
	v4 =	vperm.xlane v7, v9  }
0x3e6: {  	v0 =	vsel vm3, v0, v2;
	v2 =	vadd.f32 v5, v3;
	v3 =	vperm.xlane v8, v9  }
0x3e7: {  	v0 =	vsel vm4, v0, v1;
	v1 =	vadd.f32 v7, v4  }
0x3e8: {  	v0 =	vsel vm5, v0, v2;
	v2 =	vadd.f32 v8, v3  }
0x3e9: {  	v0 =	vsel vm6, v0, v1  }
0x3ea: {  	s0 =	sadd.s32 $0x10, s0;
	v0 =	vsel vm7, v0, v2  }
0x3eb: {  	s1 =	sshra.s32 s13, $0x2;
	[tilespmem:s0+$0x0] =	vst v0  }
0x3ec: {  	v17 =	vld [tilespmem:s1+$0x109F0]  }
0x3ed: {  	v12 =	vld [tilespmem:s1+$0x189F0]  }
0x3ee: {  	v15 =	vld [tilespmem:s1+$0x10BF0]  }
0x3ef: {  	v36 =	vld [tilespmem:s1+$0x18BF0]  }
0x3f0: {  	v0 =	vld [tilespmem:s1+$0x109B0]  }
0x3f1: {  	v41 =	vld [tilespmem:s1+$0x109E0]  }
0x3f2: {  	v51 =	vld [tilespmem:s1+$0x189E0]  }
0x3f3: {  	v48 =	vld [tilespmem:s1+$0x10BE0]  }
0x3f4: {  	v52 =	vld [tilespmem:s1+$0x18BE0]  }
0x3f5: {  	v47 =	vld [tilespmem:s1+$0x109A0]  }
0x3f6: {  	v53 =	vld [tilespmem:s1+$0x189A0]  }
0x3f7: {  	v31 =	vld [tilespmem:s1+$0x10BA0]  }
0x3f8: {  	v46 =	vld [tilespmem:s1+$0x18BA0]  }
0x3f9: {  	v49 =	vld [tilespmem:s1+$0x109C0]  }
0x3fa: {  	v50 =	vld [tilespmem:s1+$0x189C0]  }
0x3fb: {  	v60 =	vld [tilespmem:s1+$0x109D0]  }
0x3fc: {  	v10 =	vld [tilespmem:s1+$0x189D0]  }
0x3fd: {  	v11 =	vld [tilespmem:s1+$0x10BC0]  }
0x3fe: {  	v8 =	vld [tilespmem:s1+$0x18BC0]  }
0x3ff: {  	v6 =	vld [tilespmem:s1+$0x10BD0]  }
0x400: {  	v3 =	vld [tilespmem:s1+$0x18BD0]  }
0x401: {  	v21 =	vld [tilespmem:s1+$0x10930]  }
0x402: {  	v30 =	vld [tilespmem:s1+$0x18930]  }
0x403: {  	v26 =	vld [tilespmem:s1+$0x10960]  }
0x404: {  	v29 =	vld [tilespmem:s1+$0x18960]  }
0x405: {  	v24 =	vld [tilespmem:s1+$0x10B60]  }
0x406: {  	v23 =	vld [tilespmem:s1+$0x18B60]  }
0x407: {  	v13 =	vld [tilespmem:s1+$0x10980]  }
0x408: {  	v9 =	vld [tilespmem:s1+$0x18980]  }
0x409: {  	v7 =	vld [tilespmem:s1+$0x10990]  }
0x40a: {  	v4 =	vld [tilespmem:s1+$0x18990]  }
0x40b: {  	v5 =	vld [tilespmem:s1+$0x10B80]  }
0x40c: {  	v1 =	vld [tilespmem:s1+$0x18B80]  }
0x40d: {  	v2 =	vld [tilespmem:s1+$0x10B90]  }
0x40e: {  	v16 =	vld [tilespmem:s1+$0x108F0]  }
0x40f: {  	v39 =	vld [tilespmem:s1+$0x10920]  }
0x410: {  	v43 =	vld [tilespmem:s1+$0x18920]  }
0x411: {  	v33 =	vld [tilespmem:s1+$0x18B20]  }
0x412: {  	v58 =	vld [tilespmem:s1+$0x10940]  }
0x413: {  	v59 =	vld [tilespmem:s1+$0x18940]  }
0x414: {  	v61 =	vld [tilespmem:s1+$0x10950]  }
0x415: {  	v62 =	vld [tilespmem:s1+$0x18950]  }
0x416: {  	v54 =	vld [tilespmem:s1+$0x10B40]  }
0x417: {  	v55 =	vld [tilespmem:s1+$0x18B40]  }
0x418: {  	v56 =	vld [tilespmem:s1+$0x10B50]  }
0x419: {  	v57 =	vld [tilespmem:s1+$0x18B50]  }
0x41a: {  	v37 =	vld [tilespmem:s1+$0x108E0]  }
0x41b: {  	[tilespmem:$0x1F780] =	vst v0;
	v0 =	vld [tilespmem:s1+$0x189B0]  }
0x41c: {  	v28 =	vld [tilespmem:s1+$0x188E0]  }
0x41d: {  	v32 =	vld [tilespmem:s1+$0x10AE0]  }
0x41e: {  	v34 =	vld [tilespmem:s1+$0x18AE0]  }
0x41f: {  	v27 =	vld [tilespmem:s1+$0x10900]  }
0x420: {  	[tilespmem:$0x1F790] =	vst v0;
	v0 =	vld [tilespmem:s1+$0x10BB0]  }
0x421: {  	v25 =	vld [tilespmem:s1+$0x18900]  }
0x422: {  	v22 =	vld [tilespmem:s1+$0x10910]  }
0x423: {  	v19 =	vld [tilespmem:s1+$0x18910]  }
0x424: {  	v20 =	vld [tilespmem:s1+$0x10B00]  }
0x425: {  	[tilespmem:$0x1F7A0] =	vst v0;
	v0 =	vld [tilespmem:s1+$0x18BB0]  }
0x426: {  	v18 =	vld [tilespmem:s1+$0x18B00]  }
0x427: {  	v35 =	vld [tilespmem:s1+$0x10B10]  }
0x428: {  	v38 =	vld [tilespmem:s1+$0x10830]  }
0x429: {  	v42 =	vld [tilespmem:s1+$0x18830]  }
0x42a: {  	[tilespmem:$0x1F7B0] =	vst v0;
	v0 =	vld [tilespmem:s1+$0x10970]  }
0x42b: {  	v44 =	vld [tilespmem:s1+$0x10A30]  }
0x42c: {  	v40 =	vld [tilespmem:s1+$0x10870]  }
0x42d: {  	v45 =	vld [tilespmem:s1+$0x18A30]  }
0x42e: {  	[tilespmem:$0x1F830] =	vst v16;
	v16 =	vld [tilespmem:s1+$0x188F0]  }
0x42f: {  	[tilespmem:$0x1F7C0] =	vst v0;
	v0 =	vld [tilespmem:s1+$0x18970]  }
0x430: {  	v60 =	vmul.f32 v10, v60;
	v10 =	vld [tilespmem:s1+$0x18870]  }
0x431: {  	[tilespmem:$0x1FA40] =	vst v40;
	v40 =	vld [tilespmem:s1+$0x108A0]  }
0x432: {  	v8 =	vmul.f32 v8, v11;
	v11 =	vmul.f32 v51, v41;
	v41 =	vld [tilespmem:s1+$0x18AA0]  }
0x433: {  	v4 =	vmul.f32 v4, v7;
	v7 =	vld [tilespmem:s1+$0x188D0]  }
0x434: {  	[tilespmem:$0x1F7D0] =	vst v0;
	v0 =	vld [tilespmem:s1+$0x10B70]  }
0x435: {  	v5 =	vmul.f32 v1, v5;
	v1 =	vld [tilespmem:s1+$0x10AC0]  }
0x436: {  	v9 =	vmul.f32 v9, v13;
	v13 =	vld [tilespmem:s1+$0x18820]  }
0x437: {  	v50 =	vmul.f32 v50, v49;
	v49 =	vld [tilespmem:s1+$0x10A20]  }
0x438: {  	v62 =	vmul.f32 v62, v61;
	v61 =	vmul.f32 v23, v24;
	v23 =	vld [tilespmem:s1+$0x10A90]  }
0x439: {  	[tilespmem:$0x1F7E0] =	vst v0;
	v0 =	vld [tilespmem:s1+$0x18B70]  }
0x43a: {  	v24 =	vld [tilespmem:s1+$0x18A90]  }
0x43b: {  	v25 =	vmul.f32 v25, v27;
	v27 =	vld [tilespmem:s1+$0x10800]  }
0x43c: {  	v26 =	vmul.f32 v29, v26;
	v29 =	vld [tilespmem:s1+$0x10810]  }
0x43d: {  	v34 =	vmul.f32 v34, v32;
	v32 =	vld [tilespmem:s1+$0x18840]  }
0x43e: {  	[tilespmem:$0x1F7F0] =	vst v0;
	v0 =	vld [tilespmem:s1+$0x10B30]  }
0x43f: {  	v3 =	vmul.f32 v3, v6;
	[tilespmem:$0x1F840] =	vst v16;
	v16 =	vld [tilespmem:s1+$0x10AF0]  }
0x440: {  	v6 =	vadd.f32 v60, v50;
	v50 =	vld [tilespmem:s1+$0x188A0]  }
0x441: {  	v3 =	vadd.f32 v3, v8;
	v8 =	vld [tilespmem:s1+$0x10AA0]  }
0x442: {  	v60 =	vld [tilespmem:s1+$0x188C0]  }
0x443: {  	[tilespmem:$0x1F800] =	vst v0;
	v0 =	vld [tilespmem:s1+$0x18B30]  }
0x444: {  	[tilespmem:$0x1F850] =	vst v16;
	v16 =	vld [tilespmem:s1+$0x18AF0]  }
0x445: {  	v4 =	vadd.f32 v4, v9;
	v9 =	vld [tilespmem:s1+$0x10AD0]  }
0x446: {  	v6 =	vadd.f32 v11, v6;
	v11 =	vmul.f32 v12, v17;
	v12 =	vmul.f32 v53, v47;
	v47 =	vld [tilespmem:s1+$0x108D0]  }
0x447: {  	v53 =	vld [tilespmem:s1+$0x10880]  }
0x448: {  	[tilespmem:$0x1F810] =	vst v0;
	v0 =	vld [tilespmem:s1+$0x18B90]  }
0x449: {  	[tilespmem:$0x1F860] =	vst v16;
	v16 =	vld [tilespmem:s1+$0x10B20]  }
0x44a: {  	v17 =	vld [tilespmem:s1+$0x10A80]  }
0x44b: {  	[tilespmem:$0x1FA50] =	vst v10;
	v10 =	vld [tilespmem:$0x1F780]  }
0x44c: {  	v6 =	vadd.f32 v11, v6;
	v11 =	vld [tilespmem:$0x1F790];
	[tilespmem:$0x1F890] =	vst v8;
	v8 =	vmul.f32 v52, v48  }
0x44d: {  	v4 =	vadd.f32 v12, v4;
	v12 =	vld [tilespmem:s1+$0x10820];
	v0 =	vmul.f32 v0, v2  }
0x44e: {  	v3 =	vadd.f32 v8, v3;
	[tilespmem:$0x1F820] =	vst v16;
	v16 =	vld [tilespmem:s1+$0x108B0];
	v2 =	vperm.xlane v6, v63  }
0x44f: {  	v52 =	vld [tilespmem:s1+$0x108C0];
	v8 =	vmul.f32 v36, v15;
	v0 =	vadd.f32 v0, v5;
	v5 =	vmul.f32 v46, v31  }
0x450: {  	v2 =	vadd.f32 v2, v6;
	v6 =	vld [tilespmem:$0x1F7B0]  }
0x451: {  	v3 =	vadd.f32 v8, v3;
	v0 =	vadd.f32 v5, v0;
	v5 =	vld [tilespmem:$0x1F7A0]  }
0x452: {  	v48 =	vld [tilespmem:s1+$0x10860]  }
0x453: {  	v8 =	vperm.xlane v3, v63;
	[tilespmem:$0x1F870] =	vst v16;
	v16 =	vld [tilespmem:s1+$0x188B0]  }
0x454: {  	v36 =	vld [tilespmem:s1+$0x18AC0];
	v10 =	vmul.f32 v11, v10  }
0x455: {  	v15 =	vld [tilespmem:s1+$0x18A20];
	v3 =	vadd.f32 v8, v3  }
0x456: {  	v19 =	vmul.f32 v19, v22;
	v11 =	vld [tilespmem:s1+$0x18860];
	v4 =	vadd.f32 v10, v4;
	v5 =	vmul.f32 v6, v5  }
0x457: {  	v7 =	vmul.f32 v7, v47;
	v22 =	vmul.f32 v60, v52;
	v10 =	vld [tilespmem:s1+$0x18880];
	v2 =	vsel vm0, v2, v3  }
0x458: {  	[tilespmem:$0x1F880] =	vst v16;
	v16 =	vld [tilespmem:s1+$0x10AB0];
	v3 =	vperm.xlane v2, v14;
	v0 =	vadd.f32 v5, v0;
	v5 =	vperm.xlane v4, v63  }
0x459: {  	v7 =	vadd.f32 v7, v22;
	v22 =	vmul.f32 v28, v37;
	v37 =	vld [tilespmem:s1+$0x10850]  }
0x45a: {  	v2 =	vadd.f32 v2, v3;
	v3 =	vadd.f32 v5, v4;
	v4 =	vld [tilespmem:$0x1F7C0]  }
0x45b: {  	v5 =	vld [tilespmem:$0x1F7D0]  }
0x45c: {  	v28 =	vmul.f32 v42, v38;
	v38 =	vld [tilespmem:s1+$0x18850]  }
0x45d: {  	[tilespmem:$0x1FA30] =	vst v16;
	v16 =	vld [tilespmem:s1+$0x18B10];
	v6 =	vperm.xlane v0, v63  }
0x45e: {  	v31 =	vld [tilespmem:s1+$0x18AD0]  }
0x45f: {  	v0 =	vadd.f32 v6, v0;
	v6 =	vld [tilespmem:$0x1F7F0]  }
0x460: {  	v4 =	vmul.f32 v5, v4;
	v5 =	vld [tilespmem:$0x1F7E0]  }
0x461: {  	v18 =	vmul.f32 v18, v20;
	v0 =	vsel vm0, v3, v0;
	v3 =	vld [tilespmem:$0x1FFD0]  }
0x462: {  	v1 =	vmul.f32 v36, v1;
	v36 =	vld [tilespmem:s1+$0x10A50];
	v16 =	vmul.f32 v16, v35  }
0x463: {  	v35 =	vld [tilespmem:s1+$0x10840]  }
0x464: {  	v30 =	vmul.f32 v30, v21;
	v16 =	vadd.f32 v16, v18;
	v18 =	vld [tilespmem:$0x1F840];
	v9 =	vmul.f32 v31, v9  }
0x465: {  	v21 =	vld [tilespmem:$0x1F810];
	v5 =	vmul.f32 v6, v5;
	v6 =	vmul.f32 v59, v58  }
0x466: {  	v46 =	vld [tilespmem:s1+$0x10890];
	v8 =	vperm.xlane v2, v3;
	v3 =	vperm.xlane v0, v14  }
0x467: {  	v42 =	vadd.f32 v9, v1;
	v14 =	vld [tilespmem:$0x1F800];
	v6 =	vadd.f32 v62, v6  }
0x468: {  	v1 =	vld [tilespmem:$0x1F890];
	v51 =	vadd.f32 v0, v3;
	v0 =	vmul.f32 v55, v54;
	v3 =	vmul.f32 v57, v56  }
0x469: {  	v58 =	vld [tilespmem:s1+$0x18890];
	v6 =	vadd.f32 v26, v6  }
0x46a: {  	v56 =	vld [tilespmem:$0x1FFD0];
	v0 =	vadd.f32 v3, v0  }
0x46b: {  	v39 =	vmul.f32 v43, v39;
	v3 =	vld [tilespmem:$0x1F820];
	v20 =	vadd.f32 v4, v6;
	v4 =	vadd.f32 v19, v25  }
0x46c: {  	v59 =	vmul.f32 v21, v14;
	v21 =	vld [tilespmem:s1+$0x18A80];
	v6 =	vadd.f32 v61, v0  }
0x46d: {  	v14 =	vld [tilespmem:$0x1F830];
	v4 =	vadd.f32 v39, v4  }
0x46e: {  	v25 =	vadd.f32 v5, v6;
	v5 =	vld [tilespmem:$0x1F860]  }
0x46f: {  	v43 =	vadd.f32 v30, v4;
	v4 =	vld [tilespmem:$0x1F850]  }
0x470: {  	v26 =	vld [tilespmem:s1+$0x18800]  }
0x471: {  	v40 =	vmul.f32 v50, v40;
	v0 =	vld [tilespmem:s1+$0x10A00];
	v19 =	vmul.f32 v33, v3  }
0x472: {  	v7 =	vadd.f32 v22, v7;
	v1 =	vmul.f32 v41, v1;
	v54 =	vperm.xlane v51, v56;
	v3 =	vld [tilespmem:s1+$0x18810]  }
0x473: {  	v57 =	vperm.xlane v20, v63;
	v18 =	vmul.f32 v18, v14;
	v14 =	vld [tilespmem:$0x1F880];
	v19 =	vadd.f32 v19, v16  }
0x474: {  	p0 =	sne.s32 s13, $0xF000;
	v22 =	vperm.xlane v25, v63;
	v16 =	vmul.f32 v5, v4;
	v4 =	vld [tilespmem:$0x1F870]  }
.Ltmp1:
0x475: {  	v6 =	vld [tilespmem:s1+$0x18A00];
	v30 =	vmul.f32 v45, v44;
	v7 =	vadd.f32 v18, v7;
	v60 =	vadd.f32 v59, v19;
	(pc) =	sbr.rel @p0 .LBB2_5-.Ltmp1, $4  }
0x476: {  	v8 =	vadd.f32 v2, v8;
	v33 =	vld [tilespmem:s1+$0x10A10];
	v44 =	vmul.f32 v58, v46;
	v2 =	vperm.xlane v43, v63  }
0x477: {  	v39 =	vld [tilespmem:s1+$0x10A40];
	v19 =	vadd.f32 v57, v20;
	v62 =	vperm.xlane v7, v63;
	v61 =	vperm.xlane v60, v63  }
0x478: {  	v22 =	vadd.f32 v22, v25;
	v18 =	vadd.f32 v2, v43;
	v43 =	vmul.f32 v10, v53;
	v2 =	vld [tilespmem:s1+$0x18A40]  }
0x479: {  	s13 =	sadd.s32 $0x1000, s13;
	v5 =	vld [tilespmem:s1+$0x18A10];
	v25 =	vadd.f32 v62, v7;
	v20 =	vadd.f32 v61, v60;
	v4 =	vmul.f32 v14, v4  }
0x47a: {  	v9 =	vld [tilespmem:s1+$0x18A50]  }
0x47b: {  	v45 =	vld [tilespmem:s1+$0x10A60]  }
0x47c: {  	v7 =	vadd.f32 v44, v43;
	v43 =	vmul.f32 v15, v49;
	v49 =	vld [tilespmem:s1+$0x18A60]  }
0x47d: {  	v12 =	vmul.f32 v13, v12;
	v14 =	vmul.f32 v21, v17;
	v52 =	vld [tilespmem:s1+$0x10A70]  }
0x47e: {  	v44 =	vmul.f32 v24, v23;
	v47 =	vmul.f32 v26, v27;
	v57 =	vld [tilespmem:s1+$0x18A70]  }
0x47f: {  	v46 =	vadd.f32 v34, v42;
	v3 =	vmul.f32 v3, v29;
	v0 =	vmul.f32 v6, v0;
	v61 =	vld [tilespmem:$0x1FA40]  }
0x480: {  	v53 =	vmul.f32 v32, v35;
	v55 =	vmul.f32 v38, v37;
	v62 =	vld [tilespmem:$0x1FA50];
	v7 =	vadd.f32 v40, v7  }
0x481: {  	v58 =	vld [tilespmem:s1+$0x18AB0];
	v50 =	vadd.f32 v44, v14;
	v3 =	vadd.f32 v3, v47;
	v2 =	vmul.f32 v2, v39  }
0x482: {  	v15 =	vld [tilespmem:$0x1FA30];
	v10 =	vadd.f32 v55, v53;
	v5 =	vmul.f32 v5, v33;
	v9 =	vmul.f32 v9, v36  }
0x483: {  	v59 =	vmul.f32 v11, v48;
	v4 =	vadd.f32 v4, v7;
	v1 =	vadd.f32 v1, v50  }
0x484: {  	v60 =	vmul.f32 v49, v45;
	v0 =	vadd.f32 v5, v0;
	v2 =	vadd.f32 v9, v2  }
0x485: {  	v3 =	vadd.f32 v12, v3;
	v11 =	vmul.f32 v62, v61;
	v5 =	vadd.f32 v59, v10  }
0x486: {  	v7 =	vmul.f32 v57, v52;
	v0 =	vadd.f32 v43, v0;
	v2 =	vadd.f32 v60, v2  }
0x487: {  	v6 =	vmul.f32 v58, v15;
	v3 =	vadd.f32 v28, v3;
	v5 =	vadd.f32 v11, v5  }
0x488: {  	v17 =	vperm.xlane v4, v63;
	v0 =	vadd.f32 v30, v0;
	v2 =	vadd.f32 v7, v2  }
0x489: {  	v1 =	vadd.f32 v6, v1;
	v23 =	vperm.xlane v3, v63;
	v11 =	vperm.xlane v5, v63  }
0x48a: {  	v31 =	vld [tilespmem:$0x1FFE0];
	v26 =	vadd.f32 v16, v46;
	v24 =	vperm.xlane v0, v63;
	v32 =	vperm.xlane v2, v63  }
0x48b: {  	v33 =	vperm.xlane v1, v63;
	v3 =	vadd.f32 v23, v3;
	v5 =	vadd.f32 v11, v5  }
0x48c: {  	v34 =	vperm.xlane v26, v63;
	v0 =	vadd.f32 v24, v0;
	v2 =	vadd.f32 v32, v2  }
0x48d: {  	v35 =	vsel vm0, v19, v22;
	v4 =	vadd.f32 v17, v4;
	v1 =	vadd.f32 v33, v1  }
0x48e: {  	v36 =	vadd.f32 v34, v26;
	v0 =	vsel vm0, v3, v0;
	v2 =	vsel vm0, v5, v2  }
0x48f: {  	v1 =	vsel vm0, v4, v1;
	v37 =	vperm.xlane v0, v31;
	v38 =	vperm.xlane v2, v31  }
0x490: {  	v39 =	vsel vm0, v18, v20;
	v4 =	vperm.xlane v1, v31;
	v3 =	vsel vm0, v25, v36  }
0x491: {  	v40 =	vperm.xlane v3, v31;
	v0 =	vadd.f32 v0, v37;
	v2 =	vadd.f32 v2, v38  }
0x492: {  	v41 =	vperm.xlane v39, v31;
	v42 =	vperm.xlane v35, v31;
	v28 =	vld [tilespmem:$0x1FFF0];
	v1 =	vadd.f32 v1, v4  }
0x493: {  	v3 =	vadd.f32 v3, v40;
	v43 =	vperm.xlane v0, v56;
	v44 =	vperm.xlane v2, v56  }
0x494: {  	v6 =	vadd.f32 v35, v42;
	v4 =	vadd.f32 v39, v41;
	v45 =	vperm.xlane v1, v56  }
0x495: {  	v46 =	vperm.xlane v3, v56;
	v0 =	vadd.f32 v0, v43;
	v2 =	vadd.f32 v2, v44  }
0x496: {  	v48 =	vperm.xlane v6, v56;
	v47 =	vperm.xlane v4, v56;
	v1 =	vadd.f32 v1, v45  }
0x497: {  	v3 =	vadd.f32 v3, v46;
	v10 =	vperm.xlane v0, v28;
	v11 =	vperm.xlane v2, v28  }
0x498: {  	v50 =	vadd.f32 v6, v48;
	v4 =	vadd.f32 v4, v47;
	v49 =	vperm.xlane v1, v28  }
0x499: {  	v52 =	vperm.xlane v3, v28;
	v0 =	vadd.f32 v0, v10;
	v2 =	vadd.f32 v2, v11  }
0x49a: {  	v54 =	vadd.f32 v51, v54;
	v53 =	vperm.xlane v4, v28;
	v1 =	vadd.f32 v1, v49  }
0x49b: {  	v56 =	vperm.xlane v50, v28;
	v55 =	vadd.f32 v3, v52;
	v0 =	vsel vm1, v0, v2  }
0x49c: {  	v58 =	vperm.xlane v54, v28;
	v57 =	vadd.f32 v4, v53;
	v0 =	vsel vm2, v0, v1  }
0x49d: {  	s30 =	sadd.s32 $0x1, s30;
	v60 =	vperm.xlane v8, v28;
	v59 =	vadd.f32 v50, v56;
	v0 =	vsel vm3, v0, v55  }
0x49e: {  	p0 =	sne.s32 s30, $0x32;
	v61 =	vadd.f32 v54, v58;
	v0 =	vsel vm4, v0, v57  }
.Ltmp2:
0x49f: {  	v62 =	vadd.f32 v8, v60;
	v0 =	vsel vm5, v0, v59;
	(pc) =	sbr.rel @p0 .LBB2_2-.Ltmp2, $4  }
0x4a0: {  	s14 =	sadd.s32 s2, s31;
	v0 =	vsel vm6, v0, v61  }
0x4a1: {  	s0 =	sadd.s32 $0x10, s0;
	s1 =	sshrl.u32 s14, $0x3;
	v0 =	vsel vm7, v0, v62  }
0x4a2: {  	s31 =	sadd.s32 s6, s1;
	[tilespmem:s0+$0x0] =	vst v0  }
0x4a3: {  	[hbm4b:s31+s3] =	stream.linear.scatter [tilespmem:s25], [sflag:$0x4], $0x100, $0x38;
	[tilespmem:$0x1CA00] =	vst v63  }
0x4a4: {  	s29 =	sadd.s32 $0x1, s29  }
0x4a5: {  	_ =	swait.ge [sflag:s26], $0x100;
	p0 =	sne.s32 s29, s9  }
.Ltmp3:
0x4a6: {  	[sflag:s26] =	ssyncset.done $0x0;
	(pc) =	sbr.rel @p0 .LBB2_1-.Ltmp3, $4  }
0x4a7: {  	[sflag:s26] =	ssyncadd.s32 $0xFFFFFF00  }
0x4a8: {  	_ =	swait.ge [sflag:s28], $0x100  }
0x4a9: {  	[sflag:s28] =	ssyncset.done $0x0  }
0x4aa: {  	[sflag:s28] =	ssyncadd.s32 $0xFFFFFF00  }
0x4ab: {  	_ =	sfence.sel $0x180000  }
0x4ac: {  	[bflag:$0x0] =	sbarrier.arrive $0xFFFF  }
0x4ad: {  	_ =	strace $0x90000047  }
0x4ae: {  	s0 =	stileid.u32;
	[bflag:$0x2] =	sbarrier.arrive $0xFFFF  }
0x4af: {  	p0 =	sne.s32 s0, $0x0;
	s0 =	rddreg [dreg:$0x2]  }
0x4b0: {  	s0 =	sadd.s32 @!p0 $0x100000, s0  }
0x4b1: {  	[sflag:s0] =	ssyncadd.tile.s32 @!p0 $0x1;
	_ =	shalt  }
.Lfunc_end2:
_tile_overlayer_lowered:
.L_overlay_start_2:
0x4b2: {  	(tag) =	ssettag $0x2  }
0x4b3: {  	s0 =	rddreg [dreg:$0x0];
	s2 =	stileid.u32  }
0x4b4: {  	s1 =	rddreg [dreg:$0x1];
	p0 =	sne.s32 s2, $0x0  }
0x4b5: {  	s3 =	rddreg [dreg:$0x2];
	[bflag:$0x3] =	sbarrier.arrive $0xFFFF;
	s2 =	simm.s32 @!p0 $0x1C05  }
0x4b6: {  	[timem:s3], [sflag:s2] =	dma.local @!p0 [hbm:s0], s1  }
0x4b7: {  	s0 =	simm.s32 @!p0 $0x5  }
0x4b8: {  	_ =	swait.ge @!p0 [sflag:s0], s1  }
0x4b9: {  	s1 =	ssub.s32 @!p0 $0x0, s1;
	[sflag:s0] =	ssyncset.done @!p0 $0x0  }
0x4ba: {  	[sflag:s0] =	ssyncadd.s32 @!p0 s1  }
0x4bb: {  	[bflag:$0x3] =	sbarrier.arrive $0xFFFF  }
0x4bc: {  	_ =	shalt  }

</sc_bundles>
